<compile_context>
chip_gen: v7x
topology: tpu7x:2x2x1
jax: 0.10.2.dev20260603
libtpu: 0.0.44.dev20260713+nightly
codegen_flags: <defaults>
</compile_context>

<pallas_src>
import functools

import jax
import jax.numpy as jnp
from jax import lax
from jax.experimental import pallas as pl
from jax.experimental.pallas import tpu as pltpu
from jax.experimental.pallas import tpu_sc as plsc

_N_GRAPHS = 64


def _sc_agg(h, src, dst, zeros):
    n, d = h.shape
    e = src.shape[0]
    nw = 32
    epw = e // nw
    chunk = 112
    n_main = epw // chunk
    etail = epw - n_main * chunk
    n_loop = (n_main - 5) // 3
    assert chunk % 16 == 0 and n_main == 3 * n_loop + 5 and etail % 8 == 0
    rpt = ((n // 16 + 7) // 8) * 8
    rtail = n - 15 * rpt

    mesh = plsc.VectorSubcoreMesh(core_axis_name="c", subcore_axis_name="s")

    vm = pltpu.VMEM
    scratch = []
    for _ in range(3):
        scratch += [vm((chunk,), jnp.int32),
                    vm((chunk,), jnp.int32),
                    vm((chunk,), jnp.int32),
                    vm((chunk, d), jnp.float32),
                    pltpu.SemaphoreType.DMA,
                    pltpu.SemaphoreType.DMA,
                    pltpu.SemaphoreType.DMA]
    scratch.append(vm((etail,), jnp.int32))
    scratch.append(pltpu.VMEM_SHARED((n, d), jnp.float32))

    @functools.partial(
        pl.kernel,
        out_type=jax.ShapeDtypeStruct((2 * n, d), jnp.float32),
        mesh=mesh,
        scratch_types=scratch,
    )
    def agg_kernel(h_hbm, src_hbm, dst_hbm, z_hbm, out_hbm, *rest):
        acc = rest[-1]
        didx_t = rest[-2]
        slots = [rest[7 * s:7 * s + 7] for s in range(3)]
        cid = lax.axis_index("c")
        sid = lax.axis_index("s")
        wid = sid * 2 + cid
        base = wid * epw

        def start_idx(s, ci):
            off = base + ci * chunk
            pltpu.async_copy(src_hbm.at[pl.ds(off, chunk)], slots[s][0], slots[s][4])
            pltpu.async_copy(dst_hbm.at[pl.ds(off, chunk)], slots[s][1], slots[s][4])

        def wait_idx(s):
            pltpu.make_async_copy(src_hbm.at[pl.ds(0, chunk)], slots[s][0],
                                  slots[s][4]).wait()
            pltpu.make_async_copy(dst_hbm.at[pl.ds(0, chunk)], slots[s][1],
                                  slots[s][4]).wait()

        def start_gather(s):
            pltpu.async_copy(h_hbm.at[slots[s][0]], slots[s][3], slots[s][5])

        def wait_gather(s):
            pltpu.make_async_copy(h_hbm.at[slots[s][0]], slots[s][3],
                                  slots[s][5]).wait()

        def start_scatter(s):
            pltpu.async_copy(slots[s][3], acc.at[slots[s][2]], slots[s][6],
                             add=True)

        def wait_scatter(s):
            pltpu.make_async_copy(slots[s][3], acc.at[slots[s][2]],
                                  slots[s][6]).wait()

        def step(c, s, wait_sc, wait_g_prev, prefetch, scatter_prev):
            prev = (s - 1) % 3
            wait_idx(s)
            if wait_sc:
                wait_scatter(s)
            for k in range(chunk // 16):
                slots[s][2][pl.ds(16 * k, 16)] = slots[s][1][pl.ds(16 * k, 16)]
            start_gather(s)
            if wait_g_prev:
                wait_gather(prev)
            if prefetch:
                start_idx((s + 2) % 3, c + 2)
            if scatter_prev:
                start_scatter(prev)

        @pl.when(sid < 15)
        def _():
            pltpu.sync_copy(z_hbm.at[pl.ds(sid * rpt, rpt)],
                            acc.at[pl.ds(sid * rpt, rpt)])

        @pl.when(sid == 15)
        def _():
            pltpu.sync_copy(z_hbm.at[pl.ds(15 * rpt, rtail)],
                            acc.at[pl.ds(15 * rpt, rtail)])

        plsc.subcore_barrier()

        start_idx(0, 0)
        start_idx(1, 1)
        step(0, 0, False, False, True, False)
        step(1, 1, False, True, True, True)
        step(2, 2, False, True, True, True)

        def body(i, carry):
            c0 = 3 * i
            step(c0 + 0, 0, True, True, True, True)
            step(c0 + 1, 1, True, True, True, True)
            step(c0 + 2, 2, True, True, True, True)
            return carry

        lax.fori_loop(1, n_loop + 1, body, 0)
        c0 = 3 * (n_loop + 1)
        step(c0 + 0, 0, True, True, False, True)
        step(c0 + 1, 1, True, True, False, True)
        wait_gather(1)
        start_scatter(1)
        toff = base + n_main * chunk
        wait_scatter(2)
        wait_scatter(0)
        pltpu.sync_copy(src_hbm.at[pl.ds(toff, etail)],
                        slots[0][0].at[pl.ds(0, etail)])
        pltpu.sync_copy(dst_hbm.at[pl.ds(toff, etail)], didx_t)
        pltpu.async_copy(h_hbm.at[slots[0][0].at[pl.ds(0, etail)]],
                         slots[0][3].at[pl.ds(0, etail), :], slots[0][5])
        pltpu.make_async_copy(h_hbm.at[slots[0][0].at[pl.ds(0, etail)]],
                              slots[0][3].at[pl.ds(0, etail), :],
                              slots[0][5]).wait()
        pltpu.sync_copy(slots[0][3].at[pl.ds(0, etail), :], acc.at[didx_t],
                        add=True)
        wait_scatter(1)

        plsc.subcore_barrier()

        @pl.when(sid < 15)
        def _():
            pltpu.sync_copy(acc.at[pl.ds(sid * rpt, rpt)],
                            out_hbm.at[pl.ds(cid * n + sid * rpt, rpt)])

        @pl.when(sid == 15)
        def _():
            pltpu.sync_copy(acc.at[pl.ds(15 * rpt, rtail)],
                            out_hbm.at[pl.ds(cid * n + 15 * rpt, rtail)])

    return agg_kernel(h, src, dst, zeros)


def _tc_root(h, Wo, br):
    n, d = h.shape
    blk = 1000
    nblk = n // blk

    def body(h_ref, wo_ref, br_ref, out_ref):
        out_ref[...] = jnp.dot(h_ref[...], wo_ref[...],
                               preferred_element_type=jnp.float32) + br_ref[...]

    return pl.pallas_call(
        body,
        grid=(nblk,),
        in_specs=[
            pl.BlockSpec((blk, d), lambda i: (i, 0)),
            pl.BlockSpec((d, d), lambda i: (0, 0)),
            pl.BlockSpec((1, d), lambda i: (0, 0)),
        ],
        out_specs=pl.BlockSpec((blk, d), lambda i: (i, 0)),
        out_shape=jax.ShapeDtypeStruct((n, d), jnp.float32),
    )(h, Wo, br.reshape(1, d))


def _tc_combine(p, r, Wr, n2):
    n, d = r.shape
    blk = 1000
    nblk = n // blk

    def body(p_ref, r_ref, wr_ref, out_ref):
        s = p_ref[0] + p_ref[1]
        acc = jnp.dot(s, wr_ref[...], preferred_element_type=jnp.float32)
        out_ref[...] = jnp.maximum(acc + r_ref[...], 0.0)

    return pl.pallas_call(
        body,
        grid=(nblk,),
        in_specs=[
            pl.BlockSpec((2, blk, d), lambda i: (0, i, 0)),
            pl.BlockSpec((blk, d), lambda i: (i, 0)),
            pl.BlockSpec((d, d), lambda i: (0, 0)),
        ],
        out_specs=pl.BlockSpec((blk, d), lambda i: (i, 0)),
        out_shape=jax.ShapeDtypeStruct((n, d), jnp.float32),
    )(p.reshape(2, n2, d), r, Wr)


def _tc_final(p, r, Wr, batch_col, bounds, W4, b4, W5, b5, n2):
    n, d = r.shape
    blk = 1000
    nblk = n // blk
    g = _N_GRAPHS
    h2 = W4.shape[1]
    nc = W5.shape[1]
    neg_inf = float("-inf")

    def body(p_ref, r_ref, wr_ref, bc_ref, bd_ref,
             w4_ref, b4_ref, w5_ref, b5_ref, out_ref, pooled):
        i = pl.program_id(0)
        acc = jnp.dot(p_ref[0] + p_ref[1], wr_ref[...],
                      preferred_element_type=jnp.float32)
        h3 = jnp.maximum(acc + r_ref[...], 0.0)

        @pl.when(i == 0)
        def _():
            pooled[...] = jnp.full((g, d), neg_inf, jnp.float32)

        g0 = bd_ref[0, 0, 0]
        g1 = bd_ref[0, 0, 1]

        def gbody(gi, carry):
            m = bc_ref[...] == gi
            cur = jnp.max(jnp.where(m, h3, neg_inf), axis=0, keepdims=True)
            pooled[pl.ds(gi, 1), :] = jnp.maximum(pooled[pl.ds(gi, 1), :], cur)
            return carry

        lax.fori_loop(g0, g1 + 1, gbody, 0)

        @pl.when(i == nblk - 1)
        def _():
            t = jnp.maximum(
                jnp.dot(pooled[...], w4_ref[...], preferred_element_type=jnp.float32)
                + b4_ref[...], 0.0)
            z = jnp.dot(t, w5_ref[...], preferred_element_type=jnp.float32) + b5_ref[...]
            mz = jnp.max(z, axis=-1, keepdims=True)
            ez = jnp.exp(z - mz)
            out_ref[...] = z - mz - jnp.log(jnp.sum(ez, axis=-1, keepdims=True))

    return pl.pallas_call(
        body,
        grid=(nblk,),
        in_specs=[
            pl.BlockSpec((2, blk, d), lambda i: (0, i, 0)),
            pl.BlockSpec((blk, d), lambda i: (i, 0)),
            pl.BlockSpec((d, d), lambda i: (0, 0)),
            pl.BlockSpec((blk, 1), lambda i: (i, 0)),
            pl.BlockSpec((1, 1, 2), lambda i: (i, 0, 0), memory_space=pltpu.SMEM),
            pl.BlockSpec((d, h2), lambda i: (0, 0)),
            pl.BlockSpec((1, h2), lambda i: (0, 0)),
            pl.BlockSpec((h2, nc), lambda i: (0, 0)),
            pl.BlockSpec((1, nc), lambda i: (0, 0)),
        ],
        out_specs=pl.BlockSpec((g, nc), lambda i: (0, 0)),
        out_shape=jax.ShapeDtypeStruct((g, nc), jnp.float32),
        scratch_shapes=[pltpu.VMEM((g, d), jnp.float32)],
    )(p.reshape(2, n2, d), r, Wr, batch_col, bounds,
      W4, b4.reshape(1, h2), W5, b5.reshape(1, nc))


def kernel(x, edge_index, batch, Wr1, br1, Wo1, Wr2, br2, Wo2, Wr3, br3, Wo3,
           W4, b4, W5, b5):
    n, d = x.shape
    src = edge_index[0].astype(jnp.int32)
    dst = edge_index[1].astype(jnp.int32)
    batch = batch.astype(jnp.int32)
    zeros = jnp.zeros((n, d), jnp.float32)
    blk = 1000
    bounds = jnp.stack([batch[::blk], batch[blk - 1::blk]], axis=1).reshape(-1, 1, 2)
    batch_col = batch.reshape(n, 1)

    r1 = _tc_root(x, Wo1, br1)
    p1 = _sc_agg(x, src, dst, zeros)
    h1 = _tc_combine(p1, r1, Wr1, n)
    r2 = _tc_root(h1, Wo2, br2)
    p2 = _sc_agg(h1, src, dst, zeros)
    h2 = _tc_combine(p2, r2, Wr2, n)
    r3 = _tc_root(h2, Wo3, br3)
    p3 = _sc_agg(h2, src, dst, zeros)
    return _tc_final(p3, r3, Wr3, batch_col, bounds, W4, b4, W5, b5, n)

# --- scband reference (transcript-rebuilt; emitter-appended) ---
"""Pipeline reference for scband-graph-conv0-tpk-40535901339795 (READ-ONLY COPY).

The authoritative reference and input builder live on the scoring server;
editing this copy changes nothing except your own understanding.
"""

import jax, jax.numpy as jnp
import numpy as np

N_NODES = 10000
N_EDGES = 320000
D_IN = 128
HID = 128
HID2 = 64
N_CLASS = 10
N_GRAPHS = 64


def setup_inputs(seed: int = 0) -> dict:
    key = jax.random.key(seed)
    ks = jax.random.split(key, 20)
    x = jax.random.normal(ks[0], (N_NODES, D_IN), dtype=jnp.float32)
    edge_index = jax.random.randint(ks[1], (2, N_EDGES), 0, N_NODES, dtype=jnp.int64)
    batch = jnp.sort(jax.random.randint(ks[2], (N_NODES,), 0, N_GRAPHS, dtype=jnp.int64))
    s = 0.05
    Wr1 = jax.random.normal(ks[3], (D_IN, HID), dtype=jnp.float32) * s
    br1 = jnp.zeros((HID,), dtype=jnp.float32)
    Wo1 = jax.random.normal(ks[4], (D_IN, HID), dtype=jnp.float32) * s
    Wr2 = jax.random.normal(ks[5], (HID, HID), dtype=jnp.float32) * s
    br2 = jnp.zeros((HID,), dtype=jnp.float32)
    Wo2 = jax.random.normal(ks[6], (HID, HID), dtype=jnp.float32) * s
    Wr3 = jax.random.normal(ks[7], (HID, HID), dtype=jnp.float32) * s
    br3 = jnp.zeros((HID,), dtype=jnp.float32)
    Wo3 = jax.random.normal(ks[8], (HID, HID), dtype=jnp.float32) * s
    W4 = jax.random.normal(ks[9], (HID, HID2), dtype=jnp.float32) * s
    b4 = jnp.zeros((HID2,), dtype=jnp.float32)
    W5 = jax.random.normal(ks[10], (HID2, N_CLASS), dtype=jnp.float32) * s
    b5 = jnp.zeros((N_CLASS,), dtype=jnp.float32)
    return {"x": x, "edge_index": edge_index, "batch": batch,
            "Wr1": Wr1, "br1": br1, "Wo1": Wo1,
            "Wr2": Wr2, "br2": br2, "Wo2": Wo2,
            "Wr3": Wr3, "br3": br3, "Wo3": Wo3,
            "W4": W4, "b4": b4, "W5": W5, "b5": b5}


def _graph_conv(x, src, dst, Wr, br, Wo):
    # PyG GraphConv: out = lin_rel(sum_{j in N(i)} x_j) + lin_root(x)
    msgs = jnp.take(x, src, axis=0)
    agg = jax.ops.segment_sum(msgs, dst, num_segments=x.shape[0])
    return agg @ Wr + br + x @ Wo


def reference(x, edge_index, batch, Wr1, br1, Wo1, Wr2, br2, Wo2, Wr3, br3, Wo3, W4, b4, W5, b5):
    src = edge_index[0]
    dst = edge_index[1]
    h = jax.nn.relu(_graph_conv(x, src, dst, Wr1, br1, Wo1))
    h = jax.nn.relu(_graph_conv(h, src, dst, Wr2, br2, Wo2))
    h = jax.nn.relu(_graph_conv(h, src, dst, Wr3, br3, Wo3))
    pooled = jax.ops.segment_max(h, batch, num_segments=N_GRAPHS)
    out = jax.nn.relu(pooled @ W4 + b4)
    out = jax.nn.log_softmax(out @ W5 + b5, axis=-1)
    return out

if __name__ == "__main__":
    import jax
    _d = setup_inputs()
    print(jax.jit(kernel)(*tuple(_d.values())))

</pallas_src>

<mosaic_0001>
#map = affine_map<(d0, d1) -> (0, 0)>
#map1 = affine_map<(d0, d1) -> (0)>
module attributes {stable_mosaic.version = 14 : i64} {
  func.func @agg_kernel(%arg0: i32, %arg1: i32, %arg2: memref<10000x128xf32, #tpu.memory_space<hbm>>, %arg3: memref<320000xi32, #tpu.memory_space<hbm>>, %arg4: memref<320000xi32, #tpu.memory_space<hbm>>, %arg5: memref<10000x128xf32, #tpu.memory_space<hbm>>, %arg6: memref<20000x128xf32, #tpu.memory_space<hbm>>, %arg7: memref<112xi32, #tpu.memory_space<vmem>>, %arg8: memref<112xi32, #tpu.memory_space<vmem>>, %arg9: memref<112xi32, #tpu.memory_space<vmem>>, %arg10: memref<112x128xf32, #tpu.memory_space<vmem>>, %arg11: memref<!tpu.dma_semaphore, #tpu.memory_space<semaphore_mem>>, %arg12: memref<!tpu.dma_semaphore, #tpu.memory_space<semaphore_mem>>, %arg13: memref<!tpu.dma_semaphore, #tpu.memory_space<semaphore_mem>>, %arg14: memref<112xi32, #tpu.memory_space<vmem>>, %arg15: memref<112xi32, #tpu.memory_space<vmem>>, %arg16: memref<112xi32, #tpu.memory_space<vmem>>, %arg17: memref<112x128xf32, #tpu.memory_space<vmem>>, %arg18: memref<!tpu.dma_semaphore, #tpu.memory_space<semaphore_mem>>, %arg19: memref<!tpu.dma_semaphore, #tpu.memory_space<semaphore_mem>>, %arg20: memref<!tpu.dma_semaphore, #tpu.memory_space<semaphore_mem>>, %arg21: memref<112xi32, #tpu.memory_space<vmem>>, %arg22: memref<112xi32, #tpu.memory_space<vmem>>, %arg23: memref<112xi32, #tpu.memory_space<vmem>>, %arg24: memref<112x128xf32, #tpu.memory_space<vmem>>, %arg25: memref<!tpu.dma_semaphore, #tpu.memory_space<semaphore_mem>>, %arg26: memref<!tpu.dma_semaphore, #tpu.memory_space<semaphore_mem>>, %arg27: memref<!tpu.dma_semaphore, #tpu.memory_space<semaphore_mem>>, %arg28: memref<32xi32, #tpu.memory_space<vmem>>, %arg29: memref<10000x128xf32, #tpu.memory_space<vmem_shared>>) attributes {dimension_semantics = [#tpu.dimension_semantics<core_parallel>, #tpu.dimension_semantics<subcore_parallel>], iteration_bounds = array<i64: 2, 16>, scalar_prefetch = 0 : i64, scratch_operands = 23 : i64, tpu.core_type = #tpu.core_type<sc_vector_subcore>, window_params = [{transform_indices = #map}, {transform_indices = #map1}, {transform_indices = #map1}, {transform_indices = #map}, {transform_indices = #map}]} {
    %mul3A = arith.constant 2 : i32
    %mul3A_0 = arith.muli %arg1, %mul3A : i32
    %add3A = arith.addi %mul3A_0, %arg0 : i32
    %mul3A_1 = arith.constant 10000 : i32
    %mul3A_2 = arith.muli %add3A, %mul3A_1 : i32
    %lt3A = arith.constant 15 : i32
    %lt3A_3 = arith.cmpi slt, %arg1, %lt3A : i32
    %convert_element_type3A = arith.extui %lt3A_3 : i1 to i32
    %cond3A = arith.constant 0 : i32
    %cond3A_4 = arith.cmpi ne, %convert_element_type3A, %cond3A : i32
    scf.if %cond3A_4 {
      %mul3A_414 = arith.constant 632 : i32
      %mul3A_415 = arith.muli %arg1, %mul3A_414 : i32
      %mul3A_416 = arith.constant 632 : i32
      %mul3A_417 = arith.muli %arg1, %mul3A_416 : i32
      "tpu.region"() ({
        %run_scoped3A = tpu.sem_alloc : memref<!tpu.dma_semaphore, #tpu.memory_space<semaphore_mem>>
        %dma_start3A_418 = arith.constant 0 : i32
        %dma_start3A_419 = tpu.memref_slice %arg29[%mul3A_417, %dma_start3A_418] : memref<10000x128xf32, #tpu.memory_space<vmem_shared>> -> memref<632x128xf32, #tpu.memory_space<vmem_shared>>
        %dma_start3A_420 = arith.constant 0 : i32
        %dma_start3A_421 = tpu.memref_slice %arg5[%mul3A_415, %dma_start3A_420] : memref<10000x128xf32, #tpu.memory_space<hbm>> -> memref<632x128xf32, #tpu.memory_space<hbm>>
        tpu.enqueue_dma source(%dma_start3A_421 : memref<632x128xf32, #tpu.memory_space<hbm>>) target(%dma_start3A_419 : memref<632x128xf32, #tpu.memory_space<vmem_shared>>) target_semaphore(%run_scoped3A : memref<!tpu.dma_semaphore, #tpu.memory_space<semaphore_mem>>)
        %dma_wait3A_422 = arith.constant 0 : i32
        %dma_wait3A_423 = tpu.memref_slice %arg29[%mul3A_417, %dma_wait3A_422] : memref<10000x128xf32, #tpu.memory_space<vmem_shared>> -> memref<632x128xf32, #tpu.memory_space<vmem_shared>>
        %dma_wait3A_424 = arith.constant 0 : i32
        %dma_wait3A_425 = tpu.memref_slice %arg5[%mul3A_415, %dma_wait3A_424] : memref<10000x128xf32, #tpu.memory_space<hbm>> -> memref<632x128xf32, #tpu.memory_space<hbm>>
        tpu.wait_dma2 semaphore(%run_scoped3A : memref<!tpu.dma_semaphore, #tpu.memory_space<semaphore_mem>>) src(%dma_wait3A_425 : memref<632x128xf32, #tpu.memory_space<hbm>>) dst(%dma_wait3A_423 : memref<632x128xf32, #tpu.memory_space<vmem_shared>>)
        tpu.yield
      }) : () -> ()
    } else {
    }
    %eq3A = arith.constant 15 : i32
    %eq3A_5 = arith.cmpi eq, %arg1, %eq3A : i32
    %convert_element_type3A_6 = arith.extui %eq3A_5 : i1 to i32
    %cond3A_7 = arith.constant 0 : i32
    %cond3A_8 = arith.cmpi ne, %convert_element_type3A_6, %cond3A_7 : i32
    scf.if %cond3A_8 {
      "tpu.region"() ({
        %run_scoped3A = tpu.sem_alloc : memref<!tpu.dma_semaphore, #tpu.memory_space<semaphore_mem>>
        %dma_start3A_414 = arith.constant 9480 : i32
        %dma_start3A_415 = arith.constant 0 : i32
        %dma_start3A_416 = tpu.memref_slice %arg29[%dma_start3A_414, %dma_start3A_415] : memref<10000x128xf32, #tpu.memory_space<vmem_shared>> -> memref<520x128xf32, #tpu.memory_space<vmem_shared>>
        %dma_start3A_417 = arith.constant 9480 : i32
        %dma_start3A_418 = arith.constant 0 : i32
        %dma_start3A_419 = tpu.memref_slice %arg5[%dma_start3A_417, %dma_start3A_418] : memref<10000x128xf32, #tpu.memory_space<hbm>> -> memref<520x128xf32, #tpu.memory_space<hbm>>
        tpu.enqueue_dma source(%dma_start3A_419 : memref<520x128xf32, #tpu.memory_space<hbm>>) target(%dma_start3A_416 : memref<520x128xf32, #tpu.memory_space<vmem_shared>>) target_semaphore(%run_scoped3A : memref<!tpu.dma_semaphore, #tpu.memory_space<semaphore_mem>>)
        %dma_wait3A_420 = arith.constant 9480 : i32
        %dma_wait3A_421 = arith.constant 0 : i32
        %dma_wait3A_422 = tpu.memref_slice %arg29[%dma_wait3A_420, %dma_wait3A_421] : memref<10000x128xf32, #tpu.memory_space<vmem_shared>> -> memref<520x128xf32, #tpu.memory_space<vmem_shared>>
        %dma_wait3A_423 = arith.constant 9480 : i32
        %dma_wait3A_424 = arith.constant 0 : i32
        %dma_wait3A_425 = tpu.memref_slice %arg5[%dma_wait3A_423, %dma_wait3A_424] : memref<10000x128xf32, #tpu.memory_space<hbm>> -> memref<520x128xf32, #tpu.memory_space<hbm>>
        tpu.wait_dma2 semaphore(%run_scoped3A : memref<!tpu.dma_semaphore, #tpu.memory_space<semaphore_mem>>) src(%dma_wait3A_425 : memref<520x128xf32, #tpu.memory_space<hbm>>) dst(%dma_wait3A_422 : memref<520x128xf32, #tpu.memory_space<vmem_shared>>)
        tpu.yield
      }) : () -> ()
    } else {
    }
    %barrier3A = arith.constant 0 : index
    tpu.barrier barrier_id(%barrier3A)
    %add3A_9 = arith.constant 0 : i32
    %add3A_10 = arith.addi %mul3A_2, %add3A_9 : i32
    %dma_start3A = tpu.memref_slice %arg3[%add3A_10] : memref<320000xi32, #tpu.memory_space<hbm>> -> memref<112xi32, #tpu.memory_space<hbm>>
    %dma_start3A_11 = tpu.memref_slice %arg3[%add3A_10] : memref<320000xi32, #tpu.memory_space<hbm>> -> memref<112xi32, #tpu.memory_space<hbm>>
    tpu.enqueue_dma source(%dma_start3A_11 : memref<112xi32, #tpu.memory_space<hbm>>) target(%arg7 : memref<112xi32, #tpu.memory_space<vmem>>) target_semaphore(%arg11 : memref<!tpu.dma_semaphore, #tpu.memory_space<semaphore_mem>>)
    %dma_start3A_12 = tpu.memref_slice %arg4[%add3A_10] : memref<320000xi32, #tpu.memory_space<hbm>> -> memref<112xi32, #tpu.memory_space<hbm>>
    %dma_start3A_13 = tpu.memref_slice %arg4[%add3A_10] : memref<320000xi32, #tpu.memory_space<hbm>> -> memref<112xi32, #tpu.memory_space<hbm>>
    tpu.enqueue_dma source(%dma_start3A_13 : memref<112xi32, #tpu.memory_space<hbm>>) target(%arg8 : memref<112xi32, #tpu.memory_space<vmem>>) target_semaphore(%arg11 : memref<!tpu.dma_semaphore, #tpu.memory_space<semaphore_mem>>)
    %add3A_14 = arith.constant 112 : i32
    %add3A_15 = arith.addi %mul3A_2, %add3A_14 : i32
    %dma_start3A_16 = tpu.memref_slice %arg3[%add3A_15] : memref<320000xi32, #tpu.memory_space<hbm>> -> memref<112xi32, #tpu.memory_space<hbm>>
    %dma_start3A_17 = tpu.memref_slice %arg3[%add3A_15] : memref<320000xi32, #tpu.memory_space<hbm>> -> memref<112xi32, #tpu.memory_space<hbm>>
    tpu.enqueue_dma source(%dma_start3A_17 : memref<112xi32, #tpu.memory_space<hbm>>) target(%arg14 : memref<112xi32, #tpu.memory_space<vmem>>) target_semaphore(%arg18 : memref<!tpu.dma_semaphore, #tpu.memory_space<semaphore_mem>>)
    %dma_start3A_18 = tpu.memref_slice %arg4[%add3A_15] : memref<320000xi32, #tpu.memory_space<hbm>> -> memref<112xi32, #tpu.memory_space<hbm>>
    %dma_start3A_19 = tpu.memref_slice %arg4[%add3A_15] : memref<320000xi32, #tpu.memory_space<hbm>> -> memref<112xi32, #tpu.memory_space<hbm>>
    tpu.enqueue_dma source(%dma_start3A_19 : memref<112xi32, #tpu.memory_space<hbm>>) target(%arg15 : memref<112xi32, #tpu.memory_space<vmem>>) target_semaphore(%arg18 : memref<!tpu.dma_semaphore, #tpu.memory_space<semaphore_mem>>)
    %dma_wait3A = arith.constant 0 : i32
    %dma_wait3A_20 = tpu.memref_slice %arg3[%dma_wait3A] : memref<320000xi32, #tpu.memory_space<hbm>> -> memref<112xi32, #tpu.memory_space<hbm>>
    %dma_wait3A_21 = arith.constant 0 : i32
    %dma_wait3A_22 = tpu.memref_slice %arg3[%dma_wait3A_21] : memref<320000xi32, #tpu.memory_space<hbm>> -> memref<112xi32, #tpu.memory_space<hbm>>
    tpu.wait_dma2 semaphore(%arg11 : memref<!tpu.dma_semaphore, #tpu.memory_space<semaphore_mem>>) src(%dma_wait3A_22 : memref<112xi32, #tpu.memory_space<hbm>>) dst(%arg7 : memref<112xi32, #tpu.memory_space<vmem>>)
    %dma_wait3A_23 = arith.constant 0 : i32
    %dma_wait3A_24 = tpu.memref_slice %arg4[%dma_wait3A_23] : memref<320000xi32, #tpu.memory_space<hbm>> -> memref<112xi32, #tpu.memory_space<hbm>>
    %dma_wait3A_25 = arith.constant 0 : i32
    %dma_wait3A_26 = tpu.memref_slice %arg4[%dma_wait3A_25] : memref<320000xi32, #tpu.memory_space<hbm>> -> memref<112xi32, #tpu.memory_space<hbm>>
    tpu.wait_dma2 semaphore(%arg11 : memref<!tpu.dma_semaphore, #tpu.memory_space<semaphore_mem>>) src(%dma_wait3A_26 : memref<112xi32, #tpu.memory_space<hbm>>) dst(%arg8 : memref<112xi32, #tpu.memory_space<vmem>>)
    %get3A = arith.constant 0 : index
    %get3A_27 = tpu.vector_load %arg8[%get3A] {strides = array<i32>} : memref<112xi32, #tpu.memory_space<vmem>>, vector<16xi32>,
    %get3A_28 = vector.shape_cast %get3A_27 : vector<16xi32> to vector<16xi32>
    %swap3A = arith.constant 0 : index
    %swap3A_29 = tpu.vector_load %arg9[%swap3A] {strides = array<i32>} : memref<112xi32, #tpu.memory_space<vmem>>, vector<16xi32>,
    %swap3A_30 = vector.shape_cast %swap3A_29 : vector<16xi32> to vector<16xi32>
    %swap3A_31 = vector.shape_cast %get3A_28 : vector<16xi32> to vector<16xi32>
    tpu.vector_store %arg9[%swap3A], %swap3A_31 {strides = array<i32>} : memref<112xi32, #tpu.memory_space<vmem>>, vector<16xi32>,
    %get3A_32 = arith.constant 16 : index
    %get3A_33 = tpu.vector_load %arg8[%get3A_32] {strides = array<i32>} : memref<112xi32, #tpu.memory_space<vmem>>, vector<16xi32>,
    %get3A_34 = vector.shape_cast %get3A_33 : vector<16xi32> to vector<16xi32>
    %swap3A_35 = arith.constant 16 : index
    %swap3A_36 = tpu.vector_load %arg9[%swap3A_35] {strides = array<i32>} : memref<112xi32, #tpu.memory_space<vmem>>, vector<16xi32>,
    %swap3A_37 = vector.shape_cast %swap3A_36 : vector<16xi32> to vector<16xi32>
    %swap3A_38 = vector.shape_cast %get3A_34 : vector<16xi32> to vector<16xi32>
    tpu.vector_store %arg9[%swap3A_35], %swap3A_38 {strides = array<i32>} : memref<112xi32, #tpu.memory_space<vmem>>, vector<16xi32>,
    %get3A_39 = arith.constant 32 : index
    %get3A_40 = tpu.vector_load %arg8[%get3A_39] {strides = array<i32>} : memref<112xi32, #tpu.memory_space<vmem>>, vector<16xi32>,
    %get3A_41 = vector.shape_cast %get3A_40 : vector<16xi32> to vector<16xi32>
    %swap3A_42 = arith.constant 32 : index
    %swap3A_43 = tpu.vector_load %arg9[%swap3A_42] {strides = array<i32>} : memref<112xi32, #tpu.memory_space<vmem>>, vector<16xi32>,
    %swap3A_44 = vector.shape_cast %swap3A_43 : vector<16xi32> to vector<16xi32>
    %swap3A_45 = vector.shape_cast %get3A_41 : vector<16xi32> to vector<16xi32>
    tpu.vector_store %arg9[%swap3A_42], %swap3A_45 {strides = array<i32>} : memref<112xi32, #tpu.memory_space<vmem>>, vector<16xi32>,
    %get3A_46 = arith.constant 48 : index
    %get3A_47 = tpu.vector_load %arg8[%get3A_46] {strides = array<i32>} : memref<112xi32, #tpu.memory_space<vmem>>, vector<16xi32>,
    %get3A_48 = vector.shape_cast %get3A_47 : vector<16xi32> to vector<16xi32>
    %swap3A_49 = arith.constant 48 : index
    %swap3A_50 = tpu.vector_load %arg9[%swap3A_49] {strides = array<i32>} : memref<112xi32, #tpu.memory_space<vmem>>, vector<16xi32>,
    %swap3A_51 = vector.shape_cast %swap3A_50 : vector<16xi32> to vector<16xi32>
    %swap3A_52 = vector.shape_cast %get3A_48 : vector<16xi32> to vector<16xi32>
    tpu.vector_store %arg9[%swap3A_49], %swap3A_52 {strides = array<i32>} : memref<112xi32, #tpu.memory_space<vmem>>, vector<16xi32>,
    %get3A_53 = arith.constant 64 : index
    %get3A_54 = tpu.vector_load %arg8[%get3A_53] {strides = array<i32>} : memref<112xi32, #tpu.memory_space<vmem>>, vector<16xi32>,
    %get3A_55 = vector.shape_cast %get3A_54 : vector<16xi32> to vector<16xi32>
    %swap3A_56 = arith.constant 64 : index
    %swap3A_57 = tpu.vector_load %arg9[%swap3A_56] {strides = array<i32>} : memref<112xi32, #tpu.memory_space<vmem>>, vector<16xi32>,
    %swap3A_58 = vector.shape_cast %swap3A_57 : vector<16xi32> to vector<16xi32>
    %swap3A_59 = vector.shape_cast %get3A_55 : vector<16xi32> to vector<16xi32>
    tpu.vector_store %arg9[%swap3A_56], %swap3A_59 {strides = array<i32>} : memref<112xi32, #tpu.memory_space<vmem>>, vector<16xi32>,
    %get3A_60 = arith.constant 80 : index
    %get3A_61 = tpu.vector_load %arg8[%get3A_60] {strides = array<i32>} : memref<112xi32, #tpu.memory_space<vmem>>, vector<16xi32>,
    %get3A_62 = vector.shape_cast %get3A_61 : vector<16xi32> to vector<16xi32>
    %swap3A_63 = arith.constant 80 : index
    %swap3A_64 = tpu.vector_load %arg9[%swap3A_63] {strides = array<i32>} : memref<112xi32, #tpu.memory_space<vmem>>, vector<16xi32>,
    %swap3A_65 = vector.shape_cast %swap3A_64 : vector<16xi32> to vector<16xi32>
    %swap3A_66 = vector.shape_cast %get3A_62 : vector<16xi32> to vector<16xi32>
    tpu.vector_store %arg9[%swap3A_63], %swap3A_66 {strides = array<i32>} : memref<112xi32, #tpu.memory_space<vmem>>, vector<16xi32>,
    %get3A_67 = arith.constant 96 : index
    %get3A_68 = tpu.vector_load %arg8[%get3A_67] {strides = array<i32>} : memref<112xi32, #tpu.memory_space<vmem>>, vector<16xi32>,
    %get3A_69 = vector.shape_cast %get3A_68 : vector<16xi32> to vector<16xi32>
    %swap3A_70 = arith.constant 96 : index
    %swap3A_71 = tpu.vector_load %arg9[%swap3A_70] {strides = array<i32>} : memref<112xi32, #tpu.memory_space<vmem>>, vector<16xi32>,
    %swap3A_72 = vector.shape_cast %swap3A_71 : vector<16xi32> to vector<16xi32>
    %swap3A_73 = vector.shape_cast %get3A_69 : vector<16xi32> to vector<16xi32>
    tpu.vector_store %arg9[%swap3A_70], %swap3A_73 {strides = array<i32>} : memref<112xi32, #tpu.memory_space<vmem>>, vector<16xi32>,
    %dma_start3A_74 = arith.constant 0 : i32
    %dma_start3A_75 = arith.constant 0 : i32
    %dma_start3A_76 = tpu.memref_slice %arg2[%dma_start3A_74, %dma_start3A_75] : memref<10000x128xf32, #tpu.memory_space<hbm>> -> memref<10000x128xf32, #tpu.memory_space<hbm>>
    tpu.enqueue_indirect_dma source(%dma_start3A_76 : memref<10000x128xf32, #tpu.memory_space<hbm>>) target(%arg10 : memref<112x128xf32, #tpu.memory_space<vmem>>) offsets(%arg7 : memref<112xi32, #tpu.memory_space<vmem>>) semaphore(%arg12 : memref<!tpu.dma_semaphore, #tpu.memory_space<semaphore_mem>>)
    %add3A_77 = arith.constant 224 : i32
    %add3A_78 = arith.addi %mul3A_2, %add3A_77 : i32
    %dma_start3A_79 = tpu.memref_slice %arg3[%add3A_78] : memref<320000xi32, #tpu.memory_space<hbm>> -> memref<112xi32, #tpu.memory_space<hbm>>
    %dma_start3A_80 = tpu.memref_slice %arg3[%add3A_78] : memref<320000xi32, #tpu.memory_space<hbm>> -> memref<112xi32, #tpu.memory_space<hbm>>
    tpu.enqueue_dma source(%dma_start3A_80 : memref<112xi32, #tpu.memory_space<hbm>>) target(%arg21 : memref<112xi32, #tpu.memory_space<vmem>>) target_semaphore(%arg25 : memref<!tpu.dma_semaphore, #tpu.memory_space<semaphore_mem>>)
    %dma_start3A_81 = tpu.memref_slice %arg4[%add3A_78] : memref<320000xi32, #tpu.memory_space<hbm>> -> memref<112xi32, #tpu.memory_space<hbm>>
    %dma_start3A_82 = tpu.memref_slice %arg4[%add3A_78] : memref<320000xi32, #tpu.memory_space<hbm>> -> memref<112xi32, #tpu.memory_space<hbm>>
    tpu.enqueue_dma source(%dma_start3A_82 : memref<112xi32, #tpu.memory_space<hbm>>) target(%arg22 : memref<112xi32, #tpu.memory_space<vmem>>) target_semaphore(%arg25 : memref<!tpu.dma_semaphore, #tpu.memory_space<semaphore_mem>>)
    %dma_wait3A_83 = arith.constant 0 : i32
    %dma_wait3A_84 = tpu.memref_slice %arg3[%dma_wait3A_83] : memref<320000xi32, #tpu.memory_space<hbm>> -> memref<112xi32, #tpu.memory_space<hbm>>
    %dma_wait3A_85 = arith.constant 0 : i32
    %dma_wait3A_86 = tpu.memref_slice %arg3[%dma_wait3A_85] : memref<320000xi32, #tpu.memory_space<hbm>> -> memref<112xi32, #tpu.memory_space<hbm>>
    tpu.wait_dma2 semaphore(%arg18 : memref<!tpu.dma_semaphore, #tpu.memory_space<semaphore_mem>>) src(%dma_wait3A_86 : memref<112xi32, #tpu.memory_space<hbm>>) dst(%arg14 : memref<112xi32, #tpu.memory_space<vmem>>)
    %dma_wait3A_87 = arith.constant 0 : i32
    %dma_wait3A_88 = tpu.memref_slice %arg4[%dma_wait3A_87] : memref<320000xi32, #tpu.memory_space<hbm>> -> memref<112xi32, #tpu.memory_space<hbm>>
    %dma_wait3A_89 = arith.constant 0 : i32
    %dma_wait3A_90 = tpu.memref_slice %arg4[%dma_wait3A_89] : memref<320000xi32, #tpu.memory_space<hbm>> -> memref<112xi32, #tpu.memory_space<hbm>>
    tpu.wait_dma2 semaphore(%arg18 : memref<!tpu.dma_semaphore, #tpu.memory_space<semaphore_mem>>) src(%dma_wait3A_90 : memref<112xi32, #tpu.memory_space<hbm>>) dst(%arg15 : memref<112xi32, #tpu.memory_space<vmem>>)
    %get3A_91 = arith.constant 0 : index
    %get3A_92 = tpu.vector_load %arg15[%get3A_91] {strides = array<i32>} : memref<112xi32, #tpu.memory_space<vmem>>, vector<16xi32>,
    %get3A_93 = vector.shape_cast %get3A_92 : vector<16xi32> to vector<16xi32>
    %swap3A_94 = arith.constant 0 : index
    %swap3A_95 = tpu.vector_load %arg16[%swap3A_94] {strides = array<i32>} : memref<112xi32, #tpu.memory_space<vmem>>, vector<16xi32>,
    %swap3A_96 = vector.shape_cast %swap3A_95 : vector<16xi32> to vector<16xi32>
    %swap3A_97 = vector.shape_cast %get3A_93 : vector<16xi32> to vector<16xi32>
    tpu.vector_store %arg16[%swap3A_94], %swap3A_97 {strides = array<i32>} : memref<112xi32, #tpu.memory_space<vmem>>, vector<16xi32>,
    %get3A_98 = arith.constant 16 : index
    %get3A_99 = tpu.vector_load %arg15[%get3A_98] {strides = array<i32>} : memref<112xi32, #tpu.memory_space<vmem>>, vector<16xi32>,
    %get3A_100 = vector.shape_cast %get3A_99 : vector<16xi32> to vector<16xi32>
    %swap3A_101 = arith.constant 16 : index
    %swap3A_102 = tpu.vector_load %arg16[%swap3A_101] {strides = array<i32>} : memref<112xi32, #tpu.memory_space<vmem>>, vector<16xi32>,
    %swap3A_103 = vector.shape_cast %swap3A_102 : vector<16xi32> to vector<16xi32>
    %swap3A_104 = vector.shape_cast %get3A_100 : vector<16xi32> to vector<16xi32>
    tpu.vector_store %arg16[%swap3A_101], %swap3A_104 {strides = array<i32>} : memref<112xi32, #tpu.memory_space<vmem>>, vector<16xi32>,
    %get3A_105 = arith.constant 32 : index
    %get3A_106 = tpu.vector_load %arg15[%get3A_105] {strides = array<i32>} : memref<112xi32, #tpu.memory_space<vmem>>, vector<16xi32>,
    %get3A_107 = vector.shape_cast %get3A_106 : vector<16xi32> to vector<16xi32>
    %swap3A_108 = arith.constant 32 : index
    %swap3A_109 = tpu.vector_load %arg16[%swap3A_108] {strides = array<i32>} : memref<112xi32, #tpu.memory_space<vmem>>, vector<16xi32>,
    %swap3A_110 = vector.shape_cast %swap3A_109 : vector<16xi32> to vector<16xi32>
    %swap3A_111 = vector.shape_cast %get3A_107 : vector<16xi32> to vector<16xi32>
    tpu.vector_store %arg16[%swap3A_108], %swap3A_111 {strides = array<i32>} : memref<112xi32, #tpu.memory_space<vmem>>, vector<16xi32>,
    %get3A_112 = arith.constant 48 : index
    %get3A_113 = tpu.vector_load %arg15[%get3A_112] {strides = array<i32>} : memref<112xi32, #tpu.memory_space<vmem>>, vector<16xi32>,
    %get3A_114 = vector.shape_cast %get3A_113 : vector<16xi32> to vector<16xi32>
    %swap3A_115 = arith.constant 48 : index
    %swap3A_116 = tpu.vector_load %arg16[%swap3A_115] {strides = array<i32>} : memref<112xi32, #tpu.memory_space<vmem>>, vector<16xi32>,
    %swap3A_117 = vector.shape_cast %swap3A_116 : vector<16xi32> to vector<16xi32>
    %swap3A_118 = vector.shape_cast %get3A_114 : vector<16xi32> to vector<16xi32>
    tpu.vector_store %arg16[%swap3A_115], %swap3A_118 {strides = array<i32>} : memref<112xi32, #tpu.memory_space<vmem>>, vector<16xi32>,
    %get3A_119 = arith.constant 64 : index
    %get3A_120 = tpu.vector_load %arg15[%get3A_119] {strides = array<i32>} : memref<112xi32, #tpu.memory_space<vmem>>, vector<16xi32>,
    %get3A_121 = vector.shape_cast %get3A_120 : vector<16xi32> to vector<16xi32>
    %swap3A_122 = arith.constant 64 : index
    %swap3A_123 = tpu.vector_load %arg16[%swap3A_122] {strides = array<i32>} : memref<112xi32, #tpu.memory_space<vmem>>, vector<16xi32>,
    %swap3A_124 = vector.shape_cast %swap3A_123 : vector<16xi32> to vector<16xi32>
    %swap3A_125 = vector.shape_cast %get3A_121 : vector<16xi32> to vector<16xi32>
    tpu.vector_store %arg16[%swap3A_122], %swap3A_125 {strides = array<i32>} : memref<112xi32, #tpu.memory_space<vmem>>, vector<16xi32>,
    %get3A_126 = arith.constant 80 : index
    %get3A_127 = tpu.vector_load %arg15[%get3A_126] {strides = array<i32>} : memref<112xi32, #tpu.memory_space<vmem>>, vector<16xi32>,
    %get3A_128 = vector.shape_cast %get3A_127 : vector<16xi32> to vector<16xi32>
    %swap3A_129 = arith.constant 80 : index
    %swap3A_130 = tpu.vector_load %arg16[%swap3A_129] {strides = array<i32>} : memref<112xi32, #tpu.memory_space<vmem>>, vector<16xi32>,
    %swap3A_131 = vector.shape_cast %swap3A_130 : vector<16xi32> to vector<16xi32>
    %swap3A_132 = vector.shape_cast %get3A_128 : vector<16xi32> to vector<16xi32>
    tpu.vector_store %arg16[%swap3A_129], %swap3A_132 {strides = array<i32>} : memref<112xi32, #tpu.memory_space<vmem>>, vector<16xi32>,
    %get3A_133 = arith.constant 96 : index
    %get3A_134 = tpu.vector_load %arg15[%get3A_133] {strides = array<i32>} : memref<112xi32, #tpu.memory_space<vmem>>, vector<16xi32>,
    %get3A_135 = vector.shape_cast %get3A_134 : vector<16xi32> to vector<16xi32>
    %swap3A_136 = arith.constant 96 : index
    %swap3A_137 = tpu.vector_load %arg16[%swap3A_136] {strides = array<i32>} : memref<112xi32, #tpu.memory_space<vmem>>, vector<16xi32>,
    %swap3A_138 = vector.shape_cast %swap3A_137 : vector<16xi32> to vector<16xi32>
    %swap3A_139 = vector.shape_cast %get3A_135 : vector<16xi32> to vector<16xi32>
    tpu.vector_store %arg16[%swap3A_136], %swap3A_139 {strides = array<i32>} : memref<112xi32, #tpu.memory_space<vmem>>, vector<16xi32>,
    %dma_start3A_140 = arith.constant 0 : i32
    %dma_start3A_141 = arith.constant 0 : i32
    %dma_start3A_142 = tpu.memref_slice %arg2[%dma_start3A_140, %dma_start3A_141] : memref<10000x128xf32, #tpu.memory_space<hbm>> -> memref<10000x128xf32, #tpu.memory_space<hbm>>
    tpu.enqueue_indirect_dma source(%dma_start3A_142 : memref<10000x128xf32, #tpu.memory_space<hbm>>) target(%arg17 : memref<112x128xf32, #tpu.memory_space<vmem>>) offsets(%arg14 : memref<112xi32, #tpu.memory_space<vmem>>) semaphore(%arg19 : memref<!tpu.dma_semaphore, #tpu.memory_space<semaphore_mem>>)
    %dma_wait3A_143 = arith.constant 0 : i32
    %dma_wait3A_144 = arith.constant 0 : i32
    %dma_wait3A_145 = tpu.memref_slice %arg2[%dma_wait3A_143, %dma_wait3A_144] : memref<10000x128xf32, #tpu.memory_space<hbm>> -> memref<10000x128xf32, #tpu.memory_space<hbm>>
    tpu.wait_indirect_dma semaphore(%arg12 : memref<!tpu.dma_semaphore, #tpu.memory_space<semaphore_mem>>) src(%dma_wait3A_145 : memref<10000x128xf32, #tpu.memory_space<hbm>>) dst(%arg10 : memref<112x128xf32, #tpu.memory_space<vmem>>)
    %add3A_146 = arith.constant 336 : i32
    %add3A_147 = arith.addi %mul3A_2, %add3A_146 : i32
    %dma_start3A_148 = tpu.memref_slice %arg3[%add3A_147] : memref<320000xi32, #tpu.memory_space<hbm>> -> memref<112xi32, #tpu.memory_space<hbm>>
    %dma_start3A_149 = tpu.memref_slice %arg3[%add3A_147] : memref<320000xi32, #tpu.memory_space<hbm>> -> memref<112xi32, #tpu.memory_space<hbm>>
    tpu.enqueue_dma source(%dma_start3A_149 : memref<112xi32, #tpu.memory_space<hbm>>) target(%arg7 : memref<112xi32, #tpu.memory_space<vmem>>) target_semaphore(%arg11 : memref<!tpu.dma_semaphore, #tpu.memory_space<semaphore_mem>>)
    %dma_start3A_150 = tpu.memref_slice %arg4[%add3A_147] : memref<320000xi32, #tpu.memory_space<hbm>> -> memref<112xi32, #tpu.memory_space<hbm>>
    %dma_start3A_151 = tpu.memref_slice %arg4[%add3A_147] : memref<320000xi32, #tpu.memory_space<hbm>> -> memref<112xi32, #tpu.memory_space<hbm>>
    tpu.enqueue_dma source(%dma_start3A_151 : memref<112xi32, #tpu.memory_space<hbm>>) target(%arg8 : memref<112xi32, #tpu.memory_space<vmem>>) target_semaphore(%arg11 : memref<!tpu.dma_semaphore, #tpu.memory_space<semaphore_mem>>)
    %dma_start3A_152 = arith.constant 0 : i32
    %dma_start3A_153 = arith.constant 0 : i32
    %dma_start3A_154 = tpu.memref_slice %arg29[%dma_start3A_152, %dma_start3A_153] : memref<10000x128xf32, #tpu.memory_space<vmem_shared>> -> memref<10000x128xf32, #tpu.memory_space<vmem_shared>>
    tpu.enqueue_indirect_dma source(%arg10 : memref<112x128xf32, #tpu.memory_space<vmem>>) target(%dma_start3A_154 : memref<10000x128xf32, #tpu.memory_space<vmem_shared>>) offsets(%arg9 : memref<112xi32, #tpu.memory_space<vmem>>) semaphore(%arg13 : memref<!tpu.dma_semaphore, #tpu.memory_space<semaphore_mem>>) {add = true}
    %dma_wait3A_155 = arith.constant 0 : i32
    %dma_wait3A_156 = tpu.memref_slice %arg3[%dma_wait3A_155] : memref<320000xi32, #tpu.memory_space<hbm>> -> memref<112xi32, #tpu.memory_space<hbm>>
    %dma_wait3A_157 = arith.constant 0 : i32
    %dma_wait3A_158 = tpu.memref_slice %arg3[%dma_wait3A_157] : memref<320000xi32, #tpu.memory_space<hbm>> -> memref<112xi32, #tpu.memory_space<hbm>>
    tpu.wait_dma2 semaphore(%arg25 : memref<!tpu.dma_semaphore, #tpu.memory_space<semaphore_mem>>) src(%dma_wait3A_158 : memref<112xi32, #tpu.memory_space<hbm>>) dst(%arg21 : memref<112xi32, #tpu.memory_space<vmem>>)
    %dma_wait3A_159 = arith.constant 0 : i32
    %dma_wait3A_160 = tpu.memref_slice %arg4[%dma_wait3A_159] : memref<320000xi32, #tpu.memory_space<hbm>> -> memref<112xi32, #tpu.memory_space<hbm>>
    %dma_wait3A_161 = arith.constant 0 : i32
    %dma_wait3A_162 = tpu.memref_slice %arg4[%dma_wait3A_161] : memref<320000xi32, #tpu.memory_space<hbm>> -> memref<112xi32, #tpu.memory_space<hbm>>
    tpu.wait_dma2 semaphore(%arg25 : memref<!tpu.dma_semaphore, #tpu.memory_space<semaphore_mem>>) src(%dma_wait3A_162 : memref<112xi32, #tpu.memory_space<hbm>>) dst(%arg22 : memref<112xi32, #tpu.memory_space<vmem>>)
    %get3A_163 = arith.constant 0 : index
    %get3A_164 = tpu.vector_load %arg22[%get3A_163] {strides = array<i32>} : memref<112xi32, #tpu.memory_space<vmem>>, vector<16xi32>,
    %get3A_165 = vector.shape_cast %get3A_164 : vector<16xi32> to vector<16xi32>
    %swap3A_166 = arith.constant 0 : index
    %swap3A_167 = tpu.vector_load %arg23[%swap3A_166] {strides = array<i32>} : memref<112xi32, #tpu.memory_space<vmem>>, vector<16xi32>,
    %swap3A_168 = vector.shape_cast %swap3A_167 : vector<16xi32> to vector<16xi32>
    %swap3A_169 = vector.shape_cast %get3A_165 : vector<16xi32> to vector<16xi32>
    tpu.vector_store %arg23[%swap3A_166], %swap3A_169 {strides = array<i32>} : memref<112xi32, #tpu.memory_space<vmem>>, vector<16xi32>,
    %get3A_170 = arith.constant 16 : index
    %get3A_171 = tpu.vector_load %arg22[%get3A_170] {strides = array<i32>} : memref<112xi32, #tpu.memory_space<vmem>>, vector<16xi32>,
    %get3A_172 = vector.shape_cast %get3A_171 : vector<16xi32> to vector<16xi32>
    %swap3A_173 = arith.constant 16 : index
    %swap3A_174 = tpu.vector_load %arg23[%swap3A_173] {strides = array<i32>} : memref<112xi32, #tpu.memory_space<vmem>>, vector<16xi32>,
    %swap3A_175 = vector.shape_cast %swap3A_174 : vector<16xi32> to vector<16xi32>
    %swap3A_176 = vector.shape_cast %get3A_172 : vector<16xi32> to vector<16xi32>
    tpu.vector_store %arg23[%swap3A_173], %swap3A_176 {strides = array<i32>} : memref<112xi32, #tpu.memory_space<vmem>>, vector<16xi32>,
    %get3A_177 = arith.constant 32 : index
    %get3A_178 = tpu.vector_load %arg22[%get3A_177] {strides = array<i32>} : memref<112xi32, #tpu.memory_space<vmem>>, vector<16xi32>,
    %get3A_179 = vector.shape_cast %get3A_178 : vector<16xi32> to vector<16xi32>
    %swap3A_180 = arith.constant 32 : index
    %swap3A_181 = tpu.vector_load %arg23[%swap3A_180] {strides = array<i32>} : memref<112xi32, #tpu.memory_space<vmem>>, vector<16xi32>,
    %swap3A_182 = vector.shape_cast %swap3A_181 : vector<16xi32> to vector<16xi32>
    %swap3A_183 = vector.shape_cast %get3A_179 : vector<16xi32> to vector<16xi32>
    tpu.vector_store %arg23[%swap3A_180], %swap3A_183 {strides = array<i32>} : memref<112xi32, #tpu.memory_space<vmem>>, vector<16xi32>,
    %get3A_184 = arith.constant 48 : index
    %get3A_185 = tpu.vector_load %arg22[%get3A_184] {strides = array<i32>} : memref<112xi32, #tpu.memory_space<vmem>>, vector<16xi32>,
    %get3A_186 = vector.shape_cast %get3A_185 : vector<16xi32> to vector<16xi32>
    %swap3A_187 = arith.constant 48 : index
    %swap3A_188 = tpu.vector_load %arg23[%swap3A_187] {strides = array<i32>} : memref<112xi32, #tpu.memory_space<vmem>>, vector<16xi32>,
    %swap3A_189 = vector.shape_cast %swap3A_188 : vector<16xi32> to vector<16xi32>
    %swap3A_190 = vector.shape_cast %get3A_186 : vector<16xi32> to vector<16xi32>
    tpu.vector_store %arg23[%swap3A_187], %swap3A_190 {strides = array<i32>} : memref<112xi32, #tpu.memory_space<vmem>>, vector<16xi32>,
    %get3A_191 = arith.constant 64 : index
    %get3A_192 = tpu.vector_load %arg22[%get3A_191] {strides = array<i32>} : memref<112xi32, #tpu.memory_space<vmem>>, vector<16xi32>,
    %get3A_193 = vector.shape_cast %get3A_192 : vector<16xi32> to vector<16xi32>
    %swap3A_194 = arith.constant 64 : index
    %swap3A_195 = tpu.vector_load %arg23[%swap3A_194] {strides = array<i32>} : memref<112xi32, #tpu.memory_space<vmem>>, vector<16xi32>,
    %swap3A_196 = vector.shape_cast %swap3A_195 : vector<16xi32> to vector<16xi32>
    %swap3A_197 = vector.shape_cast %get3A_193 : vector<16xi32> to vector<16xi32>
    tpu.vector_store %arg23[%swap3A_194], %swap3A_197 {strides = array<i32>} : memref<112xi32, #tpu.memory_space<vmem>>, vector<16xi32>,
    %get3A_198 = arith.constant 80 : index
    %get3A_199 = tpu.vector_load %arg22[%get3A_198] {strides = array<i32>} : memref<112xi32, #tpu.memory_space<vmem>>, vector<16xi32>,
    %get3A_200 = vector.shape_cast %get3A_199 : vector<16xi32> to vector<16xi32>
    %swap3A_201 = arith.constant 80 : index
    %swap3A_202 = tpu.vector_load %arg23[%swap3A_201] {strides = array<i32>} : memref<112xi32, #tpu.memory_space<vmem>>, vector<16xi32>,
    %swap3A_203 = vector.shape_cast %swap3A_202 : vector<16xi32> to vector<16xi32>
    %swap3A_204 = vector.shape_cast %get3A_200 : vector<16xi32> to vector<16xi32>
    tpu.vector_store %arg23[%swap3A_201], %swap3A_204 {strides = array<i32>} : memref<112xi32, #tpu.memory_space<vmem>>, vector<16xi32>,
    %get3A_205 = arith.constant 96 : index
    %get3A_206 = tpu.vector_load %arg22[%get3A_205] {strides = array<i32>} : memref<112xi32, #tpu.memory_space<vmem>>, vector<16xi32>,
    %get3A_207 = vector.shape_cast %get3A_206 : vector<16xi32> to vector<16xi32>
    %swap3A_208 = arith.constant 96 : index
    %swap3A_209 = tpu.vector_load %arg23[%swap3A_208] {strides = array<i32>} : memref<112xi32, #tpu.memory_space<vmem>>, vector<16xi32>,
    %swap3A_210 = vector.shape_cast %swap3A_209 : vector<16xi32> to vector<16xi32>
    %swap3A_211 = vector.shape_cast %get3A_207 : vector<16xi32> to vector<16xi32>
    tpu.vector_store %arg23[%swap3A_208], %swap3A_211 {strides = array<i32>} : memref<112xi32, #tpu.memory_space<vmem>>, vector<16xi32>,
    %dma_start3A_212 = arith.constant 0 : i32
    %dma_start3A_213 = arith.constant 0 : i32
    %dma_start3A_214 = tpu.memref_slice %arg2[%dma_start3A_212, %dma_start3A_213] : memref<10000x128xf32, #tpu.memory_space<hbm>> -> memref<10000x128xf32, #tpu.memory_space<hbm>>
    tpu.enqueue_indirect_dma source(%dma_start3A_214 : memref<10000x128xf32, #tpu.memory_space<hbm>>) target(%arg24 : memref<112x128xf32, #tpu.memory_space<vmem>>) offsets(%arg21 : memref<112xi32, #tpu.memory_space<vmem>>) semaphore(%arg26 : memref<!tpu.dma_semaphore, #tpu.memory_space<semaphore_mem>>)
    %dma_wait3A_215 = arith.constant 0 : i32
    %dma_wait3A_216 = arith.constant 0 : i32
    %dma_wait3A_217 = tpu.memref_slice %arg2[%dma_wait3A_215, %dma_wait3A_216] : memref<10000x128xf32, #tpu.memory_space<hbm>> -> memref<10000x128xf32, #tpu.memory_space<hbm>>
    tpu.wait_indirect_dma semaphore(%arg19 : memref<!tpu.dma_semaphore, #tpu.memory_space<semaphore_mem>>) src(%dma_wait3A_217 : memref<10000x128xf32, #tpu.memory_space<hbm>>) dst(%arg17 : memref<112x128xf32, #tpu.memory_space<vmem>>)
    %add3A_218 = arith.constant 448 : i32
    %add3A_219 = arith.addi %mul3A_2, %add3A_218 : i32
    %dma_start3A_220 = tpu.memref_slice %arg3[%add3A_219] : memref<320000xi32, #tpu.memory_space<hbm>> -> memref<112xi32, #tpu.memory_space<hbm>>
    %dma_start3A_221 = tpu.memref_slice %arg3[%add3A_219] : memref<320000xi32, #tpu.memory_space<hbm>> -> memref<112xi32, #tpu.memory_space<hbm>>
    tpu.enqueue_dma source(%dma_start3A_221 : memref<112xi32, #tpu.memory_space<hbm>>) target(%arg14 : memref<112xi32, #tpu.memory_space<vmem>>) target_semaphore(%arg18 : memref<!tpu.dma_semaphore, #tpu.memory_space<semaphore_mem>>)
    %dma_start3A_222 = tpu.memref_slice %arg4[%add3A_219] : memref<320000xi32, #tpu.memory_space<hbm>> -> memref<112xi32, #tpu.memory_space<hbm>>
    %dma_start3A_223 = tpu.memref_slice %arg4[%add3A_219] : memref<320000xi32, #tpu.memory_space<hbm>> -> memref<112xi32, #tpu.memory_space<hbm>>
    tpu.enqueue_dma source(%dma_start3A_223 : memref<112xi32, #tpu.memory_space<hbm>>) target(%arg15 : memref<112xi32, #tpu.memory_space<vmem>>) target_semaphore(%arg18 : memref<!tpu.dma_semaphore, #tpu.memory_space<semaphore_mem>>)
    %dma_start3A_224 = arith.constant 0 : i32
    %dma_start3A_225 = arith.constant 0 : i32
    %dma_start3A_226 = tpu.memref_slice %arg29[%dma_start3A_224, %dma_start3A_225] : memref<10000x128xf32, #tpu.memory_space<vmem_shared>> -> memref<10000x128xf32, #tpu.memory_space<vmem_shared>>
    tpu.enqueue_indirect_dma source(%arg17 : memref<112x128xf32, #tpu.memory_space<vmem>>) target(%dma_start3A_226 : memref<10000x128xf32, #tpu.memory_space<vmem_shared>>) offsets(%arg16 : memref<112xi32, #tpu.memory_space<vmem>>) semaphore(%arg20 : memref<!tpu.dma_semaphore, #tpu.memory_space<semaphore_mem>>) {add = true}
    %scan3A = arith.constant 0 : i32
    %scan3A_227 = arith.constant 1 : i32
    %scan3A_228 = arith.constant 28 : i32
    %scan3A_229 = arith.addi %scan3A_227, %scan3A_228 : i32
    %scan3A_230 = arith.constant 1 : i32
    scf.for %scan3A_414 = %scan3A_227 to %scan3A_229 step %scan3A_230  : i32 {
      %mul3A_415 = arith.constant 3 : i32
      %mul3A_416 = arith.muli %mul3A_415, %scan3A_414 : i32
      %add3A_417 = arith.constant 0 : i32
      %add3A_418 = arith.addi %mul3A_416, %add3A_417 : i32
      %dma_wait3A_419 = arith.constant 0 : i32
      %dma_wait3A_420 = tpu.memref_slice %arg3[%dma_wait3A_419] : memref<320000xi32, #tpu.memory_space<hbm>> -> memref<112xi32, #tpu.memory_space<hbm>>
      %dma_wait3A_421 = arith.constant 0 : i32
      %dma_wait3A_422 = tpu.memref_slice %arg3[%dma_wait3A_421] : memref<320000xi32, #tpu.memory_space<hbm>> -> memref<112xi32, #tpu.memory_space<hbm>>
      tpu.wait_dma2 semaphore(%arg11 : memref<!tpu.dma_semaphore, #tpu.memory_space<semaphore_mem>>) src(%dma_wait3A_422 : memref<112xi32, #tpu.memory_space<hbm>>) dst(%arg7 : memref<112xi32, #tpu.memory_space<vmem>>)
      %dma_wait3A_423 = arith.constant 0 : i32
      %dma_wait3A_424 = tpu.memref_slice %arg4[%dma_wait3A_423] : memref<320000xi32, #tpu.memory_space<hbm>> -> memref<112xi32, #tpu.memory_space<hbm>>
      %dma_wait3A_425 = arith.constant 0 : i32
      %dma_wait3A_426 = tpu.memref_slice %arg4[%dma_wait3A_425] : memref<320000xi32, #tpu.memory_space<hbm>> -> memref<112xi32, #tpu.memory_space<hbm>>
      tpu.wait_dma2 semaphore(%arg11 : memref<!tpu.dma_semaphore, #tpu.memory_space<semaphore_mem>>) src(%dma_wait3A_426 : memref<112xi32, #tpu.memory_space<hbm>>) dst(%arg8 : memref<112xi32, #tpu.memory_space<vmem>>)
      %dma_wait3A_427 = arith.constant 0 : i32
      %dma_wait3A_428 = arith.constant 0 : i32
      %dma_wait3A_429 = tpu.memref_slice %arg29[%dma_wait3A_427, %dma_wait3A_428] : memref<10000x128xf32, #tpu.memory_space<vmem_shared>> -> memref<10000x128xf32, #tpu.memory_space<vmem_shared>>
      tpu.wait_indirect_dma semaphore(%arg13 : memref<!tpu.dma_semaphore, #tpu.memory_space<semaphore_mem>>) src(%arg10 : memref<112x128xf32, #tpu.memory_space<vmem>>) dst(%dma_wait3A_429 : memref<10000x128xf32, #tpu.memory_space<vmem_shared>>)
      %get3A_430 = arith.constant 0 : index
      %get3A_431 = tpu.vector_load %arg8[%get3A_430] {strides = array<i32>} : memref<112xi32, #tpu.memory_space<vmem>>, vector<16xi32>,
      %get3A_432 = vector.shape_cast %get3A_431 : vector<16xi32> to vector<16xi32>
      %swap3A_433 = arith.constant 0 : index
      %swap3A_434 = tpu.vector_load %arg9[%swap3A_433] {strides = array<i32>} : memref<112xi32, #tpu.memory_space<vmem>>, vector<16xi32>,
      %swap3A_435 = vector.shape_cast %swap3A_434 : vector<16xi32> to vector<16xi32>
      %swap3A_436 = vector.shape_cast %get3A_432 : vector<16xi32> to vector<16xi32>
      tpu.vector_store %arg9[%swap3A_433], %swap3A_436 {strides = array<i32>} : memref<112xi32, #tpu.memory_space<vmem>>, vector<16xi32>,
      %get3A_437 = arith.constant 16 : index
      %get3A_438 = tpu.vector_load %arg8[%get3A_437] {strides = array<i32>} : memref<112xi32, #tpu.memory_space<vmem>>, vector<16xi32>,
      %get3A_439 = vector.shape_cast %get3A_438 : vector<16xi32> to vector<16xi32>
      %swap3A_440 = arith.constant 16 : index
      %swap3A_441 = tpu.vector_load %arg9[%swap3A_440] {strides = array<i32>} : memref<112xi32, #tpu.memory_space<vmem>>, vector<16xi32>,
      %swap3A_442 = vector.shape_cast %swap3A_441 : vector<16xi32> to vector<16xi32>
      %swap3A_443 = vector.shape_cast %get3A_439 : vector<16xi32> to vector<16xi32>
      tpu.vector_store %arg9[%swap3A_440], %swap3A_443 {strides = array<i32>} : memref<112xi32, #tpu.memory_space<vmem>>, vector<16xi32>,
      %get3A_444 = arith.constant 32 : index
      %get3A_445 = tpu.vector_load %arg8[%get3A_444] {strides = array<i32>} : memref<112xi32, #tpu.memory_space<vmem>>, vector<16xi32>,
      %get3A_446 = vector.shape_cast %get3A_445 : vector<16xi32> to vector<16xi32>
      %swap3A_447 = arith.constant 32 : index
      %swap3A_448 = tpu.vector_load %arg9[%swap3A_447] {strides = array<i32>} : memref<112xi32, #tpu.memory_space<vmem>>, vector<16xi32>,
      %swap3A_449 = vector.shape_cast %swap3A_448 : vector<16xi32> to vector<16xi32>
      %swap3A_450 = vector.shape_cast %get3A_446 : vector<16xi32> to vector<16xi32>
      tpu.vector_store %arg9[%swap3A_447], %swap3A_450 {strides = array<i32>} : memref<112xi32, #tpu.memory_space<vmem>>, vector<16xi32>,
      %get3A_451 = arith.constant 48 : index
      %get3A_452 = tpu.vector_load %arg8[%get3A_451] {strides = array<i32>} : memref<112xi32, #tpu.memory_space<vmem>>, vector<16xi32>,
      %get3A_453 = vector.shape_cast %get3A_452 : vector<16xi32> to vector<16xi32>
      %swap3A_454 = arith.constant 48 : index
      %swap3A_455 = tpu.vector_load %arg9[%swap3A_454] {strides = array<i32>} : memref<112xi32, #tpu.memory_space<vmem>>, vector<16xi32>,
      %swap3A_456 = vector.shape_cast %swap3A_455 : vector<16xi32> to vector<16xi32>
      %swap3A_457 = vector.shape_cast %get3A_453 : vector<16xi32> to vector<16xi32>
      tpu.vector_store %arg9[%swap3A_454], %swap3A_457 {strides = array<i32>} : memref<112xi32, #tpu.memory_space<vmem>>, vector<16xi32>,
      %get3A_458 = arith.constant 64 : index
      %get3A_459 = tpu.vector_load %arg8[%get3A_458] {strides = array<i32>} : memref<112xi32, #tpu.memory_space<vmem>>, vector<16xi32>,
      %get3A_460 = vector.shape_cast %get3A_459 : vector<16xi32> to vector<16xi32>
      %swap3A_461 = arith.constant 64 : index
      %swap3A_462 = tpu.vector_load %arg9[%swap3A_461] {strides = array<i32>} : memref<112xi32, #tpu.memory_space<vmem>>, vector<16xi32>,
      %swap3A_463 = vector.shape_cast %swap3A_462 : vector<16xi32> to vector<16xi32>
      %swap3A_464 = vector.shape_cast %get3A_460 : vector<16xi32> to vector<16xi32>
      tpu.vector_store %arg9[%swap3A_461], %swap3A_464 {strides = array<i32>} : memref<112xi32, #tpu.memory_space<vmem>>, vector<16xi32>,
      %get3A_465 = arith.constant 80 : index
      %get3A_466 = tpu.vector_load %arg8[%get3A_465] {strides = array<i32>} : memref<112xi32, #tpu.memory_space<vmem>>, vector<16xi32>,
      %get3A_467 = vector.shape_cast %get3A_466 : vector<16xi32> to vector<16xi32>
      %swap3A_468 = arith.constant 80 : index
      %swap3A_469 = tpu.vector_load %arg9[%swap3A_468] {strides = array<i32>} : memref<112xi32, #tpu.memory_space<vmem>>, vector<16xi32>,
      %swap3A_470 = vector.shape_cast %swap3A_469 : vector<16xi32> to vector<16xi32>
      %swap3A_471 = vector.shape_cast %get3A_467 : vector<16xi32> to vector<16xi32>
      tpu.vector_store %arg9[%swap3A_468], %swap3A_471 {strides = array<i32>} : memref<112xi32, #tpu.memory_space<vmem>>, vector<16xi32>,
      %get3A_472 = arith.constant 96 : index
      %get3A_473 = tpu.vector_load %arg8[%get3A_472] {strides = array<i32>} : memref<112xi32, #tpu.memory_space<vmem>>, vector<16xi32>,
      %get3A_474 = vector.shape_cast %get3A_473 : vector<16xi32> to vector<16xi32>
      %swap3A_475 = arith.constant 96 : index
      %swap3A_476 = tpu.vector_load %arg9[%swap3A_475] {strides = array<i32>} : memref<112xi32, #tpu.memory_space<vmem>>, vector<16xi32>,
      %swap3A_477 = vector.shape_cast %swap3A_476 : vector<16xi32> to vector<16xi32>
      %swap3A_478 = vector.shape_cast %get3A_474 : vector<16xi32> to vector<16xi32>
      tpu.vector_store %arg9[%swap3A_475], %swap3A_478 {strides = array<i32>} : memref<112xi32, #tpu.memory_space<vmem>>, vector<16xi32>,
      %dma_start3A_479 = arith.constant 0 : i32
      %dma_start3A_480 = arith.constant 0 : i32
      %dma_start3A_481 = tpu.memref_slice %arg2[%dma_start3A_479, %dma_start3A_480] : memref<10000x128xf32, #tpu.memory_space<hbm>> -> memref<10000x128xf32, #tpu.memory_space<hbm>>
      tpu.enqueue_indirect_dma source(%dma_start3A_481 : memref<10000x128xf32, #tpu.memory_space<hbm>>) target(%arg10 : memref<112x128xf32, #tpu.memory_space<vmem>>) offsets(%arg7 : memref<112xi32, #tpu.memory_space<vmem>>) semaphore(%arg12 : memref<!tpu.dma_semaphore, #tpu.memory_space<semaphore_mem>>)
      %dma_wait3A_482 = arith.constant 0 : i32
      %dma_wait3A_483 = arith.constant 0 : i32
      %dma_wait3A_484 = tpu.memref_slice %arg2[%dma_wait3A_482, %dma_wait3A_483] : memref<10000x128xf32, #tpu.memory_space<hbm>> -> memref<10000x128xf32, #tpu.memory_space<hbm>>
      tpu.wait_indirect_dma semaphore(%arg26 : memref<!tpu.dma_semaphore, #tpu.memory_space<semaphore_mem>>) src(%dma_wait3A_484 : memref<10000x128xf32, #tpu.memory_space<hbm>>) dst(%arg24 : memref<112x128xf32, #tpu.memory_space<vmem>>)
      %add3A_485 = arith.constant 2 : i32
      %add3A_486 = arith.addi %add3A_418, %add3A_485 : i32
      %mul3A_487 = arith.constant 112 : i32
      %mul3A_488 = arith.muli %add3A_486, %mul3A_487 : i32
      %add3A_489 = arith.addi %mul3A_2, %mul3A_488 : i32
      %dma_start3A_490 = tpu.memref_slice %arg3[%add3A_489] : memref<320000xi32, #tpu.memory_space<hbm>> -> memref<112xi32, #tpu.memory_space<hbm>>
      %dma_start3A_491 = tpu.memref_slice %arg3[%add3A_489] : memref<320000xi32, #tpu.memory_space<hbm>> -> memref<112xi32, #tpu.memory_space<hbm>>
      tpu.enqueue_dma source(%dma_start3A_491 : memref<112xi32, #tpu.memory_space<hbm>>) target(%arg21 : memref<112xi32, #tpu.memory_space<vmem>>) target_semaphore(%arg25 : memref<!tpu.dma_semaphore, #tpu.memory_space<semaphore_mem>>)
      %dma_start3A_492 = tpu.memref_slice %arg4[%add3A_489] : memref<320000xi32, #tpu.memory_space<hbm>> -> memref<112xi32, #tpu.memory_space<hbm>>
      %dma_start3A_493 = tpu.memref_slice %arg4[%add3A_489] : memref<320000xi32, #tpu.memory_space<hbm>> -> memref<112xi32, #tpu.memory_space<hbm>>
      tpu.enqueue_dma source(%dma_start3A_493 : memref<112xi32, #tpu.memory_space<hbm>>) target(%arg22 : memref<112xi32, #tpu.memory_space<vmem>>) target_semaphore(%arg25 : memref<!tpu.dma_semaphore, #tpu.memory_space<semaphore_mem>>)
      %dma_start3A_494 = arith.constant 0 : i32
      %dma_start3A_495 = arith.constant 0 : i32
      %dma_start3A_496 = tpu.memref_slice %arg29[%dma_start3A_494, %dma_start3A_495] : memref<10000x128xf32, #tpu.memory_space<vmem_shared>> -> memref<10000x128xf32, #tpu.memory_space<vmem_shared>>
      tpu.enqueue_indirect_dma source(%arg24 : memref<112x128xf32, #tpu.memory_space<vmem>>) target(%dma_start3A_496 : memref<10000x128xf32, #tpu.memory_space<vmem_shared>>) offsets(%arg23 : memref<112xi32, #tpu.memory_space<vmem>>) semaphore(%arg27 : memref<!tpu.dma_semaphore, #tpu.memory_space<semaphore_mem>>) {add = true}
      %add3A_497 = arith.constant 1 : i32
      %add3A_498 = arith.addi %mul3A_416, %add3A_497 : i32
      %dma_wait3A_499 = arith.constant 0 : i32
      %dma_wait3A_500 = tpu.memref_slice %arg3[%dma_wait3A_499] : memref<320000xi32, #tpu.memory_space<hbm>> -> memref<112xi32, #tpu.memory_space<hbm>>
      %dma_wait3A_501 = arith.constant 0 : i32
      %dma_wait3A_502 = tpu.memref_slice %arg3[%dma_wait3A_501] : memref<320000xi32, #tpu.memory_space<hbm>> -> memref<112xi32, #tpu.memory_space<hbm>>
      tpu.wait_dma2 semaphore(%arg18 : memref<!tpu.dma_semaphore, #tpu.memory_space<semaphore_mem>>) src(%dma_wait3A_502 : memref<112xi32, #tpu.memory_space<hbm>>) dst(%arg14 : memref<112xi32, #tpu.memory_space<vmem>>)
      %dma_wait3A_503 = arith.constant 0 : i32
      %dma_wait3A_504 = tpu.memref_slice %arg4[%dma_wait3A_503] : memref<320000xi32, #tpu.memory_space<hbm>> -> memref<112xi32, #tpu.memory_space<hbm>>
      %dma_wait3A_505 = arith.constant 0 : i32
      %dma_wait3A_506 = tpu.memref_slice %arg4[%dma_wait3A_505] : memref<320000xi32, #tpu.memory_space<hbm>> -> memref<112xi32, #tpu.memory_space<hbm>>
      tpu.wait_dma2 semaphore(%arg18 : memref<!tpu.dma_semaphore, #tpu.memory_space<semaphore_mem>>) src(%dma_wait3A_506 : memref<112xi32, #tpu.memory_space<hbm>>) dst(%arg15 : memref<112xi32, #tpu.memory_space<vmem>>)
      %dma_wait3A_507 = arith.constant 0 : i32
      %dma_wait3A_508 = arith.constant 0 : i32
      %dma_wait3A_509 = tpu.memref_slice %arg29[%dma_wait3A_507, %dma_wait3A_508] : memref<10000x128xf32, #tpu.memory_space<vmem_shared>> -> memref<10000x128xf32, #tpu.memory_space<vmem_shared>>
      tpu.wait_indirect_dma semaphore(%arg20 : memref<!tpu.dma_semaphore, #tpu.memory_space<semaphore_mem>>) src(%arg17 : memref<112x128xf32, #tpu.memory_space<vmem>>) dst(%dma_wait3A_509 : memref<10000x128xf32, #tpu.memory_space<vmem_shared>>)
      %get3A_510 = arith.constant 0 : index
      %get3A_511 = tpu.vector_load %arg15[%get3A_510] {strides = array<i32>} : memref<112xi32, #tpu.memory_space<vmem>>, vector<16xi32>,
      %get3A_512 = vector.shape_cast %get3A_511 : vector<16xi32> to vector<16xi32>
      %swap3A_513 = arith.constant 0 : index
      %swap3A_514 = tpu.vector_load %arg16[%swap3A_513] {strides = array<i32>} : memref<112xi32, #tpu.memory_space<vmem>>, vector<16xi32>,
      %swap3A_515 = vector.shape_cast %swap3A_514 : vector<16xi32> to vector<16xi32>
      %swap3A_516 = vector.shape_cast %get3A_512 : vector<16xi32> to vector<16xi32>
      tpu.vector_store %arg16[%swap3A_513], %swap3A_516 {strides = array<i32>} : memref<112xi32, #tpu.memory_space<vmem>>, vector<16xi32>,
      %get3A_517 = arith.constant 16 : index
      %get3A_518 = tpu.vector_load %arg15[%get3A_517] {strides = array<i32>} : memref<112xi32, #tpu.memory_space<vmem>>, vector<16xi32>,
      %get3A_519 = vector.shape_cast %get3A_518 : vector<16xi32> to vector<16xi32>
      %swap3A_520 = arith.constant 16 : index
      %swap3A_521 = tpu.vector_load %arg16[%swap3A_520] {strides = array<i32>} : memref<112xi32, #tpu.memory_space<vmem>>, vector<16xi32>,
      %swap3A_522 = vector.shape_cast %swap3A_521 : vector<16xi32> to vector<16xi32>
      %swap3A_523 = vector.shape_cast %get3A_519 : vector<16xi32> to vector<16xi32>
      tpu.vector_store %arg16[%swap3A_520], %swap3A_523 {strides = array<i32>} : memref<112xi32, #tpu.memory_space<vmem>>, vector<16xi32>,
      %get3A_524 = arith.constant 32 : index
      %get3A_525 = tpu.vector_load %arg15[%get3A_524] {strides = array<i32>} : memref<112xi32, #tpu.memory_space<vmem>>, vector<16xi32>,
      %get3A_526 = vector.shape_cast %get3A_525 : vector<16xi32> to vector<16xi32>
      %swap3A_527 = arith.constant 32 : index
      %swap3A_528 = tpu.vector_load %arg16[%swap3A_527] {strides = array<i32>} : memref<112xi32, #tpu.memory_space<vmem>>, vector<16xi32>,
      %swap3A_529 = vector.shape_cast %swap3A_528 : vector<16xi32> to vector<16xi32>
      %swap3A_530 = vector.shape_cast %get3A_526 : vector<16xi32> to vector<16xi32>
      tpu.vector_store %arg16[%swap3A_527], %swap3A_530 {strides = array<i32>} : memref<112xi32, #tpu.memory_space<vmem>>, vector<16xi32>,
      %get3A_531 = arith.constant 48 : index
      %get3A_532 = tpu.vector_load %arg15[%get3A_531] {strides = array<i32>} : memref<112xi32, #tpu.memory_space<vmem>>, vector<16xi32>,
      %get3A_533 = vector.shape_cast %get3A_532 : vector<16xi32> to vector<16xi32>
      %swap3A_534 = arith.constant 48 : index
      %swap3A_535 = tpu.vector_load %arg16[%swap3A_534] {strides = array<i32>} : memref<112xi32, #tpu.memory_space<vmem>>, vector<16xi32>,
      %swap3A_536 = vector.shape_cast %swap3A_535 : vector<16xi32> to vector<16xi32>
      %swap3A_537 = vector.shape_cast %get3A_533 : vector<16xi32> to vector<16xi32>
      tpu.vector_store %arg16[%swap3A_534], %swap3A_537 {strides = array<i32>} : memref<112xi32, #tpu.memory_space<vmem>>, vector<16xi32>,
      %get3A_538 = arith.constant 64 : index
      %get3A_539 = tpu.vector_load %arg15[%get3A_538] {strides = array<i32>} : memref<112xi32, #tpu.memory_space<vmem>>, vector<16xi32>,
      %get3A_540 = vector.shape_cast %get3A_539 : vector<16xi32> to vector<16xi32>
      %swap3A_541 = arith.constant 64 : index
      %swap3A_542 = tpu.vector_load %arg16[%swap3A_541] {strides = array<i32>} : memref<112xi32, #tpu.memory_space<vmem>>, vector<16xi32>,
      %swap3A_543 = vector.shape_cast %swap3A_542 : vector<16xi32> to vector<16xi32>
      %swap3A_544 = vector.shape_cast %get3A_540 : vector<16xi32> to vector<16xi32>
      tpu.vector_store %arg16[%swap3A_541], %swap3A_544 {strides = array<i32>} : memref<112xi32, #tpu.memory_space<vmem>>, vector<16xi32>,
      %get3A_545 = arith.constant 80 : index
      %get3A_546 = tpu.vector_load %arg15[%get3A_545] {strides = array<i32>} : memref<112xi32, #tpu.memory_space<vmem>>, vector<16xi32>,
      %get3A_547 = vector.shape_cast %get3A_546 : vector<16xi32> to vector<16xi32>
      %swap3A_548 = arith.constant 80 : index
      %swap3A_549 = tpu.vector_load %arg16[%swap3A_548] {strides = array<i32>} : memref<112xi32, #tpu.memory_space<vmem>>, vector<16xi32>,
      %swap3A_550 = vector.shape_cast %swap3A_549 : vector<16xi32> to vector<16xi32>
      %swap3A_551 = vector.shape_cast %get3A_547 : vector<16xi32> to vector<16xi32>
      tpu.vector_store %arg16[%swap3A_548], %swap3A_551 {strides = array<i32>} : memref<112xi32, #tpu.memory_space<vmem>>, vector<16xi32>,
      %get3A_552 = arith.constant 96 : index
      %get3A_553 = tpu.vector_load %arg15[%get3A_552] {strides = array<i32>} : memref<112xi32, #tpu.memory_space<vmem>>, vector<16xi32>,
      %get3A_554 = vector.shape_cast %get3A_553 : vector<16xi32> to vector<16xi32>
      %swap3A_555 = arith.constant 96 : index
      %swap3A_556 = tpu.vector_load %arg16[%swap3A_555] {strides = array<i32>} : memref<112xi32, #tpu.memory_space<vmem>>, vector<16xi32>,
      %swap3A_557 = vector.shape_cast %swap3A_556 : vector<16xi32> to vector<16xi32>
      %swap3A_558 = vector.shape_cast %get3A_554 : vector<16xi32> to vector<16xi32>
      tpu.vector_store %arg16[%swap3A_555], %swap3A_558 {strides = array<i32>} : memref<112xi32, #tpu.memory_space<vmem>>, vector<16xi32>,
      %dma_start3A_559 = arith.constant 0 : i32
      %dma_start3A_560 = arith.constant 0 : i32
      %dma_start3A_561 = tpu.memref_slice %arg2[%dma_start3A_559, %dma_start3A_560] : memref<10000x128xf32, #tpu.memory_space<hbm>> -> memref<10000x128xf32, #tpu.memory_space<hbm>>
      tpu.enqueue_indirect_dma source(%dma_start3A_561 : memref<10000x128xf32, #tpu.memory_space<hbm>>) target(%arg17 : memref<112x128xf32, #tpu.memory_space<vmem>>) offsets(%arg14 : memref<112xi32, #tpu.memory_space<vmem>>) semaphore(%arg19 : memref<!tpu.dma_semaphore, #tpu.memory_space<semaphore_mem>>)
      %dma_wait3A_562 = arith.constant 0 : i32
      %dma_wait3A_563 = arith.constant 0 : i32
      %dma_wait3A_564 = tpu.memref_slice %arg2[%dma_wait3A_562, %dma_wait3A_563] : memref<10000x128xf32, #tpu.memory_space<hbm>> -> memref<10000x128xf32, #tpu.memory_space<hbm>>
      tpu.wait_indirect_dma semaphore(%arg12 : memref<!tpu.dma_semaphore, #tpu.memory_space<semaphore_mem>>) src(%dma_wait3A_564 : memref<10000x128xf32, #tpu.memory_space<hbm>>) dst(%arg10 : memref<112x128xf32, #tpu.memory_space<vmem>>)
      %add3A_565 = arith.constant 2 : i32
      %add3A_566 = arith.addi %add3A_498, %add3A_565 : i32
      %mul3A_567 = arith.constant 112 : i32
      %mul3A_568 = arith.muli %add3A_566, %mul3A_567 : i32
      %add3A_569 = arith.addi %mul3A_2, %mul3A_568 : i32
      %dma_start3A_570 = tpu.memref_slice %arg3[%add3A_569] : memref<320000xi32, #tpu.memory_space<hbm>> -> memref<112xi32, #tpu.memory_space<hbm>>
      %dma_start3A_571 = tpu.memref_slice %arg3[%add3A_569] : memref<320000xi32, #tpu.memory_space<hbm>> -> memref<112xi32, #tpu.memory_space<hbm>>
      tpu.enqueue_dma source(%dma_start3A_571 : memref<112xi32, #tpu.memory_space<hbm>>) target(%arg7 : memref<112xi32, #tpu.memory_space<vmem>>) target_semaphore(%arg11 : memref<!tpu.dma_semaphore, #tpu.memory_space<semaphore_mem>>)
      %dma_start3A_572 = tpu.memref_slice %arg4[%add3A_569] : memref<320000xi32, #tpu.memory_space<hbm>> -> memref<112xi32, #tpu.memory_space<hbm>>
      %dma_start3A_573 = tpu.memref_slice %arg4[%add3A_569] : memref<320000xi32, #tpu.memory_space<hbm>> -> memref<112xi32, #tpu.memory_space<hbm>>
      tpu.enqueue_dma source(%dma_start3A_573 : memref<112xi32, #tpu.memory_space<hbm>>) target(%arg8 : memref<112xi32, #tpu.memory_space<vmem>>) target_semaphore(%arg11 : memref<!tpu.dma_semaphore, #tpu.memory_space<semaphore_mem>>)
      %dma_start3A_574 = arith.constant 0 : i32
      %dma_start3A_575 = arith.constant 0 : i32
      %dma_start3A_576 = tpu.memref_slice %arg29[%dma_start3A_574, %dma_start3A_575] : memref<10000x128xf32, #tpu.memory_space<vmem_shared>> -> memref<10000x128xf32, #tpu.memory_space<vmem_shared>>
      tpu.enqueue_indirect_dma source(%arg10 : memref<112x128xf32, #tpu.memory_space<vmem>>) target(%dma_start3A_576 : memref<10000x128xf32, #tpu.memory_space<vmem_shared>>) offsets(%arg9 : memref<112xi32, #tpu.memory_space<vmem>>) semaphore(%arg13 : memref<!tpu.dma_semaphore, #tpu.memory_space<semaphore_mem>>) {add = true}
      %add3A_577 = arith.constant 2 : i32
      %add3A_578 = arith.addi %mul3A_416, %add3A_577 : i32
      %dma_wait3A_579 = arith.constant 0 : i32
      %dma_wait3A_580 = tpu.memref_slice %arg3[%dma_wait3A_579] : memref<320000xi32, #tpu.memory_space<hbm>> -> memref<112xi32, #tpu.memory_space<hbm>>
      %dma_wait3A_581 = arith.constant 0 : i32
      %dma_wait3A_582 = tpu.memref_slice %arg3[%dma_wait3A_581] : memref<320000xi32, #tpu.memory_space<hbm>> -> memref<112xi32, #tpu.memory_space<hbm>>
      tpu.wait_dma2 semaphore(%arg25 : memref<!tpu.dma_semaphore, #tpu.memory_space<semaphore_mem>>) src(%dma_wait3A_582 : memref<112xi32, #tpu.memory_space<hbm>>) dst(%arg21 : memref<112xi32, #tpu.memory_space<vmem>>)
      %dma_wait3A_583 = arith.constant 0 : i32
      %dma_wait3A_584 = tpu.memref_slice %arg4[%dma_wait3A_583] : memref<320000xi32, #tpu.memory_space<hbm>> -> memref<112xi32, #tpu.memory_space<hbm>>
      %dma_wait3A_585 = arith.constant 0 : i32
      %dma_wait3A_586 = tpu.memref_slice %arg4[%dma_wait3A_585] : memref<320000xi32, #tpu.memory_space<hbm>> -> memref<112xi32, #tpu.memory_space<hbm>>
      tpu.wait_dma2 semaphore(%arg25 : memref<!tpu.dma_semaphore, #tpu.memory_space<semaphore_mem>>) src(%dma_wait3A_586 : memref<112xi32, #tpu.memory_space<hbm>>) dst(%arg22 : memref<112xi32, #tpu.memory_space<vmem>>)
      %dma_wait3A_587 = arith.constant 0 : i32
      %dma_wait3A_588 = arith.constant 0 : i32
      %dma_wait3A_589 = tpu.memref_slice %arg29[%dma_wait3A_587, %dma_wait3A_588] : memref<10000x128xf32, #tpu.memory_space<vmem_shared>> -> memref<10000x128xf32, #tpu.memory_space<vmem_shared>>
      tpu.wait_indirect_dma semaphore(%arg27 : memref<!tpu.dma_semaphore, #tpu.memory_space<semaphore_mem>>) src(%arg24 : memref<112x128xf32, #tpu.memory_space<vmem>>) dst(%dma_wait3A_589 : memref<10000x128xf32, #tpu.memory_space<vmem_shared>>)
      %get3A_590 = arith.constant 0 : index
      %get3A_591 = tpu.vector_load %arg22[%get3A_590] {strides = array<i32>} : memref<112xi32, #tpu.memory_space<vmem>>, vector<16xi32>,
      %get3A_592 = vector.shape_cast %get3A_591 : vector<16xi32> to vector<16xi32>
      %swap3A_593 = arith.constant 0 : index
      %swap3A_594 = tpu.vector_load %arg23[%swap3A_593] {strides = array<i32>} : memref<112xi32, #tpu.memory_space<vmem>>, vector<16xi32>,
      %swap3A_595 = vector.shape_cast %swap3A_594 : vector<16xi32> to vector<16xi32>
      %swap3A_596 = vector.shape_cast %get3A_592 : vector<16xi32> to vector<16xi32>
      tpu.vector_store %arg23[%swap3A_593], %swap3A_596 {strides = array<i32>} : memref<112xi32, #tpu.memory_space<vmem>>, vector<16xi32>,
      %get3A_597 = arith.constant 16 : index
      %get3A_598 = tpu.vector_load %arg22[%get3A_597] {strides = array<i32>} : memref<112xi32, #tpu.memory_space<vmem>>, vector<16xi32>,
      %get3A_599 = vector.shape_cast %get3A_598 : vector<16xi32> to vector<16xi32>
      %swap3A_600 = arith.constant 16 : index
      %swap3A_601 = tpu.vector_load %arg23[%swap3A_600] {strides = array<i32>} : memref<112xi32, #tpu.memory_space<vmem>>, vector<16xi32>,
      %swap3A_602 = vector.shape_cast %swap3A_601 : vector<16xi32> to vector<16xi32>
      %swap3A_603 = vector.shape_cast %get3A_599 : vector<16xi32> to vector<16xi32>
      tpu.vector_store %arg23[%swap3A_600], %swap3A_603 {strides = array<i32>} : memref<112xi32, #tpu.memory_space<vmem>>, vector<16xi32>,
      %get3A_604 = arith.constant 32 : index
      %get3A_605 = tpu.vector_load %arg22[%get3A_604] {strides = array<i32>} : memref<112xi32, #tpu.memory_space<vmem>>, vector<16xi32>,
      %get3A_606 = vector.shape_cast %get3A_605 : vector<16xi32> to vector<16xi32>
      %swap3A_607 = arith.constant 32 : index
      %swap3A_608 = tpu.vector_load %arg23[%swap3A_607] {strides = array<i32>} : memref<112xi32, #tpu.memory_space<vmem>>, vector<16xi32>,
      %swap3A_609 = vector.shape_cast %swap3A_608 : vector<16xi32> to vector<16xi32>
      %swap3A_610 = vector.shape_cast %get3A_606 : vector<16xi32> to vector<16xi32>
      tpu.vector_store %arg23[%swap3A_607], %swap3A_610 {strides = array<i32>} : memref<112xi32, #tpu.memory_space<vmem>>, vector<16xi32>,
      %get3A_611 = arith.constant 48 : index
      %get3A_612 = tpu.vector_load %arg22[%get3A_611] {strides = array<i32>} : memref<112xi32, #tpu.memory_space<vmem>>, vector<16xi32>,
      %get3A_613 = vector.shape_cast %get3A_612 : vector<16xi32> to vector<16xi32>
      %swap3A_614 = arith.constant 48 : index
      %swap3A_615 = tpu.vector_load %arg23[%swap3A_614] {strides = array<i32>} : memref<112xi32, #tpu.memory_space<vmem>>, vector<16xi32>,
      %swap3A_616 = vector.shape_cast %swap3A_615 : vector<16xi32> to vector<16xi32>
      %swap3A_617 = vector.shape_cast %get3A_613 : vector<16xi32> to vector<16xi32>
      tpu.vector_store %arg23[%swap3A_614], %swap3A_617 {strides = array<i32>} : memref<112xi32, #tpu.memory_space<vmem>>, vector<16xi32>,
      %get3A_618 = arith.constant 64 : index
      %get3A_619 = tpu.vector_load %arg22[%get3A_618] {strides = array<i32>} : memref<112xi32, #tpu.memory_space<vmem>>, vector<16xi32>,
      %get3A_620 = vector.shape_cast %get3A_619 : vector<16xi32> to vector<16xi32>
      %swap3A_621 = arith.constant 64 : index
      %swap3A_622 = tpu.vector_load %arg23[%swap3A_621] {strides = array<i32>} : memref<112xi32, #tpu.memory_space<vmem>>, vector<16xi32>,
      %swap3A_623 = vector.shape_cast %swap3A_622 : vector<16xi32> to vector<16xi32>
      %swap3A_624 = vector.shape_cast %get3A_620 : vector<16xi32> to vector<16xi32>
      tpu.vector_store %arg23[%swap3A_621], %swap3A_624 {strides = array<i32>} : memref<112xi32, #tpu.memory_space<vmem>>, vector<16xi32>,
      %get3A_625 = arith.constant 80 : index
      %get3A_626 = tpu.vector_load %arg22[%get3A_625] {strides = array<i32>} : memref<112xi32, #tpu.memory_space<vmem>>, vector<16xi32>,
      %get3A_627 = vector.shape_cast %get3A_626 : vector<16xi32> to vector<16xi32>
      %swap3A_628 = arith.constant 80 : index
      %swap3A_629 = tpu.vector_load %arg23[%swap3A_628] {strides = array<i32>} : memref<112xi32, #tpu.memory_space<vmem>>, vector<16xi32>,
      %swap3A_630 = vector.shape_cast %swap3A_629 : vector<16xi32> to vector<16xi32>
      %swap3A_631 = vector.shape_cast %get3A_627 : vector<16xi32> to vector<16xi32>
      tpu.vector_store %arg23[%swap3A_628], %swap3A_631 {strides = array<i32>} : memref<112xi32, #tpu.memory_space<vmem>>, vector<16xi32>,
      %get3A_632 = arith.constant 96 : index
      %get3A_633 = tpu.vector_load %arg22[%get3A_632] {strides = array<i32>} : memref<112xi32, #tpu.memory_space<vmem>>, vector<16xi32>,
      %get3A_634 = vector.shape_cast %get3A_633 : vector<16xi32> to vector<16xi32>
      %swap3A_635 = arith.constant 96 : index
      %swap3A_636 = tpu.vector_load %arg23[%swap3A_635] {strides = array<i32>} : memref<112xi32, #tpu.memory_space<vmem>>, vector<16xi32>,
      %swap3A_637 = vector.shape_cast %swap3A_636 : vector<16xi32> to vector<16xi32>
      %swap3A_638 = vector.shape_cast %get3A_634 : vector<16xi32> to vector<16xi32>
      tpu.vector_store %arg23[%swap3A_635], %swap3A_638 {strides = array<i32>} : memref<112xi32, #tpu.memory_space<vmem>>, vector<16xi32>,
      %dma_start3A_639 = arith.constant 0 : i32
      %dma_start3A_640 = arith.constant 0 : i32
      %dma_start3A_641 = tpu.memref_slice %arg2[%dma_start3A_639, %dma_start3A_640] : memref<10000x128xf32, #tpu.memory_space<hbm>> -> memref<10000x128xf32, #tpu.memory_space<hbm>>
      tpu.enqueue_indirect_dma source(%dma_start3A_641 : memref<10000x128xf32, #tpu.memory_space<hbm>>) target(%arg24 : memref<112x128xf32, #tpu.memory_space<vmem>>) offsets(%arg21 : memref<112xi32, #tpu.memory_space<vmem>>) semaphore(%arg26 : memref<!tpu.dma_semaphore, #tpu.memory_space<semaphore_mem>>)
      %dma_wait3A_642 = arith.constant 0 : i32
      %dma_wait3A_643 = arith.constant 0 : i32
      %dma_wait3A_644 = tpu.memref_slice %arg2[%dma_wait3A_642, %dma_wait3A_643] : memref<10000x128xf32, #tpu.memory_space<hbm>> -> memref<10000x128xf32, #tpu.memory_space<hbm>>
      tpu.wait_indirect_dma semaphore(%arg19 : memref<!tpu.dma_semaphore, #tpu.memory_space<semaphore_mem>>) src(%dma_wait3A_644 : memref<10000x128xf32, #tpu.memory_space<hbm>>) dst(%arg17 : memref<112x128xf32, #tpu.memory_space<vmem>>)
      %add3A_645 = arith.constant 2 : i32
      %add3A_646 = arith.addi %add3A_578, %add3A_645 : i32
      %mul3A_647 = arith.constant 112 : i32
      %mul3A_648 = arith.muli %add3A_646, %mul3A_647 : i32
      %add3A_649 = arith.addi %mul3A_2, %mul3A_648 : i32
      %dma_start3A_650 = tpu.memref_slice %arg3[%add3A_649] : memref<320000xi32, #tpu.memory_space<hbm>> -> memref<112xi32, #tpu.memory_space<hbm>>
      %dma_start3A_651 = tpu.memref_slice %arg3[%add3A_649] : memref<320000xi32, #tpu.memory_space<hbm>> -> memref<112xi32, #tpu.memory_space<hbm>>
      tpu.enqueue_dma source(%dma_start3A_651 : memref<112xi32, #tpu.memory_space<hbm>>) target(%arg14 : memref<112xi32, #tpu.memory_space<vmem>>) target_semaphore(%arg18 : memref<!tpu.dma_semaphore, #tpu.memory_space<semaphore_mem>>)
      %dma_start3A_652 = tpu.memref_slice %arg4[%add3A_649] : memref<320000xi32, #tpu.memory_space<hbm>> -> memref<112xi32, #tpu.memory_space<hbm>>
      %dma_start3A_653 = tpu.memref_slice %arg4[%add3A_649] : memref<320000xi32, #tpu.memory_space<hbm>> -> memref<112xi32, #tpu.memory_space<hbm>>
      tpu.enqueue_dma source(%dma_start3A_653 : memref<112xi32, #tpu.memory_space<hbm>>) target(%arg15 : memref<112xi32, #tpu.memory_space<vmem>>) target_semaphore(%arg18 : memref<!tpu.dma_semaphore, #tpu.memory_space<semaphore_mem>>)
      %dma_start3A_654 = arith.constant 0 : i32
      %dma_start3A_655 = arith.constant 0 : i32
      %dma_start3A_656 = tpu.memref_slice %arg29[%dma_start3A_654, %dma_start3A_655] : memref<10000x128xf32, #tpu.memory_space<vmem_shared>> -> memref<10000x128xf32, #tpu.memory_space<vmem_shared>>
      tpu.enqueue_indirect_dma source(%arg17 : memref<112x128xf32, #tpu.memory_space<vmem>>) target(%dma_start3A_656 : memref<10000x128xf32, #tpu.memory_space<vmem_shared>>) offsets(%arg16 : memref<112xi32, #tpu.memory_space<vmem>>) semaphore(%arg20 : memref<!tpu.dma_semaphore, #tpu.memory_space<semaphore_mem>>) {add = true}
    }
    %scan3A_231 = arith.constant 28 : i32
    %dma_wait3A_232 = arith.constant 0 : i32
    %dma_wait3A_233 = tpu.memref_slice %arg3[%dma_wait3A_232] : memref<320000xi32, #tpu.memory_space<hbm>> -> memref<112xi32, #tpu.memory_space<hbm>>
    %dma_wait3A_234 = arith.constant 0 : i32
    %dma_wait3A_235 = tpu.memref_slice %arg3[%dma_wait3A_234] : memref<320000xi32, #tpu.memory_space<hbm>> -> memref<112xi32, #tpu.memory_space<hbm>>
    tpu.wait_dma2 semaphore(%arg11 : memref<!tpu.dma_semaphore, #tpu.memory_space<semaphore_mem>>) src(%dma_wait3A_235 : memref<112xi32, #tpu.memory_space<hbm>>) dst(%arg7 : memref<112xi32, #tpu.memory_space<vmem>>)
    %dma_wait3A_236 = arith.constant 0 : i32
    %dma_wait3A_237 = tpu.memref_slice %arg4[%dma_wait3A_236] : memref<320000xi32, #tpu.memory_space<hbm>> -> memref<112xi32, #tpu.memory_space<hbm>>
    %dma_wait3A_238 = arith.constant 0 : i32
    %dma_wait3A_239 = tpu.memref_slice %arg4[%dma_wait3A_238] : memref<320000xi32, #tpu.memory_space<hbm>> -> memref<112xi32, #tpu.memory_space<hbm>>
    tpu.wait_dma2 semaphore(%arg11 : memref<!tpu.dma_semaphore, #tpu.memory_space<semaphore_mem>>) src(%dma_wait3A_239 : memref<112xi32, #tpu.memory_space<hbm>>) dst(%arg8 : memref<112xi32, #tpu.memory_space<vmem>>)
    %dma_wait3A_240 = arith.constant 0 : i32
    %dma_wait3A_241 = arith.constant 0 : i32
    %dma_wait3A_242 = tpu.memref_slice %arg29[%dma_wait3A_240, %dma_wait3A_241] : memref<10000x128xf32, #tpu.memory_space<vmem_shared>> -> memref<10000x128xf32, #tpu.memory_space<vmem_shared>>
    tpu.wait_indirect_dma semaphore(%arg13 : memref<!tpu.dma_semaphore, #tpu.memory_space<semaphore_mem>>) src(%arg10 : memref<112x128xf32, #tpu.memory_space<vmem>>) dst(%dma_wait3A_242 : memref<10000x128xf32, #tpu.memory_space<vmem_shared>>)
    %get3A_243 = arith.constant 0 : index
    %get3A_244 = tpu.vector_load %arg8[%get3A_243] {strides = array<i32>} : memref<112xi32, #tpu.memory_space<vmem>>, vector<16xi32>,
    %get3A_245 = vector.shape_cast %get3A_244 : vector<16xi32> to vector<16xi32>
    %swap3A_246 = arith.constant 0 : index
    %swap3A_247 = tpu.vector_load %arg9[%swap3A_246] {strides = array<i32>} : memref<112xi32, #tpu.memory_space<vmem>>, vector<16xi32>,
    %swap3A_248 = vector.shape_cast %swap3A_247 : vector<16xi32> to vector<16xi32>
    %swap3A_249 = vector.shape_cast %get3A_245 : vector<16xi32> to vector<16xi32>
    tpu.vector_store %arg9[%swap3A_246], %swap3A_249 {strides = array<i32>} : memref<112xi32, #tpu.memory_space<vmem>>, vector<16xi32>,
    %get3A_250 = arith.constant 16 : index
    %get3A_251 = tpu.vector_load %arg8[%get3A_250] {strides = array<i32>} : memref<112xi32, #tpu.memory_space<vmem>>, vector<16xi32>,
    %get3A_252 = vector.shape_cast %get3A_251 : vector<16xi32> to vector<16xi32>
    %swap3A_253 = arith.constant 16 : index
    %swap3A_254 = tpu.vector_load %arg9[%swap3A_253] {strides = array<i32>} : memref<112xi32, #tpu.memory_space<vmem>>, vector<16xi32>,
    %swap3A_255 = vector.shape_cast %swap3A_254 : vector<16xi32> to vector<16xi32>
    %swap3A_256 = vector.shape_cast %get3A_252 : vector<16xi32> to vector<16xi32>
    tpu.vector_store %arg9[%swap3A_253], %swap3A_256 {strides = array<i32>} : memref<112xi32, #tpu.memory_space<vmem>>, vector<16xi32>,
    %get3A_257 = arith.constant 32 : index
    %get3A_258 = tpu.vector_load %arg8[%get3A_257] {strides = array<i32>} : memref<112xi32, #tpu.memory_space<vmem>>, vector<16xi32>,
    %get3A_259 = vector.shape_cast %get3A_258 : vector<16xi32> to vector<16xi32>
    %swap3A_260 = arith.constant 32 : index
    %swap3A_261 = tpu.vector_load %arg9[%swap3A_260] {strides = array<i32>} : memref<112xi32, #tpu.memory_space<vmem>>, vector<16xi32>,
    %swap3A_262 = vector.shape_cast %swap3A_261 : vector<16xi32> to vector<16xi32>
    %swap3A_263 = vector.shape_cast %get3A_259 : vector<16xi32> to vector<16xi32>
    tpu.vector_store %arg9[%swap3A_260], %swap3A_263 {strides = array<i32>} : memref<112xi32, #tpu.memory_space<vmem>>, vector<16xi32>,
    %get3A_264 = arith.constant 48 : index
    %get3A_265 = tpu.vector_load %arg8[%get3A_264] {strides = array<i32>} : memref<112xi32, #tpu.memory_space<vmem>>, vector<16xi32>,
    %get3A_266 = vector.shape_cast %get3A_265 : vector<16xi32> to vector<16xi32>
    %swap3A_267 = arith.constant 48 : index
    %swap3A_268 = tpu.vector_load %arg9[%swap3A_267] {strides = array<i32>} : memref<112xi32, #tpu.memory_space<vmem>>, vector<16xi32>,
    %swap3A_269 = vector.shape_cast %swap3A_268 : vector<16xi32> to vector<16xi32>
    %swap3A_270 = vector.shape_cast %get3A_266 : vector<16xi32> to vector<16xi32>
    tpu.vector_store %arg9[%swap3A_267], %swap3A_270 {strides = array<i32>} : memref<112xi32, #tpu.memory_space<vmem>>, vector<16xi32>,
    %get3A_271 = arith.constant 64 : index
    %get3A_272 = tpu.vector_load %arg8[%get3A_271] {strides = array<i32>} : memref<112xi32, #tpu.memory_space<vmem>>, vector<16xi32>,
    %get3A_273 = vector.shape_cast %get3A_272 : vector<16xi32> to vector<16xi32>
    %swap3A_274 = arith.constant 64 : index
    %swap3A_275 = tpu.vector_load %arg9[%swap3A_274] {strides = array<i32>} : memref<112xi32, #tpu.memory_space<vmem>>, vector<16xi32>,
    %swap3A_276 = vector.shape_cast %swap3A_275 : vector<16xi32> to vector<16xi32>
    %swap3A_277 = vector.shape_cast %get3A_273 : vector<16xi32> to vector<16xi32>
    tpu.vector_store %arg9[%swap3A_274], %swap3A_277 {strides = array<i32>} : memref<112xi32, #tpu.memory_space<vmem>>, vector<16xi32>,
    %get3A_278 = arith.constant 80 : index
    %get3A_279 = tpu.vector_load %arg8[%get3A_278] {strides = array<i32>} : memref<112xi32, #tpu.memory_space<vmem>>, vector<16xi32>,
    %get3A_280 = vector.shape_cast %get3A_279 : vector<16xi32> to vector<16xi32>
    %swap3A_281 = arith.constant 80 : index
    %swap3A_282 = tpu.vector_load %arg9[%swap3A_281] {strides = array<i32>} : memref<112xi32, #tpu.memory_space<vmem>>, vector<16xi32>,
    %swap3A_283 = vector.shape_cast %swap3A_282 : vector<16xi32> to vector<16xi32>
    %swap3A_284 = vector.shape_cast %get3A_280 : vector<16xi32> to vector<16xi32>
    tpu.vector_store %arg9[%swap3A_281], %swap3A_284 {strides = array<i32>} : memref<112xi32, #tpu.memory_space<vmem>>, vector<16xi32>,
    %get3A_285 = arith.constant 96 : index
    %get3A_286 = tpu.vector_load %arg8[%get3A_285] {strides = array<i32>} : memref<112xi32, #tpu.memory_space<vmem>>, vector<16xi32>,
    %get3A_287 = vector.shape_cast %get3A_286 : vector<16xi32> to vector<16xi32>
    %swap3A_288 = arith.constant 96 : index
    %swap3A_289 = tpu.vector_load %arg9[%swap3A_288] {strides = array<i32>} : memref<112xi32, #tpu.memory_space<vmem>>, vector<16xi32>,
    %swap3A_290 = vector.shape_cast %swap3A_289 : vector<16xi32> to vector<16xi32>
    %swap3A_291 = vector.shape_cast %get3A_287 : vector<16xi32> to vector<16xi32>
    tpu.vector_store %arg9[%swap3A_288], %swap3A_291 {strides = array<i32>} : memref<112xi32, #tpu.memory_space<vmem>>, vector<16xi32>,
    %dma_start3A_292 = arith.constant 0 : i32
    %dma_start3A_293 = arith.constant 0 : i32
    %dma_start3A_294 = tpu.memref_slice %arg2[%dma_start3A_292, %dma_start3A_293] : memref<10000x128xf32, #tpu.memory_space<hbm>> -> memref<10000x128xf32, #tpu.memory_space<hbm>>
    tpu.enqueue_indirect_dma source(%dma_start3A_294 : memref<10000x128xf32, #tpu.memory_space<hbm>>) target(%arg10 : memref<112x128xf32, #tpu.memory_space<vmem>>) offsets(%arg7 : memref<112xi32, #tpu.memory_space<vmem>>) semaphore(%arg12 : memref<!tpu.dma_semaphore, #tpu.memory_space<semaphore_mem>>)
    %dma_wait3A_295 = arith.constant 0 : i32
    %dma_wait3A_296 = arith.constant 0 : i32
    %dma_wait3A_297 = tpu.memref_slice %arg2[%dma_wait3A_295, %dma_wait3A_296] : memref<10000x128xf32, #tpu.memory_space<hbm>> -> memref<10000x128xf32, #tpu.memory_space<hbm>>
    tpu.wait_indirect_dma semaphore(%arg26 : memref<!tpu.dma_semaphore, #tpu.memory_space<semaphore_mem>>) src(%dma_wait3A_297 : memref<10000x128xf32, #tpu.memory_space<hbm>>) dst(%arg24 : memref<112x128xf32, #tpu.memory_space<vmem>>)
    %dma_start3A_298 = arith.constant 0 : i32
    %dma_start3A_299 = arith.constant 0 : i32
    %dma_start3A_300 = tpu.memref_slice %arg29[%dma_start3A_298, %dma_start3A_299] : memref<10000x128xf32, #tpu.memory_space<vmem_shared>> -> memref<10000x128xf32, #tpu.memory_space<vmem_shared>>
    tpu.enqueue_indirect_dma source(%arg24 : memref<112x128xf32, #tpu.memory_space<vmem>>) target(%dma_start3A_300 : memref<10000x128xf32, #tpu.memory_space<vmem_shared>>) offsets(%arg23 : memref<112xi32, #tpu.memory_space<vmem>>) semaphore(%arg27 : memref<!tpu.dma_semaphore, #tpu.memory_space<semaphore_mem>>) {add = true}
    %dma_wait3A_301 = arith.constant 0 : i32
    %dma_wait3A_302 = tpu.memref_slice %arg3[%dma_wait3A_301] : memref<320000xi32, #tpu.memory_space<hbm>> -> memref<112xi32, #tpu.memory_space<hbm>>
    %dma_wait3A_303 = arith.constant 0 : i32
    %dma_wait3A_304 = tpu.memref_slice %arg3[%dma_wait3A_303] : memref<320000xi32, #tpu.memory_space<hbm>> -> memref<112xi32, #tpu.memory_space<hbm>>
    tpu.wait_dma2 semaphore(%arg18 : memref<!tpu.dma_semaphore, #tpu.memory_space<semaphore_mem>>) src(%dma_wait3A_304 : memref<112xi32, #tpu.memory_space<hbm>>) dst(%arg14 : memref<112xi32, #tpu.memory_space<vmem>>)
    %dma_wait3A_305 = arith.constant 0 : i32
    %dma_wait3A_306 = tpu.memref_slice %arg4[%dma_wait3A_305] : memref<320000xi32, #tpu.memory_space<hbm>> -> memref<112xi32, #tpu.memory_space<hbm>>
    %dma_wait3A_307 = arith.constant 0 : i32
    %dma_wait3A_308 = tpu.memref_slice %arg4[%dma_wait3A_307] : memref<320000xi32, #tpu.memory_space<hbm>> -> memref<112xi32, #tpu.memory_space<hbm>>
    tpu.wait_dma2 semaphore(%arg18 : memref<!tpu.dma_semaphore, #tpu.memory_space<semaphore_mem>>) src(%dma_wait3A_308 : memref<112xi32, #tpu.memory_space<hbm>>) dst(%arg15 : memref<112xi32, #tpu.memory_space<vmem>>)
    %dma_wait3A_309 = arith.constant 0 : i32
    %dma_wait3A_310 = arith.constant 0 : i32
    %dma_wait3A_311 = tpu.memref_slice %arg29[%dma_wait3A_309, %dma_wait3A_310] : memref<10000x128xf32, #tpu.memory_space<vmem_shared>> -> memref<10000x128xf32, #tpu.memory_space<vmem_shared>>
    tpu.wait_indirect_dma semaphore(%arg20 : memref<!tpu.dma_semaphore, #tpu.memory_space<semaphore_mem>>) src(%arg17 : memref<112x128xf32, #tpu.memory_space<vmem>>) dst(%dma_wait3A_311 : memref<10000x128xf32, #tpu.memory_space<vmem_shared>>)
    %get3A_312 = arith.constant 0 : index
    %get3A_313 = tpu.vector_load %arg15[%get3A_312] {strides = array<i32>} : memref<112xi32, #tpu.memory_space<vmem>>, vector<16xi32>,
    %get3A_314 = vector.shape_cast %get3A_313 : vector<16xi32> to vector<16xi32>
    %swap3A_315 = arith.constant 0 : index
    %swap3A_316 = tpu.vector_load %arg16[%swap3A_315] {strides = array<i32>} : memref<112xi32, #tpu.memory_space<vmem>>, vector<16xi32>,
    %swap3A_317 = vector.shape_cast %swap3A_316 : vector<16xi32> to vector<16xi32>
    %swap3A_318 = vector.shape_cast %get3A_314 : vector<16xi32> to vector<16xi32>
    tpu.vector_store %arg16[%swap3A_315], %swap3A_318 {strides = array<i32>} : memref<112xi32, #tpu.memory_space<vmem>>, vector<16xi32>,
    %get3A_319 = arith.constant 16 : index
    %get3A_320 = tpu.vector_load %arg15[%get3A_319] {strides = array<i32>} : memref<112xi32, #tpu.memory_space<vmem>>, vector<16xi32>,
    %get3A_321 = vector.shape_cast %get3A_320 : vector<16xi32> to vector<16xi32>
    %swap3A_322 = arith.constant 16 : index
    %swap3A_323 = tpu.vector_load %arg16[%swap3A_322] {strides = array<i32>} : memref<112xi32, #tpu.memory_space<vmem>>, vector<16xi32>,
    %swap3A_324 = vector.shape_cast %swap3A_323 : vector<16xi32> to vector<16xi32>
    %swap3A_325 = vector.shape_cast %get3A_321 : vector<16xi32> to vector<16xi32>
    tpu.vector_store %arg16[%swap3A_322], %swap3A_325 {strides = array<i32>} : memref<112xi32, #tpu.memory_space<vmem>>, vector<16xi32>,
    %get3A_326 = arith.constant 32 : index
    %get3A_327 = tpu.vector_load %arg15[%get3A_326] {strides = array<i32>} : memref<112xi32, #tpu.memory_space<vmem>>, vector<16xi32>,
    %get3A_328 = vector.shape_cast %get3A_327 : vector<16xi32> to vector<16xi32>
    %swap3A_329 = arith.constant 32 : index
    %swap3A_330 = tpu.vector_load %arg16[%swap3A_329] {strides = array<i32>} : memref<112xi32, #tpu.memory_space<vmem>>, vector<16xi32>,
    %swap3A_331 = vector.shape_cast %swap3A_330 : vector<16xi32> to vector<16xi32>
    %swap3A_332 = vector.shape_cast %get3A_328 : vector<16xi32> to vector<16xi32>
    tpu.vector_store %arg16[%swap3A_329], %swap3A_332 {strides = array<i32>} : memref<112xi32, #tpu.memory_space<vmem>>, vector<16xi32>,
    %get3A_333 = arith.constant 48 : index
    %get3A_334 = tpu.vector_load %arg15[%get3A_333] {strides = array<i32>} : memref<112xi32, #tpu.memory_space<vmem>>, vector<16xi32>,
    %get3A_335 = vector.shape_cast %get3A_334 : vector<16xi32> to vector<16xi32>
    %swap3A_336 = arith.constant 48 : index
    %swap3A_337 = tpu.vector_load %arg16[%swap3A_336] {strides = array<i32>} : memref<112xi32, #tpu.memory_space<vmem>>, vector<16xi32>,
    %swap3A_338 = vector.shape_cast %swap3A_337 : vector<16xi32> to vector<16xi32>
    %swap3A_339 = vector.shape_cast %get3A_335 : vector<16xi32> to vector<16xi32>
    tpu.vector_store %arg16[%swap3A_336], %swap3A_339 {strides = array<i32>} : memref<112xi32, #tpu.memory_space<vmem>>, vector<16xi32>,
    %get3A_340 = arith.constant 64 : index
    %get3A_341 = tpu.vector_load %arg15[%get3A_340] {strides = array<i32>} : memref<112xi32, #tpu.memory_space<vmem>>, vector<16xi32>,
    %get3A_342 = vector.shape_cast %get3A_341 : vector<16xi32> to vector<16xi32>
    %swap3A_343 = arith.constant 64 : index
    %swap3A_344 = tpu.vector_load %arg16[%swap3A_343] {strides = array<i32>} : memref<112xi32, #tpu.memory_space<vmem>>, vector<16xi32>,
    %swap3A_345 = vector.shape_cast %swap3A_344 : vector<16xi32> to vector<16xi32>
    %swap3A_346 = vector.shape_cast %get3A_342 : vector<16xi32> to vector<16xi32>
    tpu.vector_store %arg16[%swap3A_343], %swap3A_346 {strides = array<i32>} : memref<112xi32, #tpu.memory_space<vmem>>, vector<16xi32>,
    %get3A_347 = arith.constant 80 : index
    %get3A_348 = tpu.vector_load %arg15[%get3A_347] {strides = array<i32>} : memref<112xi32, #tpu.memory_space<vmem>>, vector<16xi32>,
    %get3A_349 = vector.shape_cast %get3A_348 : vector<16xi32> to vector<16xi32>
    %swap3A_350 = arith.constant 80 : index
    %swap3A_351 = tpu.vector_load %arg16[%swap3A_350] {strides = array<i32>} : memref<112xi32, #tpu.memory_space<vmem>>, vector<16xi32>,
    %swap3A_352 = vector.shape_cast %swap3A_351 : vector<16xi32> to vector<16xi32>
    %swap3A_353 = vector.shape_cast %get3A_349 : vector<16xi32> to vector<16xi32>
    tpu.vector_store %arg16[%swap3A_350], %swap3A_353 {strides = array<i32>} : memref<112xi32, #tpu.memory_space<vmem>>, vector<16xi32>,
    %get3A_354 = arith.constant 96 : index
    %get3A_355 = tpu.vector_load %arg15[%get3A_354] {strides = array<i32>} : memref<112xi32, #tpu.memory_space<vmem>>, vector<16xi32>,
    %get3A_356 = vector.shape_cast %get3A_355 : vector<16xi32> to vector<16xi32>
    %swap3A_357 = arith.constant 96 : index
    %swap3A_358 = tpu.vector_load %arg16[%swap3A_357] {strides = array<i32>} : memref<112xi32, #tpu.memory_space<vmem>>, vector<16xi32>,
    %swap3A_359 = vector.shape_cast %swap3A_358 : vector<16xi32> to vector<16xi32>
    %swap3A_360 = vector.shape_cast %get3A_356 : vector<16xi32> to vector<16xi32>
    tpu.vector_store %arg16[%swap3A_357], %swap3A_360 {strides = array<i32>} : memref<112xi32, #tpu.memory_space<vmem>>, vector<16xi32>,
    %dma_start3A_361 = arith.constant 0 : i32
    %dma_start3A_362 = arith.constant 0 : i32
    %dma_start3A_363 = tpu.memref_slice %arg2[%dma_start3A_361, %dma_start3A_362] : memref<10000x128xf32, #tpu.memory_space<hbm>> -> memref<10000x128xf32, #tpu.memory_space<hbm>>
    tpu.enqueue_indirect_dma source(%dma_start3A_363 : memref<10000x128xf32, #tpu.memory_space<hbm>>) target(%arg17 : memref<112x128xf32, #tpu.memory_space<vmem>>) offsets(%arg14 : memref<112xi32, #tpu.memory_space<vmem>>) semaphore(%arg19 : memref<!tpu.dma_semaphore, #tpu.memory_space<semaphore_mem>>)
    %dma_wait3A_364 = arith.constant 0 : i32
    %dma_wait3A_365 = arith.constant 0 : i32
    %dma_wait3A_366 = tpu.memref_slice %arg2[%dma_wait3A_364, %dma_wait3A_365] : memref<10000x128xf32, #tpu.memory_space<hbm>> -> memref<10000x128xf32, #tpu.memory_space<hbm>>
    tpu.wait_indirect_dma semaphore(%arg12 : memref<!tpu.dma_semaphore, #tpu.memory_space<semaphore_mem>>) src(%dma_wait3A_366 : memref<10000x128xf32, #tpu.memory_space<hbm>>) dst(%arg10 : memref<112x128xf32, #tpu.memory_space<vmem>>)
    %dma_start3A_367 = arith.constant 0 : i32
    %dma_start3A_368 = arith.constant 0 : i32
    %dma_start3A_369 = tpu.memref_slice %arg29[%dma_start3A_367, %dma_start3A_368] : memref<10000x128xf32, #tpu.memory_space<vmem_shared>> -> memref<10000x128xf32, #tpu.memory_space<vmem_shared>>
    tpu.enqueue_indirect_dma source(%arg10 : memref<112x128xf32, #tpu.memory_space<vmem>>) target(%dma_start3A_369 : memref<10000x128xf32, #tpu.memory_space<vmem_shared>>) offsets(%arg9 : memref<112xi32, #tpu.memory_space<vmem>>) semaphore(%arg13 : memref<!tpu.dma_semaphore, #tpu.memory_space<semaphore_mem>>) {add = true}
    %dma_wait3A_370 = arith.constant 0 : i32
    %dma_wait3A_371 = arith.constant 0 : i32
    %dma_wait3A_372 = tpu.memref_slice %arg2[%dma_wait3A_370, %dma_wait3A_371] : memref<10000x128xf32, #tpu.memory_space<hbm>> -> memref<10000x128xf32, #tpu.memory_space<hbm>>
    tpu.wait_indirect_dma semaphore(%arg19 : memref<!tpu.dma_semaphore, #tpu.memory_space<semaphore_mem>>) src(%dma_wait3A_372 : memref<10000x128xf32, #tpu.memory_space<hbm>>) dst(%arg17 : memref<112x128xf32, #tpu.memory_space<vmem>>)
    %dma_start3A_373 = arith.constant 0 : i32
    %dma_start3A_374 = arith.constant 0 : i32
    %dma_start3A_375 = tpu.memref_slice %arg29[%dma_start3A_373, %dma_start3A_374] : memref<10000x128xf32, #tpu.memory_space<vmem_shared>> -> memref<10000x128xf32, #tpu.memory_space<vmem_shared>>
    tpu.enqueue_indirect_dma source(%arg17 : memref<112x128xf32, #tpu.memory_space<vmem>>) target(%dma_start3A_375 : memref<10000x128xf32, #tpu.memory_space<vmem_shared>>) offsets(%arg16 : memref<112xi32, #tpu.memory_space<vmem>>) semaphore(%arg20 : memref<!tpu.dma_semaphore, #tpu.memory_space<semaphore_mem>>) {add = true}
    %add3A_376 = arith.constant 9968 : i32
    %add3A_377 = arith.addi %mul3A_2, %add3A_376 : i32
    %dma_wait3A_378 = arith.constant 0 : i32
    %dma_wait3A_379 = arith.constant 0 : i32
    %dma_wait3A_380 = tpu.memref_slice %arg29[%dma_wait3A_378, %dma_wait3A_379] : memref<10000x128xf32, #tpu.memory_space<vmem_shared>> -> memref<10000x128xf32, #tpu.memory_space<vmem_shared>>
    tpu.wait_indirect_dma semaphore(%arg27 : memref<!tpu.dma_semaphore, #tpu.memory_space<semaphore_mem>>) src(%arg24 : memref<112x128xf32, #tpu.memory_space<vmem>>) dst(%dma_wait3A_380 : memref<10000x128xf32, #tpu.memory_space<vmem_shared>>)
    %dma_wait3A_381 = arith.constant 0 : i32
    %dma_wait3A_382 = arith.constant 0 : i32
    %dma_wait3A_383 = tpu.memref_slice %arg29[%dma_wait3A_381, %dma_wait3A_382] : memref<10000x128xf32, #tpu.memory_space<vmem_shared>> -> memref<10000x128xf32, #tpu.memory_space<vmem_shared>>
    tpu.wait_indirect_dma semaphore(%arg13 : memref<!tpu.dma_semaphore, #tpu.memory_space<semaphore_mem>>) src(%arg10 : memref<112x128xf32, #tpu.memory_space<vmem>>) dst(%dma_wait3A_383 : memref<10000x128xf32, #tpu.memory_space<vmem_shared>>)
    "tpu.region"() ({
      %run_scoped3A = tpu.sem_alloc : memref<!tpu.dma_semaphore, #tpu.memory_space<semaphore_mem>>
      %dma_start3A_414 = arith.constant 0 : i32
      %dma_start3A_415 = tpu.memref_slice %arg7[%dma_start3A_414] : memref<112xi32, #tpu.memory_space<vmem>> -> memref<32xi32, #tpu.memory_space<vmem>>
      %dma_start3A_416 = tpu.memref_slice %arg3[%add3A_377] : memref<320000xi32, #tpu.memory_space<hbm>> -> memref<32xi32, #tpu.memory_space<hbm>>
      %dma_start3A_417 = arith.constant 0 : i32
      %dma_start3A_418 = tpu.memref_slice %arg7[%dma_start3A_417] : memref<112xi32, #tpu.memory_space<vmem>> -> memref<32xi32, #tpu.memory_space<vmem>>
      %dma_start3A_419 = tpu.memref_slice %arg3[%add3A_377] : memref<320000xi32, #tpu.memory_space<hbm>> -> memref<32xi32, #tpu.memory_space<hbm>>
      tpu.enqueue_dma source(%dma_start3A_419 : memref<32xi32, #tpu.memory_space<hbm>>) target(%dma_start3A_418 : memref<32xi32, #tpu.memory_space<vmem>>) target_semaphore(%run_scoped3A : memref<!tpu.dma_semaphore, #tpu.memory_space<semaphore_mem>>)
      %dma_wait3A_420 = arith.constant 0 : i32
      %dma_wait3A_421 = tpu.memref_slice %arg7[%dma_wait3A_420] : memref<112xi32, #tpu.memory_space<vmem>> -> memref<32xi32, #tpu.memory_space<vmem>>
      %dma_wait3A_422 = tpu.memref_slice %arg3[%add3A_377] : memref<320000xi32, #tpu.memory_space<hbm>> -> memref<32xi32, #tpu.memory_space<hbm>>
      %dma_wait3A_423 = arith.constant 0 : i32
      %dma_wait3A_424 = tpu.memref_slice %arg7[%dma_wait3A_423] : memref<112xi32, #tpu.memory_space<vmem>> -> memref<32xi32, #tpu.memory_space<vmem>>
      %dma_wait3A_425 = tpu.memref_slice %arg3[%add3A_377] : memref<320000xi32, #tpu.memory_space<hbm>> -> memref<32xi32, #tpu.memory_space<hbm>>
      tpu.wait_dma2 semaphore(%run_scoped3A : memref<!tpu.dma_semaphore, #tpu.memory_space<semaphore_mem>>) src(%dma_wait3A_425 : memref<32xi32, #tpu.memory_space<hbm>>) dst(%dma_wait3A_424 : memref<32xi32, #tpu.memory_space<vmem>>)
      tpu.yield
    }) : () -> ()
    "tpu.region"() ({
      %run_scoped3A = tpu.sem_alloc : memref<!tpu.dma_semaphore, #tpu.memory_space<semaphore_mem>>
      %dma_start3A_414 = tpu.memref_slice %arg4[%add3A_377] : memref<320000xi32, #tpu.memory_space<hbm>> -> memref<32xi32, #tpu.memory_space<hbm>>
      %dma_start3A_415 = tpu.memref_slice %arg4[%add3A_377] : memref<320000xi32, #tpu.memory_space<hbm>> -> memref<32xi32, #tpu.memory_space<hbm>>
      tpu.enqueue_dma source(%dma_start3A_415 : memref<32xi32, #tpu.memory_space<hbm>>) target(%arg28 : memref<32xi32, #tpu.memory_space<vmem>>) target_semaphore(%run_scoped3A : memref<!tpu.dma_semaphore, #tpu.memory_space<semaphore_mem>>)
      %dma_wait3A_416 = tpu.memref_slice %arg4[%add3A_377] : memref<320000xi32, #tpu.memory_space<hbm>> -> memref<32xi32, #tpu.memory_space<hbm>>
      %dma_wait3A_417 = tpu.memref_slice %arg4[%add3A_377] : memref<320000xi32, #tpu.memory_space<hbm>> -> memref<32xi32, #tpu.memory_space<hbm>>
      tpu.wait_dma2 semaphore(%run_scoped3A : memref<!tpu.dma_semaphore, #tpu.memory_space<semaphore_mem>>) src(%dma_wait3A_417 : memref<32xi32, #tpu.memory_space<hbm>>) dst(%arg28 : memref<32xi32, #tpu.memory_space<vmem>>)
      tpu.yield
    }) : () -> ()
    %dma_start3A_384 = arith.constant 0 : i32
    %dma_start3A_385 = arith.constant 0 : i32
    %dma_start3A_386 = tpu.memref_slice %arg10[%dma_start3A_384, %dma_start3A_385] : memref<112x128xf32, #tpu.memory_space<vmem>> -> memref<32x128xf32, #tpu.memory_space<vmem>>
    %dma_start3A_387 = arith.constant 0 : i32
    %dma_start3A_388 = tpu.memref_slice %arg7[%dma_start3A_387] : memref<112xi32, #tpu.memory_space<vmem>> -> memref<32xi32, #tpu.memory_space<vmem>>
    %dma_start3A_389 = arith.constant 0 : i32
    %dma_start3A_390 = arith.constant 0 : i32
    %dma_start3A_391 = tpu.memref_slice %arg2[%dma_start3A_389, %dma_start3A_390] : memref<10000x128xf32, #tpu.memory_space<hbm>> -> memref<10000x128xf32, #tpu.memory_space<hbm>>
    tpu.enqueue_indirect_dma source(%dma_start3A_391 : memref<10000x128xf32, #tpu.memory_space<hbm>>) target(%dma_start3A_386 : memref<32x128xf32, #tpu.memory_space<vmem>>) offsets(%dma_start3A_388 : memref<32xi32, #tpu.memory_space<vmem>>) semaphore(%arg12 : memref<!tpu.dma_semaphore, #tpu.memory_space<semaphore_mem>>)
    %dma_wait3A_392 = arith.constant 0 : i32
    %dma_wait3A_393 = arith.constant 0 : i32
    %dma_wait3A_394 = tpu.memref_slice %arg10[%dma_wait3A_392, %dma_wait3A_393] : memref<112x128xf32, #tpu.memory_space<vmem>> -> memref<32x128xf32, #tpu.memory_space<vmem>>
    %dma_wait3A_395 = arith.constant 0 : i32
    %dma_wait3A_396 = tpu.memref_slice %arg7[%dma_wait3A_395] : memref<112xi32, #tpu.memory_space<vmem>> -> memref<32xi32, #tpu.memory_space<vmem>>
    %dma_wait3A_397 = arith.constant 0 : i32
    %dma_wait3A_398 = arith.constant 0 : i32
    %dma_wait3A_399 = tpu.memref_slice %arg2[%dma_wait3A_397, %dma_wait3A_398] : memref<10000x128xf32, #tpu.memory_space<hbm>> -> memref<10000x128xf32, #tpu.memory_space<hbm>>
    tpu.wait_indirect_dma semaphore(%arg12 : memref<!tpu.dma_semaphore, #tpu.memory_space<semaphore_mem>>) src(%dma_wait3A_399 : memref<10000x128xf32, #tpu.memory_space<hbm>>) dst(%dma_wait3A_394 : memref<32x128xf32, #tpu.memory_space<vmem>>)
    "tpu.region"() ({
      %run_scoped3A = tpu.sem_alloc : memref<!tpu.dma_semaphore, #tpu.memory_space<semaphore_mem>>
      %dma_start3A_414 = arith.constant 0 : i32
      %dma_start3A_415 = arith.constant 0 : i32
      %dma_start3A_416 = tpu.memref_slice %arg10[%dma_start3A_414, %dma_start3A_415] : memref<112x128xf32, #tpu.memory_space<vmem>> -> memref<32x128xf32, #tpu.memory_space<vmem>>
      %dma_start3A_417 = arith.constant 0 : i32
      %dma_start3A_418 = arith.constant 0 : i32
      %dma_start3A_419 = tpu.memref_slice %arg29[%dma_start3A_417, %dma_start3A_418] : memref<10000x128xf32, #tpu.memory_space<vmem_shared>> -> memref<10000x128xf32, #tpu.memory_space<vmem_shared>>
      tpu.enqueue_indirect_dma source(%dma_start3A_416 : memref<32x128xf32, #tpu.memory_space<vmem>>) target(%dma_start3A_419 : memref<10000x128xf32, #tpu.memory_space<vmem_shared>>) offsets(%arg28 : memref<32xi32, #tpu.memory_space<vmem>>) semaphore(%run_scoped3A : memref<!tpu.dma_semaphore, #tpu.memory_space<semaphore_mem>>) {add = true}
      %dma_wait3A_420 = arith.constant 0 : i32
      %dma_wait3A_421 = arith.constant 0 : i32
      %dma_wait3A_422 = tpu.memref_slice %arg10[%dma_wait3A_420, %dma_wait3A_421] : memref<112x128xf32, #tpu.memory_space<vmem>> -> memref<32x128xf32, #tpu.memory_space<vmem>>
      %dma_wait3A_423 = arith.constant 0 : i32
      %dma_wait3A_424 = arith.constant 0 : i32
      %dma_wait3A_425 = tpu.memref_slice %arg29[%dma_wait3A_423, %dma_wait3A_424] : memref<10000x128xf32, #tpu.memory_space<vmem_shared>> -> memref<10000x128xf32, #tpu.memory_space<vmem_shared>>
      tpu.wait_indirect_dma semaphore(%run_scoped3A : memref<!tpu.dma_semaphore, #tpu.memory_space<semaphore_mem>>) src(%dma_wait3A_422 : memref<32x128xf32, #tpu.memory_space<vmem>>) dst(%dma_wait3A_425 : memref<10000x128xf32, #tpu.memory_space<vmem_shared>>)
      tpu.yield
    }) : () -> ()
    %dma_wait3A_400 = arith.constant 0 : i32
    %dma_wait3A_401 = arith.constant 0 : i32
    %dma_wait3A_402 = tpu.memref_slice %arg29[%dma_wait3A_400, %dma_wait3A_401] : memref<10000x128xf32, #tpu.memory_space<vmem_shared>> -> memref<10000x128xf32, #tpu.memory_space<vmem_shared>>
    tpu.wait_indirect_dma semaphore(%arg20 : memref<!tpu.dma_semaphore, #tpu.memory_space<semaphore_mem>>) src(%arg17 : memref<112x128xf32, #tpu.memory_space<vmem>>) dst(%dma_wait3A_402 : memref<10000x128xf32, #tpu.memory_space<vmem_shared>>)
    %barrier3A_403 = arith.constant 0 : index
    tpu.barrier barrier_id(%barrier3A_403)
    %lt3A_404 = arith.constant 15 : i32
    %lt3A_405 = arith.cmpi slt, %arg1, %lt3A_404 : i32
    %convert_element_type3A_406 = arith.extui %lt3A_405 : i1 to i32
    %cond3A_407 = arith.constant 0 : i32
    %cond3A_408 = arith.cmpi ne, %convert_element_type3A_406, %cond3A_407 : i32
    scf.if %cond3A_408 {
      %mul3A_414 = arith.constant 632 : i32
      %mul3A_415 = arith.muli %arg1, %mul3A_414 : i32
      %mul3A_416 = arith.constant 10000 : i32
      %mul3A_417 = arith.muli %arg0, %mul3A_416 : i32
      %mul3A_418 = arith.constant 632 : i32
      %mul3A_419 = arith.muli %arg1, %mul3A_418 : i32
      %add3A_420 = arith.addi %mul3A_417, %mul3A_419 : i32
      "tpu.region"() ({
        %run_scoped3A = tpu.sem_alloc : memref<!tpu.dma_semaphore, #tpu.memory_space<semaphore_mem>>
        %dma_start3A_421 = arith.constant 0 : i32
        %dma_start3A_422 = tpu.memref_slice %arg6[%add3A_420, %dma_start3A_421] : memref<20000x128xf32, #tpu.memory_space<hbm>> -> memref<632x128xf32, #tpu.memory_space<hbm>>
        %dma_start3A_423 = arith.constant 0 : i32
        %dma_start3A_424 = tpu.memref_slice %arg29[%mul3A_415, %dma_start3A_423] : memref<10000x128xf32, #tpu.memory_space<vmem_shared>> -> memref<632x128xf32, #tpu.memory_space<vmem_shared>>
        tpu.enqueue_dma source(%dma_start3A_424 : memref<632x128xf32, #tpu.memory_space<vmem_shared>>) target(%dma_start3A_422 : memref<632x128xf32, #tpu.memory_space<hbm>>) target_semaphore(%run_scoped3A : memref<!tpu.dma_semaphore, #tpu.memory_space<semaphore_mem>>)
        %dma_wait3A_425 = arith.constant 0 : i32
        %dma_wait3A_426 = tpu.memref_slice %arg6[%add3A_420, %dma_wait3A_425] : memref<20000x128xf32, #tpu.memory_space<hbm>> -> memref<632x128xf32, #tpu.memory_space<hbm>>
        %dma_wait3A_427 = arith.constant 0 : i32
        %dma_wait3A_428 = tpu.memref_slice %arg29[%mul3A_415, %dma_wait3A_427] : memref<10000x128xf32, #tpu.memory_space<vmem_shared>> -> memref<632x128xf32, #tpu.memory_space<vmem_shared>>
        tpu.wait_dma2 semaphore(%run_scoped3A : memref<!tpu.dma_semaphore, #tpu.memory_space<semaphore_mem>>) src(%dma_wait3A_428 : memref<632x128xf32, #tpu.memory_space<vmem_shared>>) dst(%dma_wait3A_426 : memref<632x128xf32, #tpu.memory_space<hbm>>)
        tpu.yield
      }) : () -> ()
    } else {
    }
    %eq3A_409 = arith.constant 15 : i32
    %eq3A_410 = arith.cmpi eq, %arg1, %eq3A_409 : i32
    %convert_element_type3A_411 = arith.extui %eq3A_410 : i1 to i32
    %cond3A_412 = arith.constant 0 : i32
    %cond3A_413 = arith.cmpi ne, %convert_element_type3A_411, %cond3A_412 : i32
    scf.if %cond3A_413 {
      %mul3A_414 = arith.constant 10000 : i32
      %mul3A_415 = arith.muli %arg0, %mul3A_414 : i32
      %add3A_416 = arith.constant 9480 : i32
      %add3A_417 = arith.addi %mul3A_415, %add3A_416 : i32
      "tpu.region"() ({
        %run_scoped3A = tpu.sem_alloc : memref<!tpu.dma_semaphore, #tpu.memory_space<semaphore_mem>>
        %dma_start3A_418 = arith.constant 0 : i32
        %dma_start3A_419 = tpu.memref_slice %arg6[%add3A_417, %dma_start3A_418] : memref<20000x128xf32, #tpu.memory_space<hbm>> -> memref<520x128xf32, #tpu.memory_space<hbm>>
        %dma_start3A_420 = arith.constant 9480 : i32
        %dma_start3A_421 = arith.constant 0 : i32
        %dma_start3A_422 = tpu.memref_slice %arg29[%dma_start3A_420, %dma_start3A_421] : memref<10000x128xf32, #tpu.memory_space<vmem_shared>> -> memref<520x128xf32, #tpu.memory_space<vmem_shared>>
        tpu.enqueue_dma source(%dma_start3A_422 : memref<520x128xf32, #tpu.memory_space<vmem_shared>>) target(%dma_start3A_419 : memref<520x128xf32, #tpu.memory_space<hbm>>) target_semaphore(%run_scoped3A : memref<!tpu.dma_semaphore, #tpu.memory_space<semaphore_mem>>)
        %dma_wait3A_423 = arith.constant 0 : i32
        %dma_wait3A_424 = tpu.memref_slice %arg6[%add3A_417, %dma_wait3A_423] : memref<20000x128xf32, #tpu.memory_space<hbm>> -> memref<520x128xf32, #tpu.memory_space<hbm>>
        %dma_wait3A_425 = arith.constant 9480 : i32
        %dma_wait3A_426 = arith.constant 0 : i32
        %dma_wait3A_427 = tpu.memref_slice %arg29[%dma_wait3A_425, %dma_wait3A_426] : memref<10000x128xf32, #tpu.memory_space<vmem_shared>> -> memref<520x128xf32, #tpu.memory_space<vmem_shared>>
        tpu.wait_dma2 semaphore(%run_scoped3A : memref<!tpu.dma_semaphore, #tpu.memory_space<semaphore_mem>>) src(%dma_wait3A_427 : memref<520x128xf32, #tpu.memory_space<vmem_shared>>) dst(%dma_wait3A_424 : memref<520x128xf32, #tpu.memory_space<hbm>>)
        tpu.yield
      }) : () -> ()
    } else {
    }
    return
  }
}

#map = affine_map<(d0, d1) -> (0, 0)>
#map1 = affine_map<(d0, d1) -> (0)>
module attributes {stable_mosaic.version = 14 : i64} {
  func.func @agg_kernel(%arg0: i32, %arg1: i32, %arg2: memref<10000x128xf32, #tpu.memory_space<hbm>>, %arg3: memref<320000xi32, #tpu.memory_space<hbm>>, %arg4: memref<320000xi32, #tpu.memory_space<hbm>>, %arg5: memref<10000x128xf32, #tpu.memory_space<hbm>>, %arg6: memref<20000x128xf32, #tpu.memory_space<hbm>>, %arg7: memref<112xi32, #tpu.memory_space<vmem>>, %arg8: memref<112xi32, #tpu.memory_space<vmem>>, %arg9: memref<112xi32, #tpu.memory_space<vmem>>, %arg10: memref<112x128xf32, #tpu.memory_space<vmem>>, %arg11: memref<!tpu.dma_semaphore, #tpu.memory_space<semaphore_mem>>, %arg12: memref<!tpu.dma_semaphore, #tpu.memory_space<semaphore_mem>>, %arg13: memref<!tpu.dma_semaphore, #tpu.memory_space<semaphore_mem>>, %arg14: memref<112xi32, #tpu.memory_space<vmem>>, %arg15: memref<112xi32, #tpu.memory_space<vmem>>, %arg16: memref<112xi32, #tpu.memory_space<vmem>>, %arg17: memref<112x128xf32, #tpu.memory_space<vmem>>, %arg18: memref<!tpu.dma_semaphore, #tpu.memory_space<semaphore_mem>>, %arg19: memref<!tpu.dma_semaphore, #tpu.memory_space<semaphore_mem>>, %arg20: memref<!tpu.dma_semaphore, #tpu.memory_space<semaphore_mem>>, %arg21: memref<112xi32, #tpu.memory_space<vmem>>, %arg22: memref<112xi32, #tpu.memory_space<vmem>>, %arg23: memref<112xi32, #tpu.memory_space<vmem>>, %arg24: memref<112x128xf32, #tpu.memory_space<vmem>>, %arg25: memref<!tpu.dma_semaphore, #tpu.memory_space<semaphore_mem>>, %arg26: memref<!tpu.dma_semaphore, #tpu.memory_space<semaphore_mem>>, %arg27: memref<!tpu.dma_semaphore, #tpu.memory_space<semaphore_mem>>, %arg28: memref<32xi32, #tpu.memory_space<vmem>>, %arg29: memref<10000x128xf32, #tpu.memory_space<vmem_shared>>) attributes {dimension_semantics = [#tpu.dimension_semantics<core_parallel>, #tpu.dimension_semantics<subcore_parallel>], iteration_bounds = array<i64: 2, 16>, scalar_prefetch = 0 : i64, scratch_operands = 23 : i64, tpu.core_type = #tpu.core_type<sc_vector_subcore>, window_params = [{transform_indices = #map}, {transform_indices = #map1}, {transform_indices = #map1}, {transform_indices = #map}, {transform_indices = #map}]} {
    %mul3A = arith.constant 2 : i32
    %mul3A_0 = arith.muli %arg1, %mul3A : i32
    %add3A = arith.addi %mul3A_0, %arg0 : i32
    %mul3A_1 = arith.constant 10000 : i32
    %mul3A_2 = arith.muli %add3A, %mul3A_1 : i32
    %lt3A = arith.constant 15 : i32
    %lt3A_3 = arith.cmpi slt, %arg1, %lt3A : i32
    %convert_element_type3A = arith.extui %lt3A_3 : i1 to i32
    %cond3A = arith.constant 0 : i32
    %cond3A_4 = arith.cmpi ne, %convert_element_type3A, %cond3A : i32
    scf.if %cond3A_4 {
      %mul3A_414 = arith.constant 632 : i32
      %mul3A_415 = arith.muli %arg1, %mul3A_414 : i32
      %mul3A_416 = arith.constant 632 : i32
      %mul3A_417 = arith.muli %arg1, %mul3A_416 : i32
      "tpu.region"() ({
        %run_scoped3A = tpu.sem_alloc : memref<!tpu.dma_semaphore, #tpu.memory_space<semaphore_mem>>
        %dma_start3A_418 = arith.constant 0 : i32
        %dma_start3A_419 = tpu.memref_slice %arg29[%mul3A_417, %dma_start3A_418] : memref<10000x128xf32, #tpu.memory_space<vmem_shared>> -> memref<632x128xf32, #tpu.memory_space<vmem_shared>>
        %dma_start3A_420 = arith.constant 0 : i32
        %dma_start3A_421 = tpu.memref_slice %arg5[%mul3A_415, %dma_start3A_420] : memref<10000x128xf32, #tpu.memory_space<hbm>> -> memref<632x128xf32, #tpu.memory_space<hbm>>
        tpu.enqueue_dma source(%dma_start3A_421 : memref<632x128xf32, #tpu.memory_space<hbm>>) target(%dma_start3A_419 : memref<632x128xf32, #tpu.memory_space<vmem_shared>>) target_semaphore(%run_scoped3A : memref<!tpu.dma_semaphore, #tpu.memory_space<semaphore_mem>>)
        %dma_wait3A_422 = arith.constant 0 : i32
        %dma_wait3A_423 = tpu.memref_slice %arg29[%mul3A_417, %dma_wait3A_422] : memref<10000x128xf32, #tpu.memory_space<vmem_shared>> -> memref<632x128xf32, #tpu.memory_space<vmem_shared>>
        %dma_wait3A_424 = arith.constant 0 : i32
        %dma_wait3A_425 = tpu.memref_slice %arg5[%mul3A_415, %dma_wait3A_424] : memref<10000x128xf32, #tpu.memory_space<hbm>> -> memref<632x128xf32, #tpu.memory_space<hbm>>
        tpu.wait_dma2 semaphore(%run_scoped3A : memref<!tpu.dma_semaphore, #tpu.memory_space<semaphore_mem>>) src(%dma_wait3A_425 : memref<632x128xf32, #tpu.memory_space<hbm>>) dst(%dma_wait3A_423 : memref<632x128xf32, #tpu.memory_space<vmem_shared>>)
        tpu.yield
      }) : () -> ()
    } else {
    }
    %eq3A = arith.constant 15 : i32
    %eq3A_5 = arith.cmpi eq, %arg1, %eq3A : i32
    %convert_element_type3A_6 = arith.extui %eq3A_5 : i1 to i32
    %cond3A_7 = arith.constant 0 : i32
    %cond3A_8 = arith.cmpi ne, %convert_element_type3A_6, %cond3A_7 : i32
    scf.if %cond3A_8 {
      "tpu.region"() ({
        %run_scoped3A = tpu.sem_alloc : memref<!tpu.dma_semaphore, #tpu.memory_space<semaphore_mem>>
        %dma_start3A_414 = arith.constant 9480 : i32
        %dma_start3A_415 = arith.constant 0 : i32
        %dma_start3A_416 = tpu.memref_slice %arg29[%dma_start3A_414, %dma_start3A_415] : memref<10000x128xf32, #tpu.memory_space<vmem_shared>> -> memref<520x128xf32, #tpu.memory_space<vmem_shared>>
        %dma_start3A_417 = arith.constant 9480 : i32
        %dma_start3A_418 = arith.constant 0 : i32
        %dma_start3A_419 = tpu.memref_slice %arg5[%dma_start3A_417, %dma_start3A_418] : memref<10000x128xf32, #tpu.memory_space<hbm>> -> memref<520x128xf32, #tpu.memory_space<hbm>>
        tpu.enqueue_dma source(%dma_start3A_419 : memref<520x128xf32, #tpu.memory_space<hbm>>) target(%dma_start3A_416 : memref<520x128xf32, #tpu.memory_space<vmem_shared>>) target_semaphore(%run_scoped3A : memref<!tpu.dma_semaphore, #tpu.memory_space<semaphore_mem>>)
        %dma_wait3A_420 = arith.constant 9480 : i32
        %dma_wait3A_421 = arith.constant 0 : i32
        %dma_wait3A_422 = tpu.memref_slice %arg29[%dma_wait3A_420, %dma_wait3A_421] : memref<10000x128xf32, #tpu.memory_space<vmem_shared>> -> memref<520x128xf32, #tpu.memory_space<vmem_shared>>
        %dma_wait3A_423 = arith.constant 9480 : i32
        %dma_wait3A_424 = arith.constant 0 : i32
        %dma_wait3A_425 = tpu.memref_slice %arg5[%dma_wait3A_423, %dma_wait3A_424] : memref<10000x128xf32, #tpu.memory_space<hbm>> -> memref<520x128xf32, #tpu.memory_space<hbm>>
        tpu.wait_dma2 semaphore(%run_scoped3A : memref<!tpu.dma_semaphore, #tpu.memory_space<semaphore_mem>>) src(%dma_wait3A_425 : memref<520x128xf32, #tpu.memory_space<hbm>>) dst(%dma_wait3A_422 : memref<520x128xf32, #tpu.memory_space<vmem_shared>>)
        tpu.yield
      }) : () -> ()
    } else {
    }
    %barrier3A = arith.constant 0 : index
    tpu.barrier barrier_id(%barrier3A)
    %add3A_9 = arith.constant 0 : i32
    %add3A_10 = arith.addi %mul3A_2, %add3A_9 : i32
    %dma_start3A = tpu.memref_slice %arg3[%add3A_10] : memref<320000xi32, #tpu.memory_space<hbm>> -> memref<112xi32, #tpu.memory_space<hbm>>
    %dma_start3A_11 = tpu.memref_slice %arg3[%add3A_10] : memref<320000xi32, #tpu.memory_space<hbm>> -> memref<112xi32, #tpu.memory_space<hbm>>
    tpu.enqueue_dma source(%dma_start3A_11 : memref<112xi32, #tpu.memory_space<hbm>>) target(%arg7 : memref<112xi32, #tpu.memory_space<vmem>>) target_semaphore(%arg11 : memref<!tpu.dma_semaphore, #tpu.memory_space<semaphore_mem>>)
    %dma_start3A_12 = tpu.memref_slice %arg4[%add3A_10] : memref<320000xi32, #tpu.memory_space<hbm>> -> memref<112xi32, #tpu.memory_space<hbm>>
    %dma_start3A_13 = tpu.memref_slice %arg4[%add3A_10] : memref<320000xi32, #tpu.memory_space<hbm>> -> memref<112xi32, #tpu.memory_space<hbm>>
    tpu.enqueue_dma source(%dma_start3A_13 : memref<112xi32, #tpu.memory_space<hbm>>) target(%arg8 : memref<112xi32, #tpu.memory_space<vmem>>) target_semaphore(%arg11 : memref<!tpu.dma_semaphore, #tpu.memory_space<semaphore_mem>>)
    %add3A_14 = arith.constant 112 : i32
    %add3A_15 = arith.addi %mul3A_2, %add3A_14 : i32
    %dma_start3A_16 = tpu.memref_slice %arg3[%add3A_15] : memref<320000xi32, #tpu.memory_space<hbm>> -> memref<112xi32, #tpu.memory_space<hbm>>
    %dma_start3A_17 = tpu.memref_slice %arg3[%add3A_15] : memref<320000xi32, #tpu.memory_space<hbm>> -> memref<112xi32, #tpu.memory_space<hbm>>
    tpu.enqueue_dma source(%dma_start3A_17 : memref<112xi32, #tpu.memory_space<hbm>>) target(%arg14 : memref<112xi32, #tpu.memory_space<vmem>>) target_semaphore(%arg18 : memref<!tpu.dma_semaphore, #tpu.memory_space<semaphore_mem>>)
    %dma_start3A_18 = tpu.memref_slice %arg4[%add3A_15] : memref<320000xi32, #tpu.memory_space<hbm>> -> memref<112xi32, #tpu.memory_space<hbm>>
    %dma_start3A_19 = tpu.memref_slice %arg4[%add3A_15] : memref<320000xi32, #tpu.memory_space<hbm>> -> memref<112xi32, #tpu.memory_space<hbm>>
    tpu.enqueue_dma source(%dma_start3A_19 : memref<112xi32, #tpu.memory_space<hbm>>) target(%arg15 : memref<112xi32, #tpu.memory_space<vmem>>) target_semaphore(%arg18 : memref<!tpu.dma_semaphore, #tpu.memory_space<semaphore_mem>>)
    %dma_wait3A = arith.constant 0 : i32
    %dma_wait3A_20 = tpu.memref_slice %arg3[%dma_wait3A] : memref<320000xi32, #tpu.memory_space<hbm>> -> memref<112xi32, #tpu.memory_space<hbm>>
    %dma_wait3A_21 = arith.constant 0 : i32
    %dma_wait3A_22 = tpu.memref_slice %arg3[%dma_wait3A_21] : memref<320000xi32, #tpu.memory_space<hbm>> -> memref<112xi32, #tpu.memory_space<hbm>>
    tpu.wait_dma2 semaphore(%arg11 : memref<!tpu.dma_semaphore, #tpu.memory_space<semaphore_mem>>) src(%dma_wait3A_22 : memref<112xi32, #tpu.memory_space<hbm>>) dst(%arg7 : memref<112xi32, #tpu.memory_space<vmem>>)
    %dma_wait3A_23 = arith.constant 0 : i32
    %dma_wait3A_24 = tpu.memref_slice %arg4[%dma_wait3A_23] : memref<320000xi32, #tpu.memory_space<hbm>> -> memref<112xi32, #tpu.memory_space<hbm>>
    %dma_wait3A_25 = arith.constant 0 : i32
    %dma_wait3A_26 = tpu.memref_slice %arg4[%dma_wait3A_25] : memref<320000xi32, #tpu.memory_space<hbm>> -> memref<112xi32, #tpu.memory_space<hbm>>
    tpu.wait_dma2 semaphore(%arg11 : memref<!tpu.dma_semaphore, #tpu.memory_space<semaphore_mem>>) src(%dma_wait3A_26 : memref<112xi32, #tpu.memory_space<hbm>>) dst(%arg8 : memref<112xi32, #tpu.memory_space<vmem>>)
    %get3A = arith.constant 0 : index
    %get3A_27 = tpu.vector_load %arg8[%get3A] {strides = array<i32>} : memref<112xi32, #tpu.memory_space<vmem>>, vector<16xi32>,
    %get3A_28 = vector.shape_cast %get3A_27 : vector<16xi32> to vector<16xi32>
    %swap3A = arith.constant 0 : index
    %swap3A_29 = tpu.vector_load %arg9[%swap3A] {strides = array<i32>} : memref<112xi32, #tpu.memory_space<vmem>>, vector<16xi32>,
    %swap3A_30 = vector.shape_cast %swap3A_29 : vector<16xi32> to vector<16xi32>
    %swap3A_31 = vector.shape_cast %get3A_28 : vector<16xi32> to vector<16xi32>
    tpu.vector_store %arg9[%swap3A], %swap3A_31 {strides = array<i32>} : memref<112xi32, #tpu.memory_space<vmem>>, vector<16xi32>,
    %get3A_32 = arith.constant 16 : index
    %get3A_33 = tpu.vector_load %arg8[%get3A_32] {strides = array<i32>} : memref<112xi32, #tpu.memory_space<vmem>>, vector<16xi32>,
    %get3A_34 = vector.shape_cast %get3A_33 : vector<16xi32> to vector<16xi32>
    %swap3A_35 = arith.constant 16 : index
    %swap3A_36 = tpu.vector_load %arg9[%swap3A_35] {strides = array<i32>} : memref<112xi32, #tpu.memory_space<vmem>>, vector<16xi32>,
    %swap3A_37 = vector.shape_cast %swap3A_36 : vector<16xi32> to vector<16xi32>
    %swap3A_38 = vector.shape_cast %get3A_34 : vector<16xi32> to vector<16xi32>
    tpu.vector_store %arg9[%swap3A_35], %swap3A_38 {strides = array<i32>} : memref<112xi32, #tpu.memory_space<vmem>>, vector<16xi32>,
    %get3A_39 = arith.constant 32 : index
    %get3A_40 = tpu.vector_load %arg8[%get3A_39] {strides = array<i32>} : memref<112xi32, #tpu.memory_space<vmem>>, vector<16xi32>,
    %get3A_41 = vector.shape_cast %get3A_40 : vector<16xi32> to vector<16xi32>
    %swap3A_42 = arith.constant 32 : index
    %swap3A_43 = tpu.vector_load %arg9[%swap3A_42] {strides = array<i32>} : memref<112xi32, #tpu.memory_space<vmem>>, vector<16xi32>,
    %swap3A_44 = vector.shape_cast %swap3A_43 : vector<16xi32> to vector<16xi32>
    %swap3A_45 = vector.shape_cast %get3A_41 : vector<16xi32> to vector<16xi32>
    tpu.vector_store %arg9[%swap3A_42], %swap3A_45 {strides = array<i32>} : memref<112xi32, #tpu.memory_space<vmem>>, vector<16xi32>,
    %get3A_46 = arith.constant 48 : index
    %get3A_47 = tpu.vector_load %arg8[%get3A_46] {strides = array<i32>} : memref<112xi32, #tpu.memory_space<vmem>>, vector<16xi32>,
    %get3A_48 = vector.shape_cast %get3A_47 : vector<16xi32> to vector<16xi32>
    %swap3A_49 = arith.constant 48 : index
    %swap3A_50 = tpu.vector_load %arg9[%swap3A_49] {strides = array<i32>} : memref<112xi32, #tpu.memory_space<vmem>>, vector<16xi32>,
    %swap3A_51 = vector.shape_cast %swap3A_50 : vector<16xi32> to vector<16xi32>
    %swap3A_52 = vector.shape_cast %get3A_48 : vector<16xi32> to vector<16xi32>
    tpu.vector_store %arg9[%swap3A_49], %swap3A_52 {strides = array<i32>} : memref<112xi32, #tpu.memory_space<vmem>>, vector<16xi32>,
    %get3A_53 = arith.constant 64 : index
    %get3A_54 = tpu.vector_load %arg8[%get3A_53] {strides = array<i32>} : memref<112xi32, #tpu.memory_space<vmem>>, vector<16xi32>,
    %get3A_55 = vector.shape_cast %get3A_54 : vector<16xi32> to vector<16xi32>
    %swap3A_56 = arith.constant 64 : index
    %swap3A_57 = tpu.vector_load %arg9[%swap3A_56] {strides = array<i32>} : memref<112xi32, #tpu.memory_space<vmem>>, vector<16xi32>,
    %swap3A_58 = vector.shape_cast %swap3A_57 : vector<16xi32> to vector<16xi32>
    %swap3A_59 = vector.shape_cast %get3A_55 : vector<16xi32> to vector<16xi32>
    tpu.vector_store %arg9[%swap3A_56], %swap3A_59 {strides = array<i32>} : memref<112xi32, #tpu.memory_space<vmem>>, vector<16xi32>,
    %get3A_60 = arith.constant 80 : index
    %get3A_61 = tpu.vector_load %arg8[%get3A_60] {strides = array<i32>} : memref<112xi32, #tpu.memory_space<vmem>>, vector<16xi32>,
    %get3A_62 = vector.shape_cast %get3A_61 : vector<16xi32> to vector<16xi32>
    %swap3A_63 = arith.constant 80 : index
    %swap3A_64 = tpu.vector_load %arg9[%swap3A_63] {strides = array<i32>} : memref<112xi32, #tpu.memory_space<vmem>>, vector<16xi32>,
    %swap3A_65 = vector.shape_cast %swap3A_64 : vector<16xi32> to vector<16xi32>
    %swap3A_66 = vector.shape_cast %get3A_62 : vector<16xi32> to vector<16xi32>
    tpu.vector_store %arg9[%swap3A_63], %swap3A_66 {strides = array<i32>} : memref<112xi32, #tpu.memory_space<vmem>>, vector<16xi32>,
    %get3A_67 = arith.constant 96 : index
    %get3A_68 = tpu.vector_load %arg8[%get3A_67] {strides = array<i32>} : memref<112xi32, #tpu.memory_space<vmem>>, vector<16xi32>,
    %get3A_69 = vector.shape_cast %get3A_68 : vector<16xi32> to vector<16xi32>
    %swap3A_70 = arith.constant 96 : index
    %swap3A_71 = tpu.vector_load %arg9[%swap3A_70] {strides = array<i32>} : memref<112xi32, #tpu.memory_space<vmem>>, vector<16xi32>,
    %swap3A_72 = vector.shape_cast %swap3A_71 : vector<16xi32> to vector<16xi32>
    %swap3A_73 = vector.shape_cast %get3A_69 : vector<16xi32> to vector<16xi32>
    tpu.vector_store %arg9[%swap3A_70], %swap3A_73 {strides = array<i32>} : memref<112xi32, #tpu.memory_space<vmem>>, vector<16xi32>,
    %dma_start3A_74 = arith.constant 0 : i32
    %dma_start3A_75 = arith.constant 0 : i32
    %dma_start3A_76 = tpu.memref_slice %arg2[%dma_start3A_74, %dma_start3A_75] : memref<10000x128xf32, #tpu.memory_space<hbm>> -> memref<10000x128xf32, #tpu.memory_space<hbm>>
    tpu.enqueue_indirect_dma source(%dma_start3A_76 : memref<10000x128xf32, #tpu.memory_space<hbm>>) target(%arg10 : memref<112x128xf32, #tpu.memory_space<vmem>>) offsets(%arg7 : memref<112xi32, #tpu.memory_space<vmem>>) semaphore(%arg12 : memref<!tpu.dma_semaphore, #tpu.memory_space<semaphore_mem>>)
    %add3A_77 = arith.constant 224 : i32
    %add3A_78 = arith.addi %mul3A_2, %add3A_77 : i32
    %dma_start3A_79 = tpu.memref_slice %arg3[%add3A_78] : memref<320000xi32, #tpu.memory_space<hbm>> -> memref<112xi32, #tpu.memory_space<hbm>>
    %dma_start3A_80 = tpu.memref_slice %arg3[%add3A_78] : memref<320000xi32, #tpu.memory_space<hbm>> -> memref<112xi32, #tpu.memory_space<hbm>>
    tpu.enqueue_dma source(%dma_start3A_80 : memref<112xi32, #tpu.memory_space<hbm>>) target(%arg21 : memref<112xi32, #tpu.memory_space<vmem>>) target_semaphore(%arg25 : memref<!tpu.dma_semaphore, #tpu.memory_space<semaphore_mem>>)
    %dma_start3A_81 = tpu.memref_slice %arg4[%add3A_78] : memref<320000xi32, #tpu.memory_space<hbm>> -> memref<112xi32, #tpu.memory_space<hbm>>
    %dma_start3A_82 = tpu.memref_slice %arg4[%add3A_78] : memref<320000xi32, #tpu.memory_space<hbm>> -> memref<112xi32, #tpu.memory_space<hbm>>
    tpu.enqueue_dma source(%dma_start3A_82 : memref<112xi32, #tpu.memory_space<hbm>>) target(%arg22 : memref<112xi32, #tpu.memory_space<vmem>>) target_semaphore(%arg25 : memref<!tpu.dma_semaphore, #tpu.memory_space<semaphore_mem>>)
    %dma_wait3A_83 = arith.constant 0 : i32
    %dma_wait3A_84 = tpu.memref_slice %arg3[%dma_wait3A_83] : memref<320000xi32, #tpu.memory_space<hbm>> -> memref<112xi32, #tpu.memory_space<hbm>>
    %dma_wait3A_85 = arith.constant 0 : i32
    %dma_wait3A_86 = tpu.memref_slice %arg3[%dma_wait3A_85] : memref<320000xi32, #tpu.memory_space<hbm>> -> memref<112xi32, #tpu.memory_space<hbm>>
    tpu.wait_dma2 semaphore(%arg18 : memref<!tpu.dma_semaphore, #tpu.memory_space<semaphore_mem>>) src(%dma_wait3A_86 : memref<112xi32, #tpu.memory_space<hbm>>) dst(%arg14 : memref<112xi32, #tpu.memory_space<vmem>>)
    %dma_wait3A_87 = arith.constant 0 : i32
    %dma_wait3A_88 = tpu.memref_slice %arg4[%dma_wait3A_87] : memref<320000xi32, #tpu.memory_space<hbm>> -> memref<112xi32, #tpu.memory_space<hbm>>
    %dma_wait3A_89 = arith.constant 0 : i32
    %dma_wait3A_90 = tpu.memref_slice %arg4[%dma_wait3A_89] : memref<320000xi32, #tpu.memory_space<hbm>> -> memref<112xi32, #tpu.memory_space<hbm>>
    tpu.wait_dma2 semaphore(%arg18 : memref<!tpu.dma_semaphore, #tpu.memory_space<semaphore_mem>>) src(%dma_wait3A_90 : memref<112xi32, #tpu.memory_space<hbm>>) dst(%arg15 : memref<112xi32, #tpu.memory_space<vmem>>)
    %get3A_91 = arith.constant 0 : index
    %get3A_92 = tpu.vector_load %arg15[%get3A_91] {strides = array<i32>} : memref<112xi32, #tpu.memory_space<vmem>>, vector<16xi32>,
    %get3A_93 = vector.shape_cast %get3A_92 : vector<16xi32> to vector<16xi32>
    %swap3A_94 = arith.constant 0 : index
    %swap3A_95 = tpu.vector_load %arg16[%swap3A_94] {strides = array<i32>} : memref<112xi32, #tpu.memory_space<vmem>>, vector<16xi32>,
    %swap3A_96 = vector.shape_cast %swap3A_95 : vector<16xi32> to vector<16xi32>
    %swap3A_97 = vector.shape_cast %get3A_93 : vector<16xi32> to vector<16xi32>
    tpu.vector_store %arg16[%swap3A_94], %swap3A_97 {strides = array<i32>} : memref<112xi32, #tpu.memory_space<vmem>>, vector<16xi32>,
    %get3A_98 = arith.constant 16 : index
    %get3A_99 = tpu.vector_load %arg15[%get3A_98] {strides = array<i32>} : memref<112xi32, #tpu.memory_space<vmem>>, vector<16xi32>,
    %get3A_100 = vector.shape_cast %get3A_99 : vector<16xi32> to vector<16xi32>
    %swap3A_101 = arith.constant 16 : index
    %swap3A_102 = tpu.vector_load %arg16[%swap3A_101] {strides = array<i32>} : memref<112xi32, #tpu.memory_space<vmem>>, vector<16xi32>,
    %swap3A_103 = vector.shape_cast %swap3A_102 : vector<16xi32> to vector<16xi32>
    %swap3A_104 = vector.shape_cast %get3A_100 : vector<16xi32> to vector<16xi32>
    tpu.vector_store %arg16[%swap3A_101], %swap3A_104 {strides = array<i32>} : memref<112xi32, #tpu.memory_space<vmem>>, vector<16xi32>,
    %get3A_105 = arith.constant 32 : index
    %get3A_106 = tpu.vector_load %arg15[%get3A_105] {strides = array<i32>} : memref<112xi32, #tpu.memory_space<vmem>>, vector<16xi32>,
    %get3A_107 = vector.shape_cast %get3A_106 : vector<16xi32> to vector<16xi32>
    %swap3A_108 = arith.constant 32 : index
    %swap3A_109 = tpu.vector_load %arg16[%swap3A_108] {strides = array<i32>} : memref<112xi32, #tpu.memory_space<vmem>>, vector<16xi32>,
    %swap3A_110 = vector.shape_cast %swap3A_109 : vector<16xi32> to vector<16xi32>
    %swap3A_111 = vector.shape_cast %get3A_107 : vector<16xi32> to vector<16xi32>
    tpu.vector_store %arg16[%swap3A_108], %swap3A_111 {strides = array<i32>} : memref<112xi32, #tpu.memory_space<vmem>>, vector<16xi32>,
    %get3A_112 = arith.constant 48 : index
    %get3A_113 = tpu.vector_load %arg15[%get3A_112] {strides = array<i32>} : memref<112xi32, #tpu.memory_space<vmem>>, vector<16xi32>,
    %get3A_114 = vector.shape_cast %get3A_113 : vector<16xi32> to vector<16xi32>
    %swap3A_115 = arith.constant 48 : index
    %swap3A_116 = tpu.vector_load %arg16[%swap3A_115] {strides = array<i32>} : memref<112xi32, #tpu.memory_space<vmem>>, vector<16xi32>,
    %swap3A_117 = vector.shape_cast %swap3A_116 : vector<16xi32> to vector<16xi32>
    %swap3A_118 = vector.shape_cast %get3A_114 : vector<16xi32> to vector<16xi32>
    tpu.vector_store %arg16[%swap3A_115], %swap3A_118 {strides = array<i32>} : memref<112xi32, #tpu.memory_space<vmem>>, vector<16xi32>,
    %get3A_119 = arith.constant 64 : index
    %get3A_120 = tpu.vector_load %arg15[%get3A_119] {strides = array<i32>} : memref<112xi32, #tpu.memory_space<vmem>>, vector<16xi32>,
    %get3A_121 = vector.shape_cast %get3A_120 : vector<16xi32> to vector<16xi32>
    %swap3A_122 = arith.constant 64 : index
    %swap3A_123 = tpu.vector_load %arg16[%swap3A_122] {strides = array<i32>} : memref<112xi32, #tpu.memory_space<vmem>>, vector<16xi32>,
    %swap3A_124 = vector.shape_cast %swap3A_123 : vector<16xi32> to vector<16xi32>
    %swap3A_125 = vector.shape_cast %get3A_121 : vector<16xi32> to vector<16xi32>
    tpu.vector_store %arg16[%swap3A_122], %swap3A_125 {strides = array<i32>} : memref<112xi32, #tpu.memory_space<vmem>>, vector<16xi32>,
    %get3A_126 = arith.constant 80 : index
    %get3A_127 = tpu.vector_load %arg15[%get3A_126] {strides = array<i32>} : memref<112xi32, #tpu.memory_space<vmem>>, vector<16xi32>,
    %get3A_128 = vector.shape_cast %get3A_127 : vector<16xi32> to vector<16xi32>
    %swap3A_129 = arith.constant 80 : index
    %swap3A_130 = tpu.vector_load %arg16[%swap3A_129] {strides = array<i32>} : memref<112xi32, #tpu.memory_space<vmem>>, vector<16xi32>,
    %swap3A_131 = vector.shape_cast %swap3A_130 : vector<16xi32> to vector<16xi32>
    %swap3A_132 = vector.shape_cast %get3A_128 : vector<16xi32> to vector<16xi32>
    tpu.vector_store %arg16[%swap3A_129], %swap3A_132 {strides = array<i32>} : memref<112xi32, #tpu.memory_space<vmem>>, vector<16xi32>,
    %get3A_133 = arith.constant 96 : index
    %get3A_134 = tpu.vector_load %arg15[%get3A_133] {strides = array<i32>} : memref<112xi32, #tpu.memory_space<vmem>>, vector<16xi32>,
    %get3A_135 = vector.shape_cast %get3A_134 : vector<16xi32> to vector<16xi32>
    %swap3A_136 = arith.constant 96 : index
    %swap3A_137 = tpu.vector_load %arg16[%swap3A_136] {strides = array<i32>} : memref<112xi32, #tpu.memory_space<vmem>>, vector<16xi32>,
    %swap3A_138 = vector.shape_cast %swap3A_137 : vector<16xi32> to vector<16xi32>
    %swap3A_139 = vector.shape_cast %get3A_135 : vector<16xi32> to vector<16xi32>
    tpu.vector_store %arg16[%swap3A_136], %swap3A_139 {strides = array<i32>} : memref<112xi32, #tpu.memory_space<vmem>>, vector<16xi32>,
    %dma_start3A_140 = arith.constant 0 : i32
    %dma_start3A_141 = arith.constant 0 : i32
    %dma_start3A_142 = tpu.memref_slice %arg2[%dma_start3A_140, %dma_start3A_141] : memref<10000x128xf32, #tpu.memory_space<hbm>> -> memref<10000x128xf32, #tpu.memory_space<hbm>>
    tpu.enqueue_indirect_dma source(%dma_start3A_142 : memref<10000x128xf32, #tpu.memory_space<hbm>>) target(%arg17 : memref<112x128xf32, #tpu.memory_space<vmem>>) offsets(%arg14 : memref<112xi32, #tpu.memory_space<vmem>>) semaphore(%arg19 : memref<!tpu.dma_semaphore, #tpu.memory_space<semaphore_mem>>)
    %dma_wait3A_143 = arith.constant 0 : i32
    %dma_wait3A_144 = arith.constant 0 : i32
    %dma_wait3A_145 = tpu.memref_slice %arg2[%dma_wait3A_143, %dma_wait3A_144] : memref<10000x128xf32, #tpu.memory_space<hbm>> -> memref<10000x128xf32, #tpu.memory_space<hbm>>
    tpu.wait_indirect_dma semaphore(%arg12 : memref<!tpu.dma_semaphore, #tpu.memory_space<semaphore_mem>>) src(%dma_wait3A_145 : memref<10000x128xf32, #tpu.memory_space<hbm>>) dst(%arg10 : memref<112x128xf32, #tpu.memory_space<vmem>>)
    %add3A_146 = arith.constant 336 : i32
    %add3A_147 = arith.addi %mul3A_2, %add3A_146 : i32
    %dma_start3A_148 = tpu.memref_slice %arg3[%add3A_147] : memref<320000xi32, #tpu.memory_space<hbm>> -> memref<112xi32, #tpu.memory_space<hbm>>
    %dma_start3A_149 = tpu.memref_slice %arg3[%add3A_147] : memref<320000xi32, #tpu.memory_space<hbm>> -> memref<112xi32, #tpu.memory_space<hbm>>
    tpu.enqueue_dma source(%dma_start3A_149 : memref<112xi32, #tpu.memory_space<hbm>>) target(%arg7 : memref<112xi32, #tpu.memory_space<vmem>>) target_semaphore(%arg11 : memref<!tpu.dma_semaphore, #tpu.memory_space<semaphore_mem>>)
    %dma_start3A_150 = tpu.memref_slice %arg4[%add3A_147] : memref<320000xi32, #tpu.memory_space<hbm>> -> memref<112xi32, #tpu.memory_space<hbm>>
    %dma_start3A_151 = tpu.memref_slice %arg4[%add3A_147] : memref<320000xi32, #tpu.memory_space<hbm>> -> memref<112xi32, #tpu.memory_space<hbm>>
    tpu.enqueue_dma source(%dma_start3A_151 : memref<112xi32, #tpu.memory_space<hbm>>) target(%arg8 : memref<112xi32, #tpu.memory_space<vmem>>) target_semaphore(%arg11 : memref<!tpu.dma_semaphore, #tpu.memory_space<semaphore_mem>>)
    %dma_start3A_152 = arith.constant 0 : i32
    %dma_start3A_153 = arith.constant 0 : i32
    %dma_start3A_154 = tpu.memref_slice %arg29[%dma_start3A_152, %dma_start3A_153] : memref<10000x128xf32, #tpu.memory_space<vmem_shared>> -> memref<10000x128xf32, #tpu.memory_space<vmem_shared>>
    tpu.enqueue_indirect_dma source(%arg10 : memref<112x128xf32, #tpu.memory_space<vmem>>) target(%dma_start3A_154 : memref<10000x128xf32, #tpu.memory_space<vmem_shared>>) offsets(%arg9 : memref<112xi32, #tpu.memory_space<vmem>>) semaphore(%arg13 : memref<!tpu.dma_semaphore, #tpu.memory_space<semaphore_mem>>) {add = true}
    %dma_wait3A_155 = arith.constant 0 : i32
    %dma_wait3A_156 = tpu.memref_slice %arg3[%dma_wait3A_155] : memref<320000xi32, #tpu.memory_space<hbm>> -> memref<112xi32, #tpu.memory_space<hbm>>
    %dma_wait3A_157 = arith.constant 0 : i32
    %dma_wait3A_158 = tpu.memref_slice %arg3[%dma_wait3A_157] : memref<320000xi32, #tpu.memory_space<hbm>> -> memref<112xi32, #tpu.memory_space<hbm>>
    tpu.wait_dma2 semaphore(%arg25 : memref<!tpu.dma_semaphore, #tpu.memory_space<semaphore_mem>>) src(%dma_wait3A_158 : memref<112xi32, #tpu.memory_space<hbm>>) dst(%arg21 : memref<112xi32, #tpu.memory_space<vmem>>)
    %dma_wait3A_159 = arith.constant 0 : i32
    %dma_wait3A_160 = tpu.memref_slice %arg4[%dma_wait3A_159] : memref<320000xi32, #tpu.memory_space<hbm>> -> memref<112xi32, #tpu.memory_space<hbm>>
    %dma_wait3A_161 = arith.constant 0 : i32
    %dma_wait3A_162 = tpu.memref_slice %arg4[%dma_wait3A_161] : memref<320000xi32, #tpu.memory_space<hbm>> -> memref<112xi32, #tpu.memory_space<hbm>>
    tpu.wait_dma2 semaphore(%arg25 : memref<!tpu.dma_semaphore, #tpu.memory_space<semaphore_mem>>) src(%dma_wait3A_162 : memref<112xi32, #tpu.memory_space<hbm>>) dst(%arg22 : memref<112xi32, #tpu.memory_space<vmem>>)
    %get3A_163 = arith.constant 0 : index
    %get3A_164 = tpu.vector_load %arg22[%get3A_163] {strides = array<i32>} : memref<112xi32, #tpu.memory_space<vmem>>, vector<16xi32>,
    %get3A_165 = vector.shape_cast %get3A_164 : vector<16xi32> to vector<16xi32>
    %swap3A_166 = arith.constant 0 : index
    %swap3A_167 = tpu.vector_load %arg23[%swap3A_166] {strides = array<i32>} : memref<112xi32, #tpu.memory_space<vmem>>, vector<16xi32>,
    %swap3A_168 = vector.shape_cast %swap3A_167 : vector<16xi32> to vector<16xi32>
    %swap3A_169 = vector.shape_cast %get3A_165 : vector<16xi32> to vector<16xi32>
    tpu.vector_store %arg23[%swap3A_166], %swap3A_169 {strides = array<i32>} : memref<112xi32, #tpu.memory_space<vmem>>, vector<16xi32>,
    %get3A_170 = arith.constant 16 : index
    %get3A_171 = tpu.vector_load %arg22[%get3A_170] {strides = array<i32>} : memref<112xi32, #tpu.memory_space<vmem>>, vector<16xi32>,
    %get3A_172 = vector.shape_cast %get3A_171 : vector<16xi32> to vector<16xi32>
    %swap3A_173 = arith.constant 16 : index
    %swap3A_174 = tpu.vector_load %arg23[%swap3A_173] {strides = array<i32>} : memref<112xi32, #tpu.memory_space<vmem>>, vector<16xi32>,
    %swap3A_175 = vector.shape_cast %swap3A_174 : vector<16xi32> to vector<16xi32>
    %swap3A_176 = vector.shape_cast %get3A_172 : vector<16xi32> to vector<16xi32>
    tpu.vector_store %arg23[%swap3A_173], %swap3A_176 {strides = array<i32>} : memref<112xi32, #tpu.memory_space<vmem>>, vector<16xi32>,
    %get3A_177 = arith.constant 32 : index
    %get3A_178 = tpu.vector_load %arg22[%get3A_177] {strides = array<i32>} : memref<112xi32, #tpu.memory_space<vmem>>, vector<16xi32>,
    %get3A_179 = vector.shape_cast %get3A_178 : vector<16xi32> to vector<16xi32>
    %swap3A_180 = arith.constant 32 : index
    %swap3A_181 = tpu.vector_load %arg23[%swap3A_180] {strides = array<i32>} : memref<112xi32, #tpu.memory_space<vmem>>, vector<16xi32>,
    %swap3A_182 = vector.shape_cast %swap3A_181 : vector<16xi32> to vector<16xi32>
    %swap3A_183 = vector.shape_cast %get3A_179 : vector<16xi32> to vector<16xi32>
    tpu.vector_store %arg23[%swap3A_180], %swap3A_183 {strides = array<i32>} : memref<112xi32, #tpu.memory_space<vmem>>, vector<16xi32>,
    %get3A_184 = arith.constant 48 : index
    %get3A_185 = tpu.vector_load %arg22[%get3A_184] {strides = array<i32>} : memref<112xi32, #tpu.memory_space<vmem>>, vector<16xi32>,
    %get3A_186 = vector.shape_cast %get3A_185 : vector<16xi32> to vector<16xi32>
    %swap3A_187 = arith.constant 48 : index
    %swap3A_188 = tpu.vector_load %arg23[%swap3A_187] {strides = array<i32>} : memref<112xi32, #tpu.memory_space<vmem>>, vector<16xi32>,
    %swap3A_189 = vector.shape_cast %swap3A_188 : vector<16xi32> to vector<16xi32>
    %swap3A_190 = vector.shape_cast %get3A_186 : vector<16xi32> to vector<16xi32>
    tpu.vector_store %arg23[%swap3A_187], %swap3A_190 {strides = array<i32>} : memref<112xi32, #tpu.memory_space<vmem>>, vector<16xi32>,
    %get3A_191 = arith.constant 64 : index
    %get3A_192 = tpu.vector_load %arg22[%get3A_191] {strides = array<i32>} : memref<112xi32, #tpu.memory_space<vmem>>, vector<16xi32>,
    %get3A_193 = vector.shape_cast %get3A_192 : vector<16xi32> to vector<16xi32>
    %swap3A_194 = arith.constant 64 : index
    %swap3A_195 = tpu.vector_load %arg23[%swap3A_194] {strides = array<i32>} : memref<112xi32, #tpu.memory_space<vmem>>, vector<16xi32>,
    %swap3A_196 = vector.shape_cast %swap3A_195 : vector<16xi32> to vector<16xi32>
    %swap3A_197 = vector.shape_cast %get3A_193 : vector<16xi32> to vector<16xi32>
    tpu.vector_store %arg23[%swap3A_194], %swap3A_197 {strides = array<i32>} : memref<112xi32, #tpu.memory_space<vmem>>, vector<16xi32>,
    %get3A_198 = arith.constant 80 : index
    %get3A_199 = tpu.vector_load %arg22[%get3A_198] {strides = array<i32>} : memref<112xi32, #tpu.memory_space<vmem>>, vector<16xi32>,
    %get3A_200 = vector.shape_cast %get3A_199 : vector<16xi32> to vector<16xi32>
    %swap3A_201 = arith.constant 80 : index
    %swap3A_202 = tpu.vector_load %arg23[%swap3A_201] {strides = array<i32>} : memref<112xi32, #tpu.memory_space<vmem>>, vector<16xi32>,
    %swap3A_203 = vector.shape_cast %swap3A_202 : vector<16xi32> to vector<16xi32>
    %swap3A_204 = vector.shape_cast %get3A_200 : vector<16xi32> to vector<16xi32>
    tpu.vector_store %arg23[%swap3A_201], %swap3A_204 {strides = array<i32>} : memref<112xi32, #tpu.memory_space<vmem>>, vector<16xi32>,
    %get3A_205 = arith.constant 96 : index
    %get3A_206 = tpu.vector_load %arg22[%get3A_205] {strides = array<i32>} : memref<112xi32, #tpu.memory_space<vmem>>, vector<16xi32>,
    %get3A_207 = vector.shape_cast %get3A_206 : vector<16xi32> to vector<16xi32>
    %swap3A_208 = arith.constant 96 : index
    %swap3A_209 = tpu.vector_load %arg23[%swap3A_208] {strides = array<i32>} : memref<112xi32, #tpu.memory_space<vmem>>, vector<16xi32>,
    %swap3A_210 = vector.shape_cast %swap3A_209 : vector<16xi32> to vector<16xi32>
    %swap3A_211 = vector.shape_cast %get3A_207 : vector<16xi32> to vector<16xi32>
    tpu.vector_store %arg23[%swap3A_208], %swap3A_211 {strides = array<i32>} : memref<112xi32, #tpu.memory_space<vmem>>, vector<16xi32>,
    %dma_start3A_212 = arith.constant 0 : i32
    %dma_start3A_213 = arith.constant 0 : i32
    %dma_start3A_214 = tpu.memref_slice %arg2[%dma_start3A_212, %dma_start3A_213] : memref<10000x128xf32, #tpu.memory_space<hbm>> -> memref<10000x128xf32, #tpu.memory_space<hbm>>
    tpu.enqueue_indirect_dma source(%dma_start3A_214 : memref<10000x128xf32, #tpu.memory_space<hbm>>) target(%arg24 : memref<112x128xf32, #tpu.memory_space<vmem>>) offsets(%arg21 : memref<112xi32, #tpu.memory_space<vmem>>) semaphore(%arg26 : memref<!tpu.dma_semaphore, #tpu.memory_space<semaphore_mem>>)
    %dma_wait3A_215 = arith.constant 0 : i32
    %dma_wait3A_216 = arith.constant 0 : i32
    %dma_wait3A_217 = tpu.memref_slice %arg2[%dma_wait3A_215, %dma_wait3A_216] : memref<10000x128xf32, #tpu.memory_space<hbm>> -> memref<10000x128xf32, #tpu.memory_space<hbm>>
    tpu.wait_indirect_dma semaphore(%arg19 : memref<!tpu.dma_semaphore, #tpu.memory_space<semaphore_mem>>) src(%dma_wait3A_217 : memref<10000x128xf32, #tpu.memory_space<hbm>>) dst(%arg17 : memref<112x128xf32, #tpu.memory_space<vmem>>)
    %add3A_218 = arith.constant 448 : i32
    %add3A_219 = arith.addi %mul3A_2, %add3A_218 : i32
    %dma_start3A_220 = tpu.memref_slice %arg3[%add3A_219] : memref<320000xi32, #tpu.memory_space<hbm>> -> memref<112xi32, #tpu.memory_space<hbm>>
    %dma_start3A_221 = tpu.memref_slice %arg3[%add3A_219] : memref<320000xi32, #tpu.memory_space<hbm>> -> memref<112xi32, #tpu.memory_space<hbm>>
    tpu.enqueue_dma source(%dma_start3A_221 : memref<112xi32, #tpu.memory_space<hbm>>) target(%arg14 : memref<112xi32, #tpu.memory_space<vmem>>) target_semaphore(%arg18 : memref<!tpu.dma_semaphore, #tpu.memory_space<semaphore_mem>>)
    %dma_start3A_222 = tpu.memref_slice %arg4[%add3A_219] : memref<320000xi32, #tpu.memory_space<hbm>> -> memref<112xi32, #tpu.memory_space<hbm>>
    %dma_start3A_223 = tpu.memref_slice %arg4[%add3A_219] : memref<320000xi32, #tpu.memory_space<hbm>> -> memref<112xi32, #tpu.memory_space<hbm>>
    tpu.enqueue_dma source(%dma_start3A_223 : memref<112xi32, #tpu.memory_space<hbm>>) target(%arg15 : memref<112xi32, #tpu.memory_space<vmem>>) target_semaphore(%arg18 : memref<!tpu.dma_semaphore, #tpu.memory_space<semaphore_mem>>)
    %dma_start3A_224 = arith.constant 0 : i32
    %dma_start3A_225 = arith.constant 0 : i32
    %dma_start3A_226 = tpu.memref_slice %arg29[%dma_start3A_224, %dma_start3A_225] : memref<10000x128xf32, #tpu.memory_space<vmem_shared>> -> memref<10000x128xf32, #tpu.memory_space<vmem_shared>>
    tpu.enqueue_indirect_dma source(%arg17 : memref<112x128xf32, #tpu.memory_space<vmem>>) target(%dma_start3A_226 : memref<10000x128xf32, #tpu.memory_space<vmem_shared>>) offsets(%arg16 : memref<112xi32, #tpu.memory_space<vmem>>) semaphore(%arg20 : memref<!tpu.dma_semaphore, #tpu.memory_space<semaphore_mem>>) {add = true}
    %scan3A = arith.constant 0 : i32
    %scan3A_227 = arith.constant 1 : i32
    %scan3A_228 = arith.constant 28 : i32
    %scan3A_229 = arith.addi %scan3A_227, %scan3A_228 : i32
    %scan3A_230 = arith.constant 1 : i32
    scf.for %scan3A_414 = %scan3A_227 to %scan3A_229 step %scan3A_230  : i32 {
      %mul3A_415 = arith.constant 3 : i32
      %mul3A_416 = arith.muli %mul3A_415, %scan3A_414 : i32
      %add3A_417 = arith.constant 0 : i32
      %add3A_418 = arith.addi %mul3A_416, %add3A_417 : i32
      %dma_wait3A_419 = arith.constant 0 : i32
      %dma_wait3A_420 = tpu.memref_slice %arg3[%dma_wait3A_419] : memref<320000xi32, #tpu.memory_space<hbm>> -> memref<112xi32, #tpu.memory_space<hbm>>
      %dma_wait3A_421 = arith.constant 0 : i32
      %dma_wait3A_422 = tpu.memref_slice %arg3[%dma_wait3A_421] : memref<320000xi32, #tpu.memory_space<hbm>> -> memref<112xi32, #tpu.memory_space<hbm>>
      tpu.wait_dma2 semaphore(%arg11 : memref<!tpu.dma_semaphore, #tpu.memory_space<semaphore_mem>>) src(%dma_wait3A_422 : memref<112xi32, #tpu.memory_space<hbm>>) dst(%arg7 : memref<112xi32, #tpu.memory_space<vmem>>)
      %dma_wait3A_423 = arith.constant 0 : i32
      %dma_wait3A_424 = tpu.memref_slice %arg4[%dma_wait3A_423] : memref<320000xi32, #tpu.memory_space<hbm>> -> memref<112xi32, #tpu.memory_space<hbm>>
      %dma_wait3A_425 = arith.constant 0 : i32
      %dma_wait3A_426 = tpu.memref_slice %arg4[%dma_wait3A_425] : memref<320000xi32, #tpu.memory_space<hbm>> -> memref<112xi32, #tpu.memory_space<hbm>>
      tpu.wait_dma2 semaphore(%arg11 : memref<!tpu.dma_semaphore, #tpu.memory_space<semaphore_mem>>) src(%dma_wait3A_426 : memref<112xi32, #tpu.memory_space<hbm>>) dst(%arg8 : memref<112xi32, #tpu.memory_space<vmem>>)
      %dma_wait3A_427 = arith.constant 0 : i32
      %dma_wait3A_428 = arith.constant 0 : i32
      %dma_wait3A_429 = tpu.memref_slice %arg29[%dma_wait3A_427, %dma_wait3A_428] : memref<10000x128xf32, #tpu.memory_space<vmem_shared>> -> memref<10000x128xf32, #tpu.memory_space<vmem_shared>>
      tpu.wait_indirect_dma semaphore(%arg13 : memref<!tpu.dma_semaphore, #tpu.memory_space<semaphore_mem>>) src(%arg10 : memref<112x128xf32, #tpu.memory_space<vmem>>) dst(%dma_wait3A_429 : memref<10000x128xf32, #tpu.memory_space<vmem_shared>>)
      %get3A_430 = arith.constant 0 : index
      %get3A_431 = tpu.vector_load %arg8[%get3A_430] {strides = array<i32>} : memref<112xi32, #tpu.memory_space<vmem>>, vector<16xi32>,
      %get3A_432 = vector.shape_cast %get3A_431 : vector<16xi32> to vector<16xi32>
      %swap3A_433 = arith.constant 0 : index
      %swap3A_434 = tpu.vector_load %arg9[%swap3A_433] {strides = array<i32>} : memref<112xi32, #tpu.memory_space<vmem>>, vector<16xi32>,
      %swap3A_435 = vector.shape_cast %swap3A_434 : vector<16xi32> to vector<16xi32>
      %swap3A_436 = vector.shape_cast %get3A_432 : vector<16xi32> to vector<16xi32>
      tpu.vector_store %arg9[%swap3A_433], %swap3A_436 {strides = array<i32>} : memref<112xi32, #tpu.memory_space<vmem>>, vector<16xi32>,
      %get3A_437 = arith.constant 16 : index
      %get3A_438 = tpu.vector_load %arg8[%get3A_437] {strides = array<i32>} : memref<112xi32, #tpu.memory_space<vmem>>, vector<16xi32>,
      %get3A_439 = vector.shape_cast %get3A_438 : vector<16xi32> to vector<16xi32>
      %swap3A_440 = arith.constant 16 : index
      %swap3A_441 = tpu.vector_load %arg9[%swap3A_440] {strides = array<i32>} : memref<112xi32, #tpu.memory_space<vmem>>, vector<16xi32>,
      %swap3A_442 = vector.shape_cast %swap3A_441 : vector<16xi32> to vector<16xi32>
      %swap3A_443 = vector.shape_cast %get3A_439 : vector<16xi32> to vector<16xi32>
      tpu.vector_store %arg9[%swap3A_440], %swap3A_443 {strides = array<i32>} : memref<112xi32, #tpu.memory_space<vmem>>, vector<16xi32>,
      %get3A_444 = arith.constant 32 : index
      %get3A_445 = tpu.vector_load %arg8[%get3A_444] {strides = array<i32>} : memref<112xi32, #tpu.memory_space<vmem>>, vector<16xi32>,
      %get3A_446 = vector.shape_cast %get3A_445 : vector<16xi32> to vector<16xi32>
      %swap3A_447 = arith.constant 32 : index
      %swap3A_448 = tpu.vector_load %arg9[%swap3A_447] {strides = array<i32>} : memref<112xi32, #tpu.memory_space<vmem>>, vector<16xi32>,
      %swap3A_449 = vector.shape_cast %swap3A_448 : vector<16xi32> to vector<16xi32>
      %swap3A_450 = vector.shape_cast %get3A_446 : vector<16xi32> to vector<16xi32>
      tpu.vector_store %arg9[%swap3A_447], %swap3A_450 {strides = array<i32>} : memref<112xi32, #tpu.memory_space<vmem>>, vector<16xi32>,
      %get3A_451 = arith.constant 48 : index
      %get3A_452 = tpu.vector_load %arg8[%get3A_451] {strides = array<i32>} : memref<112xi32, #tpu.memory_space<vmem>>, vector<16xi32>,
      %get3A_453 = vector.shape_cast %get3A_452 : vector<16xi32> to vector<16xi32>
      %swap3A_454 = arith.constant 48 : index
      %swap3A_455 = tpu.vector_load %arg9[%swap3A_454] {strides = array<i32>} : memref<112xi32, #tpu.memory_space<vmem>>, vector<16xi32>,
      %swap3A_456 = vector.shape_cast %swap3A_455 : vector<16xi32> to vector<16xi32>
      %swap3A_457 = vector.shape_cast %get3A_453 : vector<16xi32> to vector<16xi32>
      tpu.vector_store %arg9[%swap3A_454], %swap3A_457 {strides = array<i32>} : memref<112xi32, #tpu.memory_space<vmem>>, vector<16xi32>,
      %get3A_458 = arith.constant 64 : index
      %get3A_459 = tpu.vector_load %arg8[%get3A_458] {strides = array<i32>} : memref<112xi32, #tpu.memory_space<vmem>>, vector<16xi32>,
      %get3A_460 = vector.shape_cast %get3A_459 : vector<16xi32> to vector<16xi32>
      %swap3A_461 = arith.constant 64 : index
      %swap3A_462 = tpu.vector_load %arg9[%swap3A_461] {strides = array<i32>} : memref<112xi32, #tpu.memory_space<vmem>>, vector<16xi32>,
      %swap3A_463 = vector.shape_cast %swap3A_462 : vector<16xi32> to vector<16xi32>
      %swap3A_464 = vector.shape_cast %get3A_460 : vector<16xi32> to vector<16xi32>
      tpu.vector_store %arg9[%swap3A_461], %swap3A_464 {strides = array<i32>} : memref<112xi32, #tpu.memory_space<vmem>>, vector<16xi32>,
      %get3A_465 = arith.constant 80 : index
      %get3A_466 = tpu.vector_load %arg8[%get3A_465] {strides = array<i32>} : memref<112xi32, #tpu.memory_space<vmem>>, vector<16xi32>,
      %get3A_467 = vector.shape_cast %get3A_466 : vector<16xi32> to vector<16xi32>
      %swap3A_468 = arith.constant 80 : index
      %swap3A_469 = tpu.vector_load %arg9[%swap3A_468] {strides = array<i32>} : memref<112xi32, #tpu.memory_space<vmem>>, vector<16xi32>,
      %swap3A_470 = vector.shape_cast %swap3A_469 : vector<16xi32> to vector<16xi32>
      %swap3A_471 = vector.shape_cast %get3A_467 : vector<16xi32> to vector<16xi32>
      tpu.vector_store %arg9[%swap3A_468], %swap3A_471 {strides = array<i32>} : memref<112xi32, #tpu.memory_space<vmem>>, vector<16xi32>,
      %get3A_472 = arith.constant 96 : index
      %get3A_473 = tpu.vector_load %arg8[%get3A_472] {strides = array<i32>} : memref<112xi32, #tpu.memory_space<vmem>>, vector<16xi32>,
      %get3A_474 = vector.shape_cast %get3A_473 : vector<16xi32> to vector<16xi32>
      %swap3A_475 = arith.constant 96 : index
      %swap3A_476 = tpu.vector_load %arg9[%swap3A_475] {strides = array<i32>} : memref<112xi32, #tpu.memory_space<vmem>>, vector<16xi32>,
      %swap3A_477 = vector.shape_cast %swap3A_476 : vector<16xi32> to vector<16xi32>
      %swap3A_478 = vector.shape_cast %get3A_474 : vector<16xi32> to vector<16xi32>
      tpu.vector_store %arg9[%swap3A_475], %swap3A_478 {strides = array<i32>} : memref<112xi32, #tpu.memory_space<vmem>>, vector<16xi32>,
      %dma_start3A_479 = arith.constant 0 : i32
      %dma_start3A_480 = arith.constant 0 : i32
      %dma_start3A_481 = tpu.memref_slice %arg2[%dma_start3A_479, %dma_start3A_480] : memref<10000x128xf32, #tpu.memory_space<hbm>> -> memref<10000x128xf32, #tpu.memory_space<hbm>>
      tpu.enqueue_indirect_dma source(%dma_start3A_481 : memref<10000x128xf32, #tpu.memory_space<hbm>>) target(%arg10 : memref<112x128xf32, #tpu.memory_space<vmem>>) offsets(%arg7 : memref<112xi32, #tpu.memory_space<vmem>>) semaphore(%arg12 : memref<!tpu.dma_semaphore, #tpu.memory_space<semaphore_mem>>)
      %dma_wait3A_482 = arith.constant 0 : i32
      %dma_wait3A_483 = arith.constant 0 : i32
      %dma_wait3A_484 = tpu.memref_slice %arg2[%dma_wait3A_482, %dma_wait3A_483] : memref<10000x128xf32, #tpu.memory_space<hbm>> -> memref<10000x128xf32, #tpu.memory_space<hbm>>
      tpu.wait_indirect_dma semaphore(%arg26 : memref<!tpu.dma_semaphore, #tpu.memory_space<semaphore_mem>>) src(%dma_wait3A_484 : memref<10000x128xf32, #tpu.memory_space<hbm>>) dst(%arg24 : memref<112x128xf32, #tpu.memory_space<vmem>>)
      %add3A_485 = arith.constant 2 : i32
      %add3A_486 = arith.addi %add3A_418, %add3A_485 : i32
      %mul3A_487 = arith.constant 112 : i32
      %mul3A_488 = arith.muli %add3A_486, %mul3A_487 : i32
      %add3A_489 = arith.addi %mul3A_2, %mul3A_488 : i32
      %dma_start3A_490 = tpu.memref_slice %arg3[%add3A_489] : memref<320000xi32, #tpu.memory_space<hbm>> -> memref<112xi32, #tpu.memory_space<hbm>>
      %dma_start3A_491 = tpu.memref_slice %arg3[%add3A_489] : memref<320000xi32, #tpu.memory_space<hbm>> -> memref<112xi32, #tpu.memory_space<hbm>>
      tpu.enqueue_dma source(%dma_start3A_491 : memref<112xi32, #tpu.memory_space<hbm>>) target(%arg21 : memref<112xi32, #tpu.memory_space<vmem>>) target_semaphore(%arg25 : memref<!tpu.dma_semaphore, #tpu.memory_space<semaphore_mem>>)
      %dma_start3A_492 = tpu.memref_slice %arg4[%add3A_489] : memref<320000xi32, #tpu.memory_space<hbm>> -> memref<112xi32, #tpu.memory_space<hbm>>
      %dma_start3A_493 = tpu.memref_slice %arg4[%add3A_489] : memref<320000xi32, #tpu.memory_space<hbm>> -> memref<112xi32, #tpu.memory_space<hbm>>
      tpu.enqueue_dma source(%dma_start3A_493 : memref<112xi32, #tpu.memory_space<hbm>>) target(%arg22 : memref<112xi32, #tpu.memory_space<vmem>>) target_semaphore(%arg25 : memref<!tpu.dma_semaphore, #tpu.memory_space<semaphore_mem>>)
      %dma_start3A_494 = arith.constant 0 : i32
      %dma_start3A_495 = arith.constant 0 : i32
      %dma_start3A_496 = tpu.memref_slice %arg29[%dma_start3A_494, %dma_start3A_495] : memref<10000x128xf32, #tpu.memory_space<vmem_shared>> -> memref<10000x128xf32, #tpu.memory_space<vmem_shared>>
      tpu.enqueue_indirect_dma source(%arg24 : memref<112x128xf32, #tpu.memory_space<vmem>>) target(%dma_start3A_496 : memref<10000x128xf32, #tpu.memory_space<vmem_shared>>) offsets(%arg23 : memref<112xi32, #tpu.memory_space<vmem>>) semaphore(%arg27 : memref<!tpu.dma_semaphore, #tpu.memory_space<semaphore_mem>>) {add = true}
      %add3A_497 = arith.constant 1 : i32
      %add3A_498 = arith.addi %mul3A_416, %add3A_497 : i32
      %dma_wait3A_499 = arith.constant 0 : i32
      %dma_wait3A_500 = tpu.memref_slice %arg3[%dma_wait3A_499] : memref<320000xi32, #tpu.memory_space<hbm>> -> memref<112xi32, #tpu.memory_space<hbm>>
      %dma_wait3A_501 = arith.constant 0 : i32
      %dma_wait3A_502 = tpu.memref_slice %arg3[%dma_wait3A_501] : memref<320000xi32, #tpu.memory_space<hbm>> -> memref<112xi32, #tpu.memory_space<hbm>>
      tpu.wait_dma2 semaphore(%arg18 : memref<!tpu.dma_semaphore, #tpu.memory_space<semaphore_mem>>) src(%dma_wait3A_502 : memref<112xi32, #tpu.memory_space<hbm>>) dst(%arg14 : memref<112xi32, #tpu.memory_space<vmem>>)
      %dma_wait3A_503 = arith.constant 0 : i32
      %dma_wait3A_504 = tpu.memref_slice %arg4[%dma_wait3A_503] : memref<320000xi32, #tpu.memory_space<hbm>> -> memref<112xi32, #tpu.memory_space<hbm>>
      %dma_wait3A_505 = arith.constant 0 : i32
      %dma_wait3A_506 = tpu.memref_slice %arg4[%dma_wait3A_505] : memref<320000xi32, #tpu.memory_space<hbm>> -> memref<112xi32, #tpu.memory_space<hbm>>
      tpu.wait_dma2 semaphore(%arg18 : memref<!tpu.dma_semaphore, #tpu.memory_space<semaphore_mem>>) src(%dma_wait3A_506 : memref<112xi32, #tpu.memory_space<hbm>>) dst(%arg15 : memref<112xi32, #tpu.memory_space<vmem>>)
      %dma_wait3A_507 = arith.constant 0 : i32
      %dma_wait3A_508 = arith.constant 0 : i32
      %dma_wait3A_509 = tpu.memref_slice %arg29[%dma_wait3A_507, %dma_wait3A_508] : memref<10000x128xf32, #tpu.memory_space<vmem_shared>> -> memref<10000x128xf32, #tpu.memory_space<vmem_shared>>
      tpu.wait_indirect_dma semaphore(%arg20 : memref<!tpu.dma_semaphore, #tpu.memory_space<semaphore_mem>>) src(%arg17 : memref<112x128xf32, #tpu.memory_space<vmem>>) dst(%dma_wait3A_509 : memref<10000x128xf32, #tpu.memory_space<vmem_shared>>)
      %get3A_510 = arith.constant 0 : index
      %get3A_511 = tpu.vector_load %arg15[%get3A_510] {strides = array<i32>} : memref<112xi32, #tpu.memory_space<vmem>>, vector<16xi32>,
      %get3A_512 = vector.shape_cast %get3A_511 : vector<16xi32> to vector<16xi32>
      %swap3A_513 = arith.constant 0 : index
      %swap3A_514 = tpu.vector_load %arg16[%swap3A_513] {strides = array<i32>} : memref<112xi32, #tpu.memory_space<vmem>>, vector<16xi32>,
      %swap3A_515 = vector.shape_cast %swap3A_514 : vector<16xi32> to vector<16xi32>
      %swap3A_516 = vector.shape_cast %get3A_512 : vector<16xi32> to vector<16xi32>
      tpu.vector_store %arg16[%swap3A_513], %swap3A_516 {strides = array<i32>} : memref<112xi32, #tpu.memory_space<vmem>>, vector<16xi32>,
      %get3A_517 = arith.constant 16 : index
      %get3A_518 = tpu.vector_load %arg15[%get3A_517] {strides = array<i32>} : memref<112xi32, #tpu.memory_space<vmem>>, vector<16xi32>,
      %get3A_519 = vector.shape_cast %get3A_518 : vector<16xi32> to vector<16xi32>
      %swap3A_520 = arith.constant 16 : index
      %swap3A_521 = tpu.vector_load %arg16[%swap3A_520] {strides = array<i32>} : memref<112xi32, #tpu.memory_space<vmem>>, vector<16xi32>,
      %swap3A_522 = vector.shape_cast %swap3A_521 : vector<16xi32> to vector<16xi32>
      %swap3A_523 = vector.shape_cast %get3A_519 : vector<16xi32> to vector<16xi32>
      tpu.vector_store %arg16[%swap3A_520], %swap3A_523 {strides = array<i32>} : memref<112xi32, #tpu.memory_space<vmem>>, vector<16xi32>,
      %get3A_524 = arith.constant 32 : index
      %get3A_525 = tpu.vector_load %arg15[%get3A_524] {strides = array<i32>} : memref<112xi32, #tpu.memory_space<vmem>>, vector<16xi32>,
      %get3A_526 = vector.shape_cast %get3A_525 : vector<16xi32> to vector<16xi32>
      %swap3A_527 = arith.constant 32 : index
      %swap3A_528 = tpu.vector_load %arg16[%swap3A_527] {strides = array<i32>} : memref<112xi32, #tpu.memory_space<vmem>>, vector<16xi32>,
      %swap3A_529 = vector.shape_cast %swap3A_528 : vector<16xi32> to vector<16xi32>
      %swap3A_530 = vector.shape_cast %get3A_526 : vector<16xi32> to vector<16xi32>
      tpu.vector_store %arg16[%swap3A_527], %swap3A_530 {strides = array<i32>} : memref<112xi32, #tpu.memory_space<vmem>>, vector<16xi32>,
      %get3A_531 = arith.constant 48 : index
      %get3A_532 = tpu.vector_load %arg15[%get3A_531] {strides = array<i32>} : memref<112xi32, #tpu.memory_space<vmem>>, vector<16xi32>,
      %get3A_533 = vector.shape_cast %get3A_532 : vector<16xi32> to vector<16xi32>
      %swap3A_534 = arith.constant 48 : index
      %swap3A_535 = tpu.vector_load %arg16[%swap3A_534] {strides = array<i32>} : memref<112xi32, #tpu.memory_space<vmem>>, vector<16xi32>,
      %swap3A_536 = vector.shape_cast %swap3A_535 : vector<16xi32> to vector<16xi32>
      %swap3A_537 = vector.shape_cast %get3A_533 : vector<16xi32> to vector<16xi32>
      tpu.vector_store %arg16[%swap3A_534], %swap3A_537 {strides = array<i32>} : memref<112xi32, #tpu.memory_space<vmem>>, vector<16xi32>,
      %get3A_538 = arith.constant 64 : index
      %get3A_539 = tpu.vector_load %arg15[%get3A_538] {strides = array<i32>} : memref<112xi32, #tpu.memory_space<vmem>>, vector<16xi32>,
      %get3A_540 = vector.shape_cast %get3A_539 : vector<16xi32> to vector<16xi32>
      %swap3A_541 = arith.constant 64 : index
      %swap3A_542 = tpu.vector_load %arg16[%swap3A_541] {strides = array<i32>} : memref<112xi32, #tpu.memory_space<vmem>>, vector<16xi32>,
      %swap3A_543 = vector.shape_cast %swap3A_542 : vector<16xi32> to vector<16xi32>
      %swap3A_544 = vector.shape_cast %get3A_540 : vector<16xi32> to vector<16xi32>
      tpu.vector_store %arg16[%swap3A_541], %swap3A_544 {strides = array<i32>} : memref<112xi32, #tpu.memory_space<vmem>>, vector<16xi32>,
      %get3A_545 = arith.constant 80 : index
      %get3A_546 = tpu.vector_load %arg15[%get3A_545] {strides = array<i32>} : memref<112xi32, #tpu.memory_space<vmem>>, vector<16xi32>,
      %get3A_547 = vector.shape_cast %get3A_546 : vector<16xi32> to vector<16xi32>
      %swap3A_548 = arith.constant 80 : index
      %swap3A_549 = tpu.vector_load %arg16[%swap3A_548] {strides = array<i32>} : memref<112xi32, #tpu.memory_space<vmem>>, vector<16xi32>,
      %swap3A_550 = vector.shape_cast %swap3A_549 : vector<16xi32> to vector<16xi32>
      %swap3A_551 = vector.shape_cast %get3A_547 : vector<16xi32> to vector<16xi32>
      tpu.vector_store %arg16[%swap3A_548], %swap3A_551 {strides = array<i32>} : memref<112xi32, #tpu.memory_space<vmem>>, vector<16xi32>,
      %get3A_552 = arith.constant 96 : index
      %get3A_553 = tpu.vector_load %arg15[%get3A_552] {strides = array<i32>} : memref<112xi32, #tpu.memory_space<vmem>>, vector<16xi32>,
      %get3A_554 = vector.shape_cast %get3A_553 : vector<16xi32> to vector<16xi32>
      %swap3A_555 = arith.constant 96 : index
      %swap3A_556 = tpu.vector_load %arg16[%swap3A_555] {strides = array<i32>} : memref<112xi32, #tpu.memory_space<vmem>>, vector<16xi32>,
      %swap3A_557 = vector.shape_cast %swap3A_556 : vector<16xi32> to vector<16xi32>
      %swap3A_558 = vector.shape_cast %get3A_554 : vector<16xi32> to vector<16xi32>
      tpu.vector_store %arg16[%swap3A_555], %swap3A_558 {strides = array<i32>} : memref<112xi32, #tpu.memory_space<vmem>>, vector<16xi32>,
      %dma_start3A_559 = arith.constant 0 : i32
      %dma_start3A_560 = arith.constant 0 : i32
      %dma_start3A_561 = tpu.memref_slice %arg2[%dma_start3A_559, %dma_start3A_560] : memref<10000x128xf32, #tpu.memory_space<hbm>> -> memref<10000x128xf32, #tpu.memory_space<hbm>>
      tpu.enqueue_indirect_dma source(%dma_start3A_561 : memref<10000x128xf32, #tpu.memory_space<hbm>>) target(%arg17 : memref<112x128xf32, #tpu.memory_space<vmem>>) offsets(%arg14 : memref<112xi32, #tpu.memory_space<vmem>>) semaphore(%arg19 : memref<!tpu.dma_semaphore, #tpu.memory_space<semaphore_mem>>)
      %dma_wait3A_562 = arith.constant 0 : i32
      %dma_wait3A_563 = arith.constant 0 : i32
      %dma_wait3A_564 = tpu.memref_slice %arg2[%dma_wait3A_562, %dma_wait3A_563] : memref<10000x128xf32, #tpu.memory_space<hbm>> -> memref<10000x128xf32, #tpu.memory_space<hbm>>
      tpu.wait_indirect_dma semaphore(%arg12 : memref<!tpu.dma_semaphore, #tpu.memory_space<semaphore_mem>>) src(%dma_wait3A_564 : memref<10000x128xf32, #tpu.memory_space<hbm>>) dst(%arg10 : memref<112x128xf32, #tpu.memory_space<vmem>>)
      %add3A_565 = arith.constant 2 : i32
      %add3A_566 = arith.addi %add3A_498, %add3A_565 : i32
      %mul3A_567 = arith.constant 112 : i32
      %mul3A_568 = arith.muli %add3A_566, %mul3A_567 : i32
      %add3A_569 = arith.addi %mul3A_2, %mul3A_568 : i32
      %dma_start3A_570 = tpu.memref_slice %arg3[%add3A_569] : memref<320000xi32, #tpu.memory_space<hbm>> -> memref<112xi32, #tpu.memory_space<hbm>>
      %dma_start3A_571 = tpu.memref_slice %arg3[%add3A_569] : memref<320000xi32, #tpu.memory_space<hbm>> -> memref<112xi32, #tpu.memory_space<hbm>>
      tpu.enqueue_dma source(%dma_start3A_571 : memref<112xi32, #tpu.memory_space<hbm>>) target(%arg7 : memref<112xi32, #tpu.memory_space<vmem>>) target_semaphore(%arg11 : memref<!tpu.dma_semaphore, #tpu.memory_space<semaphore_mem>>)
      %dma_start3A_572 = tpu.memref_slice %arg4[%add3A_569] : memref<320000xi32, #tpu.memory_space<hbm>> -> memref<112xi32, #tpu.memory_space<hbm>>
      %dma_start3A_573 = tpu.memref_slice %arg4[%add3A_569] : memref<320000xi32, #tpu.memory_space<hbm>> -> memref<112xi32, #tpu.memory_space<hbm>>
      tpu.enqueue_dma source(%dma_start3A_573 : memref<112xi32, #tpu.memory_space<hbm>>) target(%arg8 : memref<112xi32, #tpu.memory_space<vmem>>) target_semaphore(%arg11 : memref<!tpu.dma_semaphore, #tpu.memory_space<semaphore_mem>>)
      %dma_start3A_574 = arith.constant 0 : i32
      %dma_start3A_575 = arith.constant 0 : i32
      %dma_start3A_576 = tpu.memref_slice %arg29[%dma_start3A_574, %dma_start3A_575] : memref<10000x128xf32, #tpu.memory_space<vmem_shared>> -> memref<10000x128xf32, #tpu.memory_space<vmem_shared>>
      tpu.enqueue_indirect_dma source(%arg10 : memref<112x128xf32, #tpu.memory_space<vmem>>) target(%dma_start3A_576 : memref<10000x128xf32, #tpu.memory_space<vmem_shared>>) offsets(%arg9 : memref<112xi32, #tpu.memory_space<vmem>>) semaphore(%arg13 : memref<!tpu.dma_semaphore, #tpu.memory_space<semaphore_mem>>) {add = true}
      %add3A_577 = arith.constant 2 : i32
      %add3A_578 = arith.addi %mul3A_416, %add3A_577 : i32
      %dma_wait3A_579 = arith.constant 0 : i32
      %dma_wait3A_580 = tpu.memref_slice %arg3[%dma_wait3A_579] : memref<320000xi32, #tpu.memory_space<hbm>> -> memref<112xi32, #tpu.memory_space<hbm>>
      %dma_wait3A_581 = arith.constant 0 : i32
      %dma_wait3A_582 = tpu.memref_slice %arg3[%dma_wait3A_581] : memref<320000xi32, #tpu.memory_space<hbm>> -> memref<112xi32, #tpu.memory_space<hbm>>
      tpu.wait_dma2 semaphore(%arg25 : memref<!tpu.dma_semaphore, #tpu.memory_space<semaphore_mem>>) src(%dma_wait3A_582 : memref<112xi32, #tpu.memory_space<hbm>>) dst(%arg21 : memref<112xi32, #tpu.memory_space<vmem>>)
      %dma_wait3A_583 = arith.constant 0 : i32
      %dma_wait3A_584 = tpu.memref_slice %arg4[%dma_wait3A_583] : memref<320000xi32, #tpu.memory_space<hbm>> -> memref<112xi32, #tpu.memory_space<hbm>>
      %dma_wait3A_585 = arith.constant 0 : i32
      %dma_wait3A_586 = tpu.memref_slice %arg4[%dma_wait3A_585] : memref<320000xi32, #tpu.memory_space<hbm>> -> memref<112xi32, #tpu.memory_space<hbm>>
      tpu.wait_dma2 semaphore(%arg25 : memref<!tpu.dma_semaphore, #tpu.memory_space<semaphore_mem>>) src(%dma_wait3A_586 : memref<112xi32, #tpu.memory_space<hbm>>) dst(%arg22 : memref<112xi32, #tpu.memory_space<vmem>>)
      %dma_wait3A_587 = arith.constant 0 : i32
      %dma_wait3A_588 = arith.constant 0 : i32
      %dma_wait3A_589 = tpu.memref_slice %arg29[%dma_wait3A_587, %dma_wait3A_588] : memref<10000x128xf32, #tpu.memory_space<vmem_shared>> -> memref<10000x128xf32, #tpu.memory_space<vmem_shared>>
      tpu.wait_indirect_dma semaphore(%arg27 : memref<!tpu.dma_semaphore, #tpu.memory_space<semaphore_mem>>) src(%arg24 : memref<112x128xf32, #tpu.memory_space<vmem>>) dst(%dma_wait3A_589 : memref<10000x128xf32, #tpu.memory_space<vmem_shared>>)
      %get3A_590 = arith.constant 0 : index
      %get3A_591 = tpu.vector_load %arg22[%get3A_590] {strides = array<i32>} : memref<112xi32, #tpu.memory_space<vmem>>, vector<16xi32>,
      %get3A_592 = vector.shape_cast %get3A_591 : vector<16xi32> to vector<16xi32>
      %swap3A_593 = arith.constant 0 : index
      %swap3A_594 = tpu.vector_load %arg23[%swap3A_593] {strides = array<i32>} : memref<112xi32, #tpu.memory_space<vmem>>, vector<16xi32>,
      %swap3A_595 = vector.shape_cast %swap3A_594 : vector<16xi32> to vector<16xi32>
      %swap3A_596 = vector.shape_cast %get3A_592 : vector<16xi32> to vector<16xi32>
      tpu.vector_store %arg23[%swap3A_593], %swap3A_596 {strides = array<i32>} : memref<112xi32, #tpu.memory_space<vmem>>, vector<16xi32>,
      %get3A_597 = arith.constant 16 : index
      %get3A_598 = tpu.vector_load %arg22[%get3A_597] {strides = array<i32>} : memref<112xi32, #tpu.memory_space<vmem>>, vector<16xi32>,
      %get3A_599 = vector.shape_cast %get3A_598 : vector<16xi32> to vector<16xi32>
      %swap3A_600 = arith.constant 16 : index
      %swap3A_601 = tpu.vector_load %arg23[%swap3A_600] {strides = array<i32>} : memref<112xi32, #tpu.memory_space<vmem>>, vector<16xi32>,
      %swap3A_602 = vector.shape_cast %swap3A_601 : vector<16xi32> to vector<16xi32>
      %swap3A_603 = vector.shape_cast %get3A_599 : vector<16xi32> to vector<16xi32>
      tpu.vector_store %arg23[%swap3A_600], %swap3A_603 {strides = array<i32>} : memref<112xi32, #tpu.memory_space<vmem>>, vector<16xi32>,
      %get3A_604 = arith.constant 32 : index
      %get3A_605 = tpu.vector_load %arg22[%get3A_604] {strides = array<i32>} : memref<112xi32, #tpu.memory_space<vmem>>, vector<16xi32>,
      %get3A_606 = vector.shape_cast %get3A_605 : vector<16xi32> to vector<16xi32>
      %swap3A_607 = arith.constant 32 : index
      %swap3A_608 = tpu.vector_load %arg23[%swap3A_607] {strides = array<i32>} : memref<112xi32, #tpu.memory_space<vmem>>, vector<16xi32>,
      %swap3A_609 = vector.shape_cast %swap3A_608 : vector<16xi32> to vector<16xi32>
      %swap3A_610 = vector.shape_cast %get3A_606 : vector<16xi32> to vector<16xi32>
      tpu.vector_store %arg23[%swap3A_607], %swap3A_610 {strides = array<i32>} : memref<112xi32, #tpu.memory_space<vmem>>, vector<16xi32>,
      %get3A_611 = arith.constant 48 : index
      %get3A_612 = tpu.vector_load %arg22[%get3A_611] {strides = array<i32>} : memref<112xi32, #tpu.memory_space<vmem>>, vector<16xi32>,
      %get3A_613 = vector.shape_cast %get3A_612 : vector<16xi32> to vector<16xi32>
      %swap3A_614 = arith.constant 48 : index
      %swap3A_615 = tpu.vector_load %arg23[%swap3A_614] {strides = array<i32>} : memref<112xi32, #tpu.memory_space<vmem>>, vector<16xi32>,
      %swap3A_616 = vector.shape_cast %swap3A_615 : vector<16xi32> to vector<16xi32>
      %swap3A_617 = vector.shape_cast %get3A_613 : vector<16xi32> to vector<16xi32>
      tpu.vector_store %arg23[%swap3A_614], %swap3A_617 {strides = array<i32>} : memref<112xi32, #tpu.memory_space<vmem>>, vector<16xi32>,
      %get3A_618 = arith.constant 64 : index
      %get3A_619 = tpu.vector_load %arg22[%get3A_618] {strides = array<i32>} : memref<112xi32, #tpu.memory_space<vmem>>, vector<16xi32>,
      %get3A_620 = vector.shape_cast %get3A_619 : vector<16xi32> to vector<16xi32>
      %swap3A_621 = arith.constant 64 : index
      %swap3A_622 = tpu.vector_load %arg23[%swap3A_621] {strides = array<i32>} : memref<112xi32, #tpu.memory_space<vmem>>, vector<16xi32>,
      %swap3A_623 = vector.shape_cast %swap3A_622 : vector<16xi32> to vector<16xi32>
      %swap3A_624 = vector.shape_cast %get3A_620 : vector<16xi32> to vector<16xi32>
      tpu.vector_store %arg23[%swap3A_621], %swap3A_624 {strides = array<i32>} : memref<112xi32, #tpu.memory_space<vmem>>, vector<16xi32>,
      %get3A_625 = arith.constant 80 : index
      %get3A_626 = tpu.vector_load %arg22[%get3A_625] {strides = array<i32>} : memref<112xi32, #tpu.memory_space<vmem>>, vector<16xi32>,
      %get3A_627 = vector.shape_cast %get3A_626 : vector<16xi32> to vector<16xi32>
      %swap3A_628 = arith.constant 80 : index
      %swap3A_629 = tpu.vector_load %arg23[%swap3A_628] {strides = array<i32>} : memref<112xi32, #tpu.memory_space<vmem>>, vector<16xi32>,
      %swap3A_630 = vector.shape_cast %swap3A_629 : vector<16xi32> to vector<16xi32>
      %swap3A_631 = vector.shape_cast %get3A_627 : vector<16xi32> to vector<16xi32>
      tpu.vector_store %arg23[%swap3A_628], %swap3A_631 {strides = array<i32>} : memref<112xi32, #tpu.memory_space<vmem>>, vector<16xi32>,
      %get3A_632 = arith.constant 96 : index
      %get3A_633 = tpu.vector_load %arg22[%get3A_632] {strides = array<i32>} : memref<112xi32, #tpu.memory_space<vmem>>, vector<16xi32>,
      %get3A_634 = vector.shape_cast %get3A_633 : vector<16xi32> to vector<16xi32>
      %swap3A_635 = arith.constant 96 : index
      %swap3A_636 = tpu.vector_load %arg23[%swap3A_635] {strides = array<i32>} : memref<112xi32, #tpu.memory_space<vmem>>, vector<16xi32>,
      %swap3A_637 = vector.shape_cast %swap3A_636 : vector<16xi32> to vector<16xi32>
      %swap3A_638 = vector.shape_cast %get3A_634 : vector<16xi32> to vector<16xi32>
      tpu.vector_store %arg23[%swap3A_635], %swap3A_638 {strides = array<i32>} : memref<112xi32, #tpu.memory_space<vmem>>, vector<16xi32>,
      %dma_start3A_639 = arith.constant 0 : i32
      %dma_start3A_640 = arith.constant 0 : i32
      %dma_start3A_641 = tpu.memref_slice %arg2[%dma_start3A_639, %dma_start3A_640] : memref<10000x128xf32, #tpu.memory_space<hbm>> -> memref<10000x128xf32, #tpu.memory_space<hbm>>
      tpu.enqueue_indirect_dma source(%dma_start3A_641 : memref<10000x128xf32, #tpu.memory_space<hbm>>) target(%arg24 : memref<112x128xf32, #tpu.memory_space<vmem>>) offsets(%arg21 : memref<112xi32, #tpu.memory_space<vmem>>) semaphore(%arg26 : memref<!tpu.dma_semaphore, #tpu.memory_space<semaphore_mem>>)
      %dma_wait3A_642 = arith.constant 0 : i32
      %dma_wait3A_643 = arith.constant 0 : i32
      %dma_wait3A_644 = tpu.memref_slice %arg2[%dma_wait3A_642, %dma_wait3A_643] : memref<10000x128xf32, #tpu.memory_space<hbm>> -> memref<10000x128xf32, #tpu.memory_space<hbm>>
      tpu.wait_indirect_dma semaphore(%arg19 : memref<!tpu.dma_semaphore, #tpu.memory_space<semaphore_mem>>) src(%dma_wait3A_644 : memref<10000x128xf32, #tpu.memory_space<hbm>>) dst(%arg17 : memref<112x128xf32, #tpu.memory_space<vmem>>)
      %add3A_645 = arith.constant 2 : i32
      %add3A_646 = arith.addi %add3A_578, %add3A_645 : i32
      %mul3A_647 = arith.constant 112 : i32
      %mul3A_648 = arith.muli %add3A_646, %mul3A_647 : i32
      %add3A_649 = arith.addi %mul3A_2, %mul3A_648 : i32
      %dma_start3A_650 = tpu.memref_slice %arg3[%add3A_649] : memref<320000xi32, #tpu.memory_space<hbm>> -> memref<112xi32, #tpu.memory_space<hbm>>
      %dma_start3A_651 = tpu.memref_slice %arg3[%add3A_649] : memref<320000xi32, #tpu.memory_space<hbm>> -> memref<112xi32, #tpu.memory_space<hbm>>
      tpu.enqueue_dma source(%dma_start3A_651 : memref<112xi32, #tpu.memory_space<hbm>>) target(%arg14 : memref<112xi32, #tpu.memory_space<vmem>>) target_semaphore(%arg18 : memref<!tpu.dma_semaphore, #tpu.memory_space<semaphore_mem>>)
      %dma_start3A_652 = tpu.memref_slice %arg4[%add3A_649] : memref<320000xi32, #tpu.memory_space<hbm>> -> memref<112xi32, #tpu.memory_space<hbm>>
      %dma_start3A_653 = tpu.memref_slice %arg4[%add3A_649] : memref<320000xi32, #tpu.memory_space<hbm>> -> memref<112xi32, #tpu.memory_space<hbm>>
      tpu.enqueue_dma source(%dma_start3A_653 : memref<112xi32, #tpu.memory_space<hbm>>) target(%arg15 : memref<112xi32, #tpu.memory_space<vmem>>) target_semaphore(%arg18 : memref<!tpu.dma_semaphore, #tpu.memory_space<semaphore_mem>>)
      %dma_start3A_654 = arith.constant 0 : i32
      %dma_start3A_655 = arith.constant 0 : i32
      %dma_start3A_656 = tpu.memref_slice %arg29[%dma_start3A_654, %dma_start3A_655] : memref<10000x128xf32, #tpu.memory_space<vmem_shared>> -> memref<10000x128xf32, #tpu.memory_space<vmem_shared>>
      tpu.enqueue_indirect_dma source(%arg17 : memref<112x128xf32, #tpu.memory_space<vmem>>) target(%dma_start3A_656 : memref<10000x128xf32, #tpu.memory_space<vmem_shared>>) offsets(%arg16 : memref<112xi32, #tpu.memory_space<vmem>>) semaphore(%arg20 : memref<!tpu.dma_semaphore, #tpu.memory_space<semaphore_mem>>) {add = true}
    }
    %scan3A_231 = arith.constant 28 : i32
    %dma_wait3A_232 = arith.constant 0 : i32
    %dma_wait3A_233 = tpu.memref_slice %arg3[%dma_wait3A_232] : memref<320000xi32, #tpu.memory_space<hbm>> -> memref<112xi32, #tpu.memory_space<hbm>>
    %dma_wait3A_234 = arith.constant 0 : i32
    %dma_wait3A_235 = tpu.memref_slice %arg3[%dma_wait3A_234] : memref<320000xi32, #tpu.memory_space<hbm>> -> memref<112xi32, #tpu.memory_space<hbm>>
    tpu.wait_dma2 semaphore(%arg11 : memref<!tpu.dma_semaphore, #tpu.memory_space<semaphore_mem>>) src(%dma_wait3A_235 : memref<112xi32, #tpu.memory_space<hbm>>) dst(%arg7 : memref<112xi32, #tpu.memory_space<vmem>>)
    %dma_wait3A_236 = arith.constant 0 : i32
    %dma_wait3A_237 = tpu.memref_slice %arg4[%dma_wait3A_236] : memref<320000xi32, #tpu.memory_space<hbm>> -> memref<112xi32, #tpu.memory_space<hbm>>
    %dma_wait3A_238 = arith.constant 0 : i32
    %dma_wait3A_239 = tpu.memref_slice %arg4[%dma_wait3A_238] : memref<320000xi32, #tpu.memory_space<hbm>> -> memref<112xi32, #tpu.memory_space<hbm>>
    tpu.wait_dma2 semaphore(%arg11 : memref<!tpu.dma_semaphore, #tpu.memory_space<semaphore_mem>>) src(%dma_wait3A_239 : memref<112xi32, #tpu.memory_space<hbm>>) dst(%arg8 : memref<112xi32, #tpu.memory_space<vmem>>)
    %dma_wait3A_240 = arith.constant 0 : i32
    %dma_wait3A_241 = arith.constant 0 : i32
    %dma_wait3A_242 = tpu.memref_slice %arg29[%dma_wait3A_240, %dma_wait3A_241] : memref<10000x128xf32, #tpu.memory_space<vmem_shared>> -> memref<10000x128xf32, #tpu.memory_space<vmem_shared>>
    tpu.wait_indirect_dma semaphore(%arg13 : memref<!tpu.dma_semaphore, #tpu.memory_space<semaphore_mem>>) src(%arg10 : memref<112x128xf32, #tpu.memory_space<vmem>>) dst(%dma_wait3A_242 : memref<10000x128xf32, #tpu.memory_space<vmem_shared>>)
    %get3A_243 = arith.constant 0 : index
    %get3A_244 = tpu.vector_load %arg8[%get3A_243] {strides = array<i32>} : memref<112xi32, #tpu.memory_space<vmem>>, vector<16xi32>,
    %get3A_245 = vector.shape_cast %get3A_244 : vector<16xi32> to vector<16xi32>
    %swap3A_246 = arith.constant 0 : index
    %swap3A_247 = tpu.vector_load %arg9[%swap3A_246] {strides = array<i32>} : memref<112xi32, #tpu.memory_space<vmem>>, vector<16xi32>,
    %swap3A_248 = vector.shape_cast %swap3A_247 : vector<16xi32> to vector<16xi32>
    %swap3A_249 = vector.shape_cast %get3A_245 : vector<16xi32> to vector<16xi32>
    tpu.vector_store %arg9[%swap3A_246], %swap3A_249 {strides = array<i32>} : memref<112xi32, #tpu.memory_space<vmem>>, vector<16xi32>,
    %get3A_250 = arith.constant 16 : index
    %get3A_251 = tpu.vector_load %arg8[%get3A_250] {strides = array<i32>} : memref<112xi32, #tpu.memory_space<vmem>>, vector<16xi32>,
    %get3A_252 = vector.shape_cast %get3A_251 : vector<16xi32> to vector<16xi32>
    %swap3A_253 = arith.constant 16 : index
    %swap3A_254 = tpu.vector_load %arg9[%swap3A_253] {strides = array<i32>} : memref<112xi32, #tpu.memory_space<vmem>>, vector<16xi32>,
    %swap3A_255 = vector.shape_cast %swap3A_254 : vector<16xi32> to vector<16xi32>
    %swap3A_256 = vector.shape_cast %get3A_252 : vector<16xi32> to vector<16xi32>
    tpu.vector_store %arg9[%swap3A_253], %swap3A_256 {strides = array<i32>} : memref<112xi32, #tpu.memory_space<vmem>>, vector<16xi32>,
    %get3A_257 = arith.constant 32 : index
    %get3A_258 = tpu.vector_load %arg8[%get3A_257] {strides = array<i32>} : memref<112xi32, #tpu.memory_space<vmem>>, vector<16xi32>,
    %get3A_259 = vector.shape_cast %get3A_258 : vector<16xi32> to vector<16xi32>
    %swap3A_260 = arith.constant 32 : index
    %swap3A_261 = tpu.vector_load %arg9[%swap3A_260] {strides = array<i32>} : memref<112xi32, #tpu.memory_space<vmem>>, vector<16xi32>,
    %swap3A_262 = vector.shape_cast %swap3A_261 : vector<16xi32> to vector<16xi32>
    %swap3A_263 = vector.shape_cast %get3A_259 : vector<16xi32> to vector<16xi32>
    tpu.vector_store %arg9[%swap3A_260], %swap3A_263 {strides = array<i32>} : memref<112xi32, #tpu.memory_space<vmem>>, vector<16xi32>,
    %get3A_264 = arith.constant 48 : index
    %get3A_265 = tpu.vector_load %arg8[%get3A_264] {strides = array<i32>} : memref<112xi32, #tpu.memory_space<vmem>>, vector<16xi32>,
    %get3A_266 = vector.shape_cast %get3A_265 : vector<16xi32> to vector<16xi32>
    %swap3A_267 = arith.constant 48 : index
    %swap3A_268 = tpu.vector_load %arg9[%swap3A_267] {strides = array<i32>} : memref<112xi32, #tpu.memory_space<vmem>>, vector<16xi32>,
    %swap3A_269 = vector.shape_cast %swap3A_268 : vector<16xi32> to vector<16xi32>
    %swap3A_270 = vector.shape_cast %get3A_266 : vector<16xi32> to vector<16xi32>
    tpu.vector_store %arg9[%swap3A_267], %swap3A_270 {strides = array<i32>} : memref<112xi32, #tpu.memory_space<vmem>>, vector<16xi32>,
    %get3A_271 = arith.constant 64 : index
    %get3A_272 = tpu.vector_load %arg8[%get3A_271] {strides = array<i32>} : memref<112xi32, #tpu.memory_space<vmem>>, vector<16xi32>,
    %get3A_273 = vector.shape_cast %get3A_272 : vector<16xi32> to vector<16xi32>
    %swap3A_274 = arith.constant 64 : index
    %swap3A_275 = tpu.vector_load %arg9[%swap3A_274] {strides = array<i32>} : memref<112xi32, #tpu.memory_space<vmem>>, vector<16xi32>,
    %swap3A_276 = vector.shape_cast %swap3A_275 : vector<16xi32> to vector<16xi32>
    %swap3A_277 = vector.shape_cast %get3A_273 : vector<16xi32> to vector<16xi32>
    tpu.vector_store %arg9[%swap3A_274], %swap3A_277 {strides = array<i32>} : memref<112xi32, #tpu.memory_space<vmem>>, vector<16xi32>,
    %get3A_278 = arith.constant 80 : index
    %get3A_279 = tpu.vector_load %arg8[%get3A_278] {strides = array<i32>} : memref<112xi32, #tpu.memory_space<vmem>>, vector<16xi32>,
    %get3A_280 = vector.shape_cast %get3A_279 : vector<16xi32> to vector<16xi32>
    %swap3A_281 = arith.constant 80 : index
    %swap3A_282 = tpu.vector_load %arg9[%swap3A_281] {strides = array<i32>} : memref<112xi32, #tpu.memory_space<vmem>>, vector<16xi32>,
    %swap3A_283 = vector.shape_cast %swap3A_282 : vector<16xi32> to vector<16xi32>
    %swap3A_284 = vector.shape_cast %get3A_280 : vector<16xi32> to vector<16xi32>
    tpu.vector_store %arg9[%swap3A_281], %swap3A_284 {strides = array<i32>} : memref<112xi32, #tpu.memory_space<vmem>>, vector<16xi32>,
    %get3A_285 = arith.constant 96 : index
    %get3A_286 = tpu.vector_load %arg8[%get3A_285] {strides = array<i32>} : memref<112xi32, #tpu.memory_space<vmem>>, vector<16xi32>,
    %get3A_287 = vector.shape_cast %get3A_286 : vector<16xi32> to vector<16xi32>
    %swap3A_288 = arith.constant 96 : index
    %swap3A_289 = tpu.vector_load %arg9[%swap3A_288] {strides = array<i32>} : memref<112xi32, #tpu.memory_space<vmem>>, vector<16xi32>,
    %swap3A_290 = vector.shape_cast %swap3A_289 : vector<16xi32> to vector<16xi32>
    %swap3A_291 = vector.shape_cast %get3A_287 : vector<16xi32> to vector<16xi32>
    tpu.vector_store %arg9[%swap3A_288], %swap3A_291 {strides = array<i32>} : memref<112xi32, #tpu.memory_space<vmem>>, vector<16xi32>,
    %dma_start3A_292 = arith.constant 0 : i32
    %dma_start3A_293 = arith.constant 0 : i32
    %dma_start3A_294 = tpu.memref_slice %arg2[%dma_start3A_292, %dma_start3A_293] : memref<10000x128xf32, #tpu.memory_space<hbm>> -> memref<10000x128xf32, #tpu.memory_space<hbm>>
    tpu.enqueue_indirect_dma source(%dma_start3A_294 : memref<10000x128xf32, #tpu.memory_space<hbm>>) target(%arg10 : memref<112x128xf32, #tpu.memory_space<vmem>>) offsets(%arg7 : memref<112xi32, #tpu.memory_space<vmem>>) semaphore(%arg12 : memref<!tpu.dma_semaphore, #tpu.memory_space<semaphore_mem>>)
    %dma_wait3A_295 = arith.constant 0 : i32
    %dma_wait3A_296 = arith.constant 0 : i32
    %dma_wait3A_297 = tpu.memref_slice %arg2[%dma_wait3A_295, %dma_wait3A_296] : memref<10000x128xf32, #tpu.memory_space<hbm>> -> memref<10000x128xf32, #tpu.memory_space<hbm>>
    tpu.wait_indirect_dma semaphore(%arg26 : memref<!tpu.dma_semaphore, #tpu.memory_space<semaphore_mem>>) src(%dma_wait3A_297 : memref<10000x128xf32, #tpu.memory_space<hbm>>) dst(%arg24 : memref<112x128xf32, #tpu.memory_space<vmem>>)
    %dma_start3A_298 = arith.constant 0 : i32
    %dma_start3A_299 = arith.constant 0 : i32
    %dma_start3A_300 = tpu.memref_slice %arg29[%dma_start3A_298, %dma_start3A_299] : memref<10000x128xf32, #tpu.memory_space<vmem_shared>> -> memref<10000x128xf32, #tpu.memory_space<vmem_shared>>
    tpu.enqueue_indirect_dma source(%arg24 : memref<112x128xf32, #tpu.memory_space<vmem>>) target(%dma_start3A_300 : memref<10000x128xf32, #tpu.memory_space<vmem_shared>>) offsets(%arg23 : memref<112xi32, #tpu.memory_space<vmem>>) semaphore(%arg27 : memref<!tpu.dma_semaphore, #tpu.memory_space<semaphore_mem>>) {add = true}
    %dma_wait3A_301 = arith.constant 0 : i32
    %dma_wait3A_302 = tpu.memref_slice %arg3[%dma_wait3A_301] : memref<320000xi32, #tpu.memory_space<hbm>> -> memref<112xi32, #tpu.memory_space<hbm>>
    %dma_wait3A_303 = arith.constant 0 : i32
    %dma_wait3A_304 = tpu.memref_slice %arg3[%dma_wait3A_303] : memref<320000xi32, #tpu.memory_space<hbm>> -> memref<112xi32, #tpu.memory_space<hbm>>
    tpu.wait_dma2 semaphore(%arg18 : memref<!tpu.dma_semaphore, #tpu.memory_space<semaphore_mem>>) src(%dma_wait3A_304 : memref<112xi32, #tpu.memory_space<hbm>>) dst(%arg14 : memref<112xi32, #tpu.memory_space<vmem>>)
    %dma_wait3A_305 = arith.constant 0 : i32
    %dma_wait3A_306 = tpu.memref_slice %arg4[%dma_wait3A_305] : memref<320000xi32, #tpu.memory_space<hbm>> -> memref<112xi32, #tpu.memory_space<hbm>>
    %dma_wait3A_307 = arith.constant 0 : i32
    %dma_wait3A_308 = tpu.memref_slice %arg4[%dma_wait3A_307] : memref<320000xi32, #tpu.memory_space<hbm>> -> memref<112xi32, #tpu.memory_space<hbm>>
    tpu.wait_dma2 semaphore(%arg18 : memref<!tpu.dma_semaphore, #tpu.memory_space<semaphore_mem>>) src(%dma_wait3A_308 : memref<112xi32, #tpu.memory_space<hbm>>) dst(%arg15 : memref<112xi32, #tpu.memory_space<vmem>>)
    %dma_wait3A_309 = arith.constant 0 : i32
    %dma_wait3A_310 = arith.constant 0 : i32
    %dma_wait3A_311 = tpu.memref_slice %arg29[%dma_wait3A_309, %dma_wait3A_310] : memref<10000x128xf32, #tpu.memory_space<vmem_shared>> -> memref<10000x128xf32, #tpu.memory_space<vmem_shared>>
    tpu.wait_indirect_dma semaphore(%arg20 : memref<!tpu.dma_semaphore, #tpu.memory_space<semaphore_mem>>) src(%arg17 : memref<112x128xf32, #tpu.memory_space<vmem>>) dst(%dma_wait3A_311 : memref<10000x128xf32, #tpu.memory_space<vmem_shared>>)
    %get3A_312 = arith.constant 0 : index
    %get3A_313 = tpu.vector_load %arg15[%get3A_312] {strides = array<i32>} : memref<112xi32, #tpu.memory_space<vmem>>, vector<16xi32>,
    %get3A_314 = vector.shape_cast %get3A_313 : vector<16xi32> to vector<16xi32>
    %swap3A_315 = arith.constant 0 : index
    %swap3A_316 = tpu.vector_load %arg16[%swap3A_315] {strides = array<i32>} : memref<112xi32, #tpu.memory_space<vmem>>, vector<16xi32>,
    %swap3A_317 = vector.shape_cast %swap3A_316 : vector<16xi32> to vector<16xi32>
    %swap3A_318 = vector.shape_cast %get3A_314 : vector<16xi32> to vector<16xi32>
    tpu.vector_store %arg16[%swap3A_315], %swap3A_318 {strides = array<i32>} : memref<112xi32, #tpu.memory_space<vmem>>, vector<16xi32>,
    %get3A_319 = arith.constant 16 : index
    %get3A_320 = tpu.vector_load %arg15[%get3A_319] {strides = array<i32>} : memref<112xi32, #tpu.memory_space<vmem>>, vector<16xi32>,
    %get3A_321 = vector.shape_cast %get3A_320 : vector<16xi32> to vector<16xi32>
    %swap3A_322 = arith.constant 16 : index
    %swap3A_323 = tpu.vector_load %arg16[%swap3A_322] {strides = array<i32>} : memref<112xi32, #tpu.memory_space<vmem>>, vector<16xi32>,
    %swap3A_324 = vector.shape_cast %swap3A_323 : vector<16xi32> to vector<16xi32>
    %swap3A_325 = vector.shape_cast %get3A_321 : vector<16xi32> to vector<16xi32>
    tpu.vector_store %arg16[%swap3A_322], %swap3A_325 {strides = array<i32>} : memref<112xi32, #tpu.memory_space<vmem>>, vector<16xi32>,
    %get3A_326 = arith.constant 32 : index
    %get3A_327 = tpu.vector_load %arg15[%get3A_326] {strides = array<i32>} : memref<112xi32, #tpu.memory_space<vmem>>, vector<16xi32>,
    %get3A_328 = vector.shape_cast %get3A_327 : vector<16xi32> to vector<16xi32>
    %swap3A_329 = arith.constant 32 : index
    %swap3A_330 = tpu.vector_load %arg16[%swap3A_329] {strides = array<i32>} : memref<112xi32, #tpu.memory_space<vmem>>, vector<16xi32>,
    %swap3A_331 = vector.shape_cast %swap3A_330 : vector<16xi32> to vector<16xi32>
    %swap3A_332 = vector.shape_cast %get3A_328 : vector<16xi32> to vector<16xi32>
    tpu.vector_store %arg16[%swap3A_329], %swap3A_332 {strides = array<i32>} : memref<112xi32, #tpu.memory_space<vmem>>, vector<16xi32>,
    %get3A_333 = arith.constant 48 : index
    %get3A_334 = tpu.vector_load %arg15[%get3A_333] {strides = array<i32>} : memref<112xi32, #tpu.memory_space<vmem>>, vector<16xi32>,
    %get3A_335 = vector.shape_cast %get3A_334 : vector<16xi32> to vector<16xi32>
    %swap3A_336 = arith.constant 48 : index
    %swap3A_337 = tpu.vector_load %arg16[%swap3A_336] {strides = array<i32>} : memref<112xi32, #tpu.memory_space<vmem>>, vector<16xi32>,
    %swap3A_338 = vector.shape_cast %swap3A_337 : vector<16xi32> to vector<16xi32>
    %swap3A_339 = vector.shape_cast %get3A_335 : vector<16xi32> to vector<16xi32>
    tpu.vector_store %arg16[%swap3A_336], %swap3A_339 {strides = array<i32>} : memref<112xi32, #tpu.memory_space<vmem>>, vector<16xi32>,
    %get3A_340 = arith.constant 64 : index
    %get3A_341 = tpu.vector_load %arg15[%get3A_340] {strides = array<i32>} : memref<112xi32, #tpu.memory_space<vmem>>, vector<16xi32>,
    %get3A_342 = vector.shape_cast %get3A_341 : vector<16xi32> to vector<16xi32>
    %swap3A_343 = arith.constant 64 : index
    %swap3A_344 = tpu.vector_load %arg16[%swap3A_343] {strides = array<i32>} : memref<112xi32, #tpu.memory_space<vmem>>, vector<16xi32>,
    %swap3A_345 = vector.shape_cast %swap3A_344 : vector<16xi32> to vector<16xi32>
    %swap3A_346 = vector.shape_cast %get3A_342 : vector<16xi32> to vector<16xi32>
    tpu.vector_store %arg16[%swap3A_343], %swap3A_346 {strides = array<i32>} : memref<112xi32, #tpu.memory_space<vmem>>, vector<16xi32>,
    %get3A_347 = arith.constant 80 : index
    %get3A_348 = tpu.vector_load %arg15[%get3A_347] {strides = array<i32>} : memref<112xi32, #tpu.memory_space<vmem>>, vector<16xi32>,
    %get3A_349 = vector.shape_cast %get3A_348 : vector<16xi32> to vector<16xi32>
    %swap3A_350 = arith.constant 80 : index
    %swap3A_351 = tpu.vector_load %arg16[%swap3A_350] {strides = array<i32>} : memref<112xi32, #tpu.memory_space<vmem>>, vector<16xi32>,
    %swap3A_352 = vector.shape_cast %swap3A_351 : vector<16xi32> to vector<16xi32>
    %swap3A_353 = vector.shape_cast %get3A_349 : vector<16xi32> to vector<16xi32>
    tpu.vector_store %arg16[%swap3A_350], %swap3A_353 {strides = array<i32>} : memref<112xi32, #tpu.memory_space<vmem>>, vector<16xi32>,
    %get3A_354 = arith.constant 96 : index
    %get3A_355 = tpu.vector_load %arg15[%get3A_354] {strides = array<i32>} : memref<112xi32, #tpu.memory_space<vmem>>, vector<16xi32>,
    %get3A_356 = vector.shape_cast %get3A_355 : vector<16xi32> to vector<16xi32>
    %swap3A_357 = arith.constant 96 : index
    %swap3A_358 = tpu.vector_load %arg16[%swap3A_357] {strides = array<i32>} : memref<112xi32, #tpu.memory_space<vmem>>, vector<16xi32>,
    %swap3A_359 = vector.shape_cast %swap3A_358 : vector<16xi32> to vector<16xi32>
    %swap3A_360 = vector.shape_cast %get3A_356 : vector<16xi32> to vector<16xi32>
    tpu.vector_store %arg16[%swap3A_357], %swap3A_360 {strides = array<i32>} : memref<112xi32, #tpu.memory_space<vmem>>, vector<16xi32>,
    %dma_start3A_361 = arith.constant 0 : i32
    %dma_start3A_362 = arith.constant 0 : i32
    %dma_start3A_363 = tpu.memref_slice %arg2[%dma_start3A_361, %dma_start3A_362] : memref<10000x128xf32, #tpu.memory_space<hbm>> -> memref<10000x128xf32, #tpu.memory_space<hbm>>
    tpu.enqueue_indirect_dma source(%dma_start3A_363 : memref<10000x128xf32, #tpu.memory_space<hbm>>) target(%arg17 : memref<112x128xf32, #tpu.memory_space<vmem>>) offsets(%arg14 : memref<112xi32, #tpu.memory_space<vmem>>) semaphore(%arg19 : memref<!tpu.dma_semaphore, #tpu.memory_space<semaphore_mem>>)
    %dma_wait3A_364 = arith.constant 0 : i32
    %dma_wait3A_365 = arith.constant 0 : i32
    %dma_wait3A_366 = tpu.memref_slice %arg2[%dma_wait3A_364, %dma_wait3A_365] : memref<10000x128xf32, #tpu.memory_space<hbm>> -> memref<10000x128xf32, #tpu.memory_space<hbm>>
    tpu.wait_indirect_dma semaphore(%arg12 : memref<!tpu.dma_semaphore, #tpu.memory_space<semaphore_mem>>) src(%dma_wait3A_366 : memref<10000x128xf32, #tpu.memory_space<hbm>>) dst(%arg10 : memref<112x128xf32, #tpu.memory_space<vmem>>)
    %dma_start3A_367 = arith.constant 0 : i32
    %dma_start3A_368 = arith.constant 0 : i32
    %dma_start3A_369 = tpu.memref_slice %arg29[%dma_start3A_367, %dma_start3A_368] : memref<10000x128xf32, #tpu.memory_space<vmem_shared>> -> memref<10000x128xf32, #tpu.memory_space<vmem_shared>>
    tpu.enqueue_indirect_dma source(%arg10 : memref<112x128xf32, #tpu.memory_space<vmem>>) target(%dma_start3A_369 : memref<10000x128xf32, #tpu.memory_space<vmem_shared>>) offsets(%arg9 : memref<112xi32, #tpu.memory_space<vmem>>) semaphore(%arg13 : memref<!tpu.dma_semaphore, #tpu.memory_space<semaphore_mem>>) {add = true}
    %dma_wait3A_370 = arith.constant 0 : i32
    %dma_wait3A_371 = arith.constant 0 : i32
    %dma_wait3A_372 = tpu.memref_slice %arg2[%dma_wait3A_370, %dma_wait3A_371] : memref<10000x128xf32, #tpu.memory_space<hbm>> -> memref<10000x128xf32, #tpu.memory_space<hbm>>
    tpu.wait_indirect_dma semaphore(%arg19 : memref<!tpu.dma_semaphore, #tpu.memory_space<semaphore_mem>>) src(%dma_wait3A_372 : memref<10000x128xf32, #tpu.memory_space<hbm>>) dst(%arg17 : memref<112x128xf32, #tpu.memory_space<vmem>>)
    %dma_start3A_373 = arith.constant 0 : i32
    %dma_start3A_374 = arith.constant 0 : i32
    %dma_start3A_375 = tpu.memref_slice %arg29[%dma_start3A_373, %dma_start3A_374] : memref<10000x128xf32, #tpu.memory_space<vmem_shared>> -> memref<10000x128xf32, #tpu.memory_space<vmem_shared>>
    tpu.enqueue_indirect_dma source(%arg17 : memref<112x128xf32, #tpu.memory_space<vmem>>) target(%dma_start3A_375 : memref<10000x128xf32, #tpu.memory_space<vmem_shared>>) offsets(%arg16 : memref<112xi32, #tpu.memory_space<vmem>>) semaphore(%arg20 : memref<!tpu.dma_semaphore, #tpu.memory_space<semaphore_mem>>) {add = true}
    %add3A_376 = arith.constant 9968 : i32
    %add3A_377 = arith.addi %mul3A_2, %add3A_376 : i32
    %dma_wait3A_378 = arith.constant 0 : i32
    %dma_wait3A_379 = arith.constant 0 : i32
    %dma_wait3A_380 = tpu.memref_slice %arg29[%dma_wait3A_378, %dma_wait3A_379] : memref<10000x128xf32, #tpu.memory_space<vmem_shared>> -> memref<10000x128xf32, #tpu.memory_space<vmem_shared>>
    tpu.wait_indirect_dma semaphore(%arg27 : memref<!tpu.dma_semaphore, #tpu.memory_space<semaphore_mem>>) src(%arg24 : memref<112x128xf32, #tpu.memory_space<vmem>>) dst(%dma_wait3A_380 : memref<10000x128xf32, #tpu.memory_space<vmem_shared>>)
    %dma_wait3A_381 = arith.constant 0 : i32
    %dma_wait3A_382 = arith.constant 0 : i32
    %dma_wait3A_383 = tpu.memref_slice %arg29[%dma_wait3A_381, %dma_wait3A_382] : memref<10000x128xf32, #tpu.memory_space<vmem_shared>> -> memref<10000x128xf32, #tpu.memory_space<vmem_shared>>
    tpu.wait_indirect_dma semaphore(%arg13 : memref<!tpu.dma_semaphore, #tpu.memory_space<semaphore_mem>>) src(%arg10 : memref<112x128xf32, #tpu.memory_space<vmem>>) dst(%dma_wait3A_383 : memref<10000x128xf32, #tpu.memory_space<vmem_shared>>)
    "tpu.region"() ({
      %run_scoped3A = tpu.sem_alloc : memref<!tpu.dma_semaphore, #tpu.memory_space<semaphore_mem>>
      %dma_start3A_414 = arith.constant 0 : i32
      %dma_start3A_415 = tpu.memref_slice %arg7[%dma_start3A_414] : memref<112xi32, #tpu.memory_space<vmem>> -> memref<32xi32, #tpu.memory_space<vmem>>
      %dma_start3A_416 = tpu.memref_slice %arg3[%add3A_377] : memref<320000xi32, #tpu.memory_space<hbm>> -> memref<32xi32, #tpu.memory_space<hbm>>
      %dma_start3A_417 = arith.constant 0 : i32
      %dma_start3A_418 = tpu.memref_slice %arg7[%dma_start3A_417] : memref<112xi32, #tpu.memory_space<vmem>> -> memref<32xi32, #tpu.memory_space<vmem>>
      %dma_start3A_419 = tpu.memref_slice %arg3[%add3A_377] : memref<320000xi32, #tpu.memory_space<hbm>> -> memref<32xi32, #tpu.memory_space<hbm>>
      tpu.enqueue_dma source(%dma_start3A_419 : memref<32xi32, #tpu.memory_space<hbm>>) target(%dma_start3A_418 : memref<32xi32, #tpu.memory_space<vmem>>) target_semaphore(%run_scoped3A : memref<!tpu.dma_semaphore, #tpu.memory_space<semaphore_mem>>)
      %dma_wait3A_420 = arith.constant 0 : i32
      %dma_wait3A_421 = tpu.memref_slice %arg7[%dma_wait3A_420] : memref<112xi32, #tpu.memory_space<vmem>> -> memref<32xi32, #tpu.memory_space<vmem>>
      %dma_wait3A_422 = tpu.memref_slice %arg3[%add3A_377] : memref<320000xi32, #tpu.memory_space<hbm>> -> memref<32xi32, #tpu.memory_space<hbm>>
      %dma_wait3A_423 = arith.constant 0 : i32
      %dma_wait3A_424 = tpu.memref_slice %arg7[%dma_wait3A_423] : memref<112xi32, #tpu.memory_space<vmem>> -> memref<32xi32, #tpu.memory_space<vmem>>
      %dma_wait3A_425 = tpu.memref_slice %arg3[%add3A_377] : memref<320000xi32, #tpu.memory_space<hbm>> -> memref<32xi32, #tpu.memory_space<hbm>>
      tpu.wait_dma2 semaphore(%run_scoped3A : memref<!tpu.dma_semaphore, #tpu.memory_space<semaphore_mem>>) src(%dma_wait3A_425 : memref<32xi32, #tpu.memory_space<hbm>>) dst(%dma_wait3A_424 : memref<32xi32, #tpu.memory_space<vmem>>)
      tpu.yield
    }) : () -> ()
    "tpu.region"() ({
      %run_scoped3A = tpu.sem_alloc : memref<!tpu.dma_semaphore, #tpu.memory_space<semaphore_mem>>
      %dma_start3A_414 = tpu.memref_slice %arg4[%add3A_377] : memref<320000xi32, #tpu.memory_space<hbm>> -> memref<32xi32, #tpu.memory_space<hbm>>
      %dma_start3A_415 = tpu.memref_slice %arg4[%add3A_377] : memref<320000xi32, #tpu.memory_space<hbm>> -> memref<32xi32, #tpu.memory_space<hbm>>
      tpu.enqueue_dma source(%dma_start3A_415 : memref<32xi32, #tpu.memory_space<hbm>>) target(%arg28 : memref<32xi32, #tpu.memory_space<vmem>>) target_semaphore(%run_scoped3A : memref<!tpu.dma_semaphore, #tpu.memory_space<semaphore_mem>>)
      %dma_wait3A_416 = tpu.memref_slice %arg4[%add3A_377] : memref<320000xi32, #tpu.memory_space<hbm>> -> memref<32xi32, #tpu.memory_space<hbm>>
      %dma_wait3A_417 = tpu.memref_slice %arg4[%add3A_377] : memref<320000xi32, #tpu.memory_space<hbm>> -> memref<32xi32, #tpu.memory_space<hbm>>
      tpu.wait_dma2 semaphore(%run_scoped3A : memref<!tpu.dma_semaphore, #tpu.memory_space<semaphore_mem>>) src(%dma_wait3A_417 : memref<32xi32, #tpu.memory_space<hbm>>) dst(%arg28 : memref<32xi32, #tpu.memory_space<vmem>>)
      tpu.yield
    }) : () -> ()
    %dma_start3A_384 = arith.constant 0 : i32
    %dma_start3A_385 = arith.constant 0 : i32
    %dma_start3A_386 = tpu.memref_slice %arg10[%dma_start3A_384, %dma_start3A_385] : memref<112x128xf32, #tpu.memory_space<vmem>> -> memref<32x128xf32, #tpu.memory_space<vmem>>
    %dma_start3A_387 = arith.constant 0 : i32
    %dma_start3A_388 = tpu.memref_slice %arg7[%dma_start3A_387] : memref<112xi32, #tpu.memory_space<vmem>> -> memref<32xi32, #tpu.memory_space<vmem>>
    %dma_start3A_389 = arith.constant 0 : i32
    %dma_start3A_390 = arith.constant 0 : i32
    %dma_start3A_391 = tpu.memref_slice %arg2[%dma_start3A_389, %dma_start3A_390] : memref<10000x128xf32, #tpu.memory_space<hbm>> -> memref<10000x128xf32, #tpu.memory_space<hbm>>
    tpu.enqueue_indirect_dma source(%dma_start3A_391 : memref<10000x128xf32, #tpu.memory_space<hbm>>) target(%dma_start3A_386 : memref<32x128xf32, #tpu.memory_space<vmem>>) offsets(%dma_start3A_388 : memref<32xi32, #tpu.memory_space<vmem>>) semaphore(%arg12 : memref<!tpu.dma_semaphore, #tpu.memory_space<semaphore_mem>>)
    %dma_wait3A_392 = arith.constant 0 : i32
    %dma_wait3A_393 = arith.constant 0 : i32
    %dma_wait3A_394 = tpu.memref_slice %arg10[%dma_wait3A_392, %dma_wait3A_393] : memref<112x128xf32, #tpu.memory_space<vmem>> -> memref<32x128xf32, #tpu.memory_space<vmem>>
    %dma_wait3A_395 = arith.constant 0 : i32
    %dma_wait3A_396 = tpu.memref_slice %arg7[%dma_wait3A_395] : memref<112xi32, #tpu.memory_space<vmem>> -> memref<32xi32, #tpu.memory_space<vmem>>
    %dma_wait3A_397 = arith.constant 0 : i32
    %dma_wait3A_398 = arith.constant 0 : i32
    %dma_wait3A_399 = tpu.memref_slice %arg2[%dma_wait3A_397, %dma_wait3A_398] : memref<10000x128xf32, #tpu.memory_space<hbm>> -> memref<10000x128xf32, #tpu.memory_space<hbm>>
    tpu.wait_indirect_dma semaphore(%arg12 : memref<!tpu.dma_semaphore, #tpu.memory_space<semaphore_mem>>) src(%dma_wait3A_399 : memref<10000x128xf32, #tpu.memory_space<hbm>>) dst(%dma_wait3A_394 : memref<32x128xf32, #tpu.memory_space<vmem>>)
    "tpu.region"() ({
      %run_scoped3A = tpu.sem_alloc : memref<!tpu.dma_semaphore, #tpu.memory_space<semaphore_mem>>
      %dma_start3A_414 = arith.constant 0 : i32
      %dma_start3A_415 = arith.constant 0 : i32
      %dma_start3A_416 = tpu.memref_slice %arg10[%dma_start3A_414, %dma_start3A_415] : memref<112x128xf32, #tpu.memory_space<vmem>> -> memref<32x128xf32, #tpu.memory_space<vmem>>
      %dma_start3A_417 = arith.constant 0 : i32
      %dma_start3A_418 = arith.constant 0 : i32
      %dma_start3A_419 = tpu.memref_slice %arg29[%dma_start3A_417, %dma_start3A_418] : memref<10000x128xf32, #tpu.memory_space<vmem_shared>> -> memref<10000x128xf32, #tpu.memory_space<vmem_shared>>
      tpu.enqueue_indirect_dma source(%dma_start3A_416 : memref<32x128xf32, #tpu.memory_space<vmem>>) target(%dma_start3A_419 : memref<10000x128xf32, #tpu.memory_space<vmem_shared>>) offsets(%arg28 : memref<32xi32, #tpu.memory_space<vmem>>) semaphore(%run_scoped3A : memref<!tpu.dma_semaphore, #tpu.memory_space<semaphore_mem>>) {add = true}
      %dma_wait3A_420 = arith.constant 0 : i32
      %dma_wait3A_421 = arith.constant 0 : i32
      %dma_wait3A_422 = tpu.memref_slice %arg10[%dma_wait3A_420, %dma_wait3A_421] : memref<112x128xf32, #tpu.memory_space<vmem>> -> memref<32x128xf32, #tpu.memory_space<vmem>>
      %dma_wait3A_423 = arith.constant 0 : i32
      %dma_wait3A_424 = arith.constant 0 : i32
      %dma_wait3A_425 = tpu.memref_slice %arg29[%dma_wait3A_423, %dma_wait3A_424] : memref<10000x128xf32, #tpu.memory_space<vmem_shared>> -> memref<10000x128xf32, #tpu.memory_space<vmem_shared>>
      tpu.wait_indirect_dma semaphore(%run_scoped3A : memref<!tpu.dma_semaphore, #tpu.memory_space<semaphore_mem>>) src(%dma_wait3A_422 : memref<32x128xf32, #tpu.memory_space<vmem>>) dst(%dma_wait3A_425 : memref<10000x128xf32, #tpu.memory_space<vmem_shared>>)
      tpu.yield
    }) : () -> ()
    %dma_wait3A_400 = arith.constant 0 : i32
    %dma_wait3A_401 = arith.constant 0 : i32
    %dma_wait3A_402 = tpu.memref_slice %arg29[%dma_wait3A_400, %dma_wait3A_401] : memref<10000x128xf32, #tpu.memory_space<vmem_shared>> -> memref<10000x128xf32, #tpu.memory_space<vmem_shared>>
    tpu.wait_indirect_dma semaphore(%arg20 : memref<!tpu.dma_semaphore, #tpu.memory_space<semaphore_mem>>) src(%arg17 : memref<112x128xf32, #tpu.memory_space<vmem>>) dst(%dma_wait3A_402 : memref<10000x128xf32, #tpu.memory_space<vmem_shared>>)
    %barrier3A_403 = arith.constant 0 : index
    tpu.barrier barrier_id(%barrier3A_403)
    %lt3A_404 = arith.constant 15 : i32
    %lt3A_405 = arith.cmpi slt, %arg1, %lt3A_404 : i32
    %convert_element_type3A_406 = arith.extui %lt3A_405 : i1 to i32
    %cond3A_407 = arith.constant 0 : i32
    %cond3A_408 = arith.cmpi ne, %convert_element_type3A_406, %cond3A_407 : i32
    scf.if %cond3A_408 {
      %mul3A_414 = arith.constant 632 : i32
      %mul3A_415 = arith.muli %arg1, %mul3A_414 : i32
      %mul3A_416 = arith.constant 10000 : i32
      %mul3A_417 = arith.muli %arg0, %mul3A_416 : i32
      %mul3A_418 = arith.constant 632 : i32
      %mul3A_419 = arith.muli %arg1, %mul3A_418 : i32
      %add3A_420 = arith.addi %mul3A_417, %mul3A_419 : i32
      "tpu.region"() ({
        %run_scoped3A = tpu.sem_alloc : memref<!tpu.dma_semaphore, #tpu.memory_space<semaphore_mem>>
        %dma_start3A_421 = arith.constant 0 : i32
        %dma_start3A_422 = tpu.memref_slice %arg6[%add3A_420, %dma_start3A_421] : memref<20000x128xf32, #tpu.memory_space<hbm>> -> memref<632x128xf32, #tpu.memory_space<hbm>>
        %dma_start3A_423 = arith.constant 0 : i32
        %dma_start3A_424 = tpu.memref_slice %arg29[%mul3A_415, %dma_start3A_423] : memref<10000x128xf32, #tpu.memory_space<vmem_shared>> -> memref<632x128xf32, #tpu.memory_space<vmem_shared>>
        tpu.enqueue_dma source(%dma_start3A_424 : memref<632x128xf32, #tpu.memory_space<vmem_shared>>) target(%dma_start3A_422 : memref<632x128xf32, #tpu.memory_space<hbm>>) target_semaphore(%run_scoped3A : memref<!tpu.dma_semaphore, #tpu.memory_space<semaphore_mem>>)
        %dma_wait3A_425 = arith.constant 0 : i32
        %dma_wait3A_426 = tpu.memref_slice %arg6[%add3A_420, %dma_wait3A_425] : memref<20000x128xf32, #tpu.memory_space<hbm>> -> memref<632x128xf32, #tpu.memory_space<hbm>>
        %dma_wait3A_427 = arith.constant 0 : i32
        %dma_wait3A_428 = tpu.memref_slice %arg29[%mul3A_415, %dma_wait3A_427] : memref<10000x128xf32, #tpu.memory_space<vmem_shared>> -> memref<632x128xf32, #tpu.memory_space<vmem_shared>>
        tpu.wait_dma2 semaphore(%run_scoped3A : memref<!tpu.dma_semaphore, #tpu.memory_space<semaphore_mem>>) src(%dma_wait3A_428 : memref<632x128xf32, #tpu.memory_space<vmem_shared>>) dst(%dma_wait3A_426 : memref<632x128xf32, #tpu.memory_space<hbm>>)
        tpu.yield
      }) : () -> ()
    } else {
    }
    %eq3A_409 = arith.constant 15 : i32
    %eq3A_410 = arith.cmpi eq, %arg1, %eq3A_409 : i32
    %convert_element_type3A_411 = arith.extui %eq3A_410 : i1 to i32
    %cond3A_412 = arith.constant 0 : i32
    %cond3A_413 = arith.cmpi ne, %convert_element_type3A_411, %cond3A_412 : i32
    scf.if %cond3A_413 {
      %mul3A_414 = arith.constant 10000 : i32
      %mul3A_415 = arith.muli %arg0, %mul3A_414 : i32
      %add3A_416 = arith.constant 9480 : i32
      %add3A_417 = arith.addi %mul3A_415, %add3A_416 : i32
      "tpu.region"() ({
        %run_scoped3A = tpu.sem_alloc : memref<!tpu.dma_semaphore, #tpu.memory_space<semaphore_mem>>
        %dma_start3A_418 = arith.constant 0 : i32
        %dma_start3A_419 = tpu.memref_slice %arg6[%add3A_417, %dma_start3A_418] : memref<20000x128xf32, #tpu.memory_space<hbm>> -> memref<520x128xf32, #tpu.memory_space<hbm>>
        %dma_start3A_420 = arith.constant 9480 : i32
        %dma_start3A_421 = arith.constant 0 : i32
        %dma_start3A_422 = tpu.memref_slice %arg29[%dma_start3A_420, %dma_start3A_421] : memref<10000x128xf32, #tpu.memory_space<vmem_shared>> -> memref<520x128xf32, #tpu.memory_space<vmem_shared>>
        tpu.enqueue_dma source(%dma_start3A_422 : memref<520x128xf32, #tpu.memory_space<vmem_shared>>) target(%dma_start3A_419 : memref<520x128xf32, #tpu.memory_space<hbm>>) target_semaphore(%run_scoped3A : memref<!tpu.dma_semaphore, #tpu.memory_space<semaphore_mem>>)
        %dma_wait3A_423 = arith.constant 0 : i32
        %dma_wait3A_424 = tpu.memref_slice %arg6[%add3A_417, %dma_wait3A_423] : memref<20000x128xf32, #tpu.memory_space<hbm>> -> memref<520x128xf32, #tpu.memory_space<hbm>>
        %dma_wait3A_425 = arith.constant 9480 : i32
        %dma_wait3A_426 = arith.constant 0 : i32
        %dma_wait3A_427 = tpu.memref_slice %arg29[%dma_wait3A_425, %dma_wait3A_426] : memref<10000x128xf32, #tpu.memory_space<vmem_shared>> -> memref<520x128xf32, #tpu.memory_space<vmem_shared>>
        tpu.wait_dma2 semaphore(%run_scoped3A : memref<!tpu.dma_semaphore, #tpu.memory_space<semaphore_mem>>) src(%dma_wait3A_427 : memref<520x128xf32, #tpu.memory_space<vmem_shared>>) dst(%dma_wait3A_424 : memref<520x128xf32, #tpu.memory_space<hbm>>)
        tpu.yield
      }) : () -> ()
    } else {
    }
    return
  }
}

#map = affine_map<(d0, d1) -> (0, 0)>
#map1 = affine_map<(d0, d1) -> (0)>
module attributes {stable_mosaic.version = 14 : i64} {
  func.func @agg_kernel(%arg0: i32, %arg1: i32, %arg2: memref<10000x128xf32, #tpu.memory_space<hbm>>, %arg3: memref<320000xi32, #tpu.memory_space<hbm>>, %arg4: memref<320000xi32, #tpu.memory_space<hbm>>, %arg5: memref<10000x128xf32, #tpu.memory_space<hbm>>, %arg6: memref<20000x128xf32, #tpu.memory_space<hbm>>, %arg7: memref<112xi32, #tpu.memory_space<vmem>>, %arg8: memref<112xi32, #tpu.memory_space<vmem>>, %arg9: memref<112xi32, #tpu.memory_space<vmem>>, %arg10: memref<112x128xf32, #tpu.memory_space<vmem>>, %arg11: memref<!tpu.dma_semaphore, #tpu.memory_space<semaphore_mem>>, %arg12: memref<!tpu.dma_semaphore, #tpu.memory_space<semaphore_mem>>, %arg13: memref<!tpu.dma_semaphore, #tpu.memory_space<semaphore_mem>>, %arg14: memref<112xi32, #tpu.memory_space<vmem>>, %arg15: memref<112xi32, #tpu.memory_space<vmem>>, %arg16: memref<112xi32, #tpu.memory_space<vmem>>, %arg17: memref<112x128xf32, #tpu.memory_space<vmem>>, %arg18: memref<!tpu.dma_semaphore, #tpu.memory_space<semaphore_mem>>, %arg19: memref<!tpu.dma_semaphore, #tpu.memory_space<semaphore_mem>>, %arg20: memref<!tpu.dma_semaphore, #tpu.memory_space<semaphore_mem>>, %arg21: memref<112xi32, #tpu.memory_space<vmem>>, %arg22: memref<112xi32, #tpu.memory_space<vmem>>, %arg23: memref<112xi32, #tpu.memory_space<vmem>>, %arg24: memref<112x128xf32, #tpu.memory_space<vmem>>, %arg25: memref<!tpu.dma_semaphore, #tpu.memory_space<semaphore_mem>>, %arg26: memref<!tpu.dma_semaphore, #tpu.memory_space<semaphore_mem>>, %arg27: memref<!tpu.dma_semaphore, #tpu.memory_space<semaphore_mem>>, %arg28: memref<32xi32, #tpu.memory_space<vmem>>, %arg29: memref<10000x128xf32, #tpu.memory_space<vmem_shared>>) attributes {dimension_semantics = [#tpu.dimension_semantics<core_parallel>, #tpu.dimension_semantics<subcore_parallel>], iteration_bounds = array<i64: 2, 16>, scalar_prefetch = 0 : i64, scratch_operands = 23 : i64, tpu.core_type = #tpu.core_type<sc_vector_subcore>, window_params = [{transform_indices = #map}, {transform_indices = #map1}, {transform_indices = #map1}, {transform_indices = #map}, {transform_indices = #map}]} {
    %mul3A = arith.constant 2 : i32
    %mul3A_0 = arith.muli %arg1, %mul3A : i32
    %add3A = arith.addi %mul3A_0, %arg0 : i32
    %mul3A_1 = arith.constant 10000 : i32
    %mul3A_2 = arith.muli %add3A, %mul3A_1 : i32
    %lt3A = arith.constant 15 : i32
    %lt3A_3 = arith.cmpi slt, %arg1, %lt3A : i32
    %convert_element_type3A = arith.extui %lt3A_3 : i1 to i32
    %cond3A = arith.constant 0 : i32
    %cond3A_4 = arith.cmpi ne, %convert_element_type3A, %cond3A : i32
    scf.if %cond3A_4 {
      %mul3A_414 = arith.constant 632 : i32
      %mul3A_415 = arith.muli %arg1, %mul3A_414 : i32
      %mul3A_416 = arith.constant 632 : i32
      %mul3A_417 = arith.muli %arg1, %mul3A_416 : i32
      "tpu.region"() ({
        %run_scoped3A = tpu.sem_alloc : memref<!tpu.dma_semaphore, #tpu.memory_space<semaphore_mem>>
        %dma_start3A_418 = arith.constant 0 : i32
        %dma_start3A_419 = tpu.memref_slice %arg29[%mul3A_417, %dma_start3A_418] : memref<10000x128xf32, #tpu.memory_space<vmem_shared>> -> memref<632x128xf32, #tpu.memory_space<vmem_shared>>
        %dma_start3A_420 = arith.constant 0 : i32
        %dma_start3A_421 = tpu.memref_slice %arg5[%mul3A_415, %dma_start3A_420] : memref<10000x128xf32, #tpu.memory_space<hbm>> -> memref<632x128xf32, #tpu.memory_space<hbm>>
        tpu.enqueue_dma source(%dma_start3A_421 : memref<632x128xf32, #tpu.memory_space<hbm>>) target(%dma_start3A_419 : memref<632x128xf32, #tpu.memory_space<vmem_shared>>) target_semaphore(%run_scoped3A : memref<!tpu.dma_semaphore, #tpu.memory_space<semaphore_mem>>)
        %dma_wait3A_422 = arith.constant 0 : i32
        %dma_wait3A_423 = tpu.memref_slice %arg29[%mul3A_417, %dma_wait3A_422] : memref<10000x128xf32, #tpu.memory_space<vmem_shared>> -> memref<632x128xf32, #tpu.memory_space<vmem_shared>>
        %dma_wait3A_424 = arith.constant 0 : i32
        %dma_wait3A_425 = tpu.memref_slice %arg5[%mul3A_415, %dma_wait3A_424] : memref<10000x128xf32, #tpu.memory_space<hbm>> -> memref<632x128xf32, #tpu.memory_space<hbm>>
        tpu.wait_dma2 semaphore(%run_scoped3A : memref<!tpu.dma_semaphore, #tpu.memory_space<semaphore_mem>>) src(%dma_wait3A_425 : memref<632x128xf32, #tpu.memory_space<hbm>>) dst(%dma_wait3A_423 : memref<632x128xf32, #tpu.memory_space<vmem_shared>>)
        tpu.yield
      }) : () -> ()
    } else {
    }
    %eq3A = arith.constant 15 : i32
    %eq3A_5 = arith.cmpi eq, %arg1, %eq3A : i32
    %convert_element_type3A_6 = arith.extui %eq3A_5 : i1 to i32
    %cond3A_7 = arith.constant 0 : i32
    %cond3A_8 = arith.cmpi ne, %convert_element_type3A_6, %cond3A_7 : i32
    scf.if %cond3A_8 {
      "tpu.region"() ({
        %run_scoped3A = tpu.sem_alloc : memref<!tpu.dma_semaphore, #tpu.memory_space<semaphore_mem>>
        %dma_start3A_414 = arith.constant 9480 : i32
        %dma_start3A_415 = arith.constant 0 : i32
        %dma_start3A_416 = tpu.memref_slice %arg29[%dma_start3A_414, %dma_start3A_415] : memref<10000x128xf32, #tpu.memory_space<vmem_shared>> -> memref<520x128xf32, #tpu.memory_space<vmem_shared>>
        %dma_start3A_417 = arith.constant 9480 : i32
        %dma_start3A_418 = arith.constant 0 : i32
        %dma_start3A_419 = tpu.memref_slice %arg5[%dma_start3A_417, %dma_start3A_418] : memref<10000x128xf32, #tpu.memory_space<hbm>> -> memref<520x128xf32, #tpu.memory_space<hbm>>
        tpu.enqueue_dma source(%dma_start3A_419 : memref<520x128xf32, #tpu.memory_space<hbm>>) target(%dma_start3A_416 : memref<520x128xf32, #tpu.memory_space<vmem_shared>>) target_semaphore(%run_scoped3A : memref<!tpu.dma_semaphore, #tpu.memory_space<semaphore_mem>>)
        %dma_wait3A_420 = arith.constant 9480 : i32
        %dma_wait3A_421 = arith.constant 0 : i32
        %dma_wait3A_422 = tpu.memref_slice %arg29[%dma_wait3A_420, %dma_wait3A_421] : memref<10000x128xf32, #tpu.memory_space<vmem_shared>> -> memref<520x128xf32, #tpu.memory_space<vmem_shared>>
        %dma_wait3A_423 = arith.constant 9480 : i32
        %dma_wait3A_424 = arith.constant 0 : i32
        %dma_wait3A_425 = tpu.memref_slice %arg5[%dma_wait3A_423, %dma_wait3A_424] : memref<10000x128xf32, #tpu.memory_space<hbm>> -> memref<520x128xf32, #tpu.memory_space<hbm>>
        tpu.wait_dma2 semaphore(%run_scoped3A : memref<!tpu.dma_semaphore, #tpu.memory_space<semaphore_mem>>) src(%dma_wait3A_425 : memref<520x128xf32, #tpu.memory_space<hbm>>) dst(%dma_wait3A_422 : memref<520x128xf32, #tpu.memory_space<vmem_shared>>)
        tpu.yield
      }) : () -> ()
    } else {
    }
    %barrier3A = arith.constant 0 : index
    tpu.barrier barrier_id(%barrier3A)
    %add3A_9 = arith.constant 0 : i32
    %add3A_10 = arith.addi %mul3A_2, %add3A_9 : i32
    %dma_start3A = tpu.memref_slice %arg3[%add3A_10] : memref<320000xi32, #tpu.memory_space<hbm>> -> memref<112xi32, #tpu.memory_space<hbm>>
    %dma_start3A_11 = tpu.memref_slice %arg3[%add3A_10] : memref<320000xi32, #tpu.memory_space<hbm>> -> memref<112xi32, #tpu.memory_space<hbm>>
    tpu.enqueue_dma source(%dma_start3A_11 : memref<112xi32, #tpu.memory_space<hbm>>) target(%arg7 : memref<112xi32, #tpu.memory_space<vmem>>) target_semaphore(%arg11 : memref<!tpu.dma_semaphore, #tpu.memory_space<semaphore_mem>>)
    %dma_start3A_12 = tpu.memref_slice %arg4[%add3A_10] : memref<320000xi32, #tpu.memory_space<hbm>> -> memref<112xi32, #tpu.memory_space<hbm>>
    %dma_start3A_13 = tpu.memref_slice %arg4[%add3A_10] : memref<320000xi32, #tpu.memory_space<hbm>> -> memref<112xi32, #tpu.memory_space<hbm>>
    tpu.enqueue_dma source(%dma_start3A_13 : memref<112xi32, #tpu.memory_space<hbm>>) target(%arg8 : memref<112xi32, #tpu.memory_space<vmem>>) target_semaphore(%arg11 : memref<!tpu.dma_semaphore, #tpu.memory_space<semaphore_mem>>)
    %add3A_14 = arith.constant 112 : i32
    %add3A_15 = arith.addi %mul3A_2, %add3A_14 : i32
    %dma_start3A_16 = tpu.memref_slice %arg3[%add3A_15] : memref<320000xi32, #tpu.memory_space<hbm>> -> memref<112xi32, #tpu.memory_space<hbm>>
    %dma_start3A_17 = tpu.memref_slice %arg3[%add3A_15] : memref<320000xi32, #tpu.memory_space<hbm>> -> memref<112xi32, #tpu.memory_space<hbm>>
    tpu.enqueue_dma source(%dma_start3A_17 : memref<112xi32, #tpu.memory_space<hbm>>) target(%arg14 : memref<112xi32, #tpu.memory_space<vmem>>) target_semaphore(%arg18 : memref<!tpu.dma_semaphore, #tpu.memory_space<semaphore_mem>>)
    %dma_start3A_18 = tpu.memref_slice %arg4[%add3A_15] : memref<320000xi32, #tpu.memory_space<hbm>> -> memref<112xi32, #tpu.memory_space<hbm>>
    %dma_start3A_19 = tpu.memref_slice %arg4[%add3A_15] : memref<320000xi32, #tpu.memory_space<hbm>> -> memref<112xi32, #tpu.memory_space<hbm>>
    tpu.enqueue_dma source(%dma_start3A_19 : memref<112xi32, #tpu.memory_space<hbm>>) target(%arg15 : memref<112xi32, #tpu.memory_space<vmem>>) target_semaphore(%arg18 : memref<!tpu.dma_semaphore, #tpu.memory_space<semaphore_mem>>)
    %dma_wait3A = arith.constant 0 : i32
    %dma_wait3A_20 = tpu.memref_slice %arg3[%dma_wait3A] : memref<320000xi32, #tpu.memory_space<hbm>> -> memref<112xi32, #tpu.memory_space<hbm>>
    %dma_wait3A_21 = arith.constant 0 : i32
    %dma_wait3A_22 = tpu.memref_slice %arg3[%dma_wait3A_21] : memref<320000xi32, #tpu.memory_space<hbm>> -> memref<112xi32, #tpu.memory_space<hbm>>
    tpu.wait_dma2 semaphore(%arg11 : memref<!tpu.dma_semaphore, #tpu.memory_space<semaphore_mem>>) src(%dma_wait3A_22 : memref<112xi32, #tpu.memory_space<hbm>>) dst(%arg7 : memref<112xi32, #tpu.memory_space<vmem>>)
    %dma_wait3A_23 = arith.constant 0 : i32
    %dma_wait3A_24 = tpu.memref_slice %arg4[%dma_wait3A_23] : memref<320000xi32, #tpu.memory_space<hbm>> -> memref<112xi32, #tpu.memory_space<hbm>>
    %dma_wait3A_25 = arith.constant 0 : i32
    %dma_wait3A_26 = tpu.memref_slice %arg4[%dma_wait3A_25] : memref<320000xi32, #tpu.memory_space<hbm>> -> memref<112xi32, #tpu.memory_space<hbm>>
    tpu.wait_dma2 semaphore(%arg11 : memref<!tpu.dma_semaphore, #tpu.memory_space<semaphore_mem>>) src(%dma_wait3A_26 : memref<112xi32, #tpu.memory_space<hbm>>) dst(%arg8 : memref<112xi32, #tpu.memory_space<vmem>>)
    %get3A = arith.constant 0 : index
    %get3A_27 = tpu.vector_load %arg8[%get3A] {strides = array<i32>} : memref<112xi32, #tpu.memory_space<vmem>>, vector<16xi32>,
    %get3A_28 = vector.shape_cast %get3A_27 : vector<16xi32> to vector<16xi32>
    %swap3A = arith.constant 0 : index
    %swap3A_29 = tpu.vector_load %arg9[%swap3A] {strides = array<i32>} : memref<112xi32, #tpu.memory_space<vmem>>, vector<16xi32>,
    %swap3A_30 = vector.shape_cast %swap3A_29 : vector<16xi32> to vector<16xi32>
    %swap3A_31 = vector.shape_cast %get3A_28 : vector<16xi32> to vector<16xi32>
    tpu.vector_store %arg9[%swap3A], %swap3A_31 {strides = array<i32>} : memref<112xi32, #tpu.memory_space<vmem>>, vector<16xi32>,
    %get3A_32 = arith.constant 16 : index
    %get3A_33 = tpu.vector_load %arg8[%get3A_32] {strides = array<i32>} : memref<112xi32, #tpu.memory_space<vmem>>, vector<16xi32>,
    %get3A_34 = vector.shape_cast %get3A_33 : vector<16xi32> to vector<16xi32>
    %swap3A_35 = arith.constant 16 : index
    %swap3A_36 = tpu.vector_load %arg9[%swap3A_35] {strides = array<i32>} : memref<112xi32, #tpu.memory_space<vmem>>, vector<16xi32>,
    %swap3A_37 = vector.shape_cast %swap3A_36 : vector<16xi32> to vector<16xi32>
    %swap3A_38 = vector.shape_cast %get3A_34 : vector<16xi32> to vector<16xi32>
    tpu.vector_store %arg9[%swap3A_35], %swap3A_38 {strides = array<i32>} : memref<112xi32, #tpu.memory_space<vmem>>, vector<16xi32>,
    %get3A_39 = arith.constant 32 : index
    %get3A_40 = tpu.vector_load %arg8[%get3A_39] {strides = array<i32>} : memref<112xi32, #tpu.memory_space<vmem>>, vector<16xi32>,
    %get3A_41 = vector.shape_cast %get3A_40 : vector<16xi32> to vector<16xi32>
    %swap3A_42 = arith.constant 32 : index
    %swap3A_43 = tpu.vector_load %arg9[%swap3A_42] {strides = array<i32>} : memref<112xi32, #tpu.memory_space<vmem>>, vector<16xi32>,
    %swap3A_44 = vector.shape_cast %swap3A_43 : vector<16xi32> to vector<16xi32>
    %swap3A_45 = vector.shape_cast %get3A_41 : vector<16xi32> to vector<16xi32>
    tpu.vector_store %arg9[%swap3A_42], %swap3A_45 {strides = array<i32>} : memref<112xi32, #tpu.memory_space<vmem>>, vector<16xi32>,
    %get3A_46 = arith.constant 48 : index
    %get3A_47 = tpu.vector_load %arg8[%get3A_46] {strides = array<i32>} : memref<112xi32, #tpu.memory_space<vmem>>, vector<16xi32>,
    %get3A_48 = vector.shape_cast %get3A_47 : vector<16xi32> to vector<16xi32>
    %swap3A_49 = arith.constant 48 : index
    %swap3A_50 = tpu.vector_load %arg9[%swap3A_49] {strides = array<i32>} : memref<112xi32, #tpu.memory_space<vmem>>, vector<16xi32>,
    %swap3A_51 = vector.shape_cast %swap3A_50 : vector<16xi32> to vector<16xi32>
    %swap3A_52 = vector.shape_cast %get3A_48 : vector<16xi32> to vector<16xi32>
    tpu.vector_store %arg9[%swap3A_49], %swap3A_52 {strides = array<i32>} : memref<112xi32, #tpu.memory_space<vmem>>, vector<16xi32>,
    %get3A_53 = arith.constant 64 : index
    %get3A_54 = tpu.vector_load %arg8[%get3A_53] {strides = array<i32>} : memref<112xi32, #tpu.memory_space<vmem>>, vector<16xi32>,
    %get3A_55 = vector.shape_cast %get3A_54 : vector<16xi32> to vector<16xi32>
    %swap3A_56 = arith.constant 64 : index
    %swap3A_57 = tpu.vector_load %arg9[%swap3A_56] {strides = array<i32>} : memref<112xi32, #tpu.memory_space<vmem>>, vector<16xi32>,
    %swap3A_58 = vector.shape_cast %swap3A_57 : vector<16xi32> to vector<16xi32>
    %swap3A_59 = vector.shape_cast %get3A_55 : vector<16xi32> to vector<16xi32>
    tpu.vector_store %arg9[%swap3A_56], %swap3A_59 {strides = array<i32>} : memref<112xi32, #tpu.memory_space<vmem>>, vector<16xi32>,
    %get3A_60 = arith.constant 80 : index
    %get3A_61 = tpu.vector_load %arg8[%get3A_60] {strides = array<i32>} : memref<112xi32, #tpu.memory_space<vmem>>, vector<16xi32>,
    %get3A_62 = vector.shape_cast %get3A_61 : vector<16xi32> to vector<16xi32>
    %swap3A_63 = arith.constant 80 : index
    %swap3A_64 = tpu.vector_load %arg9[%swap3A_63] {strides = array<i32>} : memref<112xi32, #tpu.memory_space<vmem>>, vector<16xi32>,
    %swap3A_65 = vector.shape_cast %swap3A_64 : vector<16xi32> to vector<16xi32>
    %swap3A_66 = vector.shape_cast %get3A_62 : vector<16xi32> to vector<16xi32>
    tpu.vector_store %arg9[%swap3A_63], %swap3A_66 {strides = array<i32>} : memref<112xi32, #tpu.memory_space<vmem>>, vector<16xi32>,
    %get3A_67 = arith.constant 96 : index
    %get3A_68 = tpu.vector_load %arg8[%get3A_67] {strides = array<i32>} : memref<112xi32, #tpu.memory_space<vmem>>, vector<16xi32>,
    %get3A_69 = vector.shape_cast %get3A_68 : vector<16xi32> to vector<16xi32>
    %swap3A_70 = arith.constant 96 : index
    %swap3A_71 = tpu.vector_load %arg9[%swap3A_70] {strides = array<i32>} : memref<112xi32, #tpu.memory_space<vmem>>, vector<16xi32>,
    %swap3A_72 = vector.shape_cast %swap3A_71 : vector<16xi32> to vector<16xi32>
    %swap3A_73 = vector.shape_cast %get3A_69 : vector<16xi32> to vector<16xi32>
    tpu.vector_store %arg9[%swap3A_70], %swap3A_73 {strides = array<i32>} : memref<112xi32, #tpu.memory_space<vmem>>, vector<16xi32>,
    %dma_start3A_74 = arith.constant 0 : i32
    %dma_start3A_75 = arith.constant 0 : i32
    %dma_start3A_76 = tpu.memref_slice %arg2[%dma_start3A_74, %dma_start3A_75] : memref<10000x128xf32, #tpu.memory_space<hbm>> -> memref<10000x128xf32, #tpu.memory_space<hbm>>
    tpu.enqueue_indirect_dma source(%dma_start3A_76 : memref<10000x128xf32, #tpu.memory_space<hbm>>) target(%arg10 : memref<112x128xf32, #tpu.memory_space<vmem>>) offsets(%arg7 : memref<112xi32, #tpu.memory_space<vmem>>) semaphore(%arg12 : memref<!tpu.dma_semaphore, #tpu.memory_space<semaphore_mem>>)
    %add3A_77 = arith.constant 224 : i32
    %add3A_78 = arith.addi %mul3A_2, %add3A_77 : i32
    %dma_start3A_79 = tpu.memref_slice %arg3[%add3A_78] : memref<320000xi32, #tpu.memory_space<hbm>> -> memref<112xi32, #tpu.memory_space<hbm>>
    %dma_start3A_80 = tpu.memref_slice %arg3[%add3A_78] : memref<320000xi32, #tpu.memory_space<hbm>> -> memref<112xi32, #tpu.memory_space<hbm>>
    tpu.enqueue_dma source(%dma_start3A_80 : memref<112xi32, #tpu.memory_space<hbm>>) target(%arg21 : memref<112xi32, #tpu.memory_space<vmem>>) target_semaphore(%arg25 : memref<!tpu.dma_semaphore, #tpu.memory_space<semaphore_mem>>)
    %dma_start3A_81 = tpu.memref_slice %arg4[%add3A_78] : memref<320000xi32, #tpu.memory_space<hbm>> -> memref<112xi32, #tpu.memory_space<hbm>>
    %dma_start3A_82 = tpu.memref_slice %arg4[%add3A_78] : memref<320000xi32, #tpu.memory_space<hbm>> -> memref<112xi32, #tpu.memory_space<hbm>>
    tpu.enqueue_dma source(%dma_start3A_82 : memref<112xi32, #tpu.memory_space<hbm>>) target(%arg22 : memref<112xi32, #tpu.memory_space<vmem>>) target_semaphore(%arg25 : memref<!tpu.dma_semaphore, #tpu.memory_space<semaphore_mem>>)
    %dma_wait3A_83 = arith.constant 0 : i32
    %dma_wait3A_84 = tpu.memref_slice %arg3[%dma_wait3A_83] : memref<320000xi32, #tpu.memory_space<hbm>> -> memref<112xi32, #tpu.memory_space<hbm>>
    %dma_wait3A_85 = arith.constant 0 : i32
    %dma_wait3A_86 = tpu.memref_slice %arg3[%dma_wait3A_85] : memref<320000xi32, #tpu.memory_space<hbm>> -> memref<112xi32, #tpu.memory_space<hbm>>
    tpu.wait_dma2 semaphore(%arg18 : memref<!tpu.dma_semaphore, #tpu.memory_space<semaphore_mem>>) src(%dma_wait3A_86 : memref<112xi32, #tpu.memory_space<hbm>>) dst(%arg14 : memref<112xi32, #tpu.memory_space<vmem>>)
    %dma_wait3A_87 = arith.constant 0 : i32
    %dma_wait3A_88 = tpu.memref_slice %arg4[%dma_wait3A_87] : memref<320000xi32, #tpu.memory_space<hbm>> -> memref<112xi32, #tpu.memory_space<hbm>>
    %dma_wait3A_89 = arith.constant 0 : i32
    %dma_wait3A_90 = tpu.memref_slice %arg4[%dma_wait3A_89] : memref<320000xi32, #tpu.memory_space<hbm>> -> memref<112xi32, #tpu.memory_space<hbm>>
    tpu.wait_dma2 semaphore(%arg18 : memref<!tpu.dma_semaphore, #tpu.memory_space<semaphore_mem>>) src(%dma_wait3A_90 : memref<112xi32, #tpu.memory_space<hbm>>) dst(%arg15 : memref<112xi32, #tpu.memory_space<vmem>>)
    %get3A_91 = arith.constant 0 : index
    %get3A_92 = tpu.vector_load %arg15[%get3A_91] {strides = array<i32>} : memref<112xi32, #tpu.memory_space<vmem>>, vector<16xi32>,
    %get3A_93 = vector.shape_cast %get3A_92 : vector<16xi32> to vector<16xi32>
    %swap3A_94 = arith.constant 0 : index
    %swap3A_95 = tpu.vector_load %arg16[%swap3A_94] {strides = array<i32>} : memref<112xi32, #tpu.memory_space<vmem>>, vector<16xi32>,
    %swap3A_96 = vector.shape_cast %swap3A_95 : vector<16xi32> to vector<16xi32>
    %swap3A_97 = vector.shape_cast %get3A_93 : vector<16xi32> to vector<16xi32>
    tpu.vector_store %arg16[%swap3A_94], %swap3A_97 {strides = array<i32>} : memref<112xi32, #tpu.memory_space<vmem>>, vector<16xi32>,
    %get3A_98 = arith.constant 16 : index
    %get3A_99 = tpu.vector_load %arg15[%get3A_98] {strides = array<i32>} : memref<112xi32, #tpu.memory_space<vmem>>, vector<16xi32>,
    %get3A_100 = vector.shape_cast %get3A_99 : vector<16xi32> to vector<16xi32>
    %swap3A_101 = arith.constant 16 : index
    %swap3A_102 = tpu.vector_load %arg16[%swap3A_101] {strides = array<i32>} : memref<112xi32, #tpu.memory_space<vmem>>, vector<16xi32>,
    %swap3A_103 = vector.shape_cast %swap3A_102 : vector<16xi32> to vector<16xi32>
    %swap3A_104 = vector.shape_cast %get3A_100 : vector<16xi32> to vector<16xi32>
    tpu.vector_store %arg16[%swap3A_101], %swap3A_104 {strides = array<i32>} : memref<112xi32, #tpu.memory_space<vmem>>, vector<16xi32>,
    %get3A_105 = arith.constant 32 : index
    %get3A_106 = tpu.vector_load %arg15[%get3A_105] {strides = array<i32>} : memref<112xi32, #tpu.memory_space<vmem>>, vector<16xi32>,
    %get3A_107 = vector.shape_cast %get3A_106 : vector<16xi32> to vector<16xi32>
    %swap3A_108 = arith.constant 32 : index
    %swap3A_109 = tpu.vector_load %arg16[%swap3A_108] {strides = array<i32>} : memref<112xi32, #tpu.memory_space<vmem>>, vector<16xi32>,
    %swap3A_110 = vector.shape_cast %swap3A_109 : vector<16xi32> to vector<16xi32>
    %swap3A_111 = vector.shape_cast %get3A_107 : vector<16xi32> to vector<16xi32>
    tpu.vector_store %arg16[%swap3A_108], %swap3A_111 {strides = array<i32>} : memref<112xi32, #tpu.memory_space<vmem>>, vector<16xi32>,
    %get3A_112 = arith.constant 48 : index
    %get3A_113 = tpu.vector_load %arg15[%get3A_112] {strides = array<i32>} : memref<112xi32, #tpu.memory_space<vmem>>, vector<16xi32>,
    %get3A_114 = vector.shape_cast %get3A_113 : vector<16xi32> to vector<16xi32>
    %swap3A_115 = arith.constant 48 : index
    %swap3A_116 = tpu.vector_load %arg16[%swap3A_115] {strides = array<i32>} : memref<112xi32, #tpu.memory_space<vmem>>, vector<16xi32>,
    %swap3A_117 = vector.shape_cast %swap3A_116 : vector<16xi32> to vector<16xi32>
    %swap3A_118 = vector.shape_cast %get3A_114 : vector<16xi32> to vector<16xi32>
    tpu.vector_store %arg16[%swap3A_115], %swap3A_118 {strides = array<i32>} : memref<112xi32, #tpu.memory_space<vmem>>, vector<16xi32>,
    %get3A_119 = arith.constant 64 : index
    %get3A_120 = tpu.vector_load %arg15[%get3A_119] {strides = array<i32>} : memref<112xi32, #tpu.memory_space<vmem>>, vector<16xi32>,
    %get3A_121 = vector.shape_cast %get3A_120 : vector<16xi32> to vector<16xi32>
    %swap3A_122 = arith.constant 64 : index
    %swap3A_123 = tpu.vector_load %arg16[%swap3A_122] {strides = array<i32>} : memref<112xi32, #tpu.memory_space<vmem>>, vector<16xi32>,
    %swap3A_124 = vector.shape_cast %swap3A_123 : vector<16xi32> to vector<16xi32>
    %swap3A_125 = vector.shape_cast %get3A_121 : vector<16xi32> to vector<16xi32>
    tpu.vector_store %arg16[%swap3A_122], %swap3A_125 {strides = array<i32>} : memref<112xi32, #tpu.memory_space<vmem>>, vector<16xi32>,
    %get3A_126 = arith.constant 80 : index
    %get3A_127 = tpu.vector_load %arg15[%get3A_126] {strides = array<i32>} : memref<112xi32, #tpu.memory_space<vmem>>, vector<16xi32>,
    %get3A_128 = vector.shape_cast %get3A_127 : vector<16xi32> to vector<16xi32>
    %swap3A_129 = arith.constant 80 : index
    %swap3A_130 = tpu.vector_load %arg16[%swap3A_129] {strides = array<i32>} : memref<112xi32, #tpu.memory_space<vmem>>, vector<16xi32>,
    %swap3A_131 = vector.shape_cast %swap3A_130 : vector<16xi32> to vector<16xi32>
    %swap3A_132 = vector.shape_cast %get3A_128 : vector<16xi32> to vector<16xi32>
    tpu.vector_store %arg16[%swap3A_129], %swap3A_132 {strides = array<i32>} : memref<112xi32, #tpu.memory_space<vmem>>, vector<16xi32>,
    %get3A_133 = arith.constant 96 : index
    %get3A_134 = tpu.vector_load %arg15[%get3A_133] {strides = array<i32>} : memref<112xi32, #tpu.memory_space<vmem>>, vector<16xi32>,
    %get3A_135 = vector.shape_cast %get3A_134 : vector<16xi32> to vector<16xi32>
    %swap3A_136 = arith.constant 96 : index
    %swap3A_137 = tpu.vector_load %arg16[%swap3A_136] {strides = array<i32>} : memref<112xi32, #tpu.memory_space<vmem>>, vector<16xi32>,
    %swap3A_138 = vector.shape_cast %swap3A_137 : vector<16xi32> to vector<16xi32>
    %swap3A_139 = vector.shape_cast %get3A_135 : vector<16xi32> to vector<16xi32>
    tpu.vector_store %arg16[%swap3A_136], %swap3A_139 {strides = array<i32>} : memref<112xi32, #tpu.memory_space<vmem>>, vector<16xi32>,
    %dma_start3A_140 = arith.constant 0 : i32
    %dma_start3A_141 = arith.constant 0 : i32
    %dma_start3A_142 = tpu.memref_slice %arg2[%dma_start3A_140, %dma_start3A_141] : memref<10000x128xf32, #tpu.memory_space<hbm>> -> memref<10000x128xf32, #tpu.memory_space<hbm>>
    tpu.enqueue_indirect_dma source(%dma_start3A_142 : memref<10000x128xf32, #tpu.memory_space<hbm>>) target(%arg17 : memref<112x128xf32, #tpu.memory_space<vmem>>) offsets(%arg14 : memref<112xi32, #tpu.memory_space<vmem>>) semaphore(%arg19 : memref<!tpu.dma_semaphore, #tpu.memory_space<semaphore_mem>>)
    %dma_wait3A_143 = arith.constant 0 : i32
    %dma_wait3A_144 = arith.constant 0 : i32
    %dma_wait3A_145 = tpu.memref_slice %arg2[%dma_wait3A_143, %dma_wait3A_144] : memref<10000x128xf32, #tpu.memory_space<hbm>> -> memref<10000x128xf32, #tpu.memory_space<hbm>>
    tpu.wait_indirect_dma semaphore(%arg12 : memref<!tpu.dma_semaphore, #tpu.memory_space<semaphore_mem>>) src(%dma_wait3A_145 : memref<10000x128xf32, #tpu.memory_space<hbm>>) dst(%arg10 : memref<112x128xf32, #tpu.memory_space<vmem>>)
    %add3A_146 = arith.constant 336 : i32
    %add3A_147 = arith.addi %mul3A_2, %add3A_146 : i32
    %dma_start3A_148 = tpu.memref_slice %arg3[%add3A_147] : memref<320000xi32, #tpu.memory_space<hbm>> -> memref<112xi32, #tpu.memory_space<hbm>>
    %dma_start3A_149 = tpu.memref_slice %arg3[%add3A_147] : memref<320000xi32, #tpu.memory_space<hbm>> -> memref<112xi32, #tpu.memory_space<hbm>>
    tpu.enqueue_dma source(%dma_start3A_149 : memref<112xi32, #tpu.memory_space<hbm>>) target(%arg7 : memref<112xi32, #tpu.memory_space<vmem>>) target_semaphore(%arg11 : memref<!tpu.dma_semaphore, #tpu.memory_space<semaphore_mem>>)
    %dma_start3A_150 = tpu.memref_slice %arg4[%add3A_147] : memref<320000xi32, #tpu.memory_space<hbm>> -> memref<112xi32, #tpu.memory_space<hbm>>
    %dma_start3A_151 = tpu.memref_slice %arg4[%add3A_147] : memref<320000xi32, #tpu.memory_space<hbm>> -> memref<112xi32, #tpu.memory_space<hbm>>
    tpu.enqueue_dma source(%dma_start3A_151 : memref<112xi32, #tpu.memory_space<hbm>>) target(%arg8 : memref<112xi32, #tpu.memory_space<vmem>>) target_semaphore(%arg11 : memref<!tpu.dma_semaphore, #tpu.memory_space<semaphore_mem>>)
    %dma_start3A_152 = arith.constant 0 : i32
    %dma_start3A_153 = arith.constant 0 : i32
    %dma_start3A_154 = tpu.memref_slice %arg29[%dma_start3A_152, %dma_start3A_153] : memref<10000x128xf32, #tpu.memory_space<vmem_shared>> -> memref<10000x128xf32, #tpu.memory_space<vmem_shared>>
    tpu.enqueue_indirect_dma source(%arg10 : memref<112x128xf32, #tpu.memory_space<vmem>>) target(%dma_start3A_154 : memref<10000x128xf32, #tpu.memory_space<vmem_shared>>) offsets(%arg9 : memref<112xi32, #tpu.memory_space<vmem>>) semaphore(%arg13 : memref<!tpu.dma_semaphore, #tpu.memory_space<semaphore_mem>>) {add = true}
    %dma_wait3A_155 = arith.constant 0 : i32
    %dma_wait3A_156 = tpu.memref_slice %arg3[%dma_wait3A_155] : memref<320000xi32, #tpu.memory_space<hbm>> -> memref<112xi32, #tpu.memory_space<hbm>>
    %dma_wait3A_157 = arith.constant 0 : i32
    %dma_wait3A_158 = tpu.memref_slice %arg3[%dma_wait3A_157] : memref<320000xi32, #tpu.memory_space<hbm>> -> memref<112xi32, #tpu.memory_space<hbm>>
    tpu.wait_dma2 semaphore(%arg25 : memref<!tpu.dma_semaphore, #tpu.memory_space<semaphore_mem>>) src(%dma_wait3A_158 : memref<112xi32, #tpu.memory_space<hbm>>) dst(%arg21 : memref<112xi32, #tpu.memory_space<vmem>>)
    %dma_wait3A_159 = arith.constant 0 : i32
    %dma_wait3A_160 = tpu.memref_slice %arg4[%dma_wait3A_159] : memref<320000xi32, #tpu.memory_space<hbm>> -> memref<112xi32, #tpu.memory_space<hbm>>
    %dma_wait3A_161 = arith.constant 0 : i32
    %dma_wait3A_162 = tpu.memref_slice %arg4[%dma_wait3A_161] : memref<320000xi32, #tpu.memory_space<hbm>> -> memref<112xi32, #tpu.memory_space<hbm>>
    tpu.wait_dma2 semaphore(%arg25 : memref<!tpu.dma_semaphore, #tpu.memory_space<semaphore_mem>>) src(%dma_wait3A_162 : memref<112xi32, #tpu.memory_space<hbm>>) dst(%arg22 : memref<112xi32, #tpu.memory_space<vmem>>)
    %get3A_163 = arith.constant 0 : index
    %get3A_164 = tpu.vector_load %arg22[%get3A_163] {strides = array<i32>} : memref<112xi32, #tpu.memory_space<vmem>>, vector<16xi32>,
    %get3A_165 = vector.shape_cast %get3A_164 : vector<16xi32> to vector<16xi32>
    %swap3A_166 = arith.constant 0 : index
    %swap3A_167 = tpu.vector_load %arg23[%swap3A_166] {strides = array<i32>} : memref<112xi32, #tpu.memory_space<vmem>>, vector<16xi32>,
    %swap3A_168 = vector.shape_cast %swap3A_167 : vector<16xi32> to vector<16xi32>
    %swap3A_169 = vector.shape_cast %get3A_165 : vector<16xi32> to vector<16xi32>
    tpu.vector_store %arg23[%swap3A_166], %swap3A_169 {strides = array<i32>} : memref<112xi32, #tpu.memory_space<vmem>>, vector<16xi32>,
    %get3A_170 = arith.constant 16 : index
    %get3A_171 = tpu.vector_load %arg22[%get3A_170] {strides = array<i32>} : memref<112xi32, #tpu.memory_space<vmem>>, vector<16xi32>,
    %get3A_172 = vector.shape_cast %get3A_171 : vector<16xi32> to vector<16xi32>
    %swap3A_173 = arith.constant 16 : index
    %swap3A_174 = tpu.vector_load %arg23[%swap3A_173] {strides = array<i32>} : memref<112xi32, #tpu.memory_space<vmem>>, vector<16xi32>,
    %swap3A_175 = vector.shape_cast %swap3A_174 : vector<16xi32> to vector<16xi32>
    %swap3A_176 = vector.shape_cast %get3A_172 : vector<16xi32> to vector<16xi32>
    tpu.vector_store %arg23[%swap3A_173], %swap3A_176 {strides = array<i32>} : memref<112xi32, #tpu.memory_space<vmem>>, vector<16xi32>,
    %get3A_177 = arith.constant 32 : index
    %get3A_178 = tpu.vector_load %arg22[%get3A_177] {strides = array<i32>} : memref<112xi32, #tpu.memory_space<vmem>>, vector<16xi32>,
    %get3A_179 = vector.shape_cast %get3A_178 : vector<16xi32> to vector<16xi32>
    %swap3A_180 = arith.constant 32 : index
    %swap3A_181 = tpu.vector_load %arg23[%swap3A_180] {strides = array<i32>} : memref<112xi32, #tpu.memory_space<vmem>>, vector<16xi32>,
    %swap3A_182 = vector.shape_cast %swap3A_181 : vector<16xi32> to vector<16xi32>
    %swap3A_183 = vector.shape_cast %get3A_179 : vector<16xi32> to vector<16xi32>
    tpu.vector_store %arg23[%swap3A_180], %swap3A_183 {strides = array<i32>} : memref<112xi32, #tpu.memory_space<vmem>>, vector<16xi32>,
    %get3A_184 = arith.constant 48 : index
    %get3A_185 = tpu.vector_load %arg22[%get3A_184] {strides = array<i32>} : memref<112xi32, #tpu.memory_space<vmem>>, vector<16xi32>,
    %get3A_186 = vector.shape_cast %get3A_185 : vector<16xi32> to vector<16xi32>
    %swap3A_187 = arith.constant 48 : index
    %swap3A_188 = tpu.vector_load %arg23[%swap3A_187] {strides = array<i32>} : memref<112xi32, #tpu.memory_space<vmem>>, vector<16xi32>,
    %swap3A_189 = vector.shape_cast %swap3A_188 : vector<16xi32> to vector<16xi32>
    %swap3A_190 = vector.shape_cast %get3A_186 : vector<16xi32> to vector<16xi32>
    tpu.vector_store %arg23[%swap3A_187], %swap3A_190 {strides = array<i32>} : memref<112xi32, #tpu.memory_space<vmem>>, vector<16xi32>,
    %get3A_191 = arith.constant 64 : index
    %get3A_192 = tpu.vector_load %arg22[%get3A_191] {strides = array<i32>} : memref<112xi32, #tpu.memory_space<vmem>>, vector<16xi32>,
    %get3A_193 = vector.shape_cast %get3A_192 : vector<16xi32> to vector<16xi32>
    %swap3A_194 = arith.constant 64 : index
    %swap3A_195 = tpu.vector_load %arg23[%swap3A_194] {strides = array<i32>} : memref<112xi32, #tpu.memory_space<vmem>>, vector<16xi32>,
    %swap3A_196 = vector.shape_cast %swap3A_195 : vector<16xi32> to vector<16xi32>
    %swap3A_197 = vector.shape_cast %get3A_193 : vector<16xi32> to vector<16xi32>
    tpu.vector_store %arg23[%swap3A_194], %swap3A_197 {strides = array<i32>} : memref<112xi32, #tpu.memory_space<vmem>>, vector<16xi32>,
    %get3A_198 = arith.constant 80 : index
    %get3A_199 = tpu.vector_load %arg22[%get3A_198] {strides = array<i32>} : memref<112xi32, #tpu.memory_space<vmem>>, vector<16xi32>,
    %get3A_200 = vector.shape_cast %get3A_199 : vector<16xi32> to vector<16xi32>
    %swap3A_201 = arith.constant 80 : index
    %swap3A_202 = tpu.vector_load %arg23[%swap3A_201] {strides = array<i32>} : memref<112xi32, #tpu.memory_space<vmem>>, vector<16xi32>,
    %swap3A_203 = vector.shape_cast %swap3A_202 : vector<16xi32> to vector<16xi32>
    %swap3A_204 = vector.shape_cast %get3A_200 : vector<16xi32> to vector<16xi32>
    tpu.vector_store %arg23[%swap3A_201], %swap3A_204 {strides = array<i32>} : memref<112xi32, #tpu.memory_space<vmem>>, vector<16xi32>,
    %get3A_205 = arith.constant 96 : index
    %get3A_206 = tpu.vector_load %arg22[%get3A_205] {strides = array<i32>} : memref<112xi32, #tpu.memory_space<vmem>>, vector<16xi32>,
    %get3A_207 = vector.shape_cast %get3A_206 : vector<16xi32> to vector<16xi32>
    %swap3A_208 = arith.constant 96 : index
    %swap3A_209 = tpu.vector_load %arg23[%swap3A_208] {strides = array<i32>} : memref<112xi32, #tpu.memory_space<vmem>>, vector<16xi32>,
    %swap3A_210 = vector.shape_cast %swap3A_209 : vector<16xi32> to vector<16xi32>
    %swap3A_211 = vector.shape_cast %get3A_207 : vector<16xi32> to vector<16xi32>
    tpu.vector_store %arg23[%swap3A_208], %swap3A_211 {strides = array<i32>} : memref<112xi32, #tpu.memory_space<vmem>>, vector<16xi32>,
    %dma_start3A_212 = arith.constant 0 : i32
    %dma_start3A_213 = arith.constant 0 : i32
    %dma_start3A_214 = tpu.memref_slice %arg2[%dma_start3A_212, %dma_start3A_213] : memref<10000x128xf32, #tpu.memory_space<hbm>> -> memref<10000x128xf32, #tpu.memory_space<hbm>>
    tpu.enqueue_indirect_dma source(%dma_start3A_214 : memref<10000x128xf32, #tpu.memory_space<hbm>>) target(%arg24 : memref<112x128xf32, #tpu.memory_space<vmem>>) offsets(%arg21 : memref<112xi32, #tpu.memory_space<vmem>>) semaphore(%arg26 : memref<!tpu.dma_semaphore, #tpu.memory_space<semaphore_mem>>)
    %dma_wait3A_215 = arith.constant 0 : i32
    %dma_wait3A_216 = arith.constant 0 : i32
    %dma_wait3A_217 = tpu.memref_slice %arg2[%dma_wait3A_215, %dma_wait3A_216] : memref<10000x128xf32, #tpu.memory_space<hbm>> -> memref<10000x128xf32, #tpu.memory_space<hbm>>
    tpu.wait_indirect_dma semaphore(%arg19 : memref<!tpu.dma_semaphore, #tpu.memory_space<semaphore_mem>>) src(%dma_wait3A_217 : memref<10000x128xf32, #tpu.memory_space<hbm>>) dst(%arg17 : memref<112x128xf32, #tpu.memory_space<vmem>>)
    %add3A_218 = arith.constant 448 : i32
    %add3A_219 = arith.addi %mul3A_2, %add3A_218 : i32
    %dma_start3A_220 = tpu.memref_slice %arg3[%add3A_219] : memref<320000xi32, #tpu.memory_space<hbm>> -> memref<112xi32, #tpu.memory_space<hbm>>
    %dma_start3A_221 = tpu.memref_slice %arg3[%add3A_219] : memref<320000xi32, #tpu.memory_space<hbm>> -> memref<112xi32, #tpu.memory_space<hbm>>
    tpu.enqueue_dma source(%dma_start3A_221 : memref<112xi32, #tpu.memory_space<hbm>>) target(%arg14 : memref<112xi32, #tpu.memory_space<vmem>>) target_semaphore(%arg18 : memref<!tpu.dma_semaphore, #tpu.memory_space<semaphore_mem>>)
    %dma_start3A_222 = tpu.memref_slice %arg4[%add3A_219] : memref<320000xi32, #tpu.memory_space<hbm>> -> memref<112xi32, #tpu.memory_space<hbm>>
    %dma_start3A_223 = tpu.memref_slice %arg4[%add3A_219] : memref<320000xi32, #tpu.memory_space<hbm>> -> memref<112xi32, #tpu.memory_space<hbm>>
    tpu.enqueue_dma source(%dma_start3A_223 : memref<112xi32, #tpu.memory_space<hbm>>) target(%arg15 : memref<112xi32, #tpu.memory_space<vmem>>) target_semaphore(%arg18 : memref<!tpu.dma_semaphore, #tpu.memory_space<semaphore_mem>>)
    %dma_start3A_224 = arith.constant 0 : i32
    %dma_start3A_225 = arith.constant 0 : i32
    %dma_start3A_226 = tpu.memref_slice %arg29[%dma_start3A_224, %dma_start3A_225] : memref<10000x128xf32, #tpu.memory_space<vmem_shared>> -> memref<10000x128xf32, #tpu.memory_space<vmem_shared>>
    tpu.enqueue_indirect_dma source(%arg17 : memref<112x128xf32, #tpu.memory_space<vmem>>) target(%dma_start3A_226 : memref<10000x128xf32, #tpu.memory_space<vmem_shared>>) offsets(%arg16 : memref<112xi32, #tpu.memory_space<vmem>>) semaphore(%arg20 : memref<!tpu.dma_semaphore, #tpu.memory_space<semaphore_mem>>) {add = true}
    %scan3A = arith.constant 0 : i32
    %scan3A_227 = arith.constant 1 : i32
    %scan3A_228 = arith.constant 28 : i32
    %scan3A_229 = arith.addi %scan3A_227, %scan3A_228 : i32
    %scan3A_230 = arith.constant 1 : i32
    scf.for %scan3A_414 = %scan3A_227 to %scan3A_229 step %scan3A_230  : i32 {
      %mul3A_415 = arith.constant 3 : i32
      %mul3A_416 = arith.muli %mul3A_415, %scan3A_414 : i32
      %add3A_417 = arith.constant 0 : i32
      %add3A_418 = arith.addi %mul3A_416, %add3A_417 : i32
      %dma_wait3A_419 = arith.constant 0 : i32
      %dma_wait3A_420 = tpu.memref_slice %arg3[%dma_wait3A_419] : memref<320000xi32, #tpu.memory_space<hbm>> -> memref<112xi32, #tpu.memory_space<hbm>>
      %dma_wait3A_421 = arith.constant 0 : i32
      %dma_wait3A_422 = tpu.memref_slice %arg3[%dma_wait3A_421] : memref<320000xi32, #tpu.memory_space<hbm>> -> memref<112xi32, #tpu.memory_space<hbm>>
      tpu.wait_dma2 semaphore(%arg11 : memref<!tpu.dma_semaphore, #tpu.memory_space<semaphore_mem>>) src(%dma_wait3A_422 : memref<112xi32, #tpu.memory_space<hbm>>) dst(%arg7 : memref<112xi32, #tpu.memory_space<vmem>>)
      %dma_wait3A_423 = arith.constant 0 : i32
      %dma_wait3A_424 = tpu.memref_slice %arg4[%dma_wait3A_423] : memref<320000xi32, #tpu.memory_space<hbm>> -> memref<112xi32, #tpu.memory_space<hbm>>
      %dma_wait3A_425 = arith.constant 0 : i32
      %dma_wait3A_426 = tpu.memref_slice %arg4[%dma_wait3A_425] : memref<320000xi32, #tpu.memory_space<hbm>> -> memref<112xi32, #tpu.memory_space<hbm>>
      tpu.wait_dma2 semaphore(%arg11 : memref<!tpu.dma_semaphore, #tpu.memory_space<semaphore_mem>>) src(%dma_wait3A_426 : memref<112xi32, #tpu.memory_space<hbm>>) dst(%arg8 : memref<112xi32, #tpu.memory_space<vmem>>)
      %dma_wait3A_427 = arith.constant 0 : i32
      %dma_wait3A_428 = arith.constant 0 : i32
      %dma_wait3A_429 = tpu.memref_slice %arg29[%dma_wait3A_427, %dma_wait3A_428] : memref<10000x128xf32, #tpu.memory_space<vmem_shared>> -> memref<10000x128xf32, #tpu.memory_space<vmem_shared>>
      tpu.wait_indirect_dma semaphore(%arg13 : memref<!tpu.dma_semaphore, #tpu.memory_space<semaphore_mem>>) src(%arg10 : memref<112x128xf32, #tpu.memory_space<vmem>>) dst(%dma_wait3A_429 : memref<10000x128xf32, #tpu.memory_space<vmem_shared>>)
      %get3A_430 = arith.constant 0 : index
      %get3A_431 = tpu.vector_load %arg8[%get3A_430] {strides = array<i32>} : memref<112xi32, #tpu.memory_space<vmem>>, vector<16xi32>,
      %get3A_432 = vector.shape_cast %get3A_431 : vector<16xi32> to vector<16xi32>
      %swap3A_433 = arith.constant 0 : index
      %swap3A_434 = tpu.vector_load %arg9[%swap3A_433] {strides = array<i32>} : memref<112xi32, #tpu.memory_space<vmem>>, vector<16xi32>,
      %swap3A_435 = vector.shape_cast %swap3A_434 : vector<16xi32> to vector<16xi32>
      %swap3A_436 = vector.shape_cast %get3A_432 : vector<16xi32> to vector<16xi32>
      tpu.vector_store %arg9[%swap3A_433], %swap3A_436 {strides = array<i32>} : memref<112xi32, #tpu.memory_space<vmem>>, vector<16xi32>,
      %get3A_437 = arith.constant 16 : index
      %get3A_438 = tpu.vector_load %arg8[%get3A_437] {strides = array<i32>} : memref<112xi32, #tpu.memory_space<vmem>>, vector<16xi32>,
      %get3A_439 = vector.shape_cast %get3A_438 : vector<16xi32> to vector<16xi32>
      %swap3A_440 = arith.constant 16 : index
      %swap3A_441 = tpu.vector_load %arg9[%swap3A_440] {strides = array<i32>} : memref<112xi32, #tpu.memory_space<vmem>>, vector<16xi32>,
      %swap3A_442 = vector.shape_cast %swap3A_441 : vector<16xi32> to vector<16xi32>
      %swap3A_443 = vector.shape_cast %get3A_439 : vector<16xi32> to vector<16xi32>
      tpu.vector_store %arg9[%swap3A_440], %swap3A_443 {strides = array<i32>} : memref<112xi32, #tpu.memory_space<vmem>>, vector<16xi32>,
      %get3A_444 = arith.constant 32 : index
      %get3A_445 = tpu.vector_load %arg8[%get3A_444] {strides = array<i32>} : memref<112xi32, #tpu.memory_space<vmem>>, vector<16xi32>,
      %get3A_446 = vector.shape_cast %get3A_445 : vector<16xi32> to vector<16xi32>
      %swap3A_447 = arith.constant 32 : index
      %swap3A_448 = tpu.vector_load %arg9[%swap3A_447] {strides = array<i32>} : memref<112xi32, #tpu.memory_space<vmem>>, vector<16xi32>,
      %swap3A_449 = vector.shape_cast %swap3A_448 : vector<16xi32> to vector<16xi32>
      %swap3A_450 = vector.shape_cast %get3A_446 : vector<16xi32> to vector<16xi32>
      tpu.vector_store %arg9[%swap3A_447], %swap3A_450 {strides = array<i32>} : memref<112xi32, #tpu.memory_space<vmem>>, vector<16xi32>,
      %get3A_451 = arith.constant 48 : index
      %get3A_452 = tpu.vector_load %arg8[%get3A_451] {strides = array<i32>} : memref<112xi32, #tpu.memory_space<vmem>>, vector<16xi32>,
      %get3A_453 = vector.shape_cast %get3A_452 : vector<16xi32> to vector<16xi32>
      %swap3A_454 = arith.constant 48 : index
      %swap3A_455 = tpu.vector_load %arg9[%swap3A_454] {strides = array<i32>} : memref<112xi32, #tpu.memory_space<vmem>>, vector<16xi32>,
      %swap3A_456 = vector.shape_cast %swap3A_455 : vector<16xi32> to vector<16xi32>
      %swap3A_457 = vector.shape_cast %get3A_453 : vector<16xi32> to vector<16xi32>
      tpu.vector_store %arg9[%swap3A_454], %swap3A_457 {strides = array<i32>} : memref<112xi32, #tpu.memory_space<vmem>>, vector<16xi32>,
      %get3A_458 = arith.constant 64 : index
      %get3A_459 = tpu.vector_load %arg8[%get3A_458] {strides = array<i32>} : memref<112xi32, #tpu.memory_space<vmem>>, vector<16xi32>,
      %get3A_460 = vector.shape_cast %get3A_459 : vector<16xi32> to vector<16xi32>
      %swap3A_461 = arith.constant 64 : index
      %swap3A_462 = tpu.vector_load %arg9[%swap3A_461] {strides = array<i32>} : memref<112xi32, #tpu.memory_space<vmem>>, vector<16xi32>,
      %swap3A_463 = vector.shape_cast %swap3A_462 : vector<16xi32> to vector<16xi32>
      %swap3A_464 = vector.shape_cast %get3A_460 : vector<16xi32> to vector<16xi32>
      tpu.vector_store %arg9[%swap3A_461], %swap3A_464 {strides = array<i32>} : memref<112xi32, #tpu.memory_space<vmem>>, vector<16xi32>,
      %get3A_465 = arith.constant 80 : index
      %get3A_466 = tpu.vector_load %arg8[%get3A_465] {strides = array<i32>} : memref<112xi32, #tpu.memory_space<vmem>>, vector<16xi32>,
      %get3A_467 = vector.shape_cast %get3A_466 : vector<16xi32> to vector<16xi32>
      %swap3A_468 = arith.constant 80 : index
      %swap3A_469 = tpu.vector_load %arg9[%swap3A_468] {strides = array<i32>} : memref<112xi32, #tpu.memory_space<vmem>>, vector<16xi32>,
      %swap3A_470 = vector.shape_cast %swap3A_469 : vector<16xi32> to vector<16xi32>
      %swap3A_471 = vector.shape_cast %get3A_467 : vector<16xi32> to vector<16xi32>
      tpu.vector_store %arg9[%swap3A_468], %swap3A_471 {strides = array<i32>} : memref<112xi32, #tpu.memory_space<vmem>>, vector<16xi32>,
      %get3A_472 = arith.constant 96 : index
      %get3A_473 = tpu.vector_load %arg8[%get3A_472] {strides = array<i32>} : memref<112xi32, #tpu.memory_space<vmem>>, vector<16xi32>,
      %get3A_474 = vector.shape_cast %get3A_473 : vector<16xi32> to vector<16xi32>
      %swap3A_475 = arith.constant 96 : index
      %swap3A_476 = tpu.vector_load %arg9[%swap3A_475] {strides = array<i32>} : memref<112xi32, #tpu.memory_space<vmem>>, vector<16xi32>,
      %swap3A_477 = vector.shape_cast %swap3A_476 : vector<16xi32> to vector<16xi32>
      %swap3A_478 = vector.shape_cast %get3A_474 : vector<16xi32> to vector<16xi32>
      tpu.vector_store %arg9[%swap3A_475], %swap3A_478 {strides = array<i32>} : memref<112xi32, #tpu.memory_space<vmem>>, vector<16xi32>,
      %dma_start3A_479 = arith.constant 0 : i32
      %dma_start3A_480 = arith.constant 0 : i32
      %dma_start3A_481 = tpu.memref_slice %arg2[%dma_start3A_479, %dma_start3A_480] : memref<10000x128xf32, #tpu.memory_space<hbm>> -> memref<10000x128xf32, #tpu.memory_space<hbm>>
      tpu.enqueue_indirect_dma source(%dma_start3A_481 : memref<10000x128xf32, #tpu.memory_space<hbm>>) target(%arg10 : memref<112x128xf32, #tpu.memory_space<vmem>>) offsets(%arg7 : memref<112xi32, #tpu.memory_space<vmem>>) semaphore(%arg12 : memref<!tpu.dma_semaphore, #tpu.memory_space<semaphore_mem>>)
      %dma_wait3A_482 = arith.constant 0 : i32
      %dma_wait3A_483 = arith.constant 0 : i32
      %dma_wait3A_484 = tpu.memref_slice %arg2[%dma_wait3A_482, %dma_wait3A_483] : memref<10000x128xf32, #tpu.memory_space<hbm>> -> memref<10000x128xf32, #tpu.memory_space<hbm>>
      tpu.wait_indirect_dma semaphore(%arg26 : memref<!tpu.dma_semaphore, #tpu.memory_space<semaphore_mem>>) src(%dma_wait3A_484 : memref<10000x128xf32, #tpu.memory_space<hbm>>) dst(%arg24 : memref<112x128xf32, #tpu.memory_space<vmem>>)
      %add3A_485 = arith.constant 2 : i32
      %add3A_486 = arith.addi %add3A_418, %add3A_485 : i32
      %mul3A_487 = arith.constant 112 : i32
      %mul3A_488 = arith.muli %add3A_486, %mul3A_487 : i32
      %add3A_489 = arith.addi %mul3A_2, %mul3A_488 : i32
      %dma_start3A_490 = tpu.memref_slice %arg3[%add3A_489] : memref<320000xi32, #tpu.memory_space<hbm>> -> memref<112xi32, #tpu.memory_space<hbm>>
      %dma_start3A_491 = tpu.memref_slice %arg3[%add3A_489] : memref<320000xi32, #tpu.memory_space<hbm>> -> memref<112xi32, #tpu.memory_space<hbm>>
      tpu.enqueue_dma source(%dma_start3A_491 : memref<112xi32, #tpu.memory_space<hbm>>) target(%arg21 : memref<112xi32, #tpu.memory_space<vmem>>) target_semaphore(%arg25 : memref<!tpu.dma_semaphore, #tpu.memory_space<semaphore_mem>>)
      %dma_start3A_492 = tpu.memref_slice %arg4[%add3A_489] : memref<320000xi32, #tpu.memory_space<hbm>> -> memref<112xi32, #tpu.memory_space<hbm>>
      %dma_start3A_493 = tpu.memref_slice %arg4[%add3A_489] : memref<320000xi32, #tpu.memory_space<hbm>> -> memref<112xi32, #tpu.memory_space<hbm>>
      tpu.enqueue_dma source(%dma_start3A_493 : memref<112xi32, #tpu.memory_space<hbm>>) target(%arg22 : memref<112xi32, #tpu.memory_space<vmem>>) target_semaphore(%arg25 : memref<!tpu.dma_semaphore, #tpu.memory_space<semaphore_mem>>)
      %dma_start3A_494 = arith.constant 0 : i32
      %dma_start3A_495 = arith.constant 0 : i32
      %dma_start3A_496 = tpu.memref_slice %arg29[%dma_start3A_494, %dma_start3A_495] : memref<10000x128xf32, #tpu.memory_space<vmem_shared>> -> memref<10000x128xf32, #tpu.memory_space<vmem_shared>>
      tpu.enqueue_indirect_dma source(%arg24 : memref<112x128xf32, #tpu.memory_space<vmem>>) target(%dma_start3A_496 : memref<10000x128xf32, #tpu.memory_space<vmem_shared>>) offsets(%arg23 : memref<112xi32, #tpu.memory_space<vmem>>) semaphore(%arg27 : memref<!tpu.dma_semaphore, #tpu.memory_space<semaphore_mem>>) {add = true}
      %add3A_497 = arith.constant 1 : i32
      %add3A_498 = arith.addi %mul3A_416, %add3A_497 : i32
      %dma_wait3A_499 = arith.constant 0 : i32
      %dma_wait3A_500 = tpu.memref_slice %arg3[%dma_wait3A_499] : memref<320000xi32, #tpu.memory_space<hbm>> -> memref<112xi32, #tpu.memory_space<hbm>>
      %dma_wait3A_501 = arith.constant 0 : i32
      %dma_wait3A_502 = tpu.memref_slice %arg3[%dma_wait3A_501] : memref<320000xi32, #tpu.memory_space<hbm>> -> memref<112xi32, #tpu.memory_space<hbm>>
      tpu.wait_dma2 semaphore(%arg18 : memref<!tpu.dma_semaphore, #tpu.memory_space<semaphore_mem>>) src(%dma_wait3A_502 : memref<112xi32, #tpu.memory_space<hbm>>) dst(%arg14 : memref<112xi32, #tpu.memory_space<vmem>>)
      %dma_wait3A_503 = arith.constant 0 : i32
      %dma_wait3A_504 = tpu.memref_slice %arg4[%dma_wait3A_503] : memref<320000xi32, #tpu.memory_space<hbm>> -> memref<112xi32, #tpu.memory_space<hbm>>
      %dma_wait3A_505 = arith.constant 0 : i32
      %dma_wait3A_506 = tpu.memref_slice %arg4[%dma_wait3A_505] : memref<320000xi32, #tpu.memory_space<hbm>> -> memref<112xi32, #tpu.memory_space<hbm>>
      tpu.wait_dma2 semaphore(%arg18 : memref<!tpu.dma_semaphore, #tpu.memory_space<semaphore_mem>>) src(%dma_wait3A_506 : memref<112xi32, #tpu.memory_space<hbm>>) dst(%arg15 : memref<112xi32, #tpu.memory_space<vmem>>)
      %dma_wait3A_507 = arith.constant 0 : i32
      %dma_wait3A_508 = arith.constant 0 : i32
      %dma_wait3A_509 = tpu.memref_slice %arg29[%dma_wait3A_507, %dma_wait3A_508] : memref<10000x128xf32, #tpu.memory_space<vmem_shared>> -> memref<10000x128xf32, #tpu.memory_space<vmem_shared>>
      tpu.wait_indirect_dma semaphore(%arg20 : memref<!tpu.dma_semaphore, #tpu.memory_space<semaphore_mem>>) src(%arg17 : memref<112x128xf32, #tpu.memory_space<vmem>>) dst(%dma_wait3A_509 : memref<10000x128xf32, #tpu.memory_space<vmem_shared>>)
      %get3A_510 = arith.constant 0 : index
      %get3A_511 = tpu.vector_load %arg15[%get3A_510] {strides = array<i32>} : memref<112xi32, #tpu.memory_space<vmem>>, vector<16xi32>,
      %get3A_512 = vector.shape_cast %get3A_511 : vector<16xi32> to vector<16xi32>
      %swap3A_513 = arith.constant 0 : index
      %swap3A_514 = tpu.vector_load %arg16[%swap3A_513] {strides = array<i32>} : memref<112xi32, #tpu.memory_space<vmem>>, vector<16xi32>,
      %swap3A_515 = vector.shape_cast %swap3A_514 : vector<16xi32> to vector<16xi32>
      %swap3A_516 = vector.shape_cast %get3A_512 : vector<16xi32> to vector<16xi32>
      tpu.vector_store %arg16[%swap3A_513], %swap3A_516 {strides = array<i32>} : memref<112xi32, #tpu.memory_space<vmem>>, vector<16xi32>,
      %get3A_517 = arith.constant 16 : index
      %get3A_518 = tpu.vector_load %arg15[%get3A_517] {strides = array<i32>} : memref<112xi32, #tpu.memory_space<vmem>>, vector<16xi32>,
      %get3A_519 = vector.shape_cast %get3A_518 : vector<16xi32> to vector<16xi32>
      %swap3A_520 = arith.constant 16 : index
      %swap3A_521 = tpu.vector_load %arg16[%swap3A_520] {strides = array<i32>} : memref<112xi32, #tpu.memory_space<vmem>>, vector<16xi32>,
      %swap3A_522 = vector.shape_cast %swap3A_521 : vector<16xi32> to vector<16xi32>
      %swap3A_523 = vector.shape_cast %get3A_519 : vector<16xi32> to vector<16xi32>
      tpu.vector_store %arg16[%swap3A_520], %swap3A_523 {strides = array<i32>} : memref<112xi32, #tpu.memory_space<vmem>>, vector<16xi32>,
      %get3A_524 = arith.constant 32 : index
      %get3A_525 = tpu.vector_load %arg15[%get3A_524] {strides = array<i32>} : memref<112xi32, #tpu.memory_space<vmem>>, vector<16xi32>,
      %get3A_526 = vector.shape_cast %get3A_525 : vector<16xi32> to vector<16xi32>
      %swap3A_527 = arith.constant 32 : index
      %swap3A_528 = tpu.vector_load %arg16[%swap3A_527] {strides = array<i32>} : memref<112xi32, #tpu.memory_space<vmem>>, vector<16xi32>,
      %swap3A_529 = vector.shape_cast %swap3A_528 : vector<16xi32> to vector<16xi32>
      %swap3A_530 = vector.shape_cast %get3A_526 : vector<16xi32> to vector<16xi32>
      tpu.vector_store %arg16[%swap3A_527], %swap3A_530 {strides = array<i32>} : memref<112xi32, #tpu.memory_space<vmem>>, vector<16xi32>,
      %get3A_531 = arith.constant 48 : index
      %get3A_532 = tpu.vector_load %arg15[%get3A_531] {strides = array<i32>} : memref<112xi32, #tpu.memory_space<vmem>>, vector<16xi32>,
      %get3A_533 = vector.shape_cast %get3A_532 : vector<16xi32> to vector<16xi32>
      %swap3A_534 = arith.constant 48 : index
      %swap3A_535 = tpu.vector_load %arg16[%swap3A_534] {strides = array<i32>} : memref<112xi32, #tpu.memory_space<vmem>>, vector<16xi32>,
      %swap3A_536 = vector.shape_cast %swap3A_535 : vector<16xi32> to vector<16xi32>
      %swap3A_537 = vector.shape_cast %get3A_533 : vector<16xi32> to vector<16xi32>
      tpu.vector_store %arg16[%swap3A_534], %swap3A_537 {strides = array<i32>} : memref<112xi32, #tpu.memory_space<vmem>>, vector<16xi32>,
      %get3A_538 = arith.constant 64 : index
      %get3A_539 = tpu.vector_load %arg15[%get3A_538] {strides = array<i32>} : memref<112xi32, #tpu.memory_space<vmem>>, vector<16xi32>,
      %get3A_540 = vector.shape_cast %get3A_539 : vector<16xi32> to vector<16xi32>
      %swap3A_541 = arith.constant 64 : index
      %swap3A_542 = tpu.vector_load %arg16[%swap3A_541] {strides = array<i32>} : memref<112xi32, #tpu.memory_space<vmem>>, vector<16xi32>,
      %swap3A_543 = vector.shape_cast %swap3A_542 : vector<16xi32> to vector<16xi32>
      %swap3A_544 = vector.shape_cast %get3A_540 : vector<16xi32> to vector<16xi32>
      tpu.vector_store %arg16[%swap3A_541], %swap3A_544 {strides = array<i32>} : memref<112xi32, #tpu.memory_space<vmem>>, vector<16xi32>,
      %get3A_545 = arith.constant 80 : index
      %get3A_546 = tpu.vector_load %arg15[%get3A_545] {strides = array<i32>} : memref<112xi32, #tpu.memory_space<vmem>>, vector<16xi32>,
      %get3A_547 = vector.shape_cast %get3A_546 : vector<16xi32> to vector<16xi32>
      %swap3A_548 = arith.constant 80 : index
      %swap3A_549 = tpu.vector_load %arg16[%swap3A_548] {strides = array<i32>} : memref<112xi32, #tpu.memory_space<vmem>>, vector<16xi32>,
      %swap3A_550 = vector.shape_cast %swap3A_549 : vector<16xi32> to vector<16xi32>
      %swap3A_551 = vector.shape_cast %get3A_547 : vector<16xi32> to vector<16xi32>
      tpu.vector_store %arg16[%swap3A_548], %swap3A_551 {strides = array<i32>} : memref<112xi32, #tpu.memory_space<vmem>>, vector<16xi32>,
      %get3A_552 = arith.constant 96 : index
      %get3A_553 = tpu.vector_load %arg15[%get3A_552] {strides = array<i32>} : memref<112xi32, #tpu.memory_space<vmem>>, vector<16xi32>,
      %get3A_554 = vector.shape_cast %get3A_553 : vector<16xi32> to vector<16xi32>
      %swap3A_555 = arith.constant 96 : index
      %swap3A_556 = tpu.vector_load %arg16[%swap3A_555] {strides = array<i32>} : memref<112xi32, #tpu.memory_space<vmem>>, vector<16xi32>,
      %swap3A_557 = vector.shape_cast %swap3A_556 : vector<16xi32> to vector<16xi32>
      %swap3A_558 = vector.shape_cast %get3A_554 : vector<16xi32> to vector<16xi32>
      tpu.vector_store %arg16[%swap3A_555], %swap3A_558 {strides = array<i32>} : memref<112xi32, #tpu.memory_space<vmem>>, vector<16xi32>,
      %dma_start3A_559 = arith.constant 0 : i32
      %dma_start3A_560 = arith.constant 0 : i32
      %dma_start3A_561 = tpu.memref_slice %arg2[%dma_start3A_559, %dma_start3A_560] : memref<10000x128xf32, #tpu.memory_space<hbm>> -> memref<10000x128xf32, #tpu.memory_space<hbm>>
      tpu.enqueue_indirect_dma source(%dma_start3A_561 : memref<10000x128xf32, #tpu.memory_space<hbm>>) target(%arg17 : memref<112x128xf32, #tpu.memory_space<vmem>>) offsets(%arg14 : memref<112xi32, #tpu.memory_space<vmem>>) semaphore(%arg19 : memref<!tpu.dma_semaphore, #tpu.memory_space<semaphore_mem>>)
      %dma_wait3A_562 = arith.constant 0 : i32
      %dma_wait3A_563 = arith.constant 0 : i32
      %dma_wait3A_564 = tpu.memref_slice %arg2[%dma_wait3A_562, %dma_wait3A_563] : memref<10000x128xf32, #tpu.memory_space<hbm>> -> memref<10000x128xf32, #tpu.memory_space<hbm>>
      tpu.wait_indirect_dma semaphore(%arg12 : memref<!tpu.dma_semaphore, #tpu.memory_space<semaphore_mem>>) src(%dma_wait3A_564 : memref<10000x128xf32, #tpu.memory_space<hbm>>) dst(%arg10 : memref<112x128xf32, #tpu.memory_space<vmem>>)
      %add3A_565 = arith.constant 2 : i32
      %add3A_566 = arith.addi %add3A_498, %add3A_565 : i32
      %mul3A_567 = arith.constant 112 : i32
      %mul3A_568 = arith.muli %add3A_566, %mul3A_567 : i32
      %add3A_569 = arith.addi %mul3A_2, %mul3A_568 : i32
      %dma_start3A_570 = tpu.memref_slice %arg3[%add3A_569] : memref<320000xi32, #tpu.memory_space<hbm>> -> memref<112xi32, #tpu.memory_space<hbm>>
      %dma_start3A_571 = tpu.memref_slice %arg3[%add3A_569] : memref<320000xi32, #tpu.memory_space<hbm>> -> memref<112xi32, #tpu.memory_space<hbm>>
      tpu.enqueue_dma source(%dma_start3A_571 : memref<112xi32, #tpu.memory_space<hbm>>) target(%arg7 : memref<112xi32, #tpu.memory_space<vmem>>) target_semaphore(%arg11 : memref<!tpu.dma_semaphore, #tpu.memory_space<semaphore_mem>>)
      %dma_start3A_572 = tpu.memref_slice %arg4[%add3A_569] : memref<320000xi32, #tpu.memory_space<hbm>> -> memref<112xi32, #tpu.memory_space<hbm>>
      %dma_start3A_573 = tpu.memref_slice %arg4[%add3A_569] : memref<320000xi32, #tpu.memory_space<hbm>> -> memref<112xi32, #tpu.memory_space<hbm>>
      tpu.enqueue_dma source(%dma_start3A_573 : memref<112xi32, #tpu.memory_space<hbm>>) target(%arg8 : memref<112xi32, #tpu.memory_space<vmem>>) target_semaphore(%arg11 : memref<!tpu.dma_semaphore, #tpu.memory_space<semaphore_mem>>)
      %dma_start3A_574 = arith.constant 0 : i32
      %dma_start3A_575 = arith.constant 0 : i32
      %dma_start3A_576 = tpu.memref_slice %arg29[%dma_start3A_574, %dma_start3A_575] : memref<10000x128xf32, #tpu.memory_space<vmem_shared>> -> memref<10000x128xf32, #tpu.memory_space<vmem_shared>>
      tpu.enqueue_indirect_dma source(%arg10 : memref<112x128xf32, #tpu.memory_space<vmem>>) target(%dma_start3A_576 : memref<10000x128xf32, #tpu.memory_space<vmem_shared>>) offsets(%arg9 : memref<112xi32, #tpu.memory_space<vmem>>) semaphore(%arg13 : memref<!tpu.dma_semaphore, #tpu.memory_space<semaphore_mem>>) {add = true}
      %add3A_577 = arith.constant 2 : i32
      %add3A_578 = arith.addi %mul3A_416, %add3A_577 : i32
      %dma_wait3A_579 = arith.constant 0 : i32
      %dma_wait3A_580 = tpu.memref_slice %arg3[%dma_wait3A_579] : memref<320000xi32, #tpu.memory_space<hbm>> -> memref<112xi32, #tpu.memory_space<hbm>>
      %dma_wait3A_581 = arith.constant 0 : i32
      %dma_wait3A_582 = tpu.memref_slice %arg3[%dma_wait3A_581] : memref<320000xi32, #tpu.memory_space<hbm>> -> memref<112xi32, #tpu.memory_space<hbm>>
      tpu.wait_dma2 semaphore(%arg25 : memref<!tpu.dma_semaphore, #tpu.memory_space<semaphore_mem>>) src(%dma_wait3A_582 : memref<112xi32, #tpu.memory_space<hbm>>) dst(%arg21 : memref<112xi32, #tpu.memory_space<vmem>>)
      %dma_wait3A_583 = arith.constant 0 : i32
      %dma_wait3A_584 = tpu.memref_slice %arg4[%dma_wait3A_583] : memref<320000xi32, #tpu.memory_space<hbm>> -> memref<112xi32, #tpu.memory_space<hbm>>
      %dma_wait3A_585 = arith.constant 0 : i32
      %dma_wait3A_586 = tpu.memref_slice %arg4[%dma_wait3A_585] : memref<320000xi32, #tpu.memory_space<hbm>> -> memref<112xi32, #tpu.memory_space<hbm>>
      tpu.wait_dma2 semaphore(%arg25 : memref<!tpu.dma_semaphore, #tpu.memory_space<semaphore_mem>>) src(%dma_wait3A_586 : memref<112xi32, #tpu.memory_space<hbm>>) dst(%arg22 : memref<112xi32, #tpu.memory_space<vmem>>)
      %dma_wait3A_587 = arith.constant 0 : i32
      %dma_wait3A_588 = arith.constant 0 : i32
      %dma_wait3A_589 = tpu.memref_slice %arg29[%dma_wait3A_587, %dma_wait3A_588] : memref<10000x128xf32, #tpu.memory_space<vmem_shared>> -> memref<10000x128xf32, #tpu.memory_space<vmem_shared>>
      tpu.wait_indirect_dma semaphore(%arg27 : memref<!tpu.dma_semaphore, #tpu.memory_space<semaphore_mem>>) src(%arg24 : memref<112x128xf32, #tpu.memory_space<vmem>>) dst(%dma_wait3A_589 : memref<10000x128xf32, #tpu.memory_space<vmem_shared>>)
      %get3A_590 = arith.constant 0 : index
      %get3A_591 = tpu.vector_load %arg22[%get3A_590] {strides = array<i32>} : memref<112xi32, #tpu.memory_space<vmem>>, vector<16xi32>,
      %get3A_592 = vector.shape_cast %get3A_591 : vector<16xi32> to vector<16xi32>
      %swap3A_593 = arith.constant 0 : index
      %swap3A_594 = tpu.vector_load %arg23[%swap3A_593] {strides = array<i32>} : memref<112xi32, #tpu.memory_space<vmem>>, vector<16xi32>,
      %swap3A_595 = vector.shape_cast %swap3A_594 : vector<16xi32> to vector<16xi32>
      %swap3A_596 = vector.shape_cast %get3A_592 : vector<16xi32> to vector<16xi32>
      tpu.vector_store %arg23[%swap3A_593], %swap3A_596 {strides = array<i32>} : memref<112xi32, #tpu.memory_space<vmem>>, vector<16xi32>,
      %get3A_597 = arith.constant 16 : index
      %get3A_598 = tpu.vector_load %arg22[%get3A_597] {strides = array<i32>} : memref<112xi32, #tpu.memory_space<vmem>>, vector<16xi32>,
      %get3A_599 = vector.shape_cast %get3A_598 : vector<16xi32> to vector<16xi32>
      %swap3A_600 = arith.constant 16 : index
      %swap3A_601 = tpu.vector_load %arg23[%swap3A_600] {strides = array<i32>} : memref<112xi32, #tpu.memory_space<vmem>>, vector<16xi32>,
      %swap3A_602 = vector.shape_cast %swap3A_601 : vector<16xi32> to vector<16xi32>
      %swap3A_603 = vector.shape_cast %get3A_599 : vector<16xi32> to vector<16xi32>
      tpu.vector_store %arg23[%swap3A_600], %swap3A_603 {strides = array<i32>} : memref<112xi32, #tpu.memory_space<vmem>>, vector<16xi32>,
      %get3A_604 = arith.constant 32 : index
      %get3A_605 = tpu.vector_load %arg22[%get3A_604] {strides = array<i32>} : memref<112xi32, #tpu.memory_space<vmem>>, vector<16xi32>,
      %get3A_606 = vector.shape_cast %get3A_605 : vector<16xi32> to vector<16xi32>
      %swap3A_607 = arith.constant 32 : index
      %swap3A_608 = tpu.vector_load %arg23[%swap3A_607] {strides = array<i32>} : memref<112xi32, #tpu.memory_space<vmem>>, vector<16xi32>,
      %swap3A_609 = vector.shape_cast %swap3A_608 : vector<16xi32> to vector<16xi32>
      %swap3A_610 = vector.shape_cast %get3A_606 : vector<16xi32> to vector<16xi32>
      tpu.vector_store %arg23[%swap3A_607], %swap3A_610 {strides = array<i32>} : memref<112xi32, #tpu.memory_space<vmem>>, vector<16xi32>,
      %get3A_611 = arith.constant 48 : index
      %get3A_612 = tpu.vector_load %arg22[%get3A_611] {strides = array<i32>} : memref<112xi32, #tpu.memory_space<vmem>>, vector<16xi32>,
      %get3A_613 = vector.shape_cast %get3A_612 : vector<16xi32> to vector<16xi32>
      %swap3A_614 = arith.constant 48 : index
      %swap3A_615 = tpu.vector_load %arg23[%swap3A_614] {strides = array<i32>} : memref<112xi32, #tpu.memory_space<vmem>>, vector<16xi32>,
      %swap3A_616 = vector.shape_cast %swap3A_615 : vector<16xi32> to vector<16xi32>
      %swap3A_617 = vector.shape_cast %get3A_613 : vector<16xi32> to vector<16xi32>
      tpu.vector_store %arg23[%swap3A_614], %swap3A_617 {strides = array<i32>} : memref<112xi32, #tpu.memory_space<vmem>>, vector<16xi32>,
      %get3A_618 = arith.constant 64 : index
      %get3A_619 = tpu.vector_load %arg22[%get3A_618] {strides = array<i32>} : memref<112xi32, #tpu.memory_space<vmem>>, vector<16xi32>,
      %get3A_620 = vector.shape_cast %get3A_619 : vector<16xi32> to vector<16xi32>
      %swap3A_621 = arith.constant 64 : index
      %swap3A_622 = tpu.vector_load %arg23[%swap3A_621] {strides = array<i32>} : memref<112xi32, #tpu.memory_space<vmem>>, vector<16xi32>,
      %swap3A_623 = vector.shape_cast %swap3A_622 : vector<16xi32> to vector<16xi32>
      %swap3A_624 = vector.shape_cast %get3A_620 : vector<16xi32> to vector<16xi32>
      tpu.vector_store %arg23[%swap3A_621], %swap3A_624 {strides = array<i32>} : memref<112xi32, #tpu.memory_space<vmem>>, vector<16xi32>,
      %get3A_625 = arith.constant 80 : index
      %get3A_626 = tpu.vector_load %arg22[%get3A_625] {strides = array<i32>} : memref<112xi32, #tpu.memory_space<vmem>>, vector<16xi32>,
      %get3A_627 = vector.shape_cast %get3A_626 : vector<16xi32> to vector<16xi32>
      %swap3A_628 = arith.constant 80 : index
      %swap3A_629 = tpu.vector_load %arg23[%swap3A_628] {strides = array<i32>} : memref<112xi32, #tpu.memory_space<vmem>>, vector<16xi32>,
      %swap3A_630 = vector.shape_cast %swap3A_629 : vector<16xi32> to vector<16xi32>
      %swap3A_631 = vector.shape_cast %get3A_627 : vector<16xi32> to vector<16xi32>
      tpu.vector_store %arg23[%swap3A_628], %swap3A_631 {strides = array<i32>} : memref<112xi32, #tpu.memory_space<vmem>>, vector<16xi32>,
      %get3A_632 = arith.constant 96 : index
      %get3A_633 = tpu.vector_load %arg22[%get3A_632] {strides = array<i32>} : memref<112xi32, #tpu.memory_space<vmem>>, vector<16xi32>,
      %get3A_634 = vector.shape_cast %get3A_633 : vector<16xi32> to vector<16xi32>
      %swap3A_635 = arith.constant 96 : index
      %swap3A_636 = tpu.vector_load %arg23[%swap3A_635] {strides = array<i32>} : memref<112xi32, #tpu.memory_space<vmem>>, vector<16xi32>,
      %swap3A_637 = vector.shape_cast %swap3A_636 : vector<16xi32> to vector<16xi32>
      %swap3A_638 = vector.shape_cast %get3A_634 : vector<16xi32> to vector<16xi32>
      tpu.vector_store %arg23[%swap3A_635], %swap3A_638 {strides = array<i32>} : memref<112xi32, #tpu.memory_space<vmem>>, vector<16xi32>,
      %dma_start3A_639 = arith.constant 0 : i32
      %dma_start3A_640 = arith.constant 0 : i32
      %dma_start3A_641 = tpu.memref_slice %arg2[%dma_start3A_639, %dma_start3A_640] : memref<10000x128xf32, #tpu.memory_space<hbm>> -> memref<10000x128xf32, #tpu.memory_space<hbm>>
      tpu.enqueue_indirect_dma source(%dma_start3A_641 : memref<10000x128xf32, #tpu.memory_space<hbm>>) target(%arg24 : memref<112x128xf32, #tpu.memory_space<vmem>>) offsets(%arg21 : memref<112xi32, #tpu.memory_space<vmem>>) semaphore(%arg26 : memref<!tpu.dma_semaphore, #tpu.memory_space<semaphore_mem>>)
      %dma_wait3A_642 = arith.constant 0 : i32
      %dma_wait3A_643 = arith.constant 0 : i32
      %dma_wait3A_644 = tpu.memref_slice %arg2[%dma_wait3A_642, %dma_wait3A_643] : memref<10000x128xf32, #tpu.memory_space<hbm>> -> memref<10000x128xf32, #tpu.memory_space<hbm>>
      tpu.wait_indirect_dma semaphore(%arg19 : memref<!tpu.dma_semaphore, #tpu.memory_space<semaphore_mem>>) src(%dma_wait3A_644 : memref<10000x128xf32, #tpu.memory_space<hbm>>) dst(%arg17 : memref<112x128xf32, #tpu.memory_space<vmem>>)
      %add3A_645 = arith.constant 2 : i32
      %add3A_646 = arith.addi %add3A_578, %add3A_645 : i32
      %mul3A_647 = arith.constant 112 : i32
      %mul3A_648 = arith.muli %add3A_646, %mul3A_647 : i32
      %add3A_649 = arith.addi %mul3A_2, %mul3A_648 : i32
      %dma_start3A_650 = tpu.memref_slice %arg3[%add3A_649] : memref<320000xi32, #tpu.memory_space<hbm>> -> memref<112xi32, #tpu.memory_space<hbm>>
      %dma_start3A_651 = tpu.memref_slice %arg3[%add3A_649] : memref<320000xi32, #tpu.memory_space<hbm>> -> memref<112xi32, #tpu.memory_space<hbm>>
      tpu.enqueue_dma source(%dma_start3A_651 : memref<112xi32, #tpu.memory_space<hbm>>) target(%arg14 : memref<112xi32, #tpu.memory_space<vmem>>) target_semaphore(%arg18 : memref<!tpu.dma_semaphore, #tpu.memory_space<semaphore_mem>>)
      %dma_start3A_652 = tpu.memref_slice %arg4[%add3A_649] : memref<320000xi32, #tpu.memory_space<hbm>> -> memref<112xi32, #tpu.memory_space<hbm>>
      %dma_start3A_653 = tpu.memref_slice %arg4[%add3A_649] : memref<320000xi32, #tpu.memory_space<hbm>> -> memref<112xi32, #tpu.memory_space<hbm>>
      tpu.enqueue_dma source(%dma_start3A_653 : memref<112xi32, #tpu.memory_space<hbm>>) target(%arg15 : memref<112xi32, #tpu.memory_space<vmem>>) target_semaphore(%arg18 : memref<!tpu.dma_semaphore, #tpu.memory_space<semaphore_mem>>)
      %dma_start3A_654 = arith.constant 0 : i32
      %dma_start3A_655 = arith.constant 0 : i32
      %dma_start3A_656 = tpu.memref_slice %arg29[%dma_start3A_654, %dma_start3A_655] : memref<10000x128xf32, #tpu.memory_space<vmem_shared>> -> memref<10000x128xf32, #tpu.memory_space<vmem_shared>>
      tpu.enqueue_indirect_dma source(%arg17 : memref<112x128xf32, #tpu.memory_space<vmem>>) target(%dma_start3A_656 : memref<10000x128xf32, #tpu.memory_space<vmem_shared>>) offsets(%arg16 : memref<112xi32, #tpu.memory_space<vmem>>) semaphore(%arg20 : memref<!tpu.dma_semaphore, #tpu.memory_space<semaphore_mem>>) {add = true}
    }
    %scan3A_231 = arith.constant 28 : i32
    %dma_wait3A_232 = arith.constant 0 : i32
    %dma_wait3A_233 = tpu.memref_slice %arg3[%dma_wait3A_232] : memref<320000xi32, #tpu.memory_space<hbm>> -> memref<112xi32, #tpu.memory_space<hbm>>
    %dma_wait3A_234 = arith.constant 0 : i32
    %dma_wait3A_235 = tpu.memref_slice %arg3[%dma_wait3A_234] : memref<320000xi32, #tpu.memory_space<hbm>> -> memref<112xi32, #tpu.memory_space<hbm>>
    tpu.wait_dma2 semaphore(%arg11 : memref<!tpu.dma_semaphore, #tpu.memory_space<semaphore_mem>>) src(%dma_wait3A_235 : memref<112xi32, #tpu.memory_space<hbm>>) dst(%arg7 : memref<112xi32, #tpu.memory_space<vmem>>)
    %dma_wait3A_236 = arith.constant 0 : i32
    %dma_wait3A_237 = tpu.memref_slice %arg4[%dma_wait3A_236] : memref<320000xi32, #tpu.memory_space<hbm>> -> memref<112xi32, #tpu.memory_space<hbm>>
    %dma_wait3A_238 = arith.constant 0 : i32
    %dma_wait3A_239 = tpu.memref_slice %arg4[%dma_wait3A_238] : memref<320000xi32, #tpu.memory_space<hbm>> -> memref<112xi32, #tpu.memory_space<hbm>>
    tpu.wait_dma2 semaphore(%arg11 : memref<!tpu.dma_semaphore, #tpu.memory_space<semaphore_mem>>) src(%dma_wait3A_239 : memref<112xi32, #tpu.memory_space<hbm>>) dst(%arg8 : memref<112xi32, #tpu.memory_space<vmem>>)
    %dma_wait3A_240 = arith.constant 0 : i32
    %dma_wait3A_241 = arith.constant 0 : i32
    %dma_wait3A_242 = tpu.memref_slice %arg29[%dma_wait3A_240, %dma_wait3A_241] : memref<10000x128xf32, #tpu.memory_space<vmem_shared>> -> memref<10000x128xf32, #tpu.memory_space<vmem_shared>>
    tpu.wait_indirect_dma semaphore(%arg13 : memref<!tpu.dma_semaphore, #tpu.memory_space<semaphore_mem>>) src(%arg10 : memref<112x128xf32, #tpu.memory_space<vmem>>) dst(%dma_wait3A_242 : memref<10000x128xf32, #tpu.memory_space<vmem_shared>>)
    %get3A_243 = arith.constant 0 : index
    %get3A_244 = tpu.vector_load %arg8[%get3A_243] {strides = array<i32>} : memref<112xi32, #tpu.memory_space<vmem>>, vector<16xi32>,
    %get3A_245 = vector.shape_cast %get3A_244 : vector<16xi32> to vector<16xi32>
    %swap3A_246 = arith.constant 0 : index
    %swap3A_247 = tpu.vector_load %arg9[%swap3A_246] {strides = array<i32>} : memref<112xi32, #tpu.memory_space<vmem>>, vector<16xi32>,
    %swap3A_248 = vector.shape_cast %swap3A_247 : vector<16xi32> to vector<16xi32>
    %swap3A_249 = vector.shape_cast %get3A_245 : vector<16xi32> to vector<16xi32>
    tpu.vector_store %arg9[%swap3A_246], %swap3A_249 {strides = array<i32>} : memref<112xi32, #tpu.memory_space<vmem>>, vector<16xi32>,
    %get3A_250 = arith.constant 16 : index
    %get3A_251 = tpu.vector_load %arg8[%get3A_250] {strides = array<i32>} : memref<112xi32, #tpu.memory_space<vmem>>, vector<16xi32>,
    %get3A_252 = vector.shape_cast %get3A_251 : vector<16xi32> to vector<16xi32>
    %swap3A_253 = arith.constant 16 : index
    %swap3A_254 = tpu.vector_load %arg9[%swap3A_253] {strides = array<i32>} : memref<112xi32, #tpu.memory_space<vmem>>, vector<16xi32>,
    %swap3A_255 = vector.shape_cast %swap3A_254 : vector<16xi32> to vector<16xi32>
    %swap3A_256 = vector.shape_cast %get3A_252 : vector<16xi32> to vector<16xi32>
    tpu.vector_store %arg9[%swap3A_253], %swap3A_256 {strides = array<i32>} : memref<112xi32, #tpu.memory_space<vmem>>, vector<16xi32>,
    %get3A_257 = arith.constant 32 : index
    %get3A_258 = tpu.vector_load %arg8[%get3A_257] {strides = array<i32>} : memref<112xi32, #tpu.memory_space<vmem>>, vector<16xi32>,
    %get3A_259 = vector.shape_cast %get3A_258 : vector<16xi32> to vector<16xi32>
    %swap3A_260 = arith.constant 32 : index
    %swap3A_261 = tpu.vector_load %arg9[%swap3A_260] {strides = array<i32>} : memref<112xi32, #tpu.memory_space<vmem>>, vector<16xi32>,
    %swap3A_262 = vector.shape_cast %swap3A_261 : vector<16xi32> to vector<16xi32>
    %swap3A_263 = vector.shape_cast %get3A_259 : vector<16xi32> to vector<16xi32>
    tpu.vector_store %arg9[%swap3A_260], %swap3A_263 {strides = array<i32>} : memref<112xi32, #tpu.memory_space<vmem>>, vector<16xi32>,
    %get3A_264 = arith.constant 48 : index
    %get3A_265 = tpu.vector_load %arg8[%get3A_264] {strides = array<i32>} : memref<112xi32, #tpu.memory_space<vmem>>, vector<16xi32>,
    %get3A_266 = vector.shape_cast %get3A_265 : vector<16xi32> to vector<16xi32>
    %swap3A_267 = arith.constant 48 : index
    %swap3A_268 = tpu.vector_load %arg9[%swap3A_267] {strides = array<i32>} : memref<112xi32, #tpu.memory_space<vmem>>, vector<16xi32>,
    %swap3A_269 = vector.shape_cast %swap3A_268 : vector<16xi32> to vector<16xi32>
    %swap3A_270 = vector.shape_cast %get3A_266 : vector<16xi32> to vector<16xi32>
    tpu.vector_store %arg9[%swap3A_267], %swap3A_270 {strides = array<i32>} : memref<112xi32, #tpu.memory_space<vmem>>, vector<16xi32>,
    %get3A_271 = arith.constant 64 : index
    %get3A_272 = tpu.vector_load %arg8[%get3A_271] {strides = array<i32>} : memref<112xi32, #tpu.memory_space<vmem>>, vector<16xi32>,
    %get3A_273 = vector.shape_cast %get3A_272 : vector<16xi32> to vector<16xi32>
    %swap3A_274 = arith.constant 64 : index
    %swap3A_275 = tpu.vector_load %arg9[%swap3A_274] {strides = array<i32>} : memref<112xi32, #tpu.memory_space<vmem>>, vector<16xi32>,
    %swap3A_276 = vector.shape_cast %swap3A_275 : vector<16xi32> to vector<16xi32>
    %swap3A_277 = vector.shape_cast %get3A_273 : vector<16xi32> to vector<16xi32>
    tpu.vector_store %arg9[%swap3A_274], %swap3A_277 {strides = array<i32>} : memref<112xi32, #tpu.memory_space<vmem>>, vector<16xi32>,
    %get3A_278 = arith.constant 80 : index
    %get3A_279 = tpu.vector_load %arg8[%get3A_278] {strides = array<i32>} : memref<112xi32, #tpu.memory_space<vmem>>, vector<16xi32>,
    %get3A_280 = vector.shape_cast %get3A_279 : vector<16xi32> to vector<16xi32>
    %swap3A_281 = arith.constant 80 : index
    %swap3A_282 = tpu.vector_load %arg9[%swap3A_281] {strides = array<i32>} : memref<112xi32, #tpu.memory_space<vmem>>, vector<16xi32>,
    %swap3A_283 = vector.shape_cast %swap3A_282 : vector<16xi32> to vector<16xi32>
    %swap3A_284 = vector.shape_cast %get3A_280 : vector<16xi32> to vector<16xi32>
    tpu.vector_store %arg9[%swap3A_281], %swap3A_284 {strides = array<i32>} : memref<112xi32, #tpu.memory_space<vmem>>, vector<16xi32>,
    %get3A_285 = arith.constant 96 : index
    %get3A_286 = tpu.vector_load %arg8[%get3A_285] {strides = array<i32>} : memref<112xi32, #tpu.memory_space<vmem>>, vector<16xi32>,
    %get3A_287 = vector.shape_cast %get3A_286 : vector<16xi32> to vector<16xi32>
    %swap3A_288 = arith.constant 96 : index
    %swap3A_289 = tpu.vector_load %arg9[%swap3A_288] {strides = array<i32>} : memref<112xi32, #tpu.memory_space<vmem>>, vector<16xi32>,
    %swap3A_290 = vector.shape_cast %swap3A_289 : vector<16xi32> to vector<16xi32>
    %swap3A_291 = vector.shape_cast %get3A_287 : vector<16xi32> to vector<16xi32>
    tpu.vector_store %arg9[%swap3A_288], %swap3A_291 {strides = array<i32>} : memref<112xi32, #tpu.memory_space<vmem>>, vector<16xi32>,
    %dma_start3A_292 = arith.constant 0 : i32
    %dma_start3A_293 = arith.constant 0 : i32
    %dma_start3A_294 = tpu.memref_slice %arg2[%dma_start3A_292, %dma_start3A_293] : memref<10000x128xf32, #tpu.memory_space<hbm>> -> memref<10000x128xf32, #tpu.memory_space<hbm>>
    tpu.enqueue_indirect_dma source(%dma_start3A_294 : memref<10000x128xf32, #tpu.memory_space<hbm>>) target(%arg10 : memref<112x128xf32, #tpu.memory_space<vmem>>) offsets(%arg7 : memref<112xi32, #tpu.memory_space<vmem>>) semaphore(%arg12 : memref<!tpu.dma_semaphore, #tpu.memory_space<semaphore_mem>>)
    %dma_wait3A_295 = arith.constant 0 : i32
    %dma_wait3A_296 = arith.constant 0 : i32
    %dma_wait3A_297 = tpu.memref_slice %arg2[%dma_wait3A_295, %dma_wait3A_296] : memref<10000x128xf32, #tpu.memory_space<hbm>> -> memref<10000x128xf32, #tpu.memory_space<hbm>>
    tpu.wait_indirect_dma semaphore(%arg26 : memref<!tpu.dma_semaphore, #tpu.memory_space<semaphore_mem>>) src(%dma_wait3A_297 : memref<10000x128xf32, #tpu.memory_space<hbm>>) dst(%arg24 : memref<112x128xf32, #tpu.memory_space<vmem>>)
    %dma_start3A_298 = arith.constant 0 : i32
    %dma_start3A_299 = arith.constant 0 : i32
    %dma_start3A_300 = tpu.memref_slice %arg29[%dma_start3A_298, %dma_start3A_299] : memref<10000x128xf32, #tpu.memory_space<vmem_shared>> -> memref<10000x128xf32, #tpu.memory_space<vmem_shared>>
    tpu.enqueue_indirect_dma source(%arg24 : memref<112x128xf32, #tpu.memory_space<vmem>>) target(%dma_start3A_300 : memref<10000x128xf32, #tpu.memory_space<vmem_shared>>) offsets(%arg23 : memref<112xi32, #tpu.memory_space<vmem>>) semaphore(%arg27 : memref<!tpu.dma_semaphore, #tpu.memory_space<semaphore_mem>>) {add = true}
    %dma_wait3A_301 = arith.constant 0 : i32
    %dma_wait3A_302 = tpu.memref_slice %arg3[%dma_wait3A_301] : memref<320000xi32, #tpu.memory_space<hbm>> -> memref<112xi32, #tpu.memory_space<hbm>>
    %dma_wait3A_303 = arith.constant 0 : i32
    %dma_wait3A_304 = tpu.memref_slice %arg3[%dma_wait3A_303] : memref<320000xi32, #tpu.memory_space<hbm>> -> memref<112xi32, #tpu.memory_space<hbm>>
    tpu.wait_dma2 semaphore(%arg18 : memref<!tpu.dma_semaphore, #tpu.memory_space<semaphore_mem>>) src(%dma_wait3A_304 : memref<112xi32, #tpu.memory_space<hbm>>) dst(%arg14 : memref<112xi32, #tpu.memory_space<vmem>>)
    %dma_wait3A_305 = arith.constant 0 : i32
    %dma_wait3A_306 = tpu.memref_slice %arg4[%dma_wait3A_305] : memref<320000xi32, #tpu.memory_space<hbm>> -> memref<112xi32, #tpu.memory_space<hbm>>
    %dma_wait3A_307 = arith.constant 0 : i32
    %dma_wait3A_308 = tpu.memref_slice %arg4[%dma_wait3A_307] : memref<320000xi32, #tpu.memory_space<hbm>> -> memref<112xi32, #tpu.memory_space<hbm>>
    tpu.wait_dma2 semaphore(%arg18 : memref<!tpu.dma_semaphore, #tpu.memory_space<semaphore_mem>>) src(%dma_wait3A_308 : memref<112xi32, #tpu.memory_space<hbm>>) dst(%arg15 : memref<112xi32, #tpu.memory_space<vmem>>)
    %dma_wait3A_309 = arith.constant 0 : i32
    %dma_wait3A_310 = arith.constant 0 : i32
    %dma_wait3A_311 = tpu.memref_slice %arg29[%dma_wait3A_309, %dma_wait3A_310] : memref<10000x128xf32, #tpu.memory_space<vmem_shared>> -> memref<10000x128xf32, #tpu.memory_space<vmem_shared>>
    tpu.wait_indirect_dma semaphore(%arg20 : memref<!tpu.dma_semaphore, #tpu.memory_space<semaphore_mem>>) src(%arg17 : memref<112x128xf32, #tpu.memory_space<vmem>>) dst(%dma_wait3A_311 : memref<10000x128xf32, #tpu.memory_space<vmem_shared>>)
    %get3A_312 = arith.constant 0 : index
    %get3A_313 = tpu.vector_load %arg15[%get3A_312] {strides = array<i32>} : memref<112xi32, #tpu.memory_space<vmem>>, vector<16xi32>,
    %get3A_314 = vector.shape_cast %get3A_313 : vector<16xi32> to vector<16xi32>
    %swap3A_315 = arith.constant 0 : index
    %swap3A_316 = tpu.vector_load %arg16[%swap3A_315] {strides = array<i32>} : memref<112xi32, #tpu.memory_space<vmem>>, vector<16xi32>,
    %swap3A_317 = vector.shape_cast %swap3A_316 : vector<16xi32> to vector<16xi32>
    %swap3A_318 = vector.shape_cast %get3A_314 : vector<16xi32> to vector<16xi32>
    tpu.vector_store %arg16[%swap3A_315], %swap3A_318 {strides = array<i32>} : memref<112xi32, #tpu.memory_space<vmem>>, vector<16xi32>,
    %get3A_319 = arith.constant 16 : index
    %get3A_320 = tpu.vector_load %arg15[%get3A_319] {strides = array<i32>} : memref<112xi32, #tpu.memory_space<vmem>>, vector<16xi32>,
    %get3A_321 = vector.shape_cast %get3A_320 : vector<16xi32> to vector<16xi32>
    %swap3A_322 = arith.constant 16 : index
    %swap3A_323 = tpu.vector_load %arg16[%swap3A_322] {strides = array<i32>} : memref<112xi32, #tpu.memory_space<vmem>>, vector<16xi32>,
    %swap3A_324 = vector.shape_cast %swap3A_323 : vector<16xi32> to vector<16xi32>
    %swap3A_325 = vector.shape_cast %get3A_321 : vector<16xi32> to vector<16xi32>
    tpu.vector_store %arg16[%swap3A_322], %swap3A_325 {strides = array<i32>} : memref<112xi32, #tpu.memory_space<vmem>>, vector<16xi32>,
    %get3A_326 = arith.constant 32 : index
    %get3A_327 = tpu.vector_load %arg15[%get3A_326] {strides = array<i32>} : memref<112xi32, #tpu.memory_space<vmem>>, vector<16xi32>,
    %get3A_328 = vector.shape_cast %get3A_327 : vector<16xi32> to vector<16xi32>
    %swap3A_329 = arith.constant 32 : index
    %swap3A_330 = tpu.vector_load %arg16[%swap3A_329] {strides = array<i32>} : memref<112xi32, #tpu.memory_space<vmem>>, vector<16xi32>,
    %swap3A_331 = vector.shape_cast %swap3A_330 : vector<16xi32> to vector<16xi32>
    %swap3A_332 = vector.shape_cast %get3A_328 : vector<16xi32> to vector<16xi32>
    tpu.vector_store %arg16[%swap3A_329], %swap3A_332 {strides = array<i32>} : memref<112xi32, #tpu.memory_space<vmem>>, vector<16xi32>,
    %get3A_333 = arith.constant 48 : index
    %get3A_334 = tpu.vector_load %arg15[%get3A_333] {strides = array<i32>} : memref<112xi32, #tpu.memory_space<vmem>>, vector<16xi32>,
    %get3A_335 = vector.shape_cast %get3A_334 : vector<16xi32> to vector<16xi32>
    %swap3A_336 = arith.constant 48 : index
    %swap3A_337 = tpu.vector_load %arg16[%swap3A_336] {strides = array<i32>} : memref<112xi32, #tpu.memory_space<vmem>>, vector<16xi32>,
    %swap3A_338 = vector.shape_cast %swap3A_337 : vector<16xi32> to vector<16xi32>
    %swap3A_339 = vector.shape_cast %get3A_335 : vector<16xi32> to vector<16xi32>
    tpu.vector_store %arg16[%swap3A_336], %swap3A_339 {strides = array<i32>} : memref<112xi32, #tpu.memory_space<vmem>>, vector<16xi32>,
    %get3A_340 = arith.constant 64 : index
    %get3A_341 = tpu.vector_load %arg15[%get3A_340] {strides = array<i32>} : memref<112xi32, #tpu.memory_space<vmem>>, vector<16xi32>,
    %get3A_342 = vector.shape_cast %get3A_341 : vector<16xi32> to vector<16xi32>
    %swap3A_343 = arith.constant 64 : index
    %swap3A_344 = tpu.vector_load %arg16[%swap3A_343] {strides = array<i32>} : memref<112xi32, #tpu.memory_space<vmem>>, vector<16xi32>,
    %swap3A_345 = vector.shape_cast %swap3A_344 : vector<16xi32> to vector<16xi32>
    %swap3A_346 = vector.shape_cast %get3A_342 : vector<16xi32> to vector<16xi32>
    tpu.vector_store %arg16[%swap3A_343], %swap3A_346 {strides = array<i32>} : memref<112xi32, #tpu.memory_space<vmem>>, vector<16xi32>,
    %get3A_347 = arith.constant 80 : index
    %get3A_348 = tpu.vector_load %arg15[%get3A_347] {strides = array<i32>} : memref<112xi32, #tpu.memory_space<vmem>>, vector<16xi32>,
    %get3A_349 = vector.shape_cast %get3A_348 : vector<16xi32> to vector<16xi32>
    %swap3A_350 = arith.constant 80 : index
    %swap3A_351 = tpu.vector_load %arg16[%swap3A_350] {strides = array<i32>} : memref<112xi32, #tpu.memory_space<vmem>>, vector<16xi32>,
    %swap3A_352 = vector.shape_cast %swap3A_351 : vector<16xi32> to vector<16xi32>
    %swap3A_353 = vector.shape_cast %get3A_349 : vector<16xi32> to vector<16xi32>
    tpu.vector_store %arg16[%swap3A_350], %swap3A_353 {strides = array<i32>} : memref<112xi32, #tpu.memory_space<vmem>>, vector<16xi32>,
    %get3A_354 = arith.constant 96 : index
    %get3A_355 = tpu.vector_load %arg15[%get3A_354] {strides = array<i32>} : memref<112xi32, #tpu.memory_space<vmem>>, vector<16xi32>,
    %get3A_356 = vector.shape_cast %get3A_355 : vector<16xi32> to vector<16xi32>
    %swap3A_357 = arith.constant 96 : index
    %swap3A_358 = tpu.vector_load %arg16[%swap3A_357] {strides = array<i32>} : memref<112xi32, #tpu.memory_space<vmem>>, vector<16xi32>,
    %swap3A_359 = vector.shape_cast %swap3A_358 : vector<16xi32> to vector<16xi32>
    %swap3A_360 = vector.shape_cast %get3A_356 : vector<16xi32> to vector<16xi32>
    tpu.vector_store %arg16[%swap3A_357], %swap3A_360 {strides = array<i32>} : memref<112xi32, #tpu.memory_space<vmem>>, vector<16xi32>,
    %dma_start3A_361 = arith.constant 0 : i32
    %dma_start3A_362 = arith.constant 0 : i32
    %dma_start3A_363 = tpu.memref_slice %arg2[%dma_start3A_361, %dma_start3A_362] : memref<10000x128xf32, #tpu.memory_space<hbm>> -> memref<10000x128xf32, #tpu.memory_space<hbm>>
    tpu.enqueue_indirect_dma source(%dma_start3A_363 : memref<10000x128xf32, #tpu.memory_space<hbm>>) target(%arg17 : memref<112x128xf32, #tpu.memory_space<vmem>>) offsets(%arg14 : memref<112xi32, #tpu.memory_space<vmem>>) semaphore(%arg19 : memref<!tpu.dma_semaphore, #tpu.memory_space<semaphore_mem>>)
    %dma_wait3A_364 = arith.constant 0 : i32
    %dma_wait3A_365 = arith.constant 0 : i32
    %dma_wait3A_366 = tpu.memref_slice %arg2[%dma_wait3A_364, %dma_wait3A_365] : memref<10000x128xf32, #tpu.memory_space<hbm>> -> memref<10000x128xf32, #tpu.memory_space<hbm>>
    tpu.wait_indirect_dma semaphore(%arg12 : memref<!tpu.dma_semaphore, #tpu.memory_space<semaphore_mem>>) src(%dma_wait3A_366 : memref<10000x128xf32, #tpu.memory_space<hbm>>) dst(%arg10 : memref<112x128xf32, #tpu.memory_space<vmem>>)
    %dma_start3A_367 = arith.constant 0 : i32
    %dma_start3A_368 = arith.constant 0 : i32
    %dma_start3A_369 = tpu.memref_slice %arg29[%dma_start3A_367, %dma_start3A_368] : memref<10000x128xf32, #tpu.memory_space<vmem_shared>> -> memref<10000x128xf32, #tpu.memory_space<vmem_shared>>
    tpu.enqueue_indirect_dma source(%arg10 : memref<112x128xf32, #tpu.memory_space<vmem>>) target(%dma_start3A_369 : memref<10000x128xf32, #tpu.memory_space<vmem_shared>>) offsets(%arg9 : memref<112xi32, #tpu.memory_space<vmem>>) semaphore(%arg13 : memref<!tpu.dma_semaphore, #tpu.memory_space<semaphore_mem>>) {add = true}
    %dma_wait3A_370 = arith.constant 0 : i32
    %dma_wait3A_371 = arith.constant 0 : i32
    %dma_wait3A_372 = tpu.memref_slice %arg2[%dma_wait3A_370, %dma_wait3A_371] : memref<10000x128xf32, #tpu.memory_space<hbm>> -> memref<10000x128xf32, #tpu.memory_space<hbm>>
    tpu.wait_indirect_dma semaphore(%arg19 : memref<!tpu.dma_semaphore, #tpu.memory_space<semaphore_mem>>) src(%dma_wait3A_372 : memref<10000x128xf32, #tpu.memory_space<hbm>>) dst(%arg17 : memref<112x128xf32, #tpu.memory_space<vmem>>)
    %dma_start3A_373 = arith.constant 0 : i32
    %dma_start3A_374 = arith.constant 0 : i32
    %dma_start3A_375 = tpu.memref_slice %arg29[%dma_start3A_373, %dma_start3A_374] : memref<10000x128xf32, #tpu.memory_space<vmem_shared>> -> memref<10000x128xf32, #tpu.memory_space<vmem_shared>>
    tpu.enqueue_indirect_dma source(%arg17 : memref<112x128xf32, #tpu.memory_space<vmem>>) target(%dma_start3A_375 : memref<10000x128xf32, #tpu.memory_space<vmem_shared>>) offsets(%arg16 : memref<112xi32, #tpu.memory_space<vmem>>) semaphore(%arg20 : memref<!tpu.dma_semaphore, #tpu.memory_space<semaphore_mem>>) {add = true}
    %add3A_376 = arith.constant 9968 : i32
    %add3A_377 = arith.addi %mul3A_2, %add3A_376 : i32
    %dma_wait3A_378 = arith.constant 0 : i32
    %dma_wait3A_379 = arith.constant 0 : i32
    %dma_wait3A_380 = tpu.memref_slice %arg29[%dma_wait3A_378, %dma_wait3A_379] : memref<10000x128xf32, #tpu.memory_space<vmem_shared>> -> memref<10000x128xf32, #tpu.memory_space<vmem_shared>>
    tpu.wait_indirect_dma semaphore(%arg27 : memref<!tpu.dma_semaphore, #tpu.memory_space<semaphore_mem>>) src(%arg24 : memref<112x128xf32, #tpu.memory_space<vmem>>) dst(%dma_wait3A_380 : memref<10000x128xf32, #tpu.memory_space<vmem_shared>>)
    %dma_wait3A_381 = arith.constant 0 : i32
    %dma_wait3A_382 = arith.constant 0 : i32
    %dma_wait3A_383 = tpu.memref_slice %arg29[%dma_wait3A_381, %dma_wait3A_382] : memref<10000x128xf32, #tpu.memory_space<vmem_shared>> -> memref<10000x128xf32, #tpu.memory_space<vmem_shared>>
    tpu.wait_indirect_dma semaphore(%arg13 : memref<!tpu.dma_semaphore, #tpu.memory_space<semaphore_mem>>) src(%arg10 : memref<112x128xf32, #tpu.memory_space<vmem>>) dst(%dma_wait3A_383 : memref<10000x128xf32, #tpu.memory_space<vmem_shared>>)
    "tpu.region"() ({
      %run_scoped3A = tpu.sem_alloc : memref<!tpu.dma_semaphore, #tpu.memory_space<semaphore_mem>>
      %dma_start3A_414 = arith.constant 0 : i32
      %dma_start3A_415 = tpu.memref_slice %arg7[%dma_start3A_414] : memref<112xi32, #tpu.memory_space<vmem>> -> memref<32xi32, #tpu.memory_space<vmem>>
      %dma_start3A_416 = tpu.memref_slice %arg3[%add3A_377] : memref<320000xi32, #tpu.memory_space<hbm>> -> memref<32xi32, #tpu.memory_space<hbm>>
      %dma_start3A_417 = arith.constant 0 : i32
      %dma_start3A_418 = tpu.memref_slice %arg7[%dma_start3A_417] : memref<112xi32, #tpu.memory_space<vmem>> -> memref<32xi32, #tpu.memory_space<vmem>>
      %dma_start3A_419 = tpu.memref_slice %arg3[%add3A_377] : memref<320000xi32, #tpu.memory_space<hbm>> -> memref<32xi32, #tpu.memory_space<hbm>>
      tpu.enqueue_dma source(%dma_start3A_419 : memref<32xi32, #tpu.memory_space<hbm>>) target(%dma_start3A_418 : memref<32xi32, #tpu.memory_space<vmem>>) target_semaphore(%run_scoped3A : memref<!tpu.dma_semaphore, #tpu.memory_space<semaphore_mem>>)
      %dma_wait3A_420 = arith.constant 0 : i32
      %dma_wait3A_421 = tpu.memref_slice %arg7[%dma_wait3A_420] : memref<112xi32, #tpu.memory_space<vmem>> -> memref<32xi32, #tpu.memory_space<vmem>>
      %dma_wait3A_422 = tpu.memref_slice %arg3[%add3A_377] : memref<320000xi32, #tpu.memory_space<hbm>> -> memref<32xi32, #tpu.memory_space<hbm>>
      %dma_wait3A_423 = arith.constant 0 : i32
      %dma_wait3A_424 = tpu.memref_slice %arg7[%dma_wait3A_423] : memref<112xi32, #tpu.memory_space<vmem>> -> memref<32xi32, #tpu.memory_space<vmem>>
      %dma_wait3A_425 = tpu.memref_slice %arg3[%add3A_377] : memref<320000xi32, #tpu.memory_space<hbm>> -> memref<32xi32, #tpu.memory_space<hbm>>
      tpu.wait_dma2 semaphore(%run_scoped3A : memref<!tpu.dma_semaphore, #tpu.memory_space<semaphore_mem>>) src(%dma_wait3A_425 : memref<32xi32, #tpu.memory_space<hbm>>) dst(%dma_wait3A_424 : memref<32xi32, #tpu.memory_space<vmem>>)
      tpu.yield
    }) : () -> ()
    "tpu.region"() ({
      %run_scoped3A = tpu.sem_alloc : memref<!tpu.dma_semaphore, #tpu.memory_space<semaphore_mem>>
      %dma_start3A_414 = tpu.memref_slice %arg4[%add3A_377] : memref<320000xi32, #tpu.memory_space<hbm>> -> memref<32xi32, #tpu.memory_space<hbm>>
      %dma_start3A_415 = tpu.memref_slice %arg4[%add3A_377] : memref<320000xi32, #tpu.memory_space<hbm>> -> memref<32xi32, #tpu.memory_space<hbm>>
      tpu.enqueue_dma source(%dma_start3A_415 : memref<32xi32, #tpu.memory_space<hbm>>) target(%arg28 : memref<32xi32, #tpu.memory_space<vmem>>) target_semaphore(%run_scoped3A : memref<!tpu.dma_semaphore, #tpu.memory_space<semaphore_mem>>)
      %dma_wait3A_416 = tpu.memref_slice %arg4[%add3A_377] : memref<320000xi32, #tpu.memory_space<hbm>> -> memref<32xi32, #tpu.memory_space<hbm>>
      %dma_wait3A_417 = tpu.memref_slice %arg4[%add3A_377] : memref<320000xi32, #tpu.memory_space<hbm>> -> memref<32xi32, #tpu.memory_space<hbm>>
      tpu.wait_dma2 semaphore(%run_scoped3A : memref<!tpu.dma_semaphore, #tpu.memory_space<semaphore_mem>>) src(%dma_wait3A_417 : memref<32xi32, #tpu.memory_space<hbm>>) dst(%arg28 : memref<32xi32, #tpu.memory_space<vmem>>)
      tpu.yield
    }) : () -> ()
    %dma_start3A_384 = arith.constant 0 : i32
    %dma_start3A_385 = arith.constant 0 : i32
    %dma_start3A_386 = tpu.memref_slice %arg10[%dma_start3A_384, %dma_start3A_385] : memref<112x128xf32, #tpu.memory_space<vmem>> -> memref<32x128xf32, #tpu.memory_space<vmem>>
    %dma_start3A_387 = arith.constant 0 : i32
    %dma_start3A_388 = tpu.memref_slice %arg7[%dma_start3A_387] : memref<112xi32, #tpu.memory_space<vmem>> -> memref<32xi32, #tpu.memory_space<vmem>>
    %dma_start3A_389 = arith.constant 0 : i32
    %dma_start3A_390 = arith.constant 0 : i32
    %dma_start3A_391 = tpu.memref_slice %arg2[%dma_start3A_389, %dma_start3A_390] : memref<10000x128xf32, #tpu.memory_space<hbm>> -> memref<10000x128xf32, #tpu.memory_space<hbm>>
    tpu.enqueue_indirect_dma source(%dma_start3A_391 : memref<10000x128xf32, #tpu.memory_space<hbm>>) target(%dma_start3A_386 : memref<32x128xf32, #tpu.memory_space<vmem>>) offsets(%dma_start3A_388 : memref<32xi32, #tpu.memory_space<vmem>>) semaphore(%arg12 : memref<!tpu.dma_semaphore, #tpu.memory_space<semaphore_mem>>)
    %dma_wait3A_392 = arith.constant 0 : i32
    %dma_wait3A_393 = arith.constant 0 : i32
    %dma_wait3A_394 = tpu.memref_slice %arg10[%dma_wait3A_392, %dma_wait3A_393] : memref<112x128xf32, #tpu.memory_space<vmem>> -> memref<32x128xf32, #tpu.memory_space<vmem>>
    %dma_wait3A_395 = arith.constant 0 : i32
    %dma_wait3A_396 = tpu.memref_slice %arg7[%dma_wait3A_395] : memref<112xi32, #tpu.memory_space<vmem>> -> memref<32xi32, #tpu.memory_space<vmem>>
    %dma_wait3A_397 = arith.constant 0 : i32
    %dma_wait3A_398 = arith.constant 0 : i32
    %dma_wait3A_399 = tpu.memref_slice %arg2[%dma_wait3A_397, %dma_wait3A_398] : memref<10000x128xf32, #tpu.memory_space<hbm>> -> memref<10000x128xf32, #tpu.memory_space<hbm>>
    tpu.wait_indirect_dma semaphore(%arg12 : memref<!tpu.dma_semaphore, #tpu.memory_space<semaphore_mem>>) src(%dma_wait3A_399 : memref<10000x128xf32, #tpu.memory_space<hbm>>) dst(%dma_wait3A_394 : memref<32x128xf32, #tpu.memory_space<vmem>>)
    "tpu.region"() ({
      %run_scoped3A = tpu.sem_alloc : memref<!tpu.dma_semaphore, #tpu.memory_space<semaphore_mem>>
      %dma_start3A_414 = arith.constant 0 : i32
      %dma_start3A_415 = arith.constant 0 : i32
      %dma_start3A_416 = tpu.memref_slice %arg10[%dma_start3A_414, %dma_start3A_415] : memref<112x128xf32, #tpu.memory_space<vmem>> -> memref<32x128xf32, #tpu.memory_space<vmem>>
      %dma_start3A_417 = arith.constant 0 : i32
      %dma_start3A_418 = arith.constant 0 : i32
      %dma_start3A_419 = tpu.memref_slice %arg29[%dma_start3A_417, %dma_start3A_418] : memref<10000x128xf32, #tpu.memory_space<vmem_shared>> -> memref<10000x128xf32, #tpu.memory_space<vmem_shared>>
      tpu.enqueue_indirect_dma source(%dma_start3A_416 : memref<32x128xf32, #tpu.memory_space<vmem>>) target(%dma_start3A_419 : memref<10000x128xf32, #tpu.memory_space<vmem_shared>>) offsets(%arg28 : memref<32xi32, #tpu.memory_space<vmem>>) semaphore(%run_scoped3A : memref<!tpu.dma_semaphore, #tpu.memory_space<semaphore_mem>>) {add = true}
      %dma_wait3A_420 = arith.constant 0 : i32
      %dma_wait3A_421 = arith.constant 0 : i32
      %dma_wait3A_422 = tpu.memref_slice %arg10[%dma_wait3A_420, %dma_wait3A_421] : memref<112x128xf32, #tpu.memory_space<vmem>> -> memref<32x128xf32, #tpu.memory_space<vmem>>
      %dma_wait3A_423 = arith.constant 0 : i32
      %dma_wait3A_424 = arith.constant 0 : i32
      %dma_wait3A_425 = tpu.memref_slice %arg29[%dma_wait3A_423, %dma_wait3A_424] : memref<10000x128xf32, #tpu.memory_space<vmem_shared>> -> memref<10000x128xf32, #tpu.memory_space<vmem_shared>>
      tpu.wait_indirect_dma semaphore(%run_scoped3A : memref<!tpu.dma_semaphore, #tpu.memory_space<semaphore_mem>>) src(%dma_wait3A_422 : memref<32x128xf32, #tpu.memory_space<vmem>>) dst(%dma_wait3A_425 : memref<10000x128xf32, #tpu.memory_space<vmem_shared>>)
      tpu.yield
    }) : () -> ()
    %dma_wait3A_400 = arith.constant 0 : i32
    %dma_wait3A_401 = arith.constant 0 : i32
    %dma_wait3A_402 = tpu.memref_slice %arg29[%dma_wait3A_400, %dma_wait3A_401] : memref<10000x128xf32, #tpu.memory_space<vmem_shared>> -> memref<10000x128xf32, #tpu.memory_space<vmem_shared>>
    tpu.wait_indirect_dma semaphore(%arg20 : memref<!tpu.dma_semaphore, #tpu.memory_space<semaphore_mem>>) src(%arg17 : memref<112x128xf32, #tpu.memory_space<vmem>>) dst(%dma_wait3A_402 : memref<10000x128xf32, #tpu.memory_space<vmem_shared>>)
    %barrier3A_403 = arith.constant 0 : index
    tpu.barrier barrier_id(%barrier3A_403)
    %lt3A_404 = arith.constant 15 : i32
    %lt3A_405 = arith.cmpi slt, %arg1, %lt3A_404 : i32
    %convert_element_type3A_406 = arith.extui %lt3A_405 : i1 to i32
    %cond3A_407 = arith.constant 0 : i32
    %cond3A_408 = arith.cmpi ne, %convert_element_type3A_406, %cond3A_407 : i32
    scf.if %cond3A_408 {
      %mul3A_414 = arith.constant 632 : i32
      %mul3A_415 = arith.muli %arg1, %mul3A_414 : i32
      %mul3A_416 = arith.constant 10000 : i32
      %mul3A_417 = arith.muli %arg0, %mul3A_416 : i32
      %mul3A_418 = arith.constant 632 : i32
      %mul3A_419 = arith.muli %arg1, %mul3A_418 : i32
      %add3A_420 = arith.addi %mul3A_417, %mul3A_419 : i32
      "tpu.region"() ({
        %run_scoped3A = tpu.sem_alloc : memref<!tpu.dma_semaphore, #tpu.memory_space<semaphore_mem>>
        %dma_start3A_421 = arith.constant 0 : i32
        %dma_start3A_422 = tpu.memref_slice %arg6[%add3A_420, %dma_start3A_421] : memref<20000x128xf32, #tpu.memory_space<hbm>> -> memref<632x128xf32, #tpu.memory_space<hbm>>
        %dma_start3A_423 = arith.constant 0 : i32
        %dma_start3A_424 = tpu.memref_slice %arg29[%mul3A_415, %dma_start3A_423] : memref<10000x128xf32, #tpu.memory_space<vmem_shared>> -> memref<632x128xf32, #tpu.memory_space<vmem_shared>>
        tpu.enqueue_dma source(%dma_start3A_424 : memref<632x128xf32, #tpu.memory_space<vmem_shared>>) target(%dma_start3A_422 : memref<632x128xf32, #tpu.memory_space<hbm>>) target_semaphore(%run_scoped3A : memref<!tpu.dma_semaphore, #tpu.memory_space<semaphore_mem>>)
        %dma_wait3A_425 = arith.constant 0 : i32
        %dma_wait3A_426 = tpu.memref_slice %arg6[%add3A_420, %dma_wait3A_425] : memref<20000x128xf32, #tpu.memory_space<hbm>> -> memref<632x128xf32, #tpu.memory_space<hbm>>
        %dma_wait3A_427 = arith.constant 0 : i32
        %dma_wait3A_428 = tpu.memref_slice %arg29[%mul3A_415, %dma_wait3A_427] : memref<10000x128xf32, #tpu.memory_space<vmem_shared>> -> memref<632x128xf32, #tpu.memory_space<vmem_shared>>
        tpu.wait_dma2 semaphore(%run_scoped3A : memref<!tpu.dma_semaphore, #tpu.memory_space<semaphore_mem>>) src(%dma_wait3A_428 : memref<632x128xf32, #tpu.memory_space<vmem_shared>>) dst(%dma_wait3A_426 : memref<632x128xf32, #tpu.memory_space<hbm>>)
        tpu.yield
      }) : () -> ()
    } else {
    }
    %eq3A_409 = arith.constant 15 : i32
    %eq3A_410 = arith.cmpi eq, %arg1, %eq3A_409 : i32
    %convert_element_type3A_411 = arith.extui %eq3A_410 : i1 to i32
    %cond3A_412 = arith.constant 0 : i32
    %cond3A_413 = arith.cmpi ne, %convert_element_type3A_411, %cond3A_412 : i32
    scf.if %cond3A_413 {
      %mul3A_414 = arith.constant 10000 : i32
      %mul3A_415 = arith.muli %arg0, %mul3A_414 : i32
      %add3A_416 = arith.constant 9480 : i32
      %add3A_417 = arith.addi %mul3A_415, %add3A_416 : i32
      "tpu.region"() ({
        %run_scoped3A = tpu.sem_alloc : memref<!tpu.dma_semaphore, #tpu.memory_space<semaphore_mem>>
        %dma_start3A_418 = arith.constant 0 : i32
        %dma_start3A_419 = tpu.memref_slice %arg6[%add3A_417, %dma_start3A_418] : memref<20000x128xf32, #tpu.memory_space<hbm>> -> memref<520x128xf32, #tpu.memory_space<hbm>>
        %dma_start3A_420 = arith.constant 9480 : i32
        %dma_start3A_421 = arith.constant 0 : i32
        %dma_start3A_422 = tpu.memref_slice %arg29[%dma_start3A_420, %dma_start3A_421] : memref<10000x128xf32, #tpu.memory_space<vmem_shared>> -> memref<520x128xf32, #tpu.memory_space<vmem_shared>>
        tpu.enqueue_dma source(%dma_start3A_422 : memref<520x128xf32, #tpu.memory_space<vmem_shared>>) target(%dma_start3A_419 : memref<520x128xf32, #tpu.memory_space<hbm>>) target_semaphore(%run_scoped3A : memref<!tpu.dma_semaphore, #tpu.memory_space<semaphore_mem>>)
        %dma_wait3A_423 = arith.constant 0 : i32
        %dma_wait3A_424 = tpu.memref_slice %arg6[%add3A_417, %dma_wait3A_423] : memref<20000x128xf32, #tpu.memory_space<hbm>> -> memref<520x128xf32, #tpu.memory_space<hbm>>
        %dma_wait3A_425 = arith.constant 9480 : i32
        %dma_wait3A_426 = arith.constant 0 : i32
        %dma_wait3A_427 = tpu.memref_slice %arg29[%dma_wait3A_425, %dma_wait3A_426] : memref<10000x128xf32, #tpu.memory_space<vmem_shared>> -> memref<520x128xf32, #tpu.memory_space<vmem_shared>>
        tpu.wait_dma2 semaphore(%run_scoped3A : memref<!tpu.dma_semaphore, #tpu.memory_space<semaphore_mem>>) src(%dma_wait3A_427 : memref<520x128xf32, #tpu.memory_space<vmem_shared>>) dst(%dma_wait3A_424 : memref<520x128xf32, #tpu.memory_space<hbm>>)
        tpu.yield
      }) : () -> ()
    } else {
    }
    return
  }
}

module attributes {stable_mosaic.version = 14 : i64} {
  func.func @body(%arg0: i32, %arg1: memref<1000x128xf32, #tpu.memory_space<vmem>>, %arg2: memref<128x128xf32, #tpu.memory_space<vmem>>, %arg3: memref<1x128xf32, #tpu.memory_space<vmem>>, %arg4: memref<1000x128xf32, #tpu.memory_space<vmem>>) attributes {dimension_semantics = [#tpu.dimension_semantics<arbitrary>], iteration_bounds = array<i64: 10>, scalar_prefetch = 0 : i64, scratch_operands = 0 : i64, tpu.core_type = #tpu.core_type<tc>, window_params = [{transform_indices = @transform_0, window_bounds = array<i64: 1000, 128>}, {pipeline_mode = #tpu.pipeline_mode<synchronous>, transform_indices = @transform_1, window_bounds = array<i64: 128, 128>}, {pipeline_mode = #tpu.pipeline_mode<synchronous>, transform_indices = @transform_2, window_bounds = array<i64: 1, 128>}, {transform_indices = @transform_3, window_bounds = array<i64: 1000, 128>}]} {
    %get3A = arith.constant 0 : index
    %get3A_0 = arith.constant 0 : index
    %get3A_1 = vector.load %arg1[%get3A, %get3A_0] : memref<1000x128xf32, #tpu.memory_space<vmem>>, vector<1000x128xf32>
    %get3A_2 = arith.constant 0 : index
    %get3A_3 = arith.constant 0 : index
    %get3A_4 = vector.load %arg2[%get3A_2, %get3A_3] : memref<128x128xf32, #tpu.memory_space<vmem>>, vector<128x128xf32>
    %dot_general3A = arith.constant dense<0.000000e+00> : vector<1000x128xf32>
    %dot_general3A_5 = tpu.matmul %get3A_1, %get3A_4, %dot_general3A {dimension_numbers = #tpu.dot_dimension_numbers<[1], [0], [0], [1], [0, 0, 1, 1], [], []>, transpose_lhs_hint = false} : vector<1000x128xf32>, vector<128x128xf32>, vector<1000x128xf32> -> vector<1000x128xf32>
    %get3A_6 = arith.constant 0 : index
    %get3A_7 = arith.constant 0 : index
    %get3A_8 = vector.load %arg3[%get3A_6, %get3A_7] : memref<1x128xf32, #tpu.memory_space<vmem>>, vector<1x128xf32>
    %add3A = vector.broadcast %get3A_8 : vector<1x128xf32> to vector<1000x128xf32>
    %add3A_9 = arith.addf %dot_general3A_5, %add3A : vector<1000x128xf32>
    %swap3A = arith.constant 0 : index
    %swap3A_10 = arith.constant 0 : index
    %swap3A_11 = vector.load %arg4[%swap3A, %swap3A_10] : memref<1000x128xf32, #tpu.memory_space<vmem>>, vector<1000x128xf32>
    tpu.vector_store %arg4[%swap3A, %swap3A_10], %add3A_9 {strides = array<i32>} : memref<1000x128xf32, #tpu.memory_space<vmem>>, vector<1000x128xf32>,
    return
  }
  func.func @transform_0(%arg0: i32) -> (i32, i32) {
    %c0_i32 = arith.constant 0 : i32
    %c0_i32_0 = arith.constant 0 : i32
    return %arg0, %c0_i32 : i32, i32
  }
  func.func @transform_1(%arg0: i32) -> (i32, i32) {
    %c0_i32 = arith.constant 0 : i32
    %c0_i32_0 = arith.constant 0 : i32
    %c0_i32_1 = arith.constant 0 : i32
    return %c0_i32, %c0_i32_0 : i32, i32
  }
  func.func @transform_2(%arg0: i32) -> (i32, i32) {
    %c0_i32 = arith.constant 0 : i32
    %c0_i32_0 = arith.constant 0 : i32
    %c0_i32_1 = arith.constant 0 : i32
    return %c0_i32, %c0_i32_0 : i32, i32
  }
  func.func @transform_3(%arg0: i32) -> (i32, i32) {
    %c0_i32 = arith.constant 0 : i32
    %c0_i32_0 = arith.constant 0 : i32
    return %arg0, %c0_i32 : i32, i32
  }
}

module attributes {stable_mosaic.version = 14 : i64} {
  func.func @body(%arg0: i32, %arg1: memref<2x1000x128xf32, #tpu.memory_space<vmem>>, %arg2: memref<1000x128xf32, #tpu.memory_space<vmem>>, %arg3: memref<128x128xf32, #tpu.memory_space<vmem>>, %arg4: memref<1000x128xf32, #tpu.memory_space<vmem>>) attributes {dimension_semantics = [#tpu.dimension_semantics<arbitrary>], iteration_bounds = array<i64: 10>, scalar_prefetch = 0 : i64, scratch_operands = 0 : i64, tpu.core_type = #tpu.core_type<tc>, window_params = [{transform_indices = @transform_0, window_bounds = array<i64: 2, 1000, 128>}, {transform_indices = @transform_1, window_bounds = array<i64: 1000, 128>}, {pipeline_mode = #tpu.pipeline_mode<synchronous>, transform_indices = @transform_2, window_bounds = array<i64: 128, 128>}, {transform_indices = @transform_3, window_bounds = array<i64: 1000, 128>}]} {
    %get3A = arith.constant 0 : index
    %get3A_0 = arith.constant 0 : index
    %get3A_1 = arith.constant 0 : index
    %get3A_2 = vector.load %arg1[%get3A, %get3A_0, %get3A_1] : memref<2x1000x128xf32, #tpu.memory_space<vmem>>, vector<1x1000x128xf32>
    %get3A_3 = vector.shape_cast %get3A_2 : vector<1x1000x128xf32> to vector<1000x128xf32>
    %get3A_4 = arith.constant 1 : index
    %get3A_5 = arith.constant 0 : index
    %get3A_6 = arith.constant 0 : index
    %get3A_7 = vector.load %arg1[%get3A_4, %get3A_5, %get3A_6] : memref<2x1000x128xf32, #tpu.memory_space<vmem>>, vector<1x1000x128xf32>
    %get3A_8 = vector.shape_cast %get3A_7 : vector<1x1000x128xf32> to vector<1000x128xf32>
    %add3A = arith.addf %get3A_3, %get3A_8 : vector<1000x128xf32>
    %get3A_9 = arith.constant 0 : index
    %get3A_10 = arith.constant 0 : index
    %get3A_11 = vector.load %arg3[%get3A_9, %get3A_10] : memref<128x128xf32, #tpu.memory_space<vmem>>, vector<128x128xf32>
    %dot_general3A = arith.constant dense<0.000000e+00> : vector<1000x128xf32>
    %dot_general3A_12 = tpu.matmul %add3A, %get3A_11, %dot_general3A {dimension_numbers = #tpu.dot_dimension_numbers<[1], [0], [0], [1], [0, 0, 1, 1], [], []>, transpose_lhs_hint = false} : vector<1000x128xf32>, vector<128x128xf32>, vector<1000x128xf32> -> vector<1000x128xf32>
    %get3A_13 = arith.constant 0 : index
    %get3A_14 = arith.constant 0 : index
    %get3A_15 = vector.load %arg2[%get3A_13, %get3A_14] : memref<1000x128xf32, #tpu.memory_space<vmem>>, vector<1000x128xf32>
    %add3A_16 = arith.addf %dot_general3A_12, %get3A_15 : vector<1000x128xf32>
    %max3A = arith.constant 0.000000e+00 : f32
    %max3A_17 = vector.broadcast %max3A : f32 to vector<1000x128xf32>
    %max3A_18 = arith.maximumf %add3A_16, %max3A_17 : vector<1000x128xf32>
    %swap3A = arith.constant 0 : index
    %swap3A_19 = arith.constant 0 : index
    %swap3A_20 = vector.load %arg4[%swap3A, %swap3A_19] : memref<1000x128xf32, #tpu.memory_space<vmem>>, vector<1000x128xf32>
    tpu.vector_store %arg4[%swap3A, %swap3A_19], %max3A_18 {strides = array<i32>} : memref<1000x128xf32, #tpu.memory_space<vmem>>, vector<1000x128xf32>,
    return
  }
  func.func @transform_0(%arg0: i32) -> (i32, i32, i32) {
    %c0_i32 = arith.constant 0 : i32
    %c0_i32_0 = arith.constant 0 : i32
    %c0_i32_1 = arith.constant 0 : i32
    return %c0_i32, %arg0, %c0_i32_0 : i32, i32, i32
  }
  func.func @transform_1(%arg0: i32) -> (i32, i32) {
    %c0_i32 = arith.constant 0 : i32
    %c0_i32_0 = arith.constant 0 : i32
    return %arg0, %c0_i32 : i32, i32
  }
  func.func @transform_2(%arg0: i32) -> (i32, i32) {
    %c0_i32 = arith.constant 0 : i32
    %c0_i32_0 = arith.constant 0 : i32
    %c0_i32_1 = arith.constant 0 : i32
    return %c0_i32, %c0_i32_0 : i32, i32
  }
  func.func @transform_3(%arg0: i32) -> (i32, i32) {
    %c0_i32 = arith.constant 0 : i32
    %c0_i32_0 = arith.constant 0 : i32
    return %arg0, %c0_i32 : i32, i32
  }
}

module attributes {stable_mosaic.version = 14 : i64} {
  func.func @body(%arg0: i32, %arg1: memref<2x1000x128xf32, #tpu.memory_space<vmem>>, %arg2: memref<1000x128xf32, #tpu.memory_space<vmem>>, %arg3: memref<128x128xf32, #tpu.memory_space<vmem>>, %arg4: memref<1000x1xi32, #tpu.memory_space<vmem>>, %arg5: memref<1x1x2xi32, #tpu.memory_space<smem>>, %arg6: memref<128x64xf32, #tpu.memory_space<vmem>>, %arg7: memref<1x64xf32, #tpu.memory_space<vmem>>, %arg8: memref<64x10xf32, #tpu.memory_space<vmem>>, %arg9: memref<1x10xf32, #tpu.memory_space<vmem>>, %arg10: memref<64x10xf32, #tpu.memory_space<vmem>>, %arg11: memref<64x128xf32, #tpu.memory_space<vmem>>) attributes {dimension_semantics = [#tpu.dimension_semantics<arbitrary>], iteration_bounds = array<i64: 10>, scalar_prefetch = 0 : i64, scratch_operands = 1 : i64, tpu.core_type = #tpu.core_type<tc>, window_params = [{transform_indices = @transform_0, window_bounds = array<i64: 2, 1000, 128>}, {transform_indices = @transform_1, window_bounds = array<i64: 1000, 128>}, {pipeline_mode = #tpu.pipeline_mode<synchronous>, transform_indices = @transform_2, window_bounds = array<i64: 128, 128>}, {transform_indices = @transform_3, window_bounds = array<i64: 1000, 1>}, {transform_indices = @transform_4, window_bounds = array<i64: 1, 1, 2>}, {pipeline_mode = #tpu.pipeline_mode<synchronous>, transform_indices = @transform_5, window_bounds = array<i64: 128, 64>}, {pipeline_mode = #tpu.pipeline_mode<synchronous>, transform_indices = @transform_6, window_bounds = array<i64: 1, 64>}, {pipeline_mode = #tpu.pipeline_mode<synchronous>, transform_indices = @transform_7, window_bounds = array<i64: 64, 10>}, {pipeline_mode = #tpu.pipeline_mode<synchronous>, transform_indices = @transform_8, window_bounds = array<i64: 1, 10>}, {pipeline_mode = #tpu.pipeline_mode<synchronous>, transform_indices = @transform_9, window_bounds = array<i64: 64, 10>}]} {
    %get3A = arith.constant 0 : index
    %get3A_0 = arith.constant 0 : index
    %get3A_1 = arith.constant 0 : index
    %get3A_2 = vector.load %arg1[%get3A, %get3A_0, %get3A_1] : memref<2x1000x128xf32, #tpu.memory_space<vmem>>, vector<1x1000x128xf32>
    %get3A_3 = vector.shape_cast %get3A_2 : vector<1x1000x128xf32> to vector<1000x128xf32>
    %get3A_4 = arith.constant 1 : index
    %get3A_5 = arith.constant 0 : index
    %get3A_6 = arith.constant 0 : index
    %get3A_7 = vector.load %arg1[%get3A_4, %get3A_5, %get3A_6] : memref<2x1000x128xf32, #tpu.memory_space<vmem>>, vector<1x1000x128xf32>
    %get3A_8 = vector.shape_cast %get3A_7 : vector<1x1000x128xf32> to vector<1000x128xf32>
    %add3A = arith.addf %get3A_3, %get3A_8 : vector<1000x128xf32>
    %get3A_9 = arith.constant 0 : index
    %get3A_10 = arith.constant 0 : index
    %get3A_11 = vector.load %arg3[%get3A_9, %get3A_10] : memref<128x128xf32, #tpu.memory_space<vmem>>, vector<128x128xf32>
    %dot_general3A = arith.constant dense<0.000000e+00> : vector<1000x128xf32>
    %dot_general3A_12 = tpu.matmul %add3A, %get3A_11, %dot_general3A {dimension_numbers = #tpu.dot_dimension_numbers<[1], [0], [0], [1], [0, 0, 1, 1], [], []>, transpose_lhs_hint = false} : vector<1000x128xf32>, vector<128x128xf32>, vector<1000x128xf32> -> vector<1000x128xf32>
    %get3A_13 = arith.constant 0 : index
    %get3A_14 = arith.constant 0 : index
    %get3A_15 = vector.load %arg2[%get3A_13, %get3A_14] : memref<1000x128xf32, #tpu.memory_space<vmem>>, vector<1000x128xf32>
    %add3A_16 = arith.addf %dot_general3A_12, %get3A_15 : vector<1000x128xf32>
    %max3A = arith.constant 0.000000e+00 : f32
    %max3A_17 = vector.broadcast %max3A : f32 to vector<1000x128xf32>
    %max3A_18 = arith.maximumf %add3A_16, %max3A_17 : vector<1000x128xf32>
    %eq3A = arith.constant 0 : i32
    %eq3A_19 = arith.cmpi eq, %arg0, %eq3A : i32
    %convert_element_type3A = arith.extui %eq3A_19 : i1 to i32
    %cond3A = arith.constant 0 : i32
    %cond3A_20 = arith.cmpi ne, %convert_element_type3A, %cond3A : i32
    scf.if %cond3A_20 {
      %broadcast_in_dim3A = arith.constant 0xFF800000 : f32
      %broadcast_in_dim3A_44 = vector.broadcast %broadcast_in_dim3A : f32 to vector<64x128xf32>
      %swap3A = arith.constant 0 : index
      %swap3A_45 = arith.constant 0 : index
      %swap3A_46 = vector.load %arg11[%swap3A, %swap3A_45] : memref<64x128xf32, #tpu.memory_space<vmem>>, vector<64x128xf32>
      tpu.vector_store %arg11[%swap3A, %swap3A_45], %broadcast_in_dim3A_44 {strides = array<i32>} : memref<64x128xf32, #tpu.memory_space<vmem>>, vector<64x128xf32>,
    } else {
    }
    %get3A_21 = arith.constant 0 : index
    %get3A_22 = arith.constant 0 : index
    %get3A_23 = arith.constant 0 : index
    %get3A_24 = memref.load %arg5[%get3A_21, %get3A_22, %get3A_23] : memref<1x1x2xi32, #tpu.memory_space<smem>>
    %get3A_25 = arith.constant 0 : index
    %get3A_26 = arith.constant 0 : index
    %get3A_27 = arith.constant 1 : index
    %get3A_28 = memref.load %arg5[%get3A_25, %get3A_26, %get3A_27] : memref<1x1x2xi32, #tpu.memory_space<smem>>
    %add3A_29 = arith.constant 1 : i32
    %add3A_30 = arith.addi %get3A_28, %add3A_29 : i32
    %while3A = arith.constant 0 : i32
    %while3A_31 = arith.subi %add3A_30, %get3A_24 : i32
    %while3A_32 = arith.addi %get3A_24, %while3A_31 : i32
    %while3A_33 = arith.constant 1 : i32
    %while3A_34 = arith.divsi %while3A_31, %while3A_33 : i32
    %while3A_35 = arith.muli %while3A_34, %while3A_33 : i32
    %while3A_36 = arith.addi %get3A_24, %while3A_35 : i32
    %while3A_37 = arith.constant 1 : i32
    scf.for %while3A_44 = %get3A_24 to %while3A_36 step %while3A_37  : i32 {
      %get3A_45 = arith.constant 0 : index
      %get3A_46 = arith.constant 0 : index
      %get3A_47 = vector.load %arg4[%get3A_45, %get3A_46] : memref<1000x1xi32, #tpu.memory_space<vmem>>, vector<1000x1xi32>
      %eq3A_48 = vector.broadcast %while3A_44 : i32 to vector<1000x1xi32>
      %eq3A_49 = arith.cmpi eq, %get3A_47, %eq3A_48 : vector<1000x1xi32>
      %jit3A = arith.constant 0xFF800000 : f32
      %broadcast_in_dim3A = vector.shape_cast %eq3A_49 : vector<1000x1xi1> to vector<1000x1xi1>
      %broadcast_in_dim3A_50 = vector.broadcast %broadcast_in_dim3A : vector<1000x1xi1> to vector<1000x128xi1>
      %broadcast_in_dim3A_51 = vector.broadcast %jit3A : f32 to vector<1000x128xf32>
      %select_n3A = arith.select %broadcast_in_dim3A_50, %max3A_18, %broadcast_in_dim3A_51 : vector<1000x128xi1>, vector<1000x128xf32>
      %reduce_max3A = arith.constant dense<0xFF800000> : vector<128xf32>
      %reduce_max3A_52 = vector.multi_reduction <maximumf>, %select_n3A, %reduce_max3A [0] : vector<1000x128xf32> to vector<128xf32>
      %broadcast_in_dim3A_53 = vector.shape_cast %reduce_max3A_52 : vector<128xf32> to vector<1x128xf32>
      %get3A_54 = arith.index_cast %while3A_44 : i32 to index
      %get3A_55 = arith.constant 0 : index
      %get3A_56 = vector.load %arg11[%get3A_54, %get3A_55] : memref<64x128xf32, #tpu.memory_space<vmem>>, vector<1x128xf32>
      %max3A_57 = arith.maximumf %get3A_56, %broadcast_in_dim3A_53 : vector<1x128xf32>
      %swap3A = arith.index_cast %while3A_44 : i32 to index
      %swap3A_58 = arith.constant 0 : index
      %swap3A_59 = vector.load %arg11[%swap3A, %swap3A_58] : memref<64x128xf32, #tpu.memory_space<vmem>>, vector<1x128xf32>
      tpu.vector_store %arg11[%swap3A, %swap3A_58], %max3A_57 {strides = array<i32>} : memref<64x128xf32, #tpu.memory_space<vmem>>, vector<1x128xf32>,
    }
    %while3A_38 = arith.constant 1 : i32
    scf.for %while3A_44 = %while3A_36 to %while3A_32 step %while3A_38  : i32 {
      %get3A_45 = arith.constant 0 : index
      %get3A_46 = arith.constant 0 : index
      %get3A_47 = vector.load %arg4[%get3A_45, %get3A_46] : memref<1000x1xi32, #tpu.memory_space<vmem>>, vector<1000x1xi32>
      %eq3A_48 = vector.broadcast %while3A_44 : i32 to vector<1000x1xi32>
      %eq3A_49 = arith.cmpi eq, %get3A_47, %eq3A_48 : vector<1000x1xi32>
      %jit3A = arith.constant 0xFF800000 : f32
      %broadcast_in_dim3A = vector.shape_cast %eq3A_49 : vector<1000x1xi1> to vector<1000x1xi1>
      %broadcast_in_dim3A_50 = vector.broadcast %broadcast_in_dim3A : vector<1000x1xi1> to vector<1000x128xi1>
      %broadcast_in_dim3A_51 = vector.broadcast %jit3A : f32 to vector<1000x128xf32>
      %select_n3A = arith.select %broadcast_in_dim3A_50, %max3A_18, %broadcast_in_dim3A_51 : vector<1000x128xi1>, vector<1000x128xf32>
      %reduce_max3A = arith.constant dense<0xFF800000> : vector<128xf32>
      %reduce_max3A_52 = vector.multi_reduction <maximumf>, %select_n3A, %reduce_max3A [0] : vector<1000x128xf32> to vector<128xf32>
      %broadcast_in_dim3A_53 = vector.shape_cast %reduce_max3A_52 : vector<128xf32> to vector<1x128xf32>
      %get3A_54 = arith.index_cast %while3A_44 : i32 to index
      %get3A_55 = arith.constant 0 : index
      %get3A_56 = vector.load %arg11[%get3A_54, %get3A_55] : memref<64x128xf32, #tpu.memory_space<vmem>>, vector<1x128xf32>
      %max3A_57 = arith.maximumf %get3A_56, %broadcast_in_dim3A_53 : vector<1x128xf32>
      %swap3A = arith.index_cast %while3A_44 : i32 to index
      %swap3A_58 = arith.constant 0 : index
      %swap3A_59 = vector.load %arg11[%swap3A, %swap3A_58] : memref<64x128xf32, #tpu.memory_space<vmem>>, vector<1x128xf32>
      tpu.vector_store %arg11[%swap3A, %swap3A_58], %max3A_57 {strides = array<i32>} : memref<64x128xf32, #tpu.memory_space<vmem>>, vector<1x128xf32>,
    }
    %eq3A_39 = arith.constant 9 : i32
    %eq3A_40 = arith.cmpi eq, %arg0, %eq3A_39 : i32
    %convert_element_type3A_41 = arith.extui %eq3A_40 : i1 to i32
    %cond3A_42 = arith.constant 0 : i32
    %cond3A_43 = arith.cmpi ne, %convert_element_type3A_41, %cond3A_42 : i32
    scf.if %cond3A_43 {
      %get3A_44 = arith.constant 0 : index
      %get3A_45 = arith.constant 0 : index
      %get3A_46 = vector.load %arg11[%get3A_44, %get3A_45] : memref<64x128xf32, #tpu.memory_space<vmem>>, vector<64x128xf32>
      %get3A_47 = arith.constant 0 : index
      %get3A_48 = arith.constant 0 : index
      %get3A_49 = vector.load %arg6[%get3A_47, %get3A_48] : memref<128x64xf32, #tpu.memory_space<vmem>>, vector<128x64xf32>
      %dot_general3A_50 = arith.constant dense<0.000000e+00> : vector<64x64xf32>
      %dot_general3A_51 = tpu.matmul %get3A_46, %get3A_49, %dot_general3A_50 {dimension_numbers = #tpu.dot_dimension_numbers<[1], [0], [0], [1], [0, 0, 1, 1], [], []>, transpose_lhs_hint = false} : vector<64x128xf32>, vector<128x64xf32>, vector<64x64xf32> -> vector<64x64xf32>
      %get3A_52 = arith.constant 0 : index
      %get3A_53 = arith.constant 0 : index
      %get3A_54 = vector.load %arg7[%get3A_52, %get3A_53] : memref<1x64xf32, #tpu.memory_space<vmem>>, vector<1x64xf32>
      %add3A_55 = vector.broadcast %get3A_54 : vector<1x64xf32> to vector<64x64xf32>
      %add3A_56 = arith.addf %dot_general3A_51, %add3A_55 : vector<64x64xf32>
      %max3A_57 = arith.constant 0.000000e+00 : f32
      %max3A_58 = vector.broadcast %max3A_57 : f32 to vector<64x64xf32>
      %max3A_59 = arith.maximumf %add3A_56, %max3A_58 : vector<64x64xf32>
      %get3A_60 = arith.constant 0 : index
      %get3A_61 = arith.constant 0 : index
      %get3A_62 = vector.load %arg8[%get3A_60, %get3A_61] : memref<64x10xf32, #tpu.memory_space<vmem>>, vector<64x10xf32>
      %dot_general3A_63 = arith.constant dense<0.000000e+00> : vector<64x10xf32>
      %dot_general3A_64 = tpu.matmul %max3A_59, %get3A_62, %dot_general3A_63 {dimension_numbers = #tpu.dot_dimension_numbers<[1], [0], [0], [1], [0, 0, 1, 1], [], []>, transpose_lhs_hint = false} : vector<64x64xf32>, vector<64x10xf32>, vector<64x10xf32> -> vector<64x10xf32>
      %get3A_65 = arith.constant 0 : index
      %get3A_66 = arith.constant 0 : index
      %get3A_67 = vector.load %arg9[%get3A_65, %get3A_66] : memref<1x10xf32, #tpu.memory_space<vmem>>, vector<1x10xf32>
      %add3A_68 = vector.broadcast %get3A_67 : vector<1x10xf32> to vector<64x10xf32>
      %add3A_69 = arith.addf %dot_general3A_64, %add3A_68 : vector<64x10xf32>
      %reduce_max3A = arith.constant dense<0xFF800000> : vector<64xf32>
      %reduce_max3A_70 = vector.multi_reduction <maximumf>, %add3A_69, %reduce_max3A [1] : vector<64x10xf32> to vector<64xf32>
      %broadcast_in_dim3A = vector.shape_cast %reduce_max3A_70 : vector<64xf32> to vector<64x1xf32>
      %sub3A = vector.broadcast %broadcast_in_dim3A : vector<64x1xf32> to vector<64x10xf32>
      %sub3A_71 = arith.subf %add3A_69, %sub3A : vector<64x10xf32>
      %exp3A = math.exp %sub3A_71 : vector<64x10xf32>
      %sub3A_72 = vector.broadcast %broadcast_in_dim3A : vector<64x1xf32> to vector<64x10xf32>
      %sub3A_73 = arith.subf %add3A_69, %sub3A_72 : vector<64x10xf32>
      %reduce_sum3A = arith.constant dense<0.000000e+00> : vector<64xf32>
      %reduce_sum3A_74 = vector.multi_reduction <add>, %exp3A, %reduce_sum3A [1] : vector<64x10xf32> to vector<64xf32>
      %broadcast_in_dim3A_75 = vector.shape_cast %reduce_sum3A_74 : vector<64xf32> to vector<64x1xf32>
      %log3A = math.log %broadcast_in_dim3A_75 : vector<64x1xf32>
      %sub3A_76 = vector.broadcast %log3A : vector<64x1xf32> to vector<64x10xf32>
      %sub3A_77 = arith.subf %sub3A_73, %sub3A_76 : vector<64x10xf32>
      %swap3A = arith.constant 0 : index
      %swap3A_78 = arith.constant 0 : index
      %swap3A_79 = vector.load %arg10[%swap3A, %swap3A_78] : memref<64x10xf32, #tpu.memory_space<vmem>>, vector<64x10xf32>
      tpu.vector_store %arg10[%swap3A, %swap3A_78], %sub3A_77 {strides = array<i32>} : memref<64x10xf32, #tpu.memory_space<vmem>>, vector<64x10xf32>,
    } else {
    }
    return
  }
  func.func @transform_0(%arg0: i32) -> (i32, i32, i32) {
    %c0_i32 = arith.constant 0 : i32
    %c0_i32_0 = arith.constant 0 : i32
    %c0_i32_1 = arith.constant 0 : i32
    return %c0_i32, %arg0, %c0_i32_0 : i32, i32, i32
  }
  func.func @transform_1(%arg0: i32) -> (i32, i32) {
    %c0_i32 = arith.constant 0 : i32
    %c0_i32_0 = arith.constant 0 : i32
    return %arg0, %c0_i32 : i32, i32
  }
  func.func @transform_2(%arg0: i32) -> (i32, i32) {
    %c0_i32 = arith.constant 0 : i32
    %c0_i32_0 = arith.constant 0 : i32
    %c0_i32_1 = arith.constant 0 : i32
    return %c0_i32, %c0_i32_0 : i32, i32
  }
  func.func @transform_3(%arg0: i32) -> (i32, i32) {
    %c0_i32 = arith.constant 0 : i32
    %c0_i32_0 = arith.constant 0 : i32
    return %arg0, %c0_i32 : i32, i32
  }
  func.func @transform_4(%arg0: i32) -> (i32, i32, i32) {
    %c0_i32 = arith.constant 0 : i32
    %c0_i32_0 = arith.constant 0 : i32
    %c0_i32_1 = arith.constant 0 : i32
    return %arg0, %c0_i32, %c0_i32_0 : i32, i32, i32
  }
  func.func @transform_5(%arg0: i32) -> (i32, i32) {
    %c0_i32 = arith.constant 0 : i32
    %c0_i32_0 = arith.constant 0 : i32
    %c0_i32_1 = arith.constant 0 : i32
    return %c0_i32, %c0_i32_0 : i32, i32
  }
  func.func @transform_6(%arg0: i32) -> (i32, i32) {
    %c0_i32 = arith.constant 0 : i32
    %c0_i32_0 = arith.constant 0 : i32
    %c0_i32_1 = arith.constant 0 : i32
    return %c0_i32, %c0_i32_0 : i32, i32
  }
  func.func @transform_7(%arg0: i32) -> (i32, i32) {
    %c0_i32 = arith.constant 0 : i32
    %c0_i32_0 = arith.constant 0 : i32
    %c0_i32_1 = arith.constant 0 : i32
    return %c0_i32, %c0_i32_0 : i32, i32
  }
  func.func @transform_8(%arg0: i32) -> (i32, i32) {
    %c0_i32 = arith.constant 0 : i32
    %c0_i32_0 = arith.constant 0 : i32
    %c0_i32_1 = arith.constant 0 : i32
    return %c0_i32, %c0_i32_0 : i32, i32
  }
  func.func @transform_9(%arg0: i32) -> (i32, i32) {
    %c0_i32 = arith.constant 0 : i32
    %c0_i32_0 = arith.constant 0 : i32
    %c0_i32_1 = arith.constant 0 : i32
    return %c0_i32, %c0_i32_0 : i32, i32
  }
}

</mosaic_0001>

<sc_bundles>
// kernel: kernel.11.cloned.1.call-start
scs
__scs_entry_jumppad:
0x0: {  	(pc) =	sbr.rel $0x88, $3  }
0x1: {  	(tag) =	ssettag $0x0;
	lr =	simm.s32 $0x1  }
0x2: {  	[smem:$0x3F91] =	sst lr;
	_ =	strace $0xD0000000  }
0x3: {  	_ = 	snop  }
0x4: {  	_ = 	snop  }
0x5: {  	_ = 	snop  }
0x6: {  	_ = 	snop  }
0x7: {  	_ = 	snop  }
__scs_overlays_trampoline_lowered:
0x8: {  	[smem:$0x3FA0] =	sst s0  }
0x9: {  	[smem:$0x3FA1] =	sst s1  }
0xa: {  	[smem:$0x3FA2] =	sst s2  }
0xb: {  	[smem:$0x3FA3] =	sst s3  }
0xc: {  	[smem:$0x3FA4] =	sst s4  }
0xd: {  	[smem:$0x3FA5] =	sst s5  }
0xe: {  	[smem:$0x3FA6] =	sst s6  }
0xf: {  	[smem:$0x3FA7] =	sst s7  }
0x10: {  	[smem:$0x3FA8] =	sst s8  }
0x11: {  	[smem:$0x3FA9] =	sst s9;
	s0 =	simm.s32 @!p0 $0x0  }
0x12: {  	s1 =	sld [smem:$0x3F8F];
	s0 =	simm.s32 @p0 $0x1  }
0x13: {  	[smem:$0x3FAA] =	sst s0;
	s0 =	simm.s32 @!p1 $0x0  }
0x14: {  	s2 =	sld [smem:$0x3F8E];
	s0 =	simm.s32 @p1 $0x1  }
0x15: {  	[smem:$0x3FAB] =	sst s0;
	s0 =	simm.s32 @!p2 $0x0  }
0x16: {  	s3 =	sld [smem:$0x3FDB];
	s0 =	simm.s32 @p2 $0x1  }
0x17: {  	s4 =	simm.s32 $0x1BF5;
	[smem:$0x3FAD] =	sst s0  }
0x18: {  	s0 =	sld [smem:$0x3F90];
	_ =	swait.ge [sflag:s4], $0x0  }
0x19: {  	s7 =	sld [smem:$0x3F91]  }
0x1a: {  	s8 =	sadd.s32 $0xFFFFE003, lr  }
0x1b: {  	s9 =	sadd.s32 $0xFFFFFEF7, lr;
	s5 =	simm.s32 $0xFFFFFFFF;
	p2 =	slt.u32 s8, $0xFFFFF086  }
0x1c: {  	p1 =	slt.u32 s9, $0xF7A;
	s5 =	simm.s32 @!p2 $0x0  }
0x1d: {  	s5 =	simm.s32 @p1 $0x1;
	p0 =	seq.s32 s7, s2  }
0x1e: {  	s7 =	smul.u32 @!p0 $0xF7A, s2;
	p2 =	seq.s32 @!p0 s5, $0x0  }
0x1f: {  	s9 =	smul.u32 $0xF7A, s1;
	s8 =	simm.s32 @!p0 $0x1BF5;
	p2 =	por !p2, p0  }
0x20: {  	[sflag:s8] =	ssyncset.s32 @!p0 $0xFFFFF086;
	s6 =	sadd.s32 @!p0 s3, s7;
	s7 =	simm.s32 @!p0 $0x108  }
0x21: {  	s3 =	sadd.s32 s3, s9;
	s6 =	sadd.s32 @!p0 $0x88, s6;
	s7 =	simm.s32 @p2 $0x1082  }
0x22: {  	[simem:s7], [sflag:s8] =	dma.local @!p0 [hbm:s6], $0xF7A  }
0x23: {  	s9 =	sor.u32 $0xD0000000, s2;
	s6 =	simm.s32 $0x108;
	_ =	swait.ge @!p0 [sflag:s8], $0x0  }
0x24: {  	s3 =	sadd.s32 $0x88, s3;
	s6 =	simm.s32 @!p1 $0x1082;
	[sflag:s4] =	ssyncset.s32 $0xFFFFF086  }
0x25: {  	[simem:s6], [sflag:s4] =	dma.local [hbm:s3], $0xF7A  }
0x26: {  	[smem:$0x3F91] =	sst s1;
	(tag) =	ssettag s2;
	_ =	strace s9  }
0x27: {  	s1 =	sld [smem:$0x3FA1]  }
0x28: {  	s2 =	sld [smem:$0x3FA2]  }
0x29: {  	s4 =	sld [smem:$0x3FA4]  }
0x2a: {  	p0 =	seq.s32 s5, $0x0;
	s5 =	sld [smem:$0x3FA5]  }
0x2b: {  	s6 =	sld [smem:$0x3FA6]  }
0x2c: {  	s7 =	sld [smem:$0x3FA7]  }
0x2d: {  	s3 =	simm.s32 $0x108;
	s8 =	sld [smem:$0x3FA8]  }
0x2e: {  	s3 =	simm.s32 @!p0 $0x1082;
	s9 =	sld [smem:$0x3FA9]  }
0x2f: {  	lr =	sadd.s32 s0, s3;
	s0 =	sld [smem:$0x3FA0]  }
0x30: {  	s3 =	sld [smem:$0x3FA3]  }
0x31: {  	[smem:$0x3FAC] =	sst s10  }
0x32: {  	s10 =	sld [smem:$0x3FAA];
	_ =	sdelay $0x3  }
0x33: {  	p0 =	seq.s32 s10, $0x1;
	s10 =	sld [smem:$0x3FAC];
	_ =	sdelay $0x3  }
0x34: {  	[smem:$0x3FAC] =	sst s10  }
0x35: {  	s10 =	sld [smem:$0x3FAB];
	_ =	sdelay $0x3  }
0x36: {  	p1 =	seq.s32 s10, $0x1;
	s10 =	sld [smem:$0x3FAC];
	_ =	sdelay $0x3  }
0x37: {  	[smem:$0x3FAC] =	sst s10  }
0x38: {  	s10 =	sld [smem:$0x3FAD]  }
0x39: {  	_ = 	snop;
	(pc) =	sbr.ind lr, $3  }
0x3a: {  	_ = 	snop  }
0x3b: {  	_ = 	snop  }
0x3c: {  	p2 =	seq.s32 s10, $0x1;
	s10 =	sld [smem:$0x3FAC]  }
0x3d: {  	_ =	shalt  }
0x3e: {  	_ =	shalt  }
0x3f: {  	_ =	shalt  }
0x40: {  	_ =	shalt  }
0x41: {  	_ =	shalt  }
0x42: {  	_ =	shalt  }
0x43: {  	_ =	shalt  }
0x44: {  	_ =	shalt  }
0x45: {  	_ =	shalt  }
0x46: {  	_ =	shalt  }
0x47: {  	_ =	shalt  }
0x48: {  	_ =	shalt  }
0x49: {  	_ =	shalt  }
0x4a: {  	_ =	shalt  }
0x4b: {  	_ =	shalt  }
0x4c: {  	_ =	shalt  }
0x4d: {  	_ =	shalt  }
0x4e: {  	_ =	shalt  }
0x4f: {  	_ =	shalt  }
0x50: {  	_ =	shalt  }
0x51: {  	_ =	shalt  }
0x52: {  	_ =	shalt  }
0x53: {  	_ =	shalt  }
0x54: {  	_ =	shalt  }
0x55: {  	_ =	shalt  }
0x56: {  	_ =	shalt  }
0x57: {  	_ =	shalt  }
0x58: {  	_ =	shalt  }
0x59: {  	_ =	shalt  }
0x5a: {  	_ =	shalt  }
0x5b: {  	_ =	shalt  }
0x5c: {  	_ =	shalt  }
0x5d: {  	_ =	shalt  }
0x5e: {  	_ =	shalt  }
0x5f: {  	_ =	shalt  }
0x60: {  	_ =	shalt  }
0x61: {  	_ =	shalt  }
0x62: {  	_ =	shalt  }
0x63: {  	_ =	shalt  }
0x64: {  	_ =	shalt  }
0x65: {  	_ =	shalt  }
0x66: {  	_ =	shalt  }
0x67: {  	_ =	shalt  }
0x68: {  	_ =	shalt  }
0x69: {  	_ =	shalt  }
0x6a: {  	_ =	shalt  }
0x6b: {  	_ =	shalt  }
0x6c: {  	_ =	shalt  }
0x6d: {  	_ =	shalt  }
0x6e: {  	_ =	shalt  }
0x6f: {  	_ =	shalt  }
0x70: {  	_ =	shalt  }
0x71: {  	_ =	shalt  }
0x72: {  	_ =	shalt  }
0x73: {  	_ =	shalt  }
0x74: {  	_ =	shalt  }
0x75: {  	_ =	shalt  }
0x76: {  	_ =	shalt  }
0x77: {  	_ =	shalt  }
0x78: {  	_ =	shalt  }
0x79: {  	_ =	shalt  }
0x7a: {  	_ =	shalt  }
0x7b: {  	_ =	shalt  }
0x7c: {  	_ =	shalt  }
0x7d: {  	_ =	shalt  }
0x7e: {  	_ =	shalt  }
0x7f: {  	_ =	shalt  }
0x80: {  	_ =	shalt  }
0x81: {  	_ =	shalt  }
0x82: {  	_ =	shalt  }
0x83: {  	_ =	shalt  }
0x84: {  	_ =	shalt  }
0x85: {  	_ =	shalt  }
0x86: {  	_ =	shalt  }
0x87: {  	_ =	shalt  }
.Lfunc_end0:
.L_simem_size_0:
called_computation_lowered:
.L_overlay_start_0:
0x88: {  	s2 =	sld [smem:$0x3FD9]  }
0x89: {  	s3 =	sld [smem:$0x3FFE];
	_ =	sdelay $0x1  }
0x8a: {  	s1 =	srdreg.scid  }
0x8b: {  	s0 =	sand.u32 $0x1, s1  }
0x8c: {  	s17 =	sshll.u32 s0, $0xA;
	s2 =	sadd.s32 s3, s2  }
0x8d: {  	s2 =	sadd.s32 s2, s17  }
0x8e: {  	[smem:$0x3FB8] =	sst s2  }
0x8f: {  	_ = 	snop  }
0x90: {  	s2 =	sld [smem:$0x3FC9];
	(tm) =	ssettm $0x1  }
0x91: {  	s18 =	sld [smem:$0x3FFB];
	_ =	sdelay $0x3  }
0x92: {  	_ =	strace s18  }
0x93: {  	s3 =	sld [smem:$0x3FFC];
	_ =	sdelay $0x3  }
0x94: {  	_ =	strace s3  }
0x95: {  	s3 =	sld [smem:$0x3FFD];
	_ =	sdelay $0x3  }
0x96: {  	_ =	strace s3  }
0x97: {  	_ =	strace $0x8FFFFFFF  }
0x98: {  	s19 =	sld [smem:$0x3FDB];
	_ =	sdelay $0x1  }
0x99: {  	s4 =	simm.s32 $_scs_section_size  }
0x9a: {  	s5 =	simm.s32 $_size__tile_overlayer_lowered;
	s6 =	simm.s32 $_tile_overlayer_lowered  }
0x9b: {  	s22 =	simm.s32 $0x1BFF;
	s21 =	sshll.u32 s6, $0x1;
	s3 =	sadd.s32 s4, s19  }
0x9c: {  	s7 =	simm.s32 $0x0;
	s20 =	sshll.u32 s5, $0x1;
	s5 =	sadd.s32 s21, s3  }
0x9d: {  	[timem:s7], [sflag:s22] =	dma.local [hbm:s5], s20  }
0x9e: {  	_ =	swait.ge [sflag:s22], s20  }
0x9f: {  	s4 =	ssub.s32 $0x0, s20;
	[sflag:s22] =	ssyncset.done $0x0  }
0xa0: {  	[sflag:s22] =	ssyncadd.s32 s4;
	_ =	sdelay $0x1  }
0xa1: {  	s23 =	simm.s32 $0x1B8B  }
0xa2: {  	_ =	swait.ge [sflag:s23], $0x1  }
0xa3: {  	[sflag:s23] =	ssyncset.done $0x0  }
0xa4: {  	s25 =	simm.s32 $0x1B8E;
	s24 =	sld [smem:$0x3FFE];
	[sflag:s23] =	ssyncadd.s32 $0xFFFFFFFF  }
0xa5: {  	s26 =	simm.s32 $execute0_lowered;
	[smem:$0x3FD2] =	sst s25  }
0xa6: {  	s5 =	sshll.u32 s26, $0x1;
	_ =	strace $0x80000046;
	[dreg:$0x1] =	wrdreg $0xFFFFFFFF  }
0xa7: {  	s28 =	simm.s32 $_size_execute0_lowered;
	s3 =	sadd.s32 s3, s5;
	[dreg:$0x0] =	wrdreg $0x0  }
0xa8: {  	s5 =	sshll.u32 s28, $0x1;
	[dreg:$0x2] =	wrdreg s3  }
0xa9: {  	[dreg:$0x3] =	wrdreg s5  }
0xaa: {  	[dreg:$0x4] =	wrdreg $0xC0  }
0xab: {  	_ =	task [dreg:s7], $0x5FFFF  }
0xac: {  	[dreg:$0x1] =	wrdreg $0xFFFFFFFF  }
0xad: {  	[dreg:$0x0] =	wrdreg $0x60  }
0xae: {  	[dreg:$0x2] =	wrdreg s2  }
0xaf: {  	[dreg:$0x3] =	wrdreg s24  }
0xb0: {  	[dreg:$0x4] =	wrdreg $0xAD000  }
0xb1: {  	[dreg:$0x5] =	wrdreg $0x9  }
0xb2: {  	_ =	task.clear_ibuf [dreg:s7], $0x6FFFF;
	_ =	strace $0x90000046  }
0xb3: {  	s29 =	simm.s32 $0x9;
	_ =	strace $0x80000048  }
0xb4: {  	_ =	swait.ge [sflag:s29], $0x1  }
0xb5: {  	[sflag:s29] =	ssyncadd.s32 $0xFFFFFFFF  }
0xb6: {  	_ =	strace $0x90000048  }
0xb7: {  	_ =	sfence  }
0xb8: {  	s30 =	sld [smem:$0x0];
	_ =	sdelay $0x2  }
0xb9: {  	s31 =	sshll.u32 s1, $0xD;
	s1 =	sshrl.u32 s1, $0x2  }
0xba: {  	s3 =	sand.u32 $0x4000, s31;
	s1 =	sadd.s32 s1, s30  }
0xbb: {  	s0 =	sor.u32 s3, s0;
	s1 =	sshll.u32 s1, $0x11  }
0xbc: {  	s0 =	sor.u32 s1, s0  }
0xbd: {  	s0 =	sadd.s32 $0x8F2B, s0  }
0xbe: {  	[sflag:s0] =	ssyncadd.remote.s32 $0x1  }
0xbf: {  	_ =	sfence.sel $0xFFFF  }
0xc0: {  	[dreg:$0x0] =	wrdreg $0xFFFFFFFF;
	(pc) =	sbr.abs _section_cstart, $3  }
0xc1: {  	[dreg:$0x1] =	wrdreg $0xFFFFFFFF  }
0xc2: {  	_ =	task.clear_ibuf [dreg:s7], $0x2FFFF;
	_ =	strace $0x9FFFFFFF  }
0xc3: {  	(tm) =	ssettm $0x7FFFFFFF  }
tec
execute0_lowered:
.L_overlay_start_1:
0x0: {  	(tag) =	ssettag $0x1  }
0x1: {  	s1 =	rddreg [dreg:$0x0]  }
0x2: {  	s0 =	rddreg [dreg:$0x1]  }
0x3: {  	s2 =	rddreg [dreg:$0x2];
	s4 =	simm.s32 $0x0  }
0x4: {  	s12 =	stileid.u32;
	s3 =	srdreg.scid;
	s31 =	simm.s32 $0x3980  }
0x5: {  	[smem:$0x7FF] =	sst s4;
	s13 =	sadd.s32 $0xD400, s0;
	s5 =	smul.u32 $0x2780, s12  }
0x6: {  	s3 =	sand.u32 $0x1, s3;
	s6 =	sshll.u32 s12, $0x1;
	s7 =	smul.u32 $0x4F000, s12  }
0x7: {  	s14 =	sadd.s32 $0x3600, s0;
	s10 =	sadd.s32 $0x3E400, s0;
	s20 =	smul.u32 $0x4E20, s12  }
0x8: {  	p0 =	seq.s32 s12, $0xF;
	s12 =	simm.s32 $0x3B00;
	s16 =	smul.u32 $0x27100, s3  }
0x9: {  	_ =	strace $0x80000047;
	s6 =	sor.u32 s3, s6;
	s18 =	smul.u32 $0x138800, s3  }
0xa: {  	s9 =	ssub.s32 $0x2, s3;
	s3 =	smul.u32 $0x2710, s3;
	[dreg:$0x4] =	wrdreg s13  }
0xb: {  	[dreg:$0x5] =	wrdreg s14;
	s8 =	sadd.s32 s5, s0;
	s6 =	smul.u32 $0x2710, s6  }
0xc: {  	s11 =	sshrl.u32 s9, $0x1;
	s7 =	sshrl.u32 s7, $0x2;
	s0 =	sadd.s32 $0x3C280, s0  }
0xd: {  	s9 =	ssub.s32 s9, s11;
	s7 =	sadd.s32 s7, s2;
	s23 =	sadd.s32 $0x17200, s8  }
0xe: {  	[dreg:$0x8] =	wrdreg s0;
	s5 =	sadd.s32 s5, s16;
	s3 =	sadd.s32 s3, s20  }
0xf: {  	s16 =	simm.s32 $0x7480;
	s20 =	simm.s32 $0x8;
	[dreg:$0x6] =	wrdreg s7  }
0x10: {  	s6 =	sshrl.u32 s6, $0x3;
	[dreg:$0x7] =	wrdreg s23;
	s5 =	sadd.s32 s10, s5  }
0x11: {  	s7 =	simm.s32 $0x70;
	s24 =	sadd.s32 s13, s6;
	s25 =	sadd.s32 s14, s6  }
0x12: {  	s26 =	sadd.s32 $0xE, s6;
	s29 =	sadd.s32 $0x1C, s6;
	[dreg:$0x11] =	wrdreg s5  }
0x13: {  	s15 =	sadd.s32 $0x2A, s6;
	s19 =	sadd.s32 $0x38, s6;
	[dreg:$0x9] =	wrdreg s24  }
0x14: {  	s22 =	sadd.s32 $0x4DE, s6;
	[dreg:$0xa] =	wrdreg s25;
	s30 =	sadd.s32 s13, s26  }
0x15: {  	s6 =	simm.s32 $0x0;
	s0 =	sadd.s32 s14, s26;
	[dreg:$0xb] =	wrdreg s30  }
0x16: {  	s8 =	sadd.s32 s13, s29;
	s11 =	sadd.s32 s14, s29;
	[dreg:$0xc] =	wrdreg s0  }
0x17: {  	s17 =	sadd.s32 s13, s15;
	s21 =	sadd.s32 s13, s19;
	[dreg:$0xd] =	wrdreg s8  }
0x18: {  	s23 =	sadd.s32 s14, s19;
	s24 =	sadd.s32 s13, s22;
	[dreg:$0xe] =	wrdreg s11  }
0x19: {  	s5 =	sadd.s32 s14, s22;
	s25 =	smax.u32 s9, $0x1;
	[dreg:$0xf] =	wrdreg s17  }
0x1a: {  	s26 =	sadd.s32 $0x310, s3;
	s29 =	sadd.s32 $0x2A0, s3;
	[dreg:$0x12] =	wrdreg s21  }
0x1b: {  	s3 =	sadd.s32 $0x230, s3;
	s9 =	simm.s32 $0x7300;
	[dreg:$0x13] =	wrdreg s23  }
0x1c: {  	s13 =	simm.s32 $0x2;
	s19 =	simm.s32 $0x3;
	[dreg:$0x14] =	wrdreg s24  }
0x1d: {  	s22 =	simm.s32 $0x6;
	s0 =	sadd.s32 s14, s15;
	[dreg:$0x15] =	wrdreg s5  }
0x1e: {  	[dreg:$0x17] =	wrdreg s25;
	s25 =	sshrl.u32 s26, $0x3;
	s26 =	sshrl.u32 s29, $0x3  }
0x1f: {  	s28 =	sshrl.u32 s3, $0x3;
	s30 =	sadd.s32 $0x128400, s2;
	s3 =	simm.s32 $0x1  }
0x20: {  	s8 =	simm.s32 $0x180;
	s11 =	simm.s32 $0x4;
	s15 =	simm.s32 $0x7  }
0x21: {  	s17 =	simm.s32 $0x5;
	[dreg:$0x10] =	wrdreg s0;
	s0 =	sshrl.u32 s18, $0x3  }
0x22: {  	s14 =	simm.s32 $0x3A80;
	s23 =	simm.s32 $0x9;
	s0 =	sadd.s32 s10, s0  }
0x23: {  	s21 =	simm.s32 $0x100;
	[dreg:$0x18] =	wrdreg s30;
	s0 =	sadd.s32 $0x25080, s0  }
0x24: {  	s18 =	simm.s32 $0x7380;
	s10 =	simm.s32 $0x80;
	[dreg:$0x16] =	wrdreg s0  }
.LBB2_1:
0x25: {  	[dreg:$0x19] =	wrdreg s6  }
0x26: {  	s0 =	rddreg [dreg:$0x18]  }
0x27: {  	s6 =	sshrl.u32 @p0 s0, $0x3;
	s0 =	rddreg [dreg:$0x8]  }
0x28: {  	s5 =	simm.s32 @p0 $0x1FCA;
	[dreg:$0x1a] =	wrdreg s6  }
0x29: {  	[spmem:s6], [sflag:s5] =	dma.local @p0 [hbm:s0], $0x2080  }
0x2a: {  	s5 =	simm.s32 @p0 $0xA  }
0x2b: {  	_ =	swait.ge @p0 [sflag:s5], $0x2080  }
0x2c: {  	s0 =	stileid.u32;
	[sflag:s5] =	ssyncset.done @p0 $0x0  }
0x2d: {  	s6 =	sshll.u32 @!p0 s0, $0x6;
	s0 =	rddreg [dreg:$0x6];
	[sflag:s5] =	ssyncadd.s32 @p0 $0xFFFFDF80  }
0x2e: {  	s5 =	sor.u32 @!p0 $0x1C0A, s6;
	s6 =	sshrl.u32 @!p0 s0, $0x3;
	s0 =	rddreg [dreg:$0x7]  }
0x2f: {  	[dreg:$0x1b] =	wrdreg s5  }
0x30: {  	[dreg:$0x1c] =	wrdreg s6  }
0x31: {  	[spmem:s6], [sflag:s5] =	dma.local @!p0 [hbm:s0], $0x2780  }
0x32: {  	s5 =	simm.s32 @!p0 $0xA  }
0x33: {  	_ =	swait.ge @!p0 [sflag:s5], $0x2780  }
0x34: {  	[sflag:s5] =	ssyncset.done @!p0 $0x0  }
0x35: {  	[sflag:s5] =	ssyncadd.s32 @!p0 $0xFFFFD880  }
0x36: {  	[bflag:$0x0] =	sbarrier.arrive $0xFFFF  }
0x37: {  	s24 =	rddreg [dreg:$0x9]  }
0x38: {  	[tilespmem:s4], [sflag:$0x1] =	stream.linear.gather [hbm4b:s24+s4], $0x70, $0x38;
	[tilespmem:$0x1E580] =	vst v63  }
0x39: {  	s5 =	rddreg [dreg:$0xa]  }
0x3a: {  	[tilespmem:s10], [sflag:$0x1] =	stream.linear.gather [hbm4b:s5+s4], $0x70, $0x38;
	[tilespmem:$0x1E580] =	vst v63  }
0x3b: {  	s6 =	rddreg [dreg:$0xb]  }
0x3c: {  	[tilespmem:s31], [sflag:$0x4] =	stream.linear.gather [hbm4b:s6+s4], $0x70, $0x38;
	[tilespmem:$0x1E580] =	vst v63  }
0x3d: {  	s24 =	rddreg [dreg:$0xc];
	s5 =	simm.s32 $0x3A00  }
0x3e: {  	[tilespmem:s5], [sflag:$0x4] =	stream.linear.gather [hbm4b:s24+s4], $0x70, $0x38;
	[tilespmem:$0x1E580] =	vst v63  }
0x3f: {  	_ =	swait.ge [sflag:s3], $0x70  }
0x40: {  	[sflag:s3] =	ssyncset.done $0x0  }
0x41: {  	[sflag:s3] =	ssyncadd.s32 $0xFFFFFF90  }
0x42: {  	_ =	swait.ge [sflag:s3], $0x70  }
0x43: {  	[sflag:s3] =	ssyncset.done $0x0  }
0x44: {  	[sflag:s3] =	ssyncadd.s32 $0xFFFFFF90  }
0x45: {  	v0 =	vld [tilespmem:$0x80]  }
0x46: {  	v1 =	vld [tilespmem:$0x90]  }
0x47: {  	v2 =	vld [tilespmem:$0xA0]  }
0x48: {  	v3 =	vld [tilespmem:$0xB0]  }
0x49: {  	v4 =	vld [tilespmem:$0xC0]  }
0x4a: {  	[tilespmem:$0x100] =	vst v0;
	v0 =	vld [tilespmem:$0xD0]  }
0x4b: {  	[tilespmem:$0x110] =	vst v1;
	v1 =	vld [tilespmem:$0xE0]  }
0x4c: {  	[tilespmem:$0x120] =	vst v2  }
0x4d: {  	[tilespmem:$0x130] =	vst v3  }
0x4e: {  	[tilespmem:$0x140] =	vst v4  }
0x4f: {  	[tilespmem:$0x150] =	vst v0  }
0x50: {  	[tilespmem:$0x160] =	vst v1  }
0x51: {  	[tilespmem:s8], [sflag:$0x2] =	stream.indirect.gather [hbm4b:s1+s7], $0x80, s4, s7, $0xb8;
	[tilespmem:$0x1E580] =	vst v63  }
0x52: {  	s6 =	rddreg [dreg:$0xd]  }
0x53: {  	[tilespmem:s9], [sflag:$0x7] =	stream.linear.gather [hbm4b:s6+s4], $0x70, $0x38;
	[tilespmem:$0x1E580] =	vst v63  }
0x54: {  	s24 =	rddreg [dreg:$0xe]  }
0x55: {  	[tilespmem:s18], [sflag:$0x7] =	stream.linear.gather [hbm4b:s24+s4], $0x70, $0x38;
	[tilespmem:$0x1E580] =	vst v63  }
0x56: {  	_ =	swait.ge [sflag:s11], $0x70  }
0x57: {  	[sflag:s11] =	ssyncset.done $0x0  }
0x58: {  	[sflag:s11] =	ssyncadd.s32 $0xFFFFFF90  }
0x59: {  	_ =	swait.ge [sflag:s11], $0x70  }
0x5a: {  	[sflag:s11] =	ssyncset.done $0x0  }
0x5b: {  	[sflag:s11] =	ssyncadd.s32 $0xFFFFFF90  }
0x5c: {  	v0 =	vld [tilespmem:$0x3A00]  }
0x5d: {  	v1 =	vld [tilespmem:$0x3A10]  }
0x5e: {  	v2 =	vld [tilespmem:$0x3A20]  }
0x5f: {  	v3 =	vld [tilespmem:$0x3A30]  }
0x60: {  	v59 =	vld [tilespmem:$0x3A40]  }
0x61: {  	[tilespmem:$0x3A80] =	vst v0;
	v0 =	vld [tilespmem:$0x3A50]  }
0x62: {  	[tilespmem:$0x3A90] =	vst v1;
	v1 =	vld [tilespmem:$0x3A60]  }
0x63: {  	[tilespmem:$0x3AA0] =	vst v2  }
0x64: {  	[tilespmem:$0x3AB0] =	vst v3  }
0x65: {  	[tilespmem:$0x3AC0] =	vst v59  }
0x66: {  	[tilespmem:$0x3AD0] =	vst v0  }
0x67: {  	[tilespmem:$0x3AE0] =	vst v1  }
0x68: {  	[tilespmem:s12], [sflag:$0x5] =	stream.indirect.gather [hbm4b:s1+s7], $0x80, s31, s7, $0xb8;
	[tilespmem:$0x1E580] =	vst v63  }
0x69: {  	_ =	swait.ge [sflag:s13], $0x3800  }
0x6a: {  	[sflag:s13] =	ssyncset.done $0x0  }
0x6b: {  	s6 =	rddreg [dreg:$0xf];
	[sflag:s13] =	ssyncadd.s32 $0xFFFFC800  }
0x6c: {  	[tilespmem:s4], [sflag:$0x1] =	stream.linear.gather [hbm4b:s6+s4], $0x70, $0x38;
	[tilespmem:$0x1E580] =	vst v63  }
0x6d: {  	s24 =	rddreg [dreg:$0x10]  }
0x6e: {  	[tilespmem:s10], [sflag:$0x1] =	stream.linear.gather [hbm4b:s24+s4], $0x70, $0x38;
	[tilespmem:$0x1E580] =	vst v63  }
0x6f: {  	s24 =	simm.s32 $0x100  }
0x70: {  	[spmem:s2] =	stream.indirect.scatter.add.f32 [tilespmem:s8], [sflag:$0x3], $0x80, s24, s7, $0xb8;
	[tilespmem:$0x1E580] =	vst v63  }
0x71: {  	_ =	swait.ge [sflag:s15], $0x70  }
0x72: {  	[sflag:s15] =	ssyncset.done $0x0  }
0x73: {  	[sflag:s15] =	ssyncadd.s32 $0xFFFFFF90  }
0x74: {  	_ =	swait.ge [sflag:s15], $0x70  }
0x75: {  	[sflag:s15] =	ssyncset.done $0x0  }
0x76: {  	[sflag:s15] =	ssyncadd.s32 $0xFFFFFF90  }
0x77: {  	v0 =	vld [tilespmem:$0x7380]  }
0x78: {  	v1 =	vld [tilespmem:$0x7390]  }
0x79: {  	v2 =	vld [tilespmem:$0x73A0]  }
0x7a: {  	v3 =	vld [tilespmem:$0x73B0]  }
0x7b: {  	v60 =	vld [tilespmem:$0x73C0]  }
0x7c: {  	[tilespmem:$0x7400] =	vst v0;
	v0 =	vld [tilespmem:$0x73D0]  }
0x7d: {  	[tilespmem:$0x7410] =	vst v1;
	v1 =	vld [tilespmem:$0x73E0]  }
0x7e: {  	[tilespmem:$0x7420] =	vst v2  }
0x7f: {  	[tilespmem:$0x7430] =	vst v3  }
0x80: {  	[tilespmem:$0x7440] =	vst v60  }
0x81: {  	[tilespmem:$0x7450] =	vst v0  }
0x82: {  	[tilespmem:$0x7460] =	vst v1  }
0x83: {  	[tilespmem:s16], [sflag:$0x8] =	stream.indirect.gather [hbm4b:s1+s7], $0x80, s9, s7, $0xb8;
	[tilespmem:$0x1E580] =	vst v63  }
0x84: {  	_ =	swait.ge [sflag:s17], $0x3800  }
0x85: {  	[sflag:s17] =	ssyncset.done $0x0  }
0x86: {  	s6 =	rddreg [dreg:$0x12];
	[sflag:s17] =	ssyncadd.s32 $0xFFFFC800  }
0x87: {  	[tilespmem:s31], [sflag:$0x4] =	stream.linear.gather [hbm4b:s6+s4], $0x70, $0x38;
	[tilespmem:$0x1E580] =	vst v63  }
0x88: {  	s6 =	rddreg [dreg:$0x13]  }
0x89: {  	[tilespmem:s5], [sflag:$0x4] =	stream.linear.gather [hbm4b:s6+s4], $0x70, $0x38;
	[tilespmem:$0x1E580] =	vst v63  }
0x8a: {  	_ = 	snop  }
0x8b: {  	[spmem:s2] =	stream.indirect.scatter.add.f32 [tilespmem:s12], [sflag:$0x6], $0x80, s14, s7, $0xb8;
	[tilespmem:$0x1E580] =	vst v63  }
0x8c: {  	_ =	swait.ge [sflag:s3], $0x70  }
0x8d: {  	[sflag:s3] =	ssyncset.done $0x0  }
0x8e: {  	[sflag:s3] =	ssyncadd.s32 $0xFFFFFF90  }
0x8f: {  	_ =	swait.ge [sflag:s3], $0x70  }
0x90: {  	[sflag:s3] =	ssyncset.done $0x0  }
0x91: {  	[sflag:s3] =	ssyncadd.s32 $0xFFFFFF90  }
0x92: {  	_ =	swait.ge [sflag:s19], $0x3800  }
0x93: {  	[sflag:s19] =	ssyncset.done $0x0  }
0x94: {  	[sflag:s19] =	ssyncadd.s32 $0xFFFFC800  }
0x95: {  	v0 =	vld [tilespmem:$0xE0]  }
0x96: {  	v1 =	vld [tilespmem:$0xD0]  }
0x97: {  	v2 =	vld [tilespmem:$0xB0]  }
0x98: {  	v3 =	vld [tilespmem:$0x80]  }
0x99: {  	v61 =	vld [tilespmem:$0xC0]  }
0x9a: {  	v5 =	vld [tilespmem:$0xA0];
	[tilespmem:$0x160] =	vst v0  }
0x9b: {  	v0 =	vld [tilespmem:$0x90];
	[tilespmem:$0x150] =	vst v1  }
0x9c: {  	[tilespmem:$0x130] =	vst v2  }
0x9d: {  	[tilespmem:$0x100] =	vst v3  }
0x9e: {  	[tilespmem:$0x140] =	vst v61  }
0x9f: {  	[tilespmem:$0x120] =	vst v5  }
0xa0: {  	[tilespmem:$0x110] =	vst v0  }
0xa1: {  	[tilespmem:s8], [sflag:$0x2] =	stream.indirect.gather [hbm4b:s1+s7], $0x80, s4, s7, $0xb8;
	[tilespmem:$0x1E580] =	vst v63  }
0xa2: {  	_ =	swait.ge [sflag:s20], $0x3800  }
0xa3: {  	[sflag:s20] =	ssyncset.done $0x0;
	s0 =	rddreg [dreg:$0x4]  }
0xa4: {  	[sflag:s20] =	ssyncadd.s32 $0xFFFFC800;
	s6 =	sadd.s32 s0, s28  }
0xa5: {  	[tilespmem:s9], [sflag:$0x7] =	stream.linear.gather [hbm4b:s6+s4], $0x70, $0x38;
	[tilespmem:$0x1E580] =	vst v63  }
0xa6: {  	s6 =	rddreg [dreg:$0x5]  }
0xa7: {  	s5 =	sadd.s32 s6, s28  }
0xa8: {  	[tilespmem:s18], [sflag:$0x7] =	stream.linear.gather [hbm4b:s5+s4], $0x70, $0x38;
	[tilespmem:$0x1E580] =	vst v63  }
0xa9: {  	s18 =	simm.s32 $0x7400  }
0xaa: {  	[spmem:s2] =	stream.indirect.scatter.add.f32 [tilespmem:s16], [sflag:$0x9], $0x80, s18, s7, $0xb8;
	[tilespmem:$0x1E580] =	vst v63  }
0xab: {  	_ =	swait.ge [sflag:s11], $0x70  }
0xac: {  	[sflag:s11] =	ssyncset.done $0x0  }
0xad: {  	[sflag:s11] =	ssyncadd.s32 $0xFFFFFF90  }
0xae: {  	_ =	swait.ge [sflag:s11], $0x70  }
0xaf: {  	[sflag:s11] =	ssyncset.done $0x0  }
0xb0: {  	[sflag:s11] =	ssyncadd.s32 $0xFFFFFF90  }
0xb1: {  	_ =	swait.ge [sflag:s22], $0x3800  }
0xb2: {  	[sflag:s22] =	ssyncset.done $0x0  }
0xb3: {  	[sflag:s22] =	ssyncadd.s32 $0xFFFFC800  }
0xb4: {  	v0 =	vld [tilespmem:$0x3A60]  }
0xb5: {  	v1 =	vld [tilespmem:$0x3A10]  }
0xb6: {  	v2 =	vld [tilespmem:$0x3A50]  }
0xb7: {  	v3 =	vld [tilespmem:$0x3A20]  }
0xb8: {  	v62 =	vld [tilespmem:$0x3A00]  }
0xb9: {  	v63 =	vld [tilespmem:$0x3A30];
	[tilespmem:$0x3AE0] =	vst v0  }
0xba: {  	[tilespmem:$0x3A90] =	vst v1;
	v0 =	vld [tilespmem:$0x3A40]  }
0xbb: {  	[tilespmem:$0x3AD0] =	vst v2  }
0xbc: {  	[tilespmem:$0x3AA0] =	vst v3  }
0xbd: {  	[tilespmem:$0x3A80] =	vst v62  }
0xbe: {  	[tilespmem:$0x3AB0] =	vst v63  }
0xbf: {  	[tilespmem:$0x3AC0] =	vst v0  }
0xc0: {  	[tilespmem:s12], [sflag:$0x5] =	stream.indirect.gather [hbm4b:s1+s7], $0x80, s31, s7, $0xb8;
	[tilespmem:$0x1E580] =	vst v63  }
0xc1: {  	_ =	swait.ge [sflag:s13], $0x3800  }
0xc2: {  	[sflag:s13] =	ssyncset.done $0x0  }
0xc3: {  	s18 =	sadd.s32 s0, s26;
	[sflag:s13] =	ssyncadd.s32 $0xFFFFC800  }
0xc4: {  	[tilespmem:s4], [sflag:$0x1] =	stream.linear.gather [hbm4b:s18+s4], $0x70, $0x38;
	[tilespmem:$0x1E580] =	vst v63  }
0xc5: {  	s18 =	sadd.s32 s6, s26  }
0xc6: {  	[tilespmem:s10], [sflag:$0x1] =	stream.linear.gather [hbm4b:s18+s4], $0x70, $0x38;
	[tilespmem:$0x1E580] =	vst v63  }
0xc7: {  	_ = 	snop  }
0xc8: {  	[spmem:s2] =	stream.indirect.scatter.add.f32 [tilespmem:s8], [sflag:$0x3], $0x80, s24, s7, $0xb8;
	[tilespmem:$0x1E580] =	vst v63  }
0xc9: {  	_ =	swait.ge [sflag:s15], $0x70  }
0xca: {  	[sflag:s15] =	ssyncset.done $0x0  }
0xcb: {  	[sflag:s15] =	ssyncadd.s32 $0xFFFFFF90  }
0xcc: {  	_ =	swait.ge [sflag:s15], $0x70  }
0xcd: {  	[sflag:s15] =	ssyncset.done $0x0  }
0xce: {  	[sflag:s15] =	ssyncadd.s32 $0xFFFFFF90  }
0xcf: {  	_ =	swait.ge [sflag:s23], $0x3800  }
0xd0: {  	[sflag:s23] =	ssyncset.done $0x0  }
0xd1: {  	[sflag:s23] =	ssyncadd.s32 $0xFFFFC800  }
0xd2: {  	s30 =	smov.u32 s0;
	s29 =	smov.u32 s6;
	v1 =	vld [tilespmem:$0x7380]  }
0xd3: {  	s5 =	smov.u32 s0;
	s18 =	simm.s32 $0x7380;
	s24 =	simm.s32 $0x1B;
	v0 =	vld [tilespmem:$0x73C0]  }
.LBB2_2:
0xd4: {  	p1 =	sne.s32 s24, $0x1;
	v2 =	vld [tilespmem:$0x73B0];
	s29 =	sadd.s32 $0x2A, s29;
	s30 =	sadd.s32 $0x2A, s30  }
0xd5: {  	s24 =	sadd.s32 $0xFFFFFFFF, s24;
	v3 =	vld [tilespmem:$0x73D0]  }
0xd6: {  	v4 =	vld [tilespmem:$0x7390]  }
0xd7: {  	[tilespmem:$0x7400] =	vst v1;
	v1 =	vld [tilespmem:$0x73E0]  }
0xd8: {  	v5 =	vld [tilespmem:$0x73A0];
	[tilespmem:$0x7440] =	vst v0  }
0xd9: {  	[tilespmem:$0x7430] =	vst v2  }
0xda: {  	[tilespmem:$0x7450] =	vst v3  }
0xdb: {  	[tilespmem:$0x7410] =	vst v4  }
0xdc: {  	[tilespmem:$0x7460] =	vst v1  }
0xdd: {  	[tilespmem:$0x7420] =	vst v5  }
0xde: {  	[tilespmem:s16], [sflag:$0x8] =	stream.indirect.gather [hbm4b:s1+s7], $0x80, s9, s7, $0xb8;
	[tilespmem:$0x1E580] =	vst v63  }
0xdf: {  	_ =	swait.ge [sflag:s17], $0x3800  }
0xe0: {  	s0 =	sadd.s32 s5, s25;
	s5 =	smov.u32 s30;
	[sflag:s17] =	ssyncset.done $0x0  }
0xe1: {  	s10 =	sadd.s32 s6, s25;
	s6 =	smov.u32 s29;
	[sflag:s17] =	ssyncadd.s32 $0xFFFFC800  }
0xe2: {  	[tilespmem:s31], [sflag:$0x4] =	stream.linear.gather [hbm4b:s0+s4], $0x70, $0x38;
	[tilespmem:$0x1E580] =	vst v63  }
0xe3: {  	s0 =	simm.s32 $0x3A00  }
0xe4: {  	[tilespmem:s0], [sflag:$0x4] =	stream.linear.gather [hbm4b:s10+s4], $0x70, $0x38;
	[tilespmem:$0x1E580] =	vst v63  }
0xe5: {  	s10 =	simm.s32 $0x80;
	_ =	sdelay $0x1  }
0xe6: {  	[spmem:s2] =	stream.indirect.scatter.add.f32 [tilespmem:s12], [sflag:$0x6], $0x80, s14, s7, $0xb8;
	[tilespmem:$0x1E580] =	vst v63  }
0xe7: {  	_ =	swait.ge [sflag:s3], $0x70  }
0xe8: {  	[sflag:s3] =	ssyncset.done $0x0  }
0xe9: {  	[sflag:s3] =	ssyncadd.s32 $0xFFFFFF90  }
0xea: {  	_ =	swait.ge [sflag:s3], $0x70  }
0xeb: {  	[sflag:s3] =	ssyncset.done $0x0  }
0xec: {  	[sflag:s3] =	ssyncadd.s32 $0xFFFFFF90  }
0xed: {  	_ =	swait.ge [sflag:s19], $0x3800  }
0xee: {  	[sflag:s19] =	ssyncset.done $0x0  }
0xef: {  	[sflag:s19] =	ssyncadd.s32 $0xFFFFC800  }
0xf0: {  	v0 =	vld [tilespmem:$0xE0]  }
0xf1: {  	v1 =	vld [tilespmem:$0xD0]  }
0xf2: {  	v2 =	vld [tilespmem:$0xB0]  }
0xf3: {  	v3 =	vld [tilespmem:$0x80]  }
0xf4: {  	v4 =	vld [tilespmem:$0xC0]  }
0xf5: {  	v5 =	vld [tilespmem:$0xA0];
	[tilespmem:$0x160] =	vst v0  }
0xf6: {  	v0 =	vld [tilespmem:$0x90];
	[tilespmem:$0x150] =	vst v1  }
0xf7: {  	[tilespmem:$0x130] =	vst v2  }
0xf8: {  	[tilespmem:$0x100] =	vst v3  }
0xf9: {  	[tilespmem:$0x140] =	vst v4  }
0xfa: {  	[tilespmem:$0x120] =	vst v5  }
0xfb: {  	[tilespmem:$0x110] =	vst v0  }
0xfc: {  	[tilespmem:s8], [sflag:$0x2] =	stream.indirect.gather [hbm4b:s1+s7], $0x80, s4, s7, $0xb8;
	[tilespmem:$0x1E580] =	vst v63  }
0xfd: {  	_ =	swait.ge [sflag:s20], $0x3800  }
0xfe: {  	[sflag:s20] =	ssyncset.done $0x0  }
0xff: {  	s0 =	sadd.s32 s30, s28;
	[sflag:s20] =	ssyncadd.s32 $0xFFFFC800  }
0x100: {  	[tilespmem:s9], [sflag:$0x7] =	stream.linear.gather [hbm4b:s0+s4], $0x70, $0x38;
	[tilespmem:$0x1E580] =	vst v63  }
0x101: {  	s0 =	sadd.s32 s29, s28  }
0x102: {  	[tilespmem:s18], [sflag:$0x7] =	stream.linear.gather [hbm4b:s0+s4], $0x70, $0x38;
	[tilespmem:$0x1E580] =	vst v63  }
0x103: {  	s0 =	simm.s32 $0x7400  }
0x104: {  	[spmem:s2] =	stream.indirect.scatter.add.f32 [tilespmem:s16], [sflag:$0x9], $0x80, s0, s7, $0xb8;
	[tilespmem:$0x1E580] =	vst v63  }
0x105: {  	_ =	swait.ge [sflag:s11], $0x70  }
0x106: {  	[sflag:s11] =	ssyncset.done $0x0  }
0x107: {  	[sflag:s11] =	ssyncadd.s32 $0xFFFFFF90  }
0x108: {  	_ =	swait.ge [sflag:s11], $0x70  }
0x109: {  	[sflag:s11] =	ssyncset.done $0x0  }
0x10a: {  	[sflag:s11] =	ssyncadd.s32 $0xFFFFFF90  }
0x10b: {  	_ =	swait.ge [sflag:s22], $0x3800  }
0x10c: {  	[sflag:s22] =	ssyncset.done $0x0  }
0x10d: {  	[sflag:s22] =	ssyncadd.s32 $0xFFFFC800  }
0x10e: {  	v0 =	vld [tilespmem:$0x3A60]  }
0x10f: {  	v1 =	vld [tilespmem:$0x3A10]  }
0x110: {  	v2 =	vld [tilespmem:$0x3A50]  }
0x111: {  	v3 =	vld [tilespmem:$0x3A20]  }
0x112: {  	v4 =	vld [tilespmem:$0x3A00]  }
0x113: {  	v5 =	vld [tilespmem:$0x3A30];
	[tilespmem:$0x3AE0] =	vst v0  }
0x114: {  	[tilespmem:$0x3A90] =	vst v1;
	v0 =	vld [tilespmem:$0x3A40]  }
0x115: {  	[tilespmem:$0x3AD0] =	vst v2  }
0x116: {  	[tilespmem:$0x3AA0] =	vst v3  }
0x117: {  	[tilespmem:$0x3A80] =	vst v4  }
0x118: {  	[tilespmem:$0x3AB0] =	vst v5  }
0x119: {  	[tilespmem:$0x3AC0] =	vst v0  }
0x11a: {  	[tilespmem:s12], [sflag:$0x5] =	stream.indirect.gather [hbm4b:s1+s7], $0x80, s31, s7, $0xb8;
	[tilespmem:$0x1E580] =	vst v63  }
0x11b: {  	_ =	swait.ge [sflag:s13], $0x3800  }
0x11c: {  	[sflag:s13] =	ssyncset.done $0x0  }
0x11d: {  	s0 =	sadd.s32 s30, s26;
	[sflag:s13] =	ssyncadd.s32 $0xFFFFC800  }
0x11e: {  	[tilespmem:s4], [sflag:$0x1] =	stream.linear.gather [hbm4b:s0+s4], $0x70, $0x38;
	[tilespmem:$0x1E580] =	vst v63  }
0x11f: {  	s0 =	sadd.s32 s29, s26  }
0x120: {  	[tilespmem:s10], [sflag:$0x1] =	stream.linear.gather [hbm4b:s0+s4], $0x70, $0x38;
	[tilespmem:$0x1E580] =	vst v63  }
0x121: {  	_ = 	snop  }
0x122: {  	[spmem:s2] =	stream.indirect.scatter.add.f32 [tilespmem:s8], [sflag:$0x3], $0x80, s21, s7, $0xb8;
	[tilespmem:$0x1E580] =	vst v63  }
0x123: {  	_ =	swait.ge [sflag:s15], $0x70  }
0x124: {  	[sflag:s15] =	ssyncset.done $0x0  }
0x125: {  	[sflag:s15] =	ssyncadd.s32 $0xFFFFFF90  }
0x126: {  	_ =	swait.ge [sflag:s15], $0x70  }
0x127: {  	[sflag:s15] =	ssyncset.done $0x0  }
0x128: {  	[sflag:s15] =	ssyncadd.s32 $0xFFFFFF90  }
.Ltmp0:
0x129: {  	_ =	swait.ge [sflag:s23], $0x3800;
	(pc) =	sbr.rel @p1 .LBB2_2-.Ltmp0, $4  }
0x12a: {  	[sflag:s23] =	ssyncset.done $0x0  }
0x12b: {  	[sflag:s23] =	ssyncadd.s32 $0xFFFFC800  }
0x12c: {  	v1 =	vld [tilespmem:$0x7380]  }
0x12d: {  	v0 =	vld [tilespmem:$0x73C0]  }
0x12e: {  	v2 =	vld [tilespmem:$0x73B0]  }
0x12f: {  	v3 =	vld [tilespmem:$0x73D0]  }
0x130: {  	v4 =	vld [tilespmem:$0x7390]  }
0x131: {  	v49 =	vld [tilespmem:$0x73E0];
	[tilespmem:$0x7400] =	vst v1  }
0x132: {  	v5 =	vld [tilespmem:$0x73A0];
	[tilespmem:$0x7440] =	vst v0  }
0x133: {  	[tilespmem:$0x7430] =	vst v2  }
0x134: {  	[tilespmem:$0x7450] =	vst v3  }
0x135: {  	[tilespmem:$0x7410] =	vst v4  }
0x136: {  	[tilespmem:$0x7460] =	vst v49  }
0x137: {  	[tilespmem:$0x7420] =	vst v5  }
0x138: {  	[tilespmem:s16], [sflag:$0x8] =	stream.indirect.gather [hbm4b:s1+s7], $0x80, s9, s7, $0xb8;
	[tilespmem:$0x1E580] =	vst v63  }
0x139: {  	_ =	swait.ge [sflag:s17], $0x3800  }
0x13a: {  	[sflag:s17] =	ssyncset.done $0x0  }
0x13b: {  	s0 =	sadd.s32 s5, s25;
	[sflag:s17] =	ssyncadd.s32 $0xFFFFC800  }
0x13c: {  	[tilespmem:s31], [sflag:$0x4] =	stream.linear.gather [hbm4b:s0+s4], $0x70, $0x38;
	[tilespmem:$0x1E580] =	vst v63  }
0x13d: {  	s6 =	sadd.s32 s6, s25;
	s14 =	simm.s32 $0x3A00  }
0x13e: {  	[tilespmem:s14], [sflag:$0x4] =	stream.linear.gather [hbm4b:s6+s4], $0x70, $0x38;
	[tilespmem:$0x1E580] =	vst v63  }
0x13f: {  	s18 =	simm.s32 $0x3A80  }
0x140: {  	[spmem:s2] =	stream.indirect.scatter.add.f32 [tilespmem:s12], [sflag:$0x6], $0x80, s18, s7, $0xb8;
	[tilespmem:$0x1E580] =	vst v63  }
0x141: {  	_ =	swait.ge [sflag:s3], $0x70  }
0x142: {  	[sflag:s3] =	ssyncset.done $0x0  }
0x143: {  	[sflag:s3] =	ssyncadd.s32 $0xFFFFFF90  }
0x144: {  	_ =	swait.ge [sflag:s3], $0x70  }
0x145: {  	[sflag:s3] =	ssyncset.done $0x0  }
0x146: {  	[sflag:s3] =	ssyncadd.s32 $0xFFFFFF90  }
0x147: {  	_ =	swait.ge [sflag:s19], $0x3800  }
0x148: {  	[sflag:s19] =	ssyncset.done $0x0  }
0x149: {  	[sflag:s19] =	ssyncadd.s32 $0xFFFFC800  }
0x14a: {  	v50 =	vld [tilespmem:$0x80]  }
0x14b: {  	v51 =	vld [tilespmem:$0x90]  }
0x14c: {  	v52 =	vld [tilespmem:$0xA0]  }
0x14d: {  	v53 =	vld [tilespmem:$0xB0]  }
0x14e: {  	v54 =	vld [tilespmem:$0xC0]  }
0x14f: {  	v55 =	vld [tilespmem:$0xD0];
	[tilespmem:$0x100] =	vst v50  }
0x150: {  	v56 =	vld [tilespmem:$0xE0];
	[tilespmem:$0x110] =	vst v51  }
0x151: {  	[tilespmem:$0x120] =	vst v52  }
0x152: {  	[tilespmem:$0x130] =	vst v53  }
0x153: {  	[tilespmem:$0x140] =	vst v54  }
0x154: {  	[tilespmem:$0x150] =	vst v55  }
0x155: {  	[tilespmem:$0x160] =	vst v56  }
0x156: {  	[tilespmem:s8], [sflag:$0x2] =	stream.indirect.gather [hbm4b:s1+s7], $0x80, s4, s7, $0xb8;
	[tilespmem:$0x1E580] =	vst v63  }
0x157: {  	_ =	swait.ge [sflag:s20], $0x3800  }
0x158: {  	[sflag:s20] =	ssyncset.done $0x0  }
0x159: {  	s24 =	simm.s32 $0x7400;
	[sflag:s20] =	ssyncadd.s32 $0xFFFFC800  }
0x15a: {  	[spmem:s2] =	stream.indirect.scatter.add.f32 [tilespmem:s16], [sflag:$0x9], $0x80, s24, s7, $0xb8;
	[tilespmem:$0x1E580] =	vst v63  }
0x15b: {  	_ =	swait.ge [sflag:s11], $0x70  }
0x15c: {  	[sflag:s11] =	ssyncset.done $0x0  }
0x15d: {  	[sflag:s11] =	ssyncadd.s32 $0xFFFFFF90  }
0x15e: {  	_ =	swait.ge [sflag:s11], $0x70  }
0x15f: {  	[sflag:s11] =	ssyncset.done $0x0  }
0x160: {  	[sflag:s11] =	ssyncadd.s32 $0xFFFFFF90  }
0x161: {  	_ =	swait.ge [sflag:s22], $0x3800  }
0x162: {  	[sflag:s22] =	ssyncset.done $0x0  }
0x163: {  	[sflag:s22] =	ssyncadd.s32 $0xFFFFC800  }
0x164: {  	v57 =	vld [tilespmem:$0x3A00]  }
0x165: {  	v58 =	vld [tilespmem:$0x3A10]  }
0x166: {  	v59 =	vld [tilespmem:$0x3A20]  }
0x167: {  	v60 =	vld [tilespmem:$0x3A30]  }
0x168: {  	v61 =	vld [tilespmem:$0x3A40]  }
0x169: {  	v62 =	vld [tilespmem:$0x3A50];
	[tilespmem:$0x3A80] =	vst v57  }
0x16a: {  	v63 =	vld [tilespmem:$0x3A60];
	[tilespmem:$0x3A90] =	vst v58  }
0x16b: {  	[tilespmem:$0x3AA0] =	vst v59  }
0x16c: {  	[tilespmem:$0x3AB0] =	vst v60  }
0x16d: {  	[tilespmem:$0x3AC0] =	vst v61  }
0x16e: {  	[tilespmem:$0x3AD0] =	vst v62  }
0x16f: {  	[tilespmem:$0x3AE0] =	vst v63  }
0x170: {  	[tilespmem:s12], [sflag:$0x5] =	stream.indirect.gather [hbm4b:s1+s7], $0x80, s31, s7, $0xb8;
	[tilespmem:$0x1E580] =	vst v63  }
0x171: {  	_ =	swait.ge [sflag:s13], $0x3800  }
0x172: {  	[sflag:s13] =	ssyncset.done $0x0  }
0x173: {  	[sflag:s13] =	ssyncadd.s32 $0xFFFFC800  }
0x174: {  	[spmem:s2] =	stream.indirect.scatter.add.f32 [tilespmem:s8], [sflag:$0x3], $0x80, s21, s7, $0xb8;
	[tilespmem:$0x1E580] =	vst v63  }
0x175: {  	_ =	swait.ge [sflag:s17], $0x3800  }
0x176: {  	[sflag:s17] =	ssyncset.done $0x0  }
0x177: {  	[sflag:s17] =	ssyncadd.s32 $0xFFFFC800  }
0x178: {  	[spmem:s2] =	stream.indirect.scatter.add.f32 [tilespmem:s12], [sflag:$0x6], $0x80, s18, s7, $0xb8;
	[tilespmem:$0x1E580] =	vst v63  }
0x179: {  	_ =	swait.ge [sflag:s23], $0x3800  }
0x17a: {  	[sflag:s23] =	ssyncset.done $0x0  }
0x17b: {  	[sflag:s23] =	ssyncadd.s32 $0xFFFFC800  }
0x17c: {  	_ =	swait.ge [sflag:s19], $0x3800  }
0x17d: {  	[sflag:s19] =	ssyncset.done $0x0  }
0x17e: {  	s30 =	simm.s32 $0xA;
	s29 =	rddreg [dreg:$0x14];
	[sflag:s19] =	ssyncadd.s32 $0xFFFFC800  }
0x17f: {  	[tilespmem:s4], [sflag:$0xA] =	stream.linear.gather [hbm4b:s29+s4], $0x20, $0x38;
	[tilespmem:$0x1E580] =	vst v63  }
0x180: {  	_ =	swait.ge [sflag:s30], $0x20  }
0x181: {  	[sflag:s30] =	ssyncset.done $0x0  }
0x182: {  	s18 =	simm.s32 $0xAC80;
	s6 =	rddreg [dreg:$0x15];
	[sflag:s30] =	ssyncadd.s32 $0xFFFFFFE0  }
0x183: {  	[tilespmem:s18], [sflag:$0xA] =	stream.linear.gather [hbm4b:s6+s4], $0x20, $0x38;
	[tilespmem:$0x1E580] =	vst v63  }
0x184: {  	_ =	swait.ge [sflag:s30], $0x20  }
0x185: {  	[sflag:s30] =	ssyncset.done $0x0  }
0x186: {  	s24 =	simm.s32 $0x20;
	[sflag:s30] =	ssyncadd.s32 $0xFFFFFFE0  }
0x187: {  	[tilespmem:s8], [sflag:$0x2] =	stream.indirect.gather [hbm4b:s1+s24], $0x80, s4, s24, $0xb8;
	[tilespmem:$0x1E580] =	vst v63  }
0x188: {  	_ =	swait.ge [sflag:s13], $0x1000  }
0x189: {  	[sflag:s13] =	ssyncset.done $0x0  }
0x18a: {  	[sflag:s13] =	ssyncadd.s32 $0xFFFFF000  }
0x18b: {  	[spmem:s2] =	stream.indirect.scatter.add.f32 [tilespmem:s8], [sflag:$0xA], $0x80, s18, s24, $0xb8;
	[tilespmem:$0x1E580] =	vst v63  }
0x18c: {  	_ =	swait.ge [sflag:s30], $0x1000  }
0x18d: {  	[sflag:s30] =	ssyncset.done $0x0  }
0x18e: {  	[sflag:s30] =	ssyncadd.s32 $0xFFFFF000  }
0x18f: {  	_ =	swait.ge [sflag:s22], $0x3800  }
0x190: {  	[sflag:s22] =	ssyncset.done $0x0  }
0x191: {  	[sflag:s22] =	ssyncadd.s32 $0xFFFFC800  }
0x192: {  	[bflag:$0x0] =	sbarrier.arrive $0xFFFF  }
0x193: {  	s5 =	rddreg [dreg:$0x16]  }
0x194: {  	s0 =	simm.s32 @p0 $0x1FCA;
	s6 =	rddreg [dreg:$0x1a]  }
0x195: {  	[hbm:s5], [sflag:s0] =	dma.local @p0 [spmem:s6], $0x2080  }
0x196: {  	s0 =	simm.s32 @p0 $0xA  }
0x197: {  	_ =	swait.ge @p0 [sflag:s0], $0x2080  }
0x198: {  	s5 =	rddreg [dreg:$0x1b]  }
0x199: {  	[sflag:s0] =	ssyncset.done @p0 $0x0;
	s6 =	rddreg [dreg:$0x1c]  }
0x19a: {  	[sflag:s0] =	ssyncadd.s32 @p0 $0xFFFFDF80;
	s0 =	rddreg [dreg:$0x11]  }
0x19b: {  	[hbm:s0], [sflag:s5] =	dma.local @!p0 [spmem:s6], $0x2780  }
0x19c: {  	s0 =	simm.s32 @!p0 $0xA  }
0x19d: {  	_ =	swait.ge @!p0 [sflag:s0], $0x2780  }
0x19e: {  	s29 =	rddreg [dreg:$0x19]  }
0x19f: {  	s30 =	rddreg [dreg:$0x17];
	s6 =	sadd.s32 $0x1, s29  }
0x1a0: {  	p1 =	sne.s32 s6, s30  }
.Ltmp1:
0x1a1: {  	_ = 	snop;
	(pc) =	sbr.rel @p1 .LBB2_1-.Ltmp1, $3  }
0x1a2: {  	_ =	sdelay $0x1  }
0x1a3: {  	[sflag:s0] =	ssyncset.done @!p0 $0x0  }
0x1a4: {  	s14 =	simm.s32 $0x3A80;
	s18 =	simm.s32 $0x7380;
	[sflag:s0] =	ssyncadd.s32 @!p0 $0xFFFFD880  }
0x1a5: {  	_ =	sfence.sel $0x180000  }
0x1a6: {  	[bflag:$0x0] =	sbarrier.arrive $0xFFFF  }
0x1a7: {  	_ =	strace $0x90000047  }
0x1a8: {  	s0 =	stileid.u32;
	[bflag:$0x2] =	sbarrier.arrive $0xFFFF  }
0x1a9: {  	p0 =	sne.s32 s0, $0x0;
	s0 =	rddreg [dreg:$0x3]  }
0x1aa: {  	s0 =	sadd.s32 @!p0 $0x100000, s0  }
0x1ab: {  	[sflag:s0] =	ssyncadd.tile.s32 @!p0 $0x1;
	_ =	shalt  }
.Lfunc_end2:
_tile_overlayer_lowered:
.L_overlay_start_2:
0x1ac: {  	(tag) =	ssettag $0x2  }
0x1ad: {  	s0 =	rddreg [dreg:$0x0];
	s2 =	stileid.u32  }
0x1ae: {  	s1 =	rddreg [dreg:$0x1];
	p0 =	sne.s32 s2, $0x0  }
0x1af: {  	s3 =	rddreg [dreg:$0x2];
	[bflag:$0x3] =	sbarrier.arrive $0xFFFF;
	s2 =	simm.s32 @!p0 $0x1C0A  }
0x1b0: {  	[timem:s3], [sflag:s2] =	dma.local @!p0 [hbm:s0], s1  }
0x1b1: {  	s0 =	simm.s32 @!p0 $0xA  }
0x1b2: {  	_ =	swait.ge @!p0 [sflag:s0], s1  }
0x1b3: {  	s1 =	ssub.s32 @!p0 $0x0, s1;
	[sflag:s0] =	ssyncset.done @!p0 $0x0  }
0x1b4: {  	[sflag:s0] =	ssyncadd.s32 @!p0 s1  }
0x1b5: {  	[bflag:$0x3] =	sbarrier.arrive $0xFFFF  }
0x1b6: {  	_ =	shalt  }

// kernel: kernel.14.cloned.1.call-start
scs
__scs_entry_jumppad:
0x0: {  	(pc) =	sbr.rel $0x88, $3  }
0x1: {  	(tag) =	ssettag $0x0;
	lr =	simm.s32 $0x1  }
0x2: {  	[smem:$0x3F91] =	sst lr;
	_ =	strace $0xD0000000  }
0x3: {  	_ = 	snop  }
0x4: {  	_ = 	snop  }
0x5: {  	_ = 	snop  }
0x6: {  	_ = 	snop  }
0x7: {  	_ = 	snop  }
__scs_overlays_trampoline_lowered:
0x8: {  	[smem:$0x3FA0] =	sst s0  }
0x9: {  	[smem:$0x3FA1] =	sst s1  }
0xa: {  	[smem:$0x3FA2] =	sst s2  }
0xb: {  	[smem:$0x3FA3] =	sst s3  }
0xc: {  	[smem:$0x3FA4] =	sst s4  }
0xd: {  	[smem:$0x3FA5] =	sst s5  }
0xe: {  	[smem:$0x3FA6] =	sst s6  }
0xf: {  	[smem:$0x3FA7] =	sst s7  }
0x10: {  	[smem:$0x3FA8] =	sst s8  }
0x11: {  	[smem:$0x3FA9] =	sst s9;
	s0 =	simm.s32 @!p0 $0x0  }
0x12: {  	s1 =	sld [smem:$0x3F8F];
	s0 =	simm.s32 @p0 $0x1  }
0x13: {  	[smem:$0x3FAA] =	sst s0;
	s0 =	simm.s32 @!p1 $0x0  }
0x14: {  	s2 =	sld [smem:$0x3F8E];
	s0 =	simm.s32 @p1 $0x1  }
0x15: {  	[smem:$0x3FAB] =	sst s0;
	s0 =	simm.s32 @!p2 $0x0  }
0x16: {  	s3 =	sld [smem:$0x3FDB];
	s0 =	simm.s32 @p2 $0x1  }
0x17: {  	s4 =	simm.s32 $0x1BF5;
	[smem:$0x3FAD] =	sst s0  }
0x18: {  	s0 =	sld [smem:$0x3F90];
	_ =	swait.ge [sflag:s4], $0x0  }
0x19: {  	s7 =	sld [smem:$0x3F91]  }
0x1a: {  	s8 =	sadd.s32 $0xFFFFE003, lr  }
0x1b: {  	s9 =	sadd.s32 $0xFFFFFEF7, lr;
	s5 =	simm.s32 $0xFFFFFFFF;
	p2 =	slt.u32 s8, $0xFFFFF086  }
0x1c: {  	p1 =	slt.u32 s9, $0xF7A;
	s5 =	simm.s32 @!p2 $0x0  }
0x1d: {  	s5 =	simm.s32 @p1 $0x1;
	p0 =	seq.s32 s7, s2  }
0x1e: {  	s7 =	smul.u32 @!p0 $0xF7A, s2;
	p2 =	seq.s32 @!p0 s5, $0x0  }
0x1f: {  	s9 =	smul.u32 $0xF7A, s1;
	s8 =	simm.s32 @!p0 $0x1BF5;
	p2 =	por !p2, p0  }
0x20: {  	[sflag:s8] =	ssyncset.s32 @!p0 $0xFFFFF086;
	s6 =	sadd.s32 @!p0 s3, s7;
	s7 =	simm.s32 @!p0 $0x108  }
0x21: {  	s3 =	sadd.s32 s3, s9;
	s6 =	sadd.s32 @!p0 $0x88, s6;
	s7 =	simm.s32 @p2 $0x1082  }
0x22: {  	[simem:s7], [sflag:s8] =	dma.local @!p0 [hbm:s6], $0xF7A  }
0x23: {  	s9 =	sor.u32 $0xD0000000, s2;
	s6 =	simm.s32 $0x108;
	_ =	swait.ge @!p0 [sflag:s8], $0x0  }
0x24: {  	s3 =	sadd.s32 $0x88, s3;
	s6 =	simm.s32 @!p1 $0x1082;
	[sflag:s4] =	ssyncset.s32 $0xFFFFF086  }
0x25: {  	[simem:s6], [sflag:s4] =	dma.local [hbm:s3], $0xF7A  }
0x26: {  	[smem:$0x3F91] =	sst s1;
	(tag) =	ssettag s2;
	_ =	strace s9  }
0x27: {  	s1 =	sld [smem:$0x3FA1]  }
0x28: {  	s2 =	sld [smem:$0x3FA2]  }
0x29: {  	s4 =	sld [smem:$0x3FA4]  }
0x2a: {  	p0 =	seq.s32 s5, $0x0;
	s5 =	sld [smem:$0x3FA5]  }
0x2b: {  	s6 =	sld [smem:$0x3FA6]  }
0x2c: {  	s7 =	sld [smem:$0x3FA7]  }
0x2d: {  	s3 =	simm.s32 $0x108;
	s8 =	sld [smem:$0x3FA8]  }
0x2e: {  	s3 =	simm.s32 @!p0 $0x1082;
	s9 =	sld [smem:$0x3FA9]  }
0x2f: {  	lr =	sadd.s32 s0, s3;
	s0 =	sld [smem:$0x3FA0]  }
0x30: {  	s3 =	sld [smem:$0x3FA3]  }
0x31: {  	[smem:$0x3FAC] =	sst s10  }
0x32: {  	s10 =	sld [smem:$0x3FAA];
	_ =	sdelay $0x3  }
0x33: {  	p0 =	seq.s32 s10, $0x1;
	s10 =	sld [smem:$0x3FAC];
	_ =	sdelay $0x3  }
0x34: {  	[smem:$0x3FAC] =	sst s10  }
0x35: {  	s10 =	sld [smem:$0x3FAB];
	_ =	sdelay $0x3  }
0x36: {  	p1 =	seq.s32 s10, $0x1;
	s10 =	sld [smem:$0x3FAC];
	_ =	sdelay $0x3  }
0x37: {  	[smem:$0x3FAC] =	sst s10  }
0x38: {  	s10 =	sld [smem:$0x3FAD]  }
0x39: {  	_ = 	snop;
	(pc) =	sbr.ind lr, $3  }
0x3a: {  	_ = 	snop  }
0x3b: {  	_ = 	snop  }
0x3c: {  	p2 =	seq.s32 s10, $0x1;
	s10 =	sld [smem:$0x3FAC]  }
0x3d: {  	_ =	shalt  }
0x3e: {  	_ =	shalt  }
0x3f: {  	_ =	shalt  }
0x40: {  	_ =	shalt  }
0x41: {  	_ =	shalt  }
0x42: {  	_ =	shalt  }
0x43: {  	_ =	shalt  }
0x44: {  	_ =	shalt  }
0x45: {  	_ =	shalt  }
0x46: {  	_ =	shalt  }
0x47: {  	_ =	shalt  }
0x48: {  	_ =	shalt  }
0x49: {  	_ =	shalt  }
0x4a: {  	_ =	shalt  }
0x4b: {  	_ =	shalt  }
0x4c: {  	_ =	shalt  }
0x4d: {  	_ =	shalt  }
0x4e: {  	_ =	shalt  }
0x4f: {  	_ =	shalt  }
0x50: {  	_ =	shalt  }
0x51: {  	_ =	shalt  }
0x52: {  	_ =	shalt  }
0x53: {  	_ =	shalt  }
0x54: {  	_ =	shalt  }
0x55: {  	_ =	shalt  }
0x56: {  	_ =	shalt  }
0x57: {  	_ =	shalt  }
0x58: {  	_ =	shalt  }
0x59: {  	_ =	shalt  }
0x5a: {  	_ =	shalt  }
0x5b: {  	_ =	shalt  }
0x5c: {  	_ =	shalt  }
0x5d: {  	_ =	shalt  }
0x5e: {  	_ =	shalt  }
0x5f: {  	_ =	shalt  }
0x60: {  	_ =	shalt  }
0x61: {  	_ =	shalt  }
0x62: {  	_ =	shalt  }
0x63: {  	_ =	shalt  }
0x64: {  	_ =	shalt  }
0x65: {  	_ =	shalt  }
0x66: {  	_ =	shalt  }
0x67: {  	_ =	shalt  }
0x68: {  	_ =	shalt  }
0x69: {  	_ =	shalt  }
0x6a: {  	_ =	shalt  }
0x6b: {  	_ =	shalt  }
0x6c: {  	_ =	shalt  }
0x6d: {  	_ =	shalt  }
0x6e: {  	_ =	shalt  }
0x6f: {  	_ =	shalt  }
0x70: {  	_ =	shalt  }
0x71: {  	_ =	shalt  }
0x72: {  	_ =	shalt  }
0x73: {  	_ =	shalt  }
0x74: {  	_ =	shalt  }
0x75: {  	_ =	shalt  }
0x76: {  	_ =	shalt  }
0x77: {  	_ =	shalt  }
0x78: {  	_ =	shalt  }
0x79: {  	_ =	shalt  }
0x7a: {  	_ =	shalt  }
0x7b: {  	_ =	shalt  }
0x7c: {  	_ =	shalt  }
0x7d: {  	_ =	shalt  }
0x7e: {  	_ =	shalt  }
0x7f: {  	_ =	shalt  }
0x80: {  	_ =	shalt  }
0x81: {  	_ =	shalt  }
0x82: {  	_ =	shalt  }
0x83: {  	_ =	shalt  }
0x84: {  	_ =	shalt  }
0x85: {  	_ =	shalt  }
0x86: {  	_ =	shalt  }
0x87: {  	_ =	shalt  }
.Lfunc_end0:
.L_simem_size_0:
called_computation.1_lowered:
.L_overlay_start_0:
0x88: {  	s2 =	sld [smem:$0x3FD9]  }
0x89: {  	s3 =	sld [smem:$0x3FFE];
	_ =	sdelay $0x1  }
0x8a: {  	s1 =	srdreg.scid  }
0x8b: {  	s0 =	sand.u32 $0x1, s1  }
0x8c: {  	s16 =	sshll.u32 s0, $0xA;
	s2 =	sadd.s32 s3, s2  }
0x8d: {  	s2 =	sadd.s32 s2, s16  }
0x8e: {  	[smem:$0x3FB8] =	sst s2  }
0x8f: {  	_ = 	snop  }
0x90: {  	(tm) =	ssettm $0x1  }
0x91: {  	s17 =	sld [smem:$0x3FFB];
	_ =	sdelay $0x3  }
0x92: {  	_ =	strace s17  }
0x93: {  	s2 =	sld [smem:$0x3FFC];
	_ =	sdelay $0x3  }
0x94: {  	_ =	strace s2  }
0x95: {  	s2 =	sld [smem:$0x3FFD];
	_ =	sdelay $0x3  }
0x96: {  	_ =	strace s2  }
0x97: {  	_ =	strace $0x8FFFFFFF  }
0x98: {  	s18 =	sld [smem:$0x3FDB];
	_ =	sdelay $0x1  }
0x99: {  	s19 =	simm.s32 $_scs_section_size  }
0x9a: {  	s4 =	simm.s32 $_size__tile_overlayer_lowered;
	s5 =	simm.s32 $_tile_overlayer_lowered  }
0x9b: {  	s22 =	simm.s32 $0x1BFF;
	s21 =	sshll.u32 s5, $0x1;
	s2 =	sadd.s32 s19, s18  }
0x9c: {  	s6 =	simm.s32 $0x0;
	s20 =	sshll.u32 s4, $0x1;
	s4 =	sadd.s32 s21, s2  }
0x9d: {  	[timem:s6], [sflag:s22] =	dma.local [hbm:s4], s20  }
0x9e: {  	_ =	swait.ge [sflag:s22], s20  }
0x9f: {  	s3 =	ssub.s32 $0x0, s20;
	[sflag:s22] =	ssyncset.done $0x0  }
0xa0: {  	[sflag:s22] =	ssyncadd.s32 s3;
	_ =	sdelay $0x1  }
0xa1: {  	s23 =	simm.s32 $0x1B8B  }
0xa2: {  	_ =	swait.ge [sflag:s23], $0x1  }
0xa3: {  	[sflag:s23] =	ssyncset.done $0x0  }
0xa4: {  	s25 =	simm.s32 $0x1B8E;
	s24 =	sld [smem:$0x3FFE];
	[sflag:s23] =	ssyncadd.s32 $0xFFFFFFFF  }
0xa5: {  	s26 =	simm.s32 $execute0_lowered;
	[smem:$0x3FD2] =	sst s25  }
0xa6: {  	s4 =	sshll.u32 s26, $0x1;
	_ =	strace $0x80000049;
	[dreg:$0x1] =	wrdreg $0xFFFFFFFF  }
0xa7: {  	s28 =	simm.s32 $_size_execute0_lowered;
	s2 =	sadd.s32 s2, s4;
	[dreg:$0x0] =	wrdreg $0x0  }
0xa8: {  	s4 =	sshll.u32 s28, $0x1;
	[dreg:$0x2] =	wrdreg s2  }
0xa9: {  	[dreg:$0x3] =	wrdreg s4  }
0xaa: {  	[dreg:$0x4] =	wrdreg $0xC0  }
0xab: {  	_ =	task [dreg:s6], $0x5FFFF  }
0xac: {  	[dreg:$0x1] =	wrdreg $0xFFFFFFFF  }
0xad: {  	[dreg:$0x0] =	wrdreg $0x60  }
0xae: {  	[dreg:$0x2] =	wrdreg s24  }
0xaf: {  	[dreg:$0x3] =	wrdreg $0xAD000  }
0xb0: {  	[dreg:$0x4] =	wrdreg $0x9  }
0xb1: {  	_ =	task.clear_ibuf [dreg:s6], $0x5FFFF;
	_ =	strace $0x90000049  }
0xb2: {  	s29 =	simm.s32 $0x9;
	_ =	strace $0x8000004B  }
0xb3: {  	_ =	swait.ge [sflag:s29], $0x1  }
0xb4: {  	[sflag:s29] =	ssyncadd.s32 $0xFFFFFFFF  }
0xb5: {  	_ =	strace $0x9000004B  }
0xb6: {  	_ =	sfence  }
0xb7: {  	s30 =	sld [smem:$0x0];
	_ =	sdelay $0x2  }
0xb8: {  	s31 =	sshll.u32 s1, $0xD;
	s1 =	sshrl.u32 s1, $0x2  }
0xb9: {  	s3 =	sand.u32 $0x4000, s31;
	s1 =	sadd.s32 s1, s30  }
0xba: {  	s0 =	sor.u32 s3, s0;
	s1 =	sshll.u32 s1, $0x11  }
0xbb: {  	s0 =	sor.u32 s1, s0  }
0xbc: {  	s0 =	sadd.s32 $0x8F2B, s0  }
0xbd: {  	[sflag:s0] =	ssyncadd.remote.s32 $0x1  }
0xbe: {  	_ =	sfence.sel $0xFFFF  }
0xbf: {  	[dreg:$0x0] =	wrdreg $0xFFFFFFFF;
	(pc) =	sbr.abs _section_cstart, $3  }
0xc0: {  	[dreg:$0x1] =	wrdreg $0xFFFFFFFF  }
0xc1: {  	_ =	task.clear_ibuf [dreg:s6], $0x2FFFF;
	_ =	strace $0x9FFFFFFF  }
0xc2: {  	(tm) =	ssettm $0x7FFFFFFF  }
0xc3: {  	_ =	shalt  }
tec
execute0_lowered:
.L_overlay_start_1:
0x0: {  	(tag) =	ssettag $0x1  }
0x1: {  	s0 =	rddreg [dreg:$0x0]  }
0x2: {  	s1 =	rddreg [dreg:$0x1];
	s2 =	simm.s32 $0x0;
	s12 =	stileid.u32  }
0x3: {  	s3 =	srdreg.scid;
	s31 =	simm.s32 $0x3980;
	[smem:$0x7FF] =	sst s2  }
0x4: {  	s4 =	sadd.s32 $0x3E400, s0;
	s13 =	sadd.s32 $0xD400, s0;
	s5 =	smul.u32 $0x2780, s12  }
0x5: {  	s3 =	sand.u32 $0x1, s3;
	s6 =	sshll.u32 s12, $0x1;
	s7 =	smul.u32 $0x4F000, s12  }
0x6: {  	s14 =	sadd.s32 $0x3600, s0;
	s10 =	sadd.s32 $0x65600, s0;
	s20 =	smul.u32 $0x4E20, s12  }
0x7: {  	p0 =	seq.s32 s12, $0xF;
	s12 =	simm.s32 $0x3B00;
	s16 =	smul.u32 $0x27100, s3  }
0x8: {  	_ =	strace $0x8000004A;
	s6 =	sor.u32 s3, s6;
	s18 =	smul.u32 $0x138800, s3  }
0x9: {  	s9 =	ssub.s32 $0x2, s3;
	s3 =	smul.u32 $0x2710, s3;
	[dreg:$0x3] =	wrdreg s13  }
0xa: {  	[dreg:$0x4] =	wrdreg s14;
	s8 =	sadd.s32 s5, s0;
	s6 =	smul.u32 $0x2710, s6  }
0xb: {  	s11 =	sshrl.u32 s9, $0x1;
	s7 =	sshrl.u32 s7, $0x2;
	s0 =	sadd.s32 $0x3C280, s0  }
0xc: {  	s9 =	ssub.s32 s9, s11;
	s7 =	sadd.s32 s7, s1;
	s23 =	sadd.s32 $0x17200, s8  }
0xd: {  	[dreg:$0x7] =	wrdreg s0;
	s5 =	sadd.s32 s5, s16;
	s3 =	sadd.s32 s3, s20  }
0xe: {  	s16 =	simm.s32 $0x7480;
	s20 =	simm.s32 $0x8;
	[dreg:$0x5] =	wrdreg s7  }
0xf: {  	s6 =	sshrl.u32 s6, $0x3;
	[dreg:$0x6] =	wrdreg s23;
	s5 =	sadd.s32 s10, s5  }
0x10: {  	s7 =	simm.s32 $0x70;
	s24 =	sadd.s32 s13, s6;
	s25 =	sadd.s32 s14, s6  }
0x11: {  	s26 =	sadd.s32 $0xE, s6;
	s29 =	sadd.s32 $0x1C, s6;
	[dreg:$0x10] =	wrdreg s5  }
0x12: {  	s15 =	sadd.s32 $0x2A, s6;
	s19 =	sadd.s32 $0x38, s6;
	[dreg:$0x8] =	wrdreg s24  }
0x13: {  	s22 =	sadd.s32 $0x4DE, s6;
	[dreg:$0x9] =	wrdreg s25;
	s30 =	sadd.s32 s13, s26  }
0x14: {  	s6 =	simm.s32 $0x0;
	s0 =	sadd.s32 s14, s26;
	[dreg:$0xa] =	wrdreg s30  }
0x15: {  	s8 =	sadd.s32 s13, s29;
	s11 =	sadd.s32 s14, s29;
	[dreg:$0xb] =	wrdreg s0  }
0x16: {  	s17 =	sadd.s32 s13, s15;
	s21 =	sadd.s32 s13, s19;
	[dreg:$0xc] =	wrdreg s8  }
0x17: {  	s23 =	sadd.s32 s14, s19;
	s24 =	sadd.s32 s13, s22;
	[dreg:$0xd] =	wrdreg s11  }
0x18: {  	s5 =	sadd.s32 s14, s22;
	s25 =	smax.u32 s9, $0x1;
	[dreg:$0xe] =	wrdreg s17  }
0x19: {  	s26 =	sadd.s32 $0x310, s3;
	s29 =	sadd.s32 $0x2A0, s3;
	[dreg:$0x11] =	wrdreg s21  }
0x1a: {  	s3 =	sadd.s32 $0x230, s3;
	s9 =	simm.s32 $0x7300;
	[dreg:$0x12] =	wrdreg s23  }
0x1b: {  	s13 =	simm.s32 $0x2;
	s19 =	simm.s32 $0x3;
	[dreg:$0x13] =	wrdreg s24  }
0x1c: {  	s22 =	simm.s32 $0x6;
	s0 =	sadd.s32 s14, s15;
	[dreg:$0x14] =	wrdreg s5  }
0x1d: {  	[dreg:$0x16] =	wrdreg s25;
	s25 =	sshrl.u32 s26, $0x3;
	s26 =	sshrl.u32 s29, $0x3  }
0x1e: {  	s28 =	sshrl.u32 s3, $0x3;
	s30 =	sadd.s32 $0x128400, s1;
	s3 =	simm.s32 $0x1  }
0x1f: {  	s8 =	simm.s32 $0x180;
	s11 =	simm.s32 $0x4;
	s15 =	simm.s32 $0x7  }
0x20: {  	s17 =	simm.s32 $0x5;
	[dreg:$0xf] =	wrdreg s0;
	s0 =	sshrl.u32 s18, $0x3  }
0x21: {  	s14 =	simm.s32 $0x3A80;
	s23 =	simm.s32 $0x9;
	s0 =	sadd.s32 s10, s0  }
0x22: {  	s21 =	simm.s32 $0x100;
	[dreg:$0x17] =	wrdreg s30;
	s0 =	sadd.s32 $0x25080, s0  }
0x23: {  	s18 =	simm.s32 $0x7380;
	s10 =	simm.s32 $0x80;
	[dreg:$0x15] =	wrdreg s0  }
.LBB2_1:
0x24: {  	[dreg:$0x18] =	wrdreg s6  }
0x25: {  	s0 =	rddreg [dreg:$0x17]  }
0x26: {  	s6 =	sshrl.u32 @p0 s0, $0x3;
	s0 =	rddreg [dreg:$0x7]  }
0x27: {  	s5 =	simm.s32 @p0 $0x1FCA;
	[dreg:$0x19] =	wrdreg s6  }
0x28: {  	[spmem:s6], [sflag:s5] =	dma.local @p0 [hbm:s0], $0x2080  }
0x29: {  	s5 =	simm.s32 @p0 $0xA  }
0x2a: {  	_ =	swait.ge @p0 [sflag:s5], $0x2080  }
0x2b: {  	s0 =	stileid.u32;
	[sflag:s5] =	ssyncset.done @p0 $0x0  }
0x2c: {  	s6 =	sshll.u32 @!p0 s0, $0x6;
	s0 =	rddreg [dreg:$0x5];
	[sflag:s5] =	ssyncadd.s32 @p0 $0xFFFFDF80  }
0x2d: {  	s5 =	sor.u32 @!p0 $0x1C0A, s6;
	s6 =	sshrl.u32 @!p0 s0, $0x3;
	s0 =	rddreg [dreg:$0x6]  }
0x2e: {  	[dreg:$0x1a] =	wrdreg s5  }
0x2f: {  	[dreg:$0x1b] =	wrdreg s6  }
0x30: {  	[spmem:s6], [sflag:s5] =	dma.local @!p0 [hbm:s0], $0x2780  }
0x31: {  	s5 =	simm.s32 @!p0 $0xA  }
0x32: {  	_ =	swait.ge @!p0 [sflag:s5], $0x2780  }
0x33: {  	[sflag:s5] =	ssyncset.done @!p0 $0x0  }
0x34: {  	[sflag:s5] =	ssyncadd.s32 @!p0 $0xFFFFD880  }
0x35: {  	[bflag:$0x0] =	sbarrier.arrive $0xFFFF  }
0x36: {  	s24 =	rddreg [dreg:$0x8]  }
0x37: {  	[tilespmem:s2], [sflag:$0x1] =	stream.linear.gather [hbm4b:s24+s2], $0x70, $0x38;
	[tilespmem:$0x1E580] =	vst v63  }
0x38: {  	s5 =	rddreg [dreg:$0x9]  }
0x39: {  	[tilespmem:s10], [sflag:$0x1] =	stream.linear.gather [hbm4b:s5+s2], $0x70, $0x38;
	[tilespmem:$0x1E580] =	vst v63  }
0x3a: {  	s6 =	rddreg [dreg:$0xa]  }
0x3b: {  	[tilespmem:s31], [sflag:$0x4] =	stream.linear.gather [hbm4b:s6+s2], $0x70, $0x38;
	[tilespmem:$0x1E580] =	vst v63  }
0x3c: {  	s24 =	rddreg [dreg:$0xb];
	s5 =	simm.s32 $0x3A00  }
0x3d: {  	[tilespmem:s5], [sflag:$0x4] =	stream.linear.gather [hbm4b:s24+s2], $0x70, $0x38;
	[tilespmem:$0x1E580] =	vst v63  }
0x3e: {  	_ =	swait.ge [sflag:s3], $0x70  }
0x3f: {  	[sflag:s3] =	ssyncset.done $0x0  }
0x40: {  	[sflag:s3] =	ssyncadd.s32 $0xFFFFFF90  }
0x41: {  	_ =	swait.ge [sflag:s3], $0x70  }
0x42: {  	[sflag:s3] =	ssyncset.done $0x0  }
0x43: {  	[sflag:s3] =	ssyncadd.s32 $0xFFFFFF90  }
0x44: {  	v0 =	vld [tilespmem:$0x80]  }
0x45: {  	v1 =	vld [tilespmem:$0x90]  }
0x46: {  	v2 =	vld [tilespmem:$0xA0]  }
0x47: {  	v3 =	vld [tilespmem:$0xB0]  }
0x48: {  	v4 =	vld [tilespmem:$0xC0]  }
0x49: {  	[tilespmem:$0x100] =	vst v0;
	v0 =	vld [tilespmem:$0xD0]  }
0x4a: {  	[tilespmem:$0x110] =	vst v1;
	v1 =	vld [tilespmem:$0xE0]  }
0x4b: {  	[tilespmem:$0x120] =	vst v2  }
0x4c: {  	[tilespmem:$0x130] =	vst v3  }
0x4d: {  	[tilespmem:$0x140] =	vst v4  }
0x4e: {  	[tilespmem:$0x150] =	vst v0  }
0x4f: {  	[tilespmem:$0x160] =	vst v1  }
0x50: {  	[tilespmem:s8], [sflag:$0x2] =	stream.indirect.gather [hbm4b:s4+s7], $0x80, s2, s7, $0xb8;
	[tilespmem:$0x1E580] =	vst v63  }
0x51: {  	s6 =	rddreg [dreg:$0xc]  }
0x52: {  	[tilespmem:s9], [sflag:$0x7] =	stream.linear.gather [hbm4b:s6+s2], $0x70, $0x38;
	[tilespmem:$0x1E580] =	vst v63  }
0x53: {  	s24 =	rddreg [dreg:$0xd]  }
0x54: {  	[tilespmem:s18], [sflag:$0x7] =	stream.linear.gather [hbm4b:s24+s2], $0x70, $0x38;
	[tilespmem:$0x1E580] =	vst v63  }
0x55: {  	_ =	swait.ge [sflag:s11], $0x70  }
0x56: {  	[sflag:s11] =	ssyncset.done $0x0  }
0x57: {  	[sflag:s11] =	ssyncadd.s32 $0xFFFFFF90  }
0x58: {  	_ =	swait.ge [sflag:s11], $0x70  }
0x59: {  	[sflag:s11] =	ssyncset.done $0x0  }
0x5a: {  	[sflag:s11] =	ssyncadd.s32 $0xFFFFFF90  }
0x5b: {  	v0 =	vld [tilespmem:$0x3A00]  }
0x5c: {  	v1 =	vld [tilespmem:$0x3A10]  }
0x5d: {  	v2 =	vld [tilespmem:$0x3A20]  }
0x5e: {  	v3 =	vld [tilespmem:$0x3A30]  }
0x5f: {  	v59 =	vld [tilespmem:$0x3A40]  }
0x60: {  	[tilespmem:$0x3A80] =	vst v0;
	v0 =	vld [tilespmem:$0x3A50]  }
0x61: {  	[tilespmem:$0x3A90] =	vst v1;
	v1 =	vld [tilespmem:$0x3A60]  }
0x62: {  	[tilespmem:$0x3AA0] =	vst v2  }
0x63: {  	[tilespmem:$0x3AB0] =	vst v3  }
0x64: {  	[tilespmem:$0x3AC0] =	vst v59  }
0x65: {  	[tilespmem:$0x3AD0] =	vst v0  }
0x66: {  	[tilespmem:$0x3AE0] =	vst v1  }
0x67: {  	[tilespmem:s12], [sflag:$0x5] =	stream.indirect.gather [hbm4b:s4+s7], $0x80, s31, s7, $0xb8;
	[tilespmem:$0x1E580] =	vst v63  }
0x68: {  	_ =	swait.ge [sflag:s13], $0x3800  }
0x69: {  	[sflag:s13] =	ssyncset.done $0x0  }
0x6a: {  	s6 =	rddreg [dreg:$0xe];
	[sflag:s13] =	ssyncadd.s32 $0xFFFFC800  }
0x6b: {  	[tilespmem:s2], [sflag:$0x1] =	stream.linear.gather [hbm4b:s6+s2], $0x70, $0x38;
	[tilespmem:$0x1E580] =	vst v63  }
0x6c: {  	s24 =	rddreg [dreg:$0xf]  }
0x6d: {  	[tilespmem:s10], [sflag:$0x1] =	stream.linear.gather [hbm4b:s24+s2], $0x70, $0x38;
	[tilespmem:$0x1E580] =	vst v63  }
0x6e: {  	s24 =	simm.s32 $0x100  }
0x6f: {  	[spmem:s1] =	stream.indirect.scatter.add.f32 [tilespmem:s8], [sflag:$0x3], $0x80, s24, s7, $0xb8;
	[tilespmem:$0x1E580] =	vst v63  }
0x70: {  	_ =	swait.ge [sflag:s15], $0x70  }
0x71: {  	[sflag:s15] =	ssyncset.done $0x0  }
0x72: {  	[sflag:s15] =	ssyncadd.s32 $0xFFFFFF90  }
0x73: {  	_ =	swait.ge [sflag:s15], $0x70  }
0x74: {  	[sflag:s15] =	ssyncset.done $0x0  }
0x75: {  	[sflag:s15] =	ssyncadd.s32 $0xFFFFFF90  }
0x76: {  	v0 =	vld [tilespmem:$0x7380]  }
0x77: {  	v1 =	vld [tilespmem:$0x7390]  }
0x78: {  	v2 =	vld [tilespmem:$0x73A0]  }
0x79: {  	v3 =	vld [tilespmem:$0x73B0]  }
0x7a: {  	v60 =	vld [tilespmem:$0x73C0]  }
0x7b: {  	[tilespmem:$0x7400] =	vst v0;
	v0 =	vld [tilespmem:$0x73D0]  }
0x7c: {  	[tilespmem:$0x7410] =	vst v1;
	v1 =	vld [tilespmem:$0x73E0]  }
0x7d: {  	[tilespmem:$0x7420] =	vst v2  }
0x7e: {  	[tilespmem:$0x7430] =	vst v3  }
0x7f: {  	[tilespmem:$0x7440] =	vst v60  }
0x80: {  	[tilespmem:$0x7450] =	vst v0  }
0x81: {  	[tilespmem:$0x7460] =	vst v1  }
0x82: {  	[tilespmem:s16], [sflag:$0x8] =	stream.indirect.gather [hbm4b:s4+s7], $0x80, s9, s7, $0xb8;
	[tilespmem:$0x1E580] =	vst v63  }
0x83: {  	_ =	swait.ge [sflag:s17], $0x3800  }
0x84: {  	[sflag:s17] =	ssyncset.done $0x0  }
0x85: {  	s6 =	rddreg [dreg:$0x11];
	[sflag:s17] =	ssyncadd.s32 $0xFFFFC800  }
0x86: {  	[tilespmem:s31], [sflag:$0x4] =	stream.linear.gather [hbm4b:s6+s2], $0x70, $0x38;
	[tilespmem:$0x1E580] =	vst v63  }
0x87: {  	s6 =	rddreg [dreg:$0x12]  }
0x88: {  	[tilespmem:s5], [sflag:$0x4] =	stream.linear.gather [hbm4b:s6+s2], $0x70, $0x38;
	[tilespmem:$0x1E580] =	vst v63  }
0x89: {  	_ = 	snop  }
0x8a: {  	[spmem:s1] =	stream.indirect.scatter.add.f32 [tilespmem:s12], [sflag:$0x6], $0x80, s14, s7, $0xb8;
	[tilespmem:$0x1E580] =	vst v63  }
0x8b: {  	_ =	swait.ge [sflag:s3], $0x70  }
0x8c: {  	[sflag:s3] =	ssyncset.done $0x0  }
0x8d: {  	[sflag:s3] =	ssyncadd.s32 $0xFFFFFF90  }
0x8e: {  	_ =	swait.ge [sflag:s3], $0x70  }
0x8f: {  	[sflag:s3] =	ssyncset.done $0x0  }
0x90: {  	[sflag:s3] =	ssyncadd.s32 $0xFFFFFF90  }
0x91: {  	_ =	swait.ge [sflag:s19], $0x3800  }
0x92: {  	[sflag:s19] =	ssyncset.done $0x0  }
0x93: {  	[sflag:s19] =	ssyncadd.s32 $0xFFFFC800  }
0x94: {  	v0 =	vld [tilespmem:$0xE0]  }
0x95: {  	v1 =	vld [tilespmem:$0xD0]  }
0x96: {  	v2 =	vld [tilespmem:$0xB0]  }
0x97: {  	v3 =	vld [tilespmem:$0x80]  }
0x98: {  	v61 =	vld [tilespmem:$0xC0]  }
0x99: {  	v5 =	vld [tilespmem:$0xA0];
	[tilespmem:$0x160] =	vst v0  }
0x9a: {  	v0 =	vld [tilespmem:$0x90];
	[tilespmem:$0x150] =	vst v1  }
0x9b: {  	[tilespmem:$0x130] =	vst v2  }
0x9c: {  	[tilespmem:$0x100] =	vst v3  }
0x9d: {  	[tilespmem:$0x140] =	vst v61  }
0x9e: {  	[tilespmem:$0x120] =	vst v5  }
0x9f: {  	[tilespmem:$0x110] =	vst v0  }
0xa0: {  	[tilespmem:s8], [sflag:$0x2] =	stream.indirect.gather [hbm4b:s4+s7], $0x80, s2, s7, $0xb8;
	[tilespmem:$0x1E580] =	vst v63  }
0xa1: {  	_ =	swait.ge [sflag:s20], $0x3800  }
0xa2: {  	[sflag:s20] =	ssyncset.done $0x0;
	s0 =	rddreg [dreg:$0x3]  }
0xa3: {  	[sflag:s20] =	ssyncadd.s32 $0xFFFFC800;
	s6 =	sadd.s32 s0, s28  }
0xa4: {  	[tilespmem:s9], [sflag:$0x7] =	stream.linear.gather [hbm4b:s6+s2], $0x70, $0x38;
	[tilespmem:$0x1E580] =	vst v63  }
0xa5: {  	s6 =	rddreg [dreg:$0x4]  }
0xa6: {  	s5 =	sadd.s32 s6, s28  }
0xa7: {  	[tilespmem:s18], [sflag:$0x7] =	stream.linear.gather [hbm4b:s5+s2], $0x70, $0x38;
	[tilespmem:$0x1E580] =	vst v63  }
0xa8: {  	s18 =	simm.s32 $0x7400  }
0xa9: {  	[spmem:s1] =	stream.indirect.scatter.add.f32 [tilespmem:s16], [sflag:$0x9], $0x80, s18, s7, $0xb8;
	[tilespmem:$0x1E580] =	vst v63  }
0xaa: {  	_ =	swait.ge [sflag:s11], $0x70  }
0xab: {  	[sflag:s11] =	ssyncset.done $0x0  }
0xac: {  	[sflag:s11] =	ssyncadd.s32 $0xFFFFFF90  }
0xad: {  	_ =	swait.ge [sflag:s11], $0x70  }
0xae: {  	[sflag:s11] =	ssyncset.done $0x0  }
0xaf: {  	[sflag:s11] =	ssyncadd.s32 $0xFFFFFF90  }
0xb0: {  	_ =	swait.ge [sflag:s22], $0x3800  }
0xb1: {  	[sflag:s22] =	ssyncset.done $0x0  }
0xb2: {  	[sflag:s22] =	ssyncadd.s32 $0xFFFFC800  }
0xb3: {  	v0 =	vld [tilespmem:$0x3A60]  }
0xb4: {  	v1 =	vld [tilespmem:$0x3A10]  }
0xb5: {  	v2 =	vld [tilespmem:$0x3A50]  }
0xb6: {  	v3 =	vld [tilespmem:$0x3A20]  }
0xb7: {  	v62 =	vld [tilespmem:$0x3A00]  }
0xb8: {  	v63 =	vld [tilespmem:$0x3A30];
	[tilespmem:$0x3AE0] =	vst v0  }
0xb9: {  	[tilespmem:$0x3A90] =	vst v1;
	v0 =	vld [tilespmem:$0x3A40]  }
0xba: {  	[tilespmem:$0x3AD0] =	vst v2  }
0xbb: {  	[tilespmem:$0x3AA0] =	vst v3  }
0xbc: {  	[tilespmem:$0x3A80] =	vst v62  }
0xbd: {  	[tilespmem:$0x3AB0] =	vst v63  }
0xbe: {  	[tilespmem:$0x3AC0] =	vst v0  }
0xbf: {  	[tilespmem:s12], [sflag:$0x5] =	stream.indirect.gather [hbm4b:s4+s7], $0x80, s31, s7, $0xb8;
	[tilespmem:$0x1E580] =	vst v63  }
0xc0: {  	_ =	swait.ge [sflag:s13], $0x3800  }
0xc1: {  	[sflag:s13] =	ssyncset.done $0x0  }
0xc2: {  	s18 =	sadd.s32 s0, s26;
	[sflag:s13] =	ssyncadd.s32 $0xFFFFC800  }
0xc3: {  	[tilespmem:s2], [sflag:$0x1] =	stream.linear.gather [hbm4b:s18+s2], $0x70, $0x38;
	[tilespmem:$0x1E580] =	vst v63  }
0xc4: {  	s18 =	sadd.s32 s6, s26  }
0xc5: {  	[tilespmem:s10], [sflag:$0x1] =	stream.linear.gather [hbm4b:s18+s2], $0x70, $0x38;
	[tilespmem:$0x1E580] =	vst v63  }
0xc6: {  	_ = 	snop  }
0xc7: {  	[spmem:s1] =	stream.indirect.scatter.add.f32 [tilespmem:s8], [sflag:$0x3], $0x80, s24, s7, $0xb8;
	[tilespmem:$0x1E580] =	vst v63  }
0xc8: {  	_ =	swait.ge [sflag:s15], $0x70  }
0xc9: {  	[sflag:s15] =	ssyncset.done $0x0  }
0xca: {  	[sflag:s15] =	ssyncadd.s32 $0xFFFFFF90  }
0xcb: {  	_ =	swait.ge [sflag:s15], $0x70  }
0xcc: {  	[sflag:s15] =	ssyncset.done $0x0  }
0xcd: {  	[sflag:s15] =	ssyncadd.s32 $0xFFFFFF90  }
0xce: {  	_ =	swait.ge [sflag:s23], $0x3800  }
0xcf: {  	[sflag:s23] =	ssyncset.done $0x0  }
0xd0: {  	[sflag:s23] =	ssyncadd.s32 $0xFFFFC800  }
0xd1: {  	s30 =	smov.u32 s0;
	s29 =	smov.u32 s6;
	v1 =	vld [tilespmem:$0x7380]  }
0xd2: {  	s5 =	smov.u32 s0;
	s18 =	simm.s32 $0x7380;
	s24 =	simm.s32 $0x1B;
	v0 =	vld [tilespmem:$0x73C0]  }
.LBB2_2:
0xd3: {  	p1 =	sne.s32 s24, $0x1;
	v2 =	vld [tilespmem:$0x73B0];
	s29 =	sadd.s32 $0x2A, s29;
	s30 =	sadd.s32 $0x2A, s30  }
0xd4: {  	s24 =	sadd.s32 $0xFFFFFFFF, s24;
	v3 =	vld [tilespmem:$0x73D0]  }
0xd5: {  	v4 =	vld [tilespmem:$0x7390]  }
0xd6: {  	[tilespmem:$0x7400] =	vst v1;
	v1 =	vld [tilespmem:$0x73E0]  }
0xd7: {  	v5 =	vld [tilespmem:$0x73A0];
	[tilespmem:$0x7440] =	vst v0  }
0xd8: {  	[tilespmem:$0x7430] =	vst v2  }
0xd9: {  	[tilespmem:$0x7450] =	vst v3  }
0xda: {  	[tilespmem:$0x7410] =	vst v4  }
0xdb: {  	[tilespmem:$0x7460] =	vst v1  }
0xdc: {  	[tilespmem:$0x7420] =	vst v5  }
0xdd: {  	[tilespmem:s16], [sflag:$0x8] =	stream.indirect.gather [hbm4b:s4+s7], $0x80, s9, s7, $0xb8;
	[tilespmem:$0x1E580] =	vst v63  }
0xde: {  	_ =	swait.ge [sflag:s17], $0x3800  }
0xdf: {  	s0 =	sadd.s32 s5, s25;
	s5 =	smov.u32 s30;
	[sflag:s17] =	ssyncset.done $0x0  }
0xe0: {  	s10 =	sadd.s32 s6, s25;
	s6 =	smov.u32 s29;
	[sflag:s17] =	ssyncadd.s32 $0xFFFFC800  }
0xe1: {  	[tilespmem:s31], [sflag:$0x4] =	stream.linear.gather [hbm4b:s0+s2], $0x70, $0x38;
	[tilespmem:$0x1E580] =	vst v63  }
0xe2: {  	s0 =	simm.s32 $0x3A00  }
0xe3: {  	[tilespmem:s0], [sflag:$0x4] =	stream.linear.gather [hbm4b:s10+s2], $0x70, $0x38;
	[tilespmem:$0x1E580] =	vst v63  }
0xe4: {  	s10 =	simm.s32 $0x80;
	_ =	sdelay $0x1  }
0xe5: {  	[spmem:s1] =	stream.indirect.scatter.add.f32 [tilespmem:s12], [sflag:$0x6], $0x80, s14, s7, $0xb8;
	[tilespmem:$0x1E580] =	vst v63  }
0xe6: {  	_ =	swait.ge [sflag:s3], $0x70  }
0xe7: {  	[sflag:s3] =	ssyncset.done $0x0  }
0xe8: {  	[sflag:s3] =	ssyncadd.s32 $0xFFFFFF90  }
0xe9: {  	_ =	swait.ge [sflag:s3], $0x70  }
0xea: {  	[sflag:s3] =	ssyncset.done $0x0  }
0xeb: {  	[sflag:s3] =	ssyncadd.s32 $0xFFFFFF90  }
0xec: {  	_ =	swait.ge [sflag:s19], $0x3800  }
0xed: {  	[sflag:s19] =	ssyncset.done $0x0  }
0xee: {  	[sflag:s19] =	ssyncadd.s32 $0xFFFFC800  }
0xef: {  	v0 =	vld [tilespmem:$0xE0]  }
0xf0: {  	v1 =	vld [tilespmem:$0xD0]  }
0xf1: {  	v2 =	vld [tilespmem:$0xB0]  }
0xf2: {  	v3 =	vld [tilespmem:$0x80]  }
0xf3: {  	v4 =	vld [tilespmem:$0xC0]  }
0xf4: {  	v5 =	vld [tilespmem:$0xA0];
	[tilespmem:$0x160] =	vst v0  }
0xf5: {  	v0 =	vld [tilespmem:$0x90];
	[tilespmem:$0x150] =	vst v1  }
0xf6: {  	[tilespmem:$0x130] =	vst v2  }
0xf7: {  	[tilespmem:$0x100] =	vst v3  }
0xf8: {  	[tilespmem:$0x140] =	vst v4  }
0xf9: {  	[tilespmem:$0x120] =	vst v5  }
0xfa: {  	[tilespmem:$0x110] =	vst v0  }
0xfb: {  	[tilespmem:s8], [sflag:$0x2] =	stream.indirect.gather [hbm4b:s4+s7], $0x80, s2, s7, $0xb8;
	[tilespmem:$0x1E580] =	vst v63  }
0xfc: {  	_ =	swait.ge [sflag:s20], $0x3800  }
0xfd: {  	[sflag:s20] =	ssyncset.done $0x0  }
0xfe: {  	s0 =	sadd.s32 s30, s28;
	[sflag:s20] =	ssyncadd.s32 $0xFFFFC800  }
0xff: {  	[tilespmem:s9], [sflag:$0x7] =	stream.linear.gather [hbm4b:s0+s2], $0x70, $0x38;
	[tilespmem:$0x1E580] =	vst v63  }
0x100: {  	s0 =	sadd.s32 s29, s28  }
0x101: {  	[tilespmem:s18], [sflag:$0x7] =	stream.linear.gather [hbm4b:s0+s2], $0x70, $0x38;
	[tilespmem:$0x1E580] =	vst v63  }
0x102: {  	s0 =	simm.s32 $0x7400  }
0x103: {  	[spmem:s1] =	stream.indirect.scatter.add.f32 [tilespmem:s16], [sflag:$0x9], $0x80, s0, s7, $0xb8;
	[tilespmem:$0x1E580] =	vst v63  }
0x104: {  	_ =	swait.ge [sflag:s11], $0x70  }
0x105: {  	[sflag:s11] =	ssyncset.done $0x0  }
0x106: {  	[sflag:s11] =	ssyncadd.s32 $0xFFFFFF90  }
0x107: {  	_ =	swait.ge [sflag:s11], $0x70  }
0x108: {  	[sflag:s11] =	ssyncset.done $0x0  }
0x109: {  	[sflag:s11] =	ssyncadd.s32 $0xFFFFFF90  }
0x10a: {  	_ =	swait.ge [sflag:s22], $0x3800  }
0x10b: {  	[sflag:s22] =	ssyncset.done $0x0  }
0x10c: {  	[sflag:s22] =	ssyncadd.s32 $0xFFFFC800  }
0x10d: {  	v0 =	vld [tilespmem:$0x3A60]  }
0x10e: {  	v1 =	vld [tilespmem:$0x3A10]  }
0x10f: {  	v2 =	vld [tilespmem:$0x3A50]  }
0x110: {  	v3 =	vld [tilespmem:$0x3A20]  }
0x111: {  	v4 =	vld [tilespmem:$0x3A00]  }
0x112: {  	v5 =	vld [tilespmem:$0x3A30];
	[tilespmem:$0x3AE0] =	vst v0  }
0x113: {  	[tilespmem:$0x3A90] =	vst v1;
	v0 =	vld [tilespmem:$0x3A40]  }
0x114: {  	[tilespmem:$0x3AD0] =	vst v2  }
0x115: {  	[tilespmem:$0x3AA0] =	vst v3  }
0x116: {  	[tilespmem:$0x3A80] =	vst v4  }
0x117: {  	[tilespmem:$0x3AB0] =	vst v5  }
0x118: {  	[tilespmem:$0x3AC0] =	vst v0  }
0x119: {  	[tilespmem:s12], [sflag:$0x5] =	stream.indirect.gather [hbm4b:s4+s7], $0x80, s31, s7, $0xb8;
	[tilespmem:$0x1E580] =	vst v63  }
0x11a: {  	_ =	swait.ge [sflag:s13], $0x3800  }
0x11b: {  	[sflag:s13] =	ssyncset.done $0x0  }
0x11c: {  	s0 =	sadd.s32 s30, s26;
	[sflag:s13] =	ssyncadd.s32 $0xFFFFC800  }
0x11d: {  	[tilespmem:s2], [sflag:$0x1] =	stream.linear.gather [hbm4b:s0+s2], $0x70, $0x38;
	[tilespmem:$0x1E580] =	vst v63  }
0x11e: {  	s0 =	sadd.s32 s29, s26  }
0x11f: {  	[tilespmem:s10], [sflag:$0x1] =	stream.linear.gather [hbm4b:s0+s2], $0x70, $0x38;
	[tilespmem:$0x1E580] =	vst v63  }
0x120: {  	_ = 	snop  }
0x121: {  	[spmem:s1] =	stream.indirect.scatter.add.f32 [tilespmem:s8], [sflag:$0x3], $0x80, s21, s7, $0xb8;
	[tilespmem:$0x1E580] =	vst v63  }
0x122: {  	_ =	swait.ge [sflag:s15], $0x70  }
0x123: {  	[sflag:s15] =	ssyncset.done $0x0  }
0x124: {  	[sflag:s15] =	ssyncadd.s32 $0xFFFFFF90  }
0x125: {  	_ =	swait.ge [sflag:s15], $0x70  }
0x126: {  	[sflag:s15] =	ssyncset.done $0x0  }
0x127: {  	[sflag:s15] =	ssyncadd.s32 $0xFFFFFF90  }
.Ltmp0:
0x128: {  	_ =	swait.ge [sflag:s23], $0x3800;
	(pc) =	sbr.rel @p1 .LBB2_2-.Ltmp0, $4  }
0x129: {  	[sflag:s23] =	ssyncset.done $0x0  }
0x12a: {  	[sflag:s23] =	ssyncadd.s32 $0xFFFFC800  }
0x12b: {  	v1 =	vld [tilespmem:$0x7380]  }
0x12c: {  	v0 =	vld [tilespmem:$0x73C0]  }
0x12d: {  	v2 =	vld [tilespmem:$0x73B0]  }
0x12e: {  	v3 =	vld [tilespmem:$0x73D0]  }
0x12f: {  	v4 =	vld [tilespmem:$0x7390]  }
0x130: {  	v49 =	vld [tilespmem:$0x73E0];
	[tilespmem:$0x7400] =	vst v1  }
0x131: {  	v5 =	vld [tilespmem:$0x73A0];
	[tilespmem:$0x7440] =	vst v0  }
0x132: {  	[tilespmem:$0x7430] =	vst v2  }
0x133: {  	[tilespmem:$0x7450] =	vst v3  }
0x134: {  	[tilespmem:$0x7410] =	vst v4  }
0x135: {  	[tilespmem:$0x7460] =	vst v49  }
0x136: {  	[tilespmem:$0x7420] =	vst v5  }
0x137: {  	[tilespmem:s16], [sflag:$0x8] =	stream.indirect.gather [hbm4b:s4+s7], $0x80, s9, s7, $0xb8;
	[tilespmem:$0x1E580] =	vst v63  }
0x138: {  	_ =	swait.ge [sflag:s17], $0x3800  }
0x139: {  	[sflag:s17] =	ssyncset.done $0x0  }
0x13a: {  	s0 =	sadd.s32 s5, s25;
	[sflag:s17] =	ssyncadd.s32 $0xFFFFC800  }
0x13b: {  	[tilespmem:s31], [sflag:$0x4] =	stream.linear.gather [hbm4b:s0+s2], $0x70, $0x38;
	[tilespmem:$0x1E580] =	vst v63  }
0x13c: {  	s6 =	sadd.s32 s6, s25;
	s14 =	simm.s32 $0x3A00  }
0x13d: {  	[tilespmem:s14], [sflag:$0x4] =	stream.linear.gather [hbm4b:s6+s2], $0x70, $0x38;
	[tilespmem:$0x1E580] =	vst v63  }
0x13e: {  	s18 =	simm.s32 $0x3A80  }
0x13f: {  	[spmem:s1] =	stream.indirect.scatter.add.f32 [tilespmem:s12], [sflag:$0x6], $0x80, s18, s7, $0xb8;
	[tilespmem:$0x1E580] =	vst v63  }
0x140: {  	_ =	swait.ge [sflag:s3], $0x70  }
0x141: {  	[sflag:s3] =	ssyncset.done $0x0  }
0x142: {  	[sflag:s3] =	ssyncadd.s32 $0xFFFFFF90  }
0x143: {  	_ =	swait.ge [sflag:s3], $0x70  }
0x144: {  	[sflag:s3] =	ssyncset.done $0x0  }
0x145: {  	[sflag:s3] =	ssyncadd.s32 $0xFFFFFF90  }
0x146: {  	_ =	swait.ge [sflag:s19], $0x3800  }
0x147: {  	[sflag:s19] =	ssyncset.done $0x0  }
0x148: {  	[sflag:s19] =	ssyncadd.s32 $0xFFFFC800  }
0x149: {  	v50 =	vld [tilespmem:$0x80]  }
0x14a: {  	v51 =	vld [tilespmem:$0x90]  }
0x14b: {  	v52 =	vld [tilespmem:$0xA0]  }
0x14c: {  	v53 =	vld [tilespmem:$0xB0]  }
0x14d: {  	v54 =	vld [tilespmem:$0xC0]  }
0x14e: {  	v55 =	vld [tilespmem:$0xD0];
	[tilespmem:$0x100] =	vst v50  }
0x14f: {  	v56 =	vld [tilespmem:$0xE0];
	[tilespmem:$0x110] =	vst v51  }
0x150: {  	[tilespmem:$0x120] =	vst v52  }
0x151: {  	[tilespmem:$0x130] =	vst v53  }
0x152: {  	[tilespmem:$0x140] =	vst v54  }
0x153: {  	[tilespmem:$0x150] =	vst v55  }
0x154: {  	[tilespmem:$0x160] =	vst v56  }
0x155: {  	[tilespmem:s8], [sflag:$0x2] =	stream.indirect.gather [hbm4b:s4+s7], $0x80, s2, s7, $0xb8;
	[tilespmem:$0x1E580] =	vst v63  }
0x156: {  	_ =	swait.ge [sflag:s20], $0x3800  }
0x157: {  	[sflag:s20] =	ssyncset.done $0x0  }
0x158: {  	s24 =	simm.s32 $0x7400;
	[sflag:s20] =	ssyncadd.s32 $0xFFFFC800  }
0x159: {  	[spmem:s1] =	stream.indirect.scatter.add.f32 [tilespmem:s16], [sflag:$0x9], $0x80, s24, s7, $0xb8;
	[tilespmem:$0x1E580] =	vst v63  }
0x15a: {  	_ =	swait.ge [sflag:s11], $0x70  }
0x15b: {  	[sflag:s11] =	ssyncset.done $0x0  }
0x15c: {  	[sflag:s11] =	ssyncadd.s32 $0xFFFFFF90  }
0x15d: {  	_ =	swait.ge [sflag:s11], $0x70  }
0x15e: {  	[sflag:s11] =	ssyncset.done $0x0  }
0x15f: {  	[sflag:s11] =	ssyncadd.s32 $0xFFFFFF90  }
0x160: {  	_ =	swait.ge [sflag:s22], $0x3800  }
0x161: {  	[sflag:s22] =	ssyncset.done $0x0  }
0x162: {  	[sflag:s22] =	ssyncadd.s32 $0xFFFFC800  }
0x163: {  	v57 =	vld [tilespmem:$0x3A00]  }
0x164: {  	v58 =	vld [tilespmem:$0x3A10]  }
0x165: {  	v59 =	vld [tilespmem:$0x3A20]  }
0x166: {  	v60 =	vld [tilespmem:$0x3A30]  }
0x167: {  	v61 =	vld [tilespmem:$0x3A40]  }
0x168: {  	v62 =	vld [tilespmem:$0x3A50];
	[tilespmem:$0x3A80] =	vst v57  }
0x169: {  	v63 =	vld [tilespmem:$0x3A60];
	[tilespmem:$0x3A90] =	vst v58  }
0x16a: {  	[tilespmem:$0x3AA0] =	vst v59  }
0x16b: {  	[tilespmem:$0x3AB0] =	vst v60  }
0x16c: {  	[tilespmem:$0x3AC0] =	vst v61  }
0x16d: {  	[tilespmem:$0x3AD0] =	vst v62  }
0x16e: {  	[tilespmem:$0x3AE0] =	vst v63  }
0x16f: {  	[tilespmem:s12], [sflag:$0x5] =	stream.indirect.gather [hbm4b:s4+s7], $0x80, s31, s7, $0xb8;
	[tilespmem:$0x1E580] =	vst v63  }
0x170: {  	_ =	swait.ge [sflag:s13], $0x3800  }
0x171: {  	[sflag:s13] =	ssyncset.done $0x0  }
0x172: {  	[sflag:s13] =	ssyncadd.s32 $0xFFFFC800  }
0x173: {  	[spmem:s1] =	stream.indirect.scatter.add.f32 [tilespmem:s8], [sflag:$0x3], $0x80, s21, s7, $0xb8;
	[tilespmem:$0x1E580] =	vst v63  }
0x174: {  	_ =	swait.ge [sflag:s17], $0x3800  }
0x175: {  	[sflag:s17] =	ssyncset.done $0x0  }
0x176: {  	[sflag:s17] =	ssyncadd.s32 $0xFFFFC800  }
0x177: {  	[spmem:s1] =	stream.indirect.scatter.add.f32 [tilespmem:s12], [sflag:$0x6], $0x80, s18, s7, $0xb8;
	[tilespmem:$0x1E580] =	vst v63  }
0x178: {  	_ =	swait.ge [sflag:s23], $0x3800  }
0x179: {  	[sflag:s23] =	ssyncset.done $0x0  }
0x17a: {  	[sflag:s23] =	ssyncadd.s32 $0xFFFFC800  }
0x17b: {  	_ =	swait.ge [sflag:s19], $0x3800  }
0x17c: {  	[sflag:s19] =	ssyncset.done $0x0  }
0x17d: {  	s30 =	simm.s32 $0xA;
	s29 =	rddreg [dreg:$0x13];
	[sflag:s19] =	ssyncadd.s32 $0xFFFFC800  }
0x17e: {  	[tilespmem:s2], [sflag:$0xA] =	stream.linear.gather [hbm4b:s29+s2], $0x20, $0x38;
	[tilespmem:$0x1E580] =	vst v63  }
0x17f: {  	_ =	swait.ge [sflag:s30], $0x20  }
0x180: {  	[sflag:s30] =	ssyncset.done $0x0  }
0x181: {  	s18 =	simm.s32 $0xAC80;
	s6 =	rddreg [dreg:$0x14];
	[sflag:s30] =	ssyncadd.s32 $0xFFFFFFE0  }
0x182: {  	[tilespmem:s18], [sflag:$0xA] =	stream.linear.gather [hbm4b:s6+s2], $0x20, $0x38;
	[tilespmem:$0x1E580] =	vst v63  }
0x183: {  	_ =	swait.ge [sflag:s30], $0x20  }
0x184: {  	[sflag:s30] =	ssyncset.done $0x0  }
0x185: {  	s24 =	simm.s32 $0x20;
	[sflag:s30] =	ssyncadd.s32 $0xFFFFFFE0  }
0x186: {  	[tilespmem:s8], [sflag:$0x2] =	stream.indirect.gather [hbm4b:s4+s24], $0x80, s2, s24, $0xb8;
	[tilespmem:$0x1E580] =	vst v63  }
0x187: {  	_ =	swait.ge [sflag:s13], $0x1000  }
0x188: {  	[sflag:s13] =	ssyncset.done $0x0  }
0x189: {  	[sflag:s13] =	ssyncadd.s32 $0xFFFFF000  }
0x18a: {  	[spmem:s1] =	stream.indirect.scatter.add.f32 [tilespmem:s8], [sflag:$0xA], $0x80, s18, s24, $0xb8;
	[tilespmem:$0x1E580] =	vst v63  }
0x18b: {  	_ =	swait.ge [sflag:s30], $0x1000  }
0x18c: {  	[sflag:s30] =	ssyncset.done $0x0  }
0x18d: {  	[sflag:s30] =	ssyncadd.s32 $0xFFFFF000  }
0x18e: {  	_ =	swait.ge [sflag:s22], $0x3800  }
0x18f: {  	[sflag:s22] =	ssyncset.done $0x0  }
0x190: {  	[sflag:s22] =	ssyncadd.s32 $0xFFFFC800  }
0x191: {  	[bflag:$0x0] =	sbarrier.arrive $0xFFFF  }
0x192: {  	s5 =	rddreg [dreg:$0x15]  }
0x193: {  	s0 =	simm.s32 @p0 $0x1FCA;
	s6 =	rddreg [dreg:$0x19]  }
0x194: {  	[hbm:s5], [sflag:s0] =	dma.local @p0 [spmem:s6], $0x2080  }
0x195: {  	s0 =	simm.s32 @p0 $0xA  }
0x196: {  	_ =	swait.ge @p0 [sflag:s0], $0x2080  }
0x197: {  	s5 =	rddreg [dreg:$0x1a]  }
0x198: {  	[sflag:s0] =	ssyncset.done @p0 $0x0;
	s6 =	rddreg [dreg:$0x1b]  }
0x199: {  	[sflag:s0] =	ssyncadd.s32 @p0 $0xFFFFDF80;
	s0 =	rddreg [dreg:$0x10]  }
0x19a: {  	[hbm:s0], [sflag:s5] =	dma.local @!p0 [spmem:s6], $0x2780  }
0x19b: {  	s0 =	simm.s32 @!p0 $0xA  }
0x19c: {  	_ =	swait.ge @!p0 [sflag:s0], $0x2780  }
0x19d: {  	s29 =	rddreg [dreg:$0x18]  }
0x19e: {  	s30 =	rddreg [dreg:$0x16];
	s6 =	sadd.s32 $0x1, s29  }
0x19f: {  	p1 =	sne.s32 s6, s30  }
.Ltmp1:
0x1a0: {  	_ = 	snop;
	(pc) =	sbr.rel @p1 .LBB2_1-.Ltmp1, $3  }
0x1a1: {  	_ =	sdelay $0x1  }
0x1a2: {  	[sflag:s0] =	ssyncset.done @!p0 $0x0  }
0x1a3: {  	s14 =	simm.s32 $0x3A80;
	s18 =	simm.s32 $0x7380;
	[sflag:s0] =	ssyncadd.s32 @!p0 $0xFFFFD880  }
0x1a4: {  	_ =	sfence.sel $0x180000  }
0x1a5: {  	[bflag:$0x0] =	sbarrier.arrive $0xFFFF  }
0x1a6: {  	_ =	strace $0x9000004A  }
0x1a7: {  	s0 =	stileid.u32;
	[bflag:$0x2] =	sbarrier.arrive $0xFFFF  }
0x1a8: {  	p0 =	sne.s32 s0, $0x0;
	s0 =	rddreg [dreg:$0x2]  }
0x1a9: {  	s0 =	sadd.s32 @!p0 $0x100000, s0  }
0x1aa: {  	[sflag:s0] =	ssyncadd.tile.s32 @!p0 $0x1;
	_ =	shalt  }
.Lfunc_end2:
_tile_overlayer_lowered:
.L_overlay_start_2:
0x1ab: {  	(tag) =	ssettag $0x2  }
0x1ac: {  	s0 =	rddreg [dreg:$0x0];
	s2 =	stileid.u32  }
0x1ad: {  	s1 =	rddreg [dreg:$0x1];
	p0 =	sne.s32 s2, $0x0  }
0x1ae: {  	s3 =	rddreg [dreg:$0x2];
	[bflag:$0x3] =	sbarrier.arrive $0xFFFF;
	s2 =	simm.s32 @!p0 $0x1C0A  }
0x1af: {  	[timem:s3], [sflag:s2] =	dma.local @!p0 [hbm:s0], s1  }
0x1b0: {  	s0 =	simm.s32 @!p0 $0xA  }
0x1b1: {  	_ =	swait.ge @!p0 [sflag:s0], s1  }
0x1b2: {  	s1 =	ssub.s32 @!p0 $0x0, s1;
	[sflag:s0] =	ssyncset.done @!p0 $0x0  }
0x1b3: {  	[sflag:s0] =	ssyncadd.s32 @!p0 s1  }
0x1b4: {  	[bflag:$0x3] =	sbarrier.arrive $0xFFFF  }
0x1b5: {  	_ =	shalt  }

// kernel: kernel.17.cloned.1.call-start
scs
__scs_entry_jumppad:
0x0: {  	(pc) =	sbr.rel $0x88, $3  }
0x1: {  	(tag) =	ssettag $0x0;
	lr =	simm.s32 $0x1  }
0x2: {  	[smem:$0x3F91] =	sst lr;
	_ =	strace $0xD0000000  }
0x3: {  	_ = 	snop  }
0x4: {  	_ = 	snop  }
0x5: {  	_ = 	snop  }
0x6: {  	_ = 	snop  }
0x7: {  	_ = 	snop  }
__scs_overlays_trampoline_lowered:
0x8: {  	[smem:$0x3FA0] =	sst s0  }
0x9: {  	[smem:$0x3FA1] =	sst s1  }
0xa: {  	[smem:$0x3FA2] =	sst s2  }
0xb: {  	[smem:$0x3FA3] =	sst s3  }
0xc: {  	[smem:$0x3FA4] =	sst s4  }
0xd: {  	[smem:$0x3FA5] =	sst s5  }
0xe: {  	[smem:$0x3FA6] =	sst s6  }
0xf: {  	[smem:$0x3FA7] =	sst s7  }
0x10: {  	[smem:$0x3FA8] =	sst s8  }
0x11: {  	[smem:$0x3FA9] =	sst s9;
	s0 =	simm.s32 @!p0 $0x0  }
0x12: {  	s1 =	sld [smem:$0x3F8F];
	s0 =	simm.s32 @p0 $0x1  }
0x13: {  	[smem:$0x3FAA] =	sst s0;
	s0 =	simm.s32 @!p1 $0x0  }
0x14: {  	s2 =	sld [smem:$0x3F8E];
	s0 =	simm.s32 @p1 $0x1  }
0x15: {  	[smem:$0x3FAB] =	sst s0;
	s0 =	simm.s32 @!p2 $0x0  }
0x16: {  	s3 =	sld [smem:$0x3FDB];
	s0 =	simm.s32 @p2 $0x1  }
0x17: {  	s4 =	simm.s32 $0x1BF5;
	[smem:$0x3FAD] =	sst s0  }
0x18: {  	s0 =	sld [smem:$0x3F90];
	_ =	swait.ge [sflag:s4], $0x0  }
0x19: {  	s7 =	sld [smem:$0x3F91]  }
0x1a: {  	s8 =	sadd.s32 $0xFFFFE003, lr  }
0x1b: {  	s9 =	sadd.s32 $0xFFFFFEF7, lr;
	s5 =	simm.s32 $0xFFFFFFFF;
	p2 =	slt.u32 s8, $0xFFFFF086  }
0x1c: {  	p1 =	slt.u32 s9, $0xF7A;
	s5 =	simm.s32 @!p2 $0x0  }
0x1d: {  	s5 =	simm.s32 @p1 $0x1;
	p0 =	seq.s32 s7, s2  }
0x1e: {  	s7 =	smul.u32 @!p0 $0xF7A, s2;
	p2 =	seq.s32 @!p0 s5, $0x0  }
0x1f: {  	s9 =	smul.u32 $0xF7A, s1;
	s8 =	simm.s32 @!p0 $0x1BF5;
	p2 =	por !p2, p0  }
0x20: {  	[sflag:s8] =	ssyncset.s32 @!p0 $0xFFFFF086;
	s6 =	sadd.s32 @!p0 s3, s7;
	s7 =	simm.s32 @!p0 $0x108  }
0x21: {  	s3 =	sadd.s32 s3, s9;
	s6 =	sadd.s32 @!p0 $0x88, s6;
	s7 =	simm.s32 @p2 $0x1082  }
0x22: {  	[simem:s7], [sflag:s8] =	dma.local @!p0 [hbm:s6], $0xF7A  }
0x23: {  	s9 =	sor.u32 $0xD0000000, s2;
	s6 =	simm.s32 $0x108;
	_ =	swait.ge @!p0 [sflag:s8], $0x0  }
0x24: {  	s3 =	sadd.s32 $0x88, s3;
	s6 =	simm.s32 @!p1 $0x1082;
	[sflag:s4] =	ssyncset.s32 $0xFFFFF086  }
0x25: {  	[simem:s6], [sflag:s4] =	dma.local [hbm:s3], $0xF7A  }
0x26: {  	[smem:$0x3F91] =	sst s1;
	(tag) =	ssettag s2;
	_ =	strace s9  }
0x27: {  	s1 =	sld [smem:$0x3FA1]  }
0x28: {  	s2 =	sld [smem:$0x3FA2]  }
0x29: {  	s4 =	sld [smem:$0x3FA4]  }
0x2a: {  	p0 =	seq.s32 s5, $0x0;
	s5 =	sld [smem:$0x3FA5]  }
0x2b: {  	s6 =	sld [smem:$0x3FA6]  }
0x2c: {  	s7 =	sld [smem:$0x3FA7]  }
0x2d: {  	s3 =	simm.s32 $0x108;
	s8 =	sld [smem:$0x3FA8]  }
0x2e: {  	s3 =	simm.s32 @!p0 $0x1082;
	s9 =	sld [smem:$0x3FA9]  }
0x2f: {  	lr =	sadd.s32 s0, s3;
	s0 =	sld [smem:$0x3FA0]  }
0x30: {  	s3 =	sld [smem:$0x3FA3]  }
0x31: {  	[smem:$0x3FAC] =	sst s10  }
0x32: {  	s10 =	sld [smem:$0x3FAA];
	_ =	sdelay $0x3  }
0x33: {  	p0 =	seq.s32 s10, $0x1;
	s10 =	sld [smem:$0x3FAC];
	_ =	sdelay $0x3  }
0x34: {  	[smem:$0x3FAC] =	sst s10  }
0x35: {  	s10 =	sld [smem:$0x3FAB];
	_ =	sdelay $0x3  }
0x36: {  	p1 =	seq.s32 s10, $0x1;
	s10 =	sld [smem:$0x3FAC];
	_ =	sdelay $0x3  }
0x37: {  	[smem:$0x3FAC] =	sst s10  }
0x38: {  	s10 =	sld [smem:$0x3FAD]  }
0x39: {  	_ = 	snop;
	(pc) =	sbr.ind lr, $3  }
0x3a: {  	_ = 	snop  }
0x3b: {  	_ = 	snop  }
0x3c: {  	p2 =	seq.s32 s10, $0x1;
	s10 =	sld [smem:$0x3FAC]  }
0x3d: {  	_ =	shalt  }
0x3e: {  	_ =	shalt  }
0x3f: {  	_ =	shalt  }
0x40: {  	_ =	shalt  }
0x41: {  	_ =	shalt  }
0x42: {  	_ =	shalt  }
0x43: {  	_ =	shalt  }
0x44: {  	_ =	shalt  }
0x45: {  	_ =	shalt  }
0x46: {  	_ =	shalt  }
0x47: {  	_ =	shalt  }
0x48: {  	_ =	shalt  }
0x49: {  	_ =	shalt  }
0x4a: {  	_ =	shalt  }
0x4b: {  	_ =	shalt  }
0x4c: {  	_ =	shalt  }
0x4d: {  	_ =	shalt  }
0x4e: {  	_ =	shalt  }
0x4f: {  	_ =	shalt  }
0x50: {  	_ =	shalt  }
0x51: {  	_ =	shalt  }
0x52: {  	_ =	shalt  }
0x53: {  	_ =	shalt  }
0x54: {  	_ =	shalt  }
0x55: {  	_ =	shalt  }
0x56: {  	_ =	shalt  }
0x57: {  	_ =	shalt  }
0x58: {  	_ =	shalt  }
0x59: {  	_ =	shalt  }
0x5a: {  	_ =	shalt  }
0x5b: {  	_ =	shalt  }
0x5c: {  	_ =	shalt  }
0x5d: {  	_ =	shalt  }
0x5e: {  	_ =	shalt  }
0x5f: {  	_ =	shalt  }
0x60: {  	_ =	shalt  }
0x61: {  	_ =	shalt  }
0x62: {  	_ =	shalt  }
0x63: {  	_ =	shalt  }
0x64: {  	_ =	shalt  }
0x65: {  	_ =	shalt  }
0x66: {  	_ =	shalt  }
0x67: {  	_ =	shalt  }
0x68: {  	_ =	shalt  }
0x69: {  	_ =	shalt  }
0x6a: {  	_ =	shalt  }
0x6b: {  	_ =	shalt  }
0x6c: {  	_ =	shalt  }
0x6d: {  	_ =	shalt  }
0x6e: {  	_ =	shalt  }
0x6f: {  	_ =	shalt  }
0x70: {  	_ =	shalt  }
0x71: {  	_ =	shalt  }
0x72: {  	_ =	shalt  }
0x73: {  	_ =	shalt  }
0x74: {  	_ =	shalt  }
0x75: {  	_ =	shalt  }
0x76: {  	_ =	shalt  }
0x77: {  	_ =	shalt  }
0x78: {  	_ =	shalt  }
0x79: {  	_ =	shalt  }
0x7a: {  	_ =	shalt  }
0x7b: {  	_ =	shalt  }
0x7c: {  	_ =	shalt  }
0x7d: {  	_ =	shalt  }
0x7e: {  	_ =	shalt  }
0x7f: {  	_ =	shalt  }
0x80: {  	_ =	shalt  }
0x81: {  	_ =	shalt  }
0x82: {  	_ =	shalt  }
0x83: {  	_ =	shalt  }
0x84: {  	_ =	shalt  }
0x85: {  	_ =	shalt  }
0x86: {  	_ =	shalt  }
0x87: {  	_ =	shalt  }
.Lfunc_end0:
.L_simem_size_0:
called_computation.2_lowered:
.L_overlay_start_0:
0x88: {  	s2 =	sld [smem:$0x3FD9]  }
0x89: {  	s3 =	sld [smem:$0x3FFE];
	_ =	sdelay $0x1  }
0x8a: {  	s1 =	srdreg.scid  }
0x8b: {  	s0 =	sand.u32 $0x1, s1  }
0x8c: {  	s16 =	sshll.u32 s0, $0xA;
	s2 =	sadd.s32 s3, s2  }
0x8d: {  	s2 =	sadd.s32 s2, s16  }
0x8e: {  	[smem:$0x3FB8] =	sst s2  }
0x8f: {  	_ = 	snop  }
0x90: {  	(tm) =	ssettm $0x1  }
0x91: {  	s17 =	sld [smem:$0x3FFB];
	_ =	sdelay $0x3  }
0x92: {  	_ =	strace s17  }
0x93: {  	s2 =	sld [smem:$0x3FFC];
	_ =	sdelay $0x3  }
0x94: {  	_ =	strace s2  }
0x95: {  	s2 =	sld [smem:$0x3FFD];
	_ =	sdelay $0x3  }
0x96: {  	_ =	strace s2  }
0x97: {  	_ =	strace $0x8FFFFFFF  }
0x98: {  	s18 =	sld [smem:$0x3FDB];
	_ =	sdelay $0x1  }
0x99: {  	s19 =	simm.s32 $_scs_section_size  }
0x9a: {  	s4 =	simm.s32 $_size__tile_overlayer_lowered;
	s5 =	simm.s32 $_tile_overlayer_lowered  }
0x9b: {  	s22 =	simm.s32 $0x1BFF;
	s21 =	sshll.u32 s5, $0x1;
	s2 =	sadd.s32 s19, s18  }
0x9c: {  	s6 =	simm.s32 $0x0;
	s20 =	sshll.u32 s4, $0x1;
	s4 =	sadd.s32 s21, s2  }
0x9d: {  	[timem:s6], [sflag:s22] =	dma.local [hbm:s4], s20  }
0x9e: {  	_ =	swait.ge [sflag:s22], s20  }
0x9f: {  	s3 =	ssub.s32 $0x0, s20;
	[sflag:s22] =	ssyncset.done $0x0  }
0xa0: {  	[sflag:s22] =	ssyncadd.s32 s3;
	_ =	sdelay $0x1  }
0xa1: {  	s23 =	simm.s32 $0x1B8B  }
0xa2: {  	_ =	swait.ge [sflag:s23], $0x1  }
0xa3: {  	[sflag:s23] =	ssyncset.done $0x0  }
0xa4: {  	s25 =	simm.s32 $0x1B8E;
	s24 =	sld [smem:$0x3FFE];
	[sflag:s23] =	ssyncadd.s32 $0xFFFFFFFF  }
0xa5: {  	s26 =	simm.s32 $execute0_lowered;
	[smem:$0x3FD2] =	sst s25  }
0xa6: {  	s4 =	sshll.u32 s26, $0x1;
	_ =	strace $0x8000004C;
	[dreg:$0x1] =	wrdreg $0xFFFFFFFF  }
0xa7: {  	s28 =	simm.s32 $_size_execute0_lowered;
	s2 =	sadd.s32 s2, s4;
	[dreg:$0x0] =	wrdreg $0x0  }
0xa8: {  	s4 =	sshll.u32 s28, $0x1;
	[dreg:$0x2] =	wrdreg s2  }
0xa9: {  	[dreg:$0x3] =	wrdreg s4  }
0xaa: {  	[dreg:$0x4] =	wrdreg $0xC0  }
0xab: {  	_ =	task [dreg:s6], $0x5FFFF  }
0xac: {  	[dreg:$0x1] =	wrdreg $0xFFFFFFFF  }
0xad: {  	[dreg:$0x0] =	wrdreg $0x60  }
0xae: {  	[dreg:$0x2] =	wrdreg s24  }
0xaf: {  	[dreg:$0x3] =	wrdreg $0xAD000  }
0xb0: {  	[dreg:$0x4] =	wrdreg $0x9  }
0xb1: {  	_ =	task.clear_ibuf [dreg:s6], $0x5FFFF;
	_ =	strace $0x9000004C  }
0xb2: {  	s29 =	simm.s32 $0x9;
	_ =	strace $0x8000004E  }
0xb3: {  	_ =	swait.ge [sflag:s29], $0x1  }
0xb4: {  	[sflag:s29] =	ssyncadd.s32 $0xFFFFFFFF  }
0xb5: {  	_ =	strace $0x9000004E  }
0xb6: {  	_ =	sfence  }
0xb7: {  	s30 =	sld [smem:$0x0];
	_ =	sdelay $0x2  }
0xb8: {  	s31 =	sshll.u32 s1, $0xD;
	s1 =	sshrl.u32 s1, $0x2  }
0xb9: {  	s3 =	sand.u32 $0x4000, s31;
	s1 =	sadd.s32 s1, s30  }
0xba: {  	s0 =	sor.u32 s3, s0;
	s1 =	sshll.u32 s1, $0x11  }
0xbb: {  	s0 =	sor.u32 s1, s0  }
0xbc: {  	s0 =	sadd.s32 $0x8F2B, s0  }
0xbd: {  	[sflag:s0] =	ssyncadd.remote.s32 $0x1  }
0xbe: {  	_ =	sfence.sel $0xFFFF  }
0xbf: {  	[dreg:$0x0] =	wrdreg $0xFFFFFFFF;
	(pc) =	sbr.abs _section_cstart, $3  }
0xc0: {  	[dreg:$0x1] =	wrdreg $0xFFFFFFFF  }
0xc1: {  	_ =	task.clear_ibuf [dreg:s6], $0x2FFFF;
	_ =	strace $0x9FFFFFFF  }
0xc2: {  	(tm) =	ssettm $0x7FFFFFFF  }
0xc3: {  	_ =	shalt  }
tec
execute0_lowered:
.L_overlay_start_1:
0x0: {  	(tag) =	ssettag $0x1  }
0x1: {  	s0 =	rddreg [dreg:$0x0]  }
0x2: {  	s1 =	rddreg [dreg:$0x1];
	s2 =	simm.s32 $0x0;
	s12 =	stileid.u32  }
0x3: {  	s3 =	srdreg.scid;
	s31 =	simm.s32 $0x3980;
	[smem:$0x7FF] =	sst s2  }
0x4: {  	s4 =	sadd.s32 $0x3E400, s0;
	s13 =	sadd.s32 $0xD400, s0;
	s5 =	smul.u32 $0x2780, s12  }
0x5: {  	s3 =	sand.u32 $0x1, s3;
	s6 =	sshll.u32 s12, $0x1;
	s7 =	smul.u32 $0x4F000, s12  }
0x6: {  	s14 =	sadd.s32 $0x3600, s0;
	s10 =	sadd.s32 $0x65600, s0;
	s20 =	smul.u32 $0x4E20, s12  }
0x7: {  	p0 =	seq.s32 s12, $0xF;
	s12 =	simm.s32 $0x3B00;
	s16 =	smul.u32 $0x27100, s3  }
0x8: {  	_ =	strace $0x8000004D;
	s6 =	sor.u32 s3, s6;
	s18 =	smul.u32 $0x138800, s3  }
0x9: {  	s9 =	ssub.s32 $0x2, s3;
	s3 =	smul.u32 $0x2710, s3;
	[dreg:$0x3] =	wrdreg s13  }
0xa: {  	[dreg:$0x4] =	wrdreg s14;
	s8 =	sadd.s32 s5, s0;
	s6 =	smul.u32 $0x2710, s6  }
0xb: {  	s11 =	sshrl.u32 s9, $0x1;
	s7 =	sshrl.u32 s7, $0x2;
	s0 =	sadd.s32 $0x3C280, s0  }
0xc: {  	s9 =	ssub.s32 s9, s11;
	s7 =	sadd.s32 s7, s1;
	s23 =	sadd.s32 $0x17200, s8  }
0xd: {  	[dreg:$0x7] =	wrdreg s0;
	s5 =	sadd.s32 s5, s16;
	s3 =	sadd.s32 s3, s20  }
0xe: {  	s16 =	simm.s32 $0x7480;
	s20 =	simm.s32 $0x8;
	[dreg:$0x5] =	wrdreg s7  }
0xf: {  	s6 =	sshrl.u32 s6, $0x3;
	[dreg:$0x6] =	wrdreg s23;
	s5 =	sadd.s32 s10, s5  }
0x10: {  	s7 =	simm.s32 $0x70;
	s24 =	sadd.s32 s13, s6;
	s25 =	sadd.s32 s14, s6  }
0x11: {  	s26 =	sadd.s32 $0xE, s6;
	s29 =	sadd.s32 $0x1C, s6;
	[dreg:$0x10] =	wrdreg s5  }
0x12: {  	s15 =	sadd.s32 $0x2A, s6;
	s19 =	sadd.s32 $0x38, s6;
	[dreg:$0x8] =	wrdreg s24  }
0x13: {  	s22 =	sadd.s32 $0x4DE, s6;
	[dreg:$0x9] =	wrdreg s25;
	s30 =	sadd.s32 s13, s26  }
0x14: {  	s6 =	simm.s32 $0x0;
	s0 =	sadd.s32 s14, s26;
	[dreg:$0xa] =	wrdreg s30  }
0x15: {  	s8 =	sadd.s32 s13, s29;
	s11 =	sadd.s32 s14, s29;
	[dreg:$0xb] =	wrdreg s0  }
0x16: {  	s17 =	sadd.s32 s13, s15;
	s21 =	sadd.s32 s13, s19;
	[dreg:$0xc] =	wrdreg s8  }
0x17: {  	s23 =	sadd.s32 s14, s19;
	s24 =	sadd.s32 s13, s22;
	[dreg:$0xd] =	wrdreg s11  }
0x18: {  	s5 =	sadd.s32 s14, s22;
	s25 =	smax.u32 s9, $0x1;
	[dreg:$0xe] =	wrdreg s17  }
0x19: {  	s26 =	sadd.s32 $0x310, s3;
	s29 =	sadd.s32 $0x2A0, s3;
	[dreg:$0x11] =	wrdreg s21  }
0x1a: {  	s3 =	sadd.s32 $0x230, s3;
	s9 =	simm.s32 $0x7300;
	[dreg:$0x12] =	wrdreg s23  }
0x1b: {  	s13 =	simm.s32 $0x2;
	s19 =	simm.s32 $0x3;
	[dreg:$0x13] =	wrdreg s24  }
0x1c: {  	s22 =	simm.s32 $0x6;
	s0 =	sadd.s32 s14, s15;
	[dreg:$0x14] =	wrdreg s5  }
0x1d: {  	[dreg:$0x16] =	wrdreg s25;
	s25 =	sshrl.u32 s26, $0x3;
	s26 =	sshrl.u32 s29, $0x3  }
0x1e: {  	s28 =	sshrl.u32 s3, $0x3;
	s30 =	sadd.s32 $0x128400, s1;
	s3 =	simm.s32 $0x1  }
0x1f: {  	s8 =	simm.s32 $0x180;
	s11 =	simm.s32 $0x4;
	s15 =	simm.s32 $0x7  }
0x20: {  	s17 =	simm.s32 $0x5;
	[dreg:$0xf] =	wrdreg s0;
	s0 =	sshrl.u32 s18, $0x3  }
0x21: {  	s14 =	simm.s32 $0x3A80;
	s23 =	simm.s32 $0x9;
	s0 =	sadd.s32 s10, s0  }
0x22: {  	s21 =	simm.s32 $0x100;
	[dreg:$0x17] =	wrdreg s30;
	s0 =	sadd.s32 $0x25080, s0  }
0x23: {  	s18 =	simm.s32 $0x7380;
	s10 =	simm.s32 $0x80;
	[dreg:$0x15] =	wrdreg s0  }
.LBB2_1:
0x24: {  	[dreg:$0x18] =	wrdreg s6  }
0x25: {  	s0 =	rddreg [dreg:$0x17]  }
0x26: {  	s6 =	sshrl.u32 @p0 s0, $0x3;
	s0 =	rddreg [dreg:$0x7]  }
0x27: {  	s5 =	simm.s32 @p0 $0x1FCA;
	[dreg:$0x19] =	wrdreg s6  }
0x28: {  	[spmem:s6], [sflag:s5] =	dma.local @p0 [hbm:s0], $0x2080  }
0x29: {  	s5 =	simm.s32 @p0 $0xA  }
0x2a: {  	_ =	swait.ge @p0 [sflag:s5], $0x2080  }
0x2b: {  	s0 =	stileid.u32;
	[sflag:s5] =	ssyncset.done @p0 $0x0  }
0x2c: {  	s6 =	sshll.u32 @!p0 s0, $0x6;
	s0 =	rddreg [dreg:$0x5];
	[sflag:s5] =	ssyncadd.s32 @p0 $0xFFFFDF80  }
0x2d: {  	s5 =	sor.u32 @!p0 $0x1C0A, s6;
	s6 =	sshrl.u32 @!p0 s0, $0x3;
	s0 =	rddreg [dreg:$0x6]  }
0x2e: {  	[dreg:$0x1a] =	wrdreg s5  }
0x2f: {  	[dreg:$0x1b] =	wrdreg s6  }
0x30: {  	[spmem:s6], [sflag:s5] =	dma.local @!p0 [hbm:s0], $0x2780  }
0x31: {  	s5 =	simm.s32 @!p0 $0xA  }
0x32: {  	_ =	swait.ge @!p0 [sflag:s5], $0x2780  }
0x33: {  	[sflag:s5] =	ssyncset.done @!p0 $0x0  }
0x34: {  	[sflag:s5] =	ssyncadd.s32 @!p0 $0xFFFFD880  }
0x35: {  	[bflag:$0x0] =	sbarrier.arrive $0xFFFF  }
0x36: {  	s24 =	rddreg [dreg:$0x8]  }
0x37: {  	[tilespmem:s2], [sflag:$0x1] =	stream.linear.gather [hbm4b:s24+s2], $0x70, $0x38;
	[tilespmem:$0x1E580] =	vst v63  }
0x38: {  	s5 =	rddreg [dreg:$0x9]  }
0x39: {  	[tilespmem:s10], [sflag:$0x1] =	stream.linear.gather [hbm4b:s5+s2], $0x70, $0x38;
	[tilespmem:$0x1E580] =	vst v63  }
0x3a: {  	s6 =	rddreg [dreg:$0xa]  }
0x3b: {  	[tilespmem:s31], [sflag:$0x4] =	stream.linear.gather [hbm4b:s6+s2], $0x70, $0x38;
	[tilespmem:$0x1E580] =	vst v63  }
0x3c: {  	s24 =	rddreg [dreg:$0xb];
	s5 =	simm.s32 $0x3A00  }
0x3d: {  	[tilespmem:s5], [sflag:$0x4] =	stream.linear.gather [hbm4b:s24+s2], $0x70, $0x38;
	[tilespmem:$0x1E580] =	vst v63  }
0x3e: {  	_ =	swait.ge [sflag:s3], $0x70  }
0x3f: {  	[sflag:s3] =	ssyncset.done $0x0  }
0x40: {  	[sflag:s3] =	ssyncadd.s32 $0xFFFFFF90  }
0x41: {  	_ =	swait.ge [sflag:s3], $0x70  }
0x42: {  	[sflag:s3] =	ssyncset.done $0x0  }
0x43: {  	[sflag:s3] =	ssyncadd.s32 $0xFFFFFF90  }
0x44: {  	v0 =	vld [tilespmem:$0x80]  }
0x45: {  	v1 =	vld [tilespmem:$0x90]  }
0x46: {  	v2 =	vld [tilespmem:$0xA0]  }
0x47: {  	v3 =	vld [tilespmem:$0xB0]  }
0x48: {  	v4 =	vld [tilespmem:$0xC0]  }
0x49: {  	[tilespmem:$0x100] =	vst v0;
	v0 =	vld [tilespmem:$0xD0]  }
0x4a: {  	[tilespmem:$0x110] =	vst v1;
	v1 =	vld [tilespmem:$0xE0]  }
0x4b: {  	[tilespmem:$0x120] =	vst v2  }
0x4c: {  	[tilespmem:$0x130] =	vst v3  }
0x4d: {  	[tilespmem:$0x140] =	vst v4  }
0x4e: {  	[tilespmem:$0x150] =	vst v0  }
0x4f: {  	[tilespmem:$0x160] =	vst v1  }
0x50: {  	[tilespmem:s8], [sflag:$0x2] =	stream.indirect.gather [hbm4b:s4+s7], $0x80, s2, s7, $0xb8;
	[tilespmem:$0x1E580] =	vst v63  }
0x51: {  	s6 =	rddreg [dreg:$0xc]  }
0x52: {  	[tilespmem:s9], [sflag:$0x7] =	stream.linear.gather [hbm4b:s6+s2], $0x70, $0x38;
	[tilespmem:$0x1E580] =	vst v63  }
0x53: {  	s24 =	rddreg [dreg:$0xd]  }
0x54: {  	[tilespmem:s18], [sflag:$0x7] =	stream.linear.gather [hbm4b:s24+s2], $0x70, $0x38;
	[tilespmem:$0x1E580] =	vst v63  }
0x55: {  	_ =	swait.ge [sflag:s11], $0x70  }
0x56: {  	[sflag:s11] =	ssyncset.done $0x0  }
0x57: {  	[sflag:s11] =	ssyncadd.s32 $0xFFFFFF90  }
0x58: {  	_ =	swait.ge [sflag:s11], $0x70  }
0x59: {  	[sflag:s11] =	ssyncset.done $0x0  }
0x5a: {  	[sflag:s11] =	ssyncadd.s32 $0xFFFFFF90  }
0x5b: {  	v0 =	vld [tilespmem:$0x3A00]  }
0x5c: {  	v1 =	vld [tilespmem:$0x3A10]  }
0x5d: {  	v2 =	vld [tilespmem:$0x3A20]  }
0x5e: {  	v3 =	vld [tilespmem:$0x3A30]  }
0x5f: {  	v59 =	vld [tilespmem:$0x3A40]  }
0x60: {  	[tilespmem:$0x3A80] =	vst v0;
	v0 =	vld [tilespmem:$0x3A50]  }
0x61: {  	[tilespmem:$0x3A90] =	vst v1;
	v1 =	vld [tilespmem:$0x3A60]  }
0x62: {  	[tilespmem:$0x3AA0] =	vst v2  }
0x63: {  	[tilespmem:$0x3AB0] =	vst v3  }
0x64: {  	[tilespmem:$0x3AC0] =	vst v59  }
0x65: {  	[tilespmem:$0x3AD0] =	vst v0  }
0x66: {  	[tilespmem:$0x3AE0] =	vst v1  }
0x67: {  	[tilespmem:s12], [sflag:$0x5] =	stream.indirect.gather [hbm4b:s4+s7], $0x80, s31, s7, $0xb8;
	[tilespmem:$0x1E580] =	vst v63  }
0x68: {  	_ =	swait.ge [sflag:s13], $0x3800  }
0x69: {  	[sflag:s13] =	ssyncset.done $0x0  }
0x6a: {  	s6 =	rddreg [dreg:$0xe];
	[sflag:s13] =	ssyncadd.s32 $0xFFFFC800  }
0x6b: {  	[tilespmem:s2], [sflag:$0x1] =	stream.linear.gather [hbm4b:s6+s2], $0x70, $0x38;
	[tilespmem:$0x1E580] =	vst v63  }
0x6c: {  	s24 =	rddreg [dreg:$0xf]  }
0x6d: {  	[tilespmem:s10], [sflag:$0x1] =	stream.linear.gather [hbm4b:s24+s2], $0x70, $0x38;
	[tilespmem:$0x1E580] =	vst v63  }
0x6e: {  	s24 =	simm.s32 $0x100  }
0x6f: {  	[spmem:s1] =	stream.indirect.scatter.add.f32 [tilespmem:s8], [sflag:$0x3], $0x80, s24, s7, $0xb8;
	[tilespmem:$0x1E580] =	vst v63  }
0x70: {  	_ =	swait.ge [sflag:s15], $0x70  }
0x71: {  	[sflag:s15] =	ssyncset.done $0x0  }
0x72: {  	[sflag:s15] =	ssyncadd.s32 $0xFFFFFF90  }
0x73: {  	_ =	swait.ge [sflag:s15], $0x70  }
0x74: {  	[sflag:s15] =	ssyncset.done $0x0  }
0x75: {  	[sflag:s15] =	ssyncadd.s32 $0xFFFFFF90  }
0x76: {  	v0 =	vld [tilespmem:$0x7380]  }
0x77: {  	v1 =	vld [tilespmem:$0x7390]  }
0x78: {  	v2 =	vld [tilespmem:$0x73A0]  }
0x79: {  	v3 =	vld [tilespmem:$0x73B0]  }
0x7a: {  	v60 =	vld [tilespmem:$0x73C0]  }
0x7b: {  	[tilespmem:$0x7400] =	vst v0;
	v0 =	vld [tilespmem:$0x73D0]  }
0x7c: {  	[tilespmem:$0x7410] =	vst v1;
	v1 =	vld [tilespmem:$0x73E0]  }
0x7d: {  	[tilespmem:$0x7420] =	vst v2  }
0x7e: {  	[tilespmem:$0x7430] =	vst v3  }
0x7f: {  	[tilespmem:$0x7440] =	vst v60  }
0x80: {  	[tilespmem:$0x7450] =	vst v0  }
0x81: {  	[tilespmem:$0x7460] =	vst v1  }
0x82: {  	[tilespmem:s16], [sflag:$0x8] =	stream.indirect.gather [hbm4b:s4+s7], $0x80, s9, s7, $0xb8;
	[tilespmem:$0x1E580] =	vst v63  }
0x83: {  	_ =	swait.ge [sflag:s17], $0x3800  }
0x84: {  	[sflag:s17] =	ssyncset.done $0x0  }
0x85: {  	s6 =	rddreg [dreg:$0x11];
	[sflag:s17] =	ssyncadd.s32 $0xFFFFC800  }
0x86: {  	[tilespmem:s31], [sflag:$0x4] =	stream.linear.gather [hbm4b:s6+s2], $0x70, $0x38;
	[tilespmem:$0x1E580] =	vst v63  }
0x87: {  	s6 =	rddreg [dreg:$0x12]  }
0x88: {  	[tilespmem:s5], [sflag:$0x4] =	stream.linear.gather [hbm4b:s6+s2], $0x70, $0x38;
	[tilespmem:$0x1E580] =	vst v63  }
0x89: {  	_ = 	snop  }
0x8a: {  	[spmem:s1] =	stream.indirect.scatter.add.f32 [tilespmem:s12], [sflag:$0x6], $0x80, s14, s7, $0xb8;
	[tilespmem:$0x1E580] =	vst v63  }
0x8b: {  	_ =	swait.ge [sflag:s3], $0x70  }
0x8c: {  	[sflag:s3] =	ssyncset.done $0x0  }
0x8d: {  	[sflag:s3] =	ssyncadd.s32 $0xFFFFFF90  }
0x8e: {  	_ =	swait.ge [sflag:s3], $0x70  }
0x8f: {  	[sflag:s3] =	ssyncset.done $0x0  }
0x90: {  	[sflag:s3] =	ssyncadd.s32 $0xFFFFFF90  }
0x91: {  	_ =	swait.ge [sflag:s19], $0x3800  }
0x92: {  	[sflag:s19] =	ssyncset.done $0x0  }
0x93: {  	[sflag:s19] =	ssyncadd.s32 $0xFFFFC800  }
0x94: {  	v0 =	vld [tilespmem:$0xE0]  }
0x95: {  	v1 =	vld [tilespmem:$0xD0]  }
0x96: {  	v2 =	vld [tilespmem:$0xB0]  }
0x97: {  	v3 =	vld [tilespmem:$0x80]  }
0x98: {  	v61 =	vld [tilespmem:$0xC0]  }
0x99: {  	v5 =	vld [tilespmem:$0xA0];
	[tilespmem:$0x160] =	vst v0  }
0x9a: {  	v0 =	vld [tilespmem:$0x90];
	[tilespmem:$0x150] =	vst v1  }
0x9b: {  	[tilespmem:$0x130] =	vst v2  }
0x9c: {  	[tilespmem:$0x100] =	vst v3  }
0x9d: {  	[tilespmem:$0x140] =	vst v61  }
0x9e: {  	[tilespmem:$0x120] =	vst v5  }
0x9f: {  	[tilespmem:$0x110] =	vst v0  }
0xa0: {  	[tilespmem:s8], [sflag:$0x2] =	stream.indirect.gather [hbm4b:s4+s7], $0x80, s2, s7, $0xb8;
	[tilespmem:$0x1E580] =	vst v63  }
0xa1: {  	_ =	swait.ge [sflag:s20], $0x3800  }
0xa2: {  	[sflag:s20] =	ssyncset.done $0x0;
	s0 =	rddreg [dreg:$0x3]  }
0xa3: {  	[sflag:s20] =	ssyncadd.s32 $0xFFFFC800;
	s6 =	sadd.s32 s0, s28  }
0xa4: {  	[tilespmem:s9], [sflag:$0x7] =	stream.linear.gather [hbm4b:s6+s2], $0x70, $0x38;
	[tilespmem:$0x1E580] =	vst v63  }
0xa5: {  	s6 =	rddreg [dreg:$0x4]  }
0xa6: {  	s5 =	sadd.s32 s6, s28  }
0xa7: {  	[tilespmem:s18], [sflag:$0x7] =	stream.linear.gather [hbm4b:s5+s2], $0x70, $0x38;
	[tilespmem:$0x1E580] =	vst v63  }
0xa8: {  	s18 =	simm.s32 $0x7400  }
0xa9: {  	[spmem:s1] =	stream.indirect.scatter.add.f32 [tilespmem:s16], [sflag:$0x9], $0x80, s18, s7, $0xb8;
	[tilespmem:$0x1E580] =	vst v63  }
0xaa: {  	_ =	swait.ge [sflag:s11], $0x70  }
0xab: {  	[sflag:s11] =	ssyncset.done $0x0  }
0xac: {  	[sflag:s11] =	ssyncadd.s32 $0xFFFFFF90  }
0xad: {  	_ =	swait.ge [sflag:s11], $0x70  }
0xae: {  	[sflag:s11] =	ssyncset.done $0x0  }
0xaf: {  	[sflag:s11] =	ssyncadd.s32 $0xFFFFFF90  }
0xb0: {  	_ =	swait.ge [sflag:s22], $0x3800  }
0xb1: {  	[sflag:s22] =	ssyncset.done $0x0  }
0xb2: {  	[sflag:s22] =	ssyncadd.s32 $0xFFFFC800  }
0xb3: {  	v0 =	vld [tilespmem:$0x3A60]  }
0xb4: {  	v1 =	vld [tilespmem:$0x3A10]  }
0xb5: {  	v2 =	vld [tilespmem:$0x3A50]  }
0xb6: {  	v3 =	vld [tilespmem:$0x3A20]  }
0xb7: {  	v62 =	vld [tilespmem:$0x3A00]  }
0xb8: {  	v63 =	vld [tilespmem:$0x3A30];
	[tilespmem:$0x3AE0] =	vst v0  }
0xb9: {  	[tilespmem:$0x3A90] =	vst v1;
	v0 =	vld [tilespmem:$0x3A40]  }
0xba: {  	[tilespmem:$0x3AD0] =	vst v2  }
0xbb: {  	[tilespmem:$0x3AA0] =	vst v3  }
0xbc: {  	[tilespmem:$0x3A80] =	vst v62  }
0xbd: {  	[tilespmem:$0x3AB0] =	vst v63  }
0xbe: {  	[tilespmem:$0x3AC0] =	vst v0  }
0xbf: {  	[tilespmem:s12], [sflag:$0x5] =	stream.indirect.gather [hbm4b:s4+s7], $0x80, s31, s7, $0xb8;
	[tilespmem:$0x1E580] =	vst v63  }
0xc0: {  	_ =	swait.ge [sflag:s13], $0x3800  }
0xc1: {  	[sflag:s13] =	ssyncset.done $0x0  }
0xc2: {  	s18 =	sadd.s32 s0, s26;
	[sflag:s13] =	ssyncadd.s32 $0xFFFFC800  }
0xc3: {  	[tilespmem:s2], [sflag:$0x1] =	stream.linear.gather [hbm4b:s18+s2], $0x70, $0x38;
	[tilespmem:$0x1E580] =	vst v63  }
0xc4: {  	s18 =	sadd.s32 s6, s26  }
0xc5: {  	[tilespmem:s10], [sflag:$0x1] =	stream.linear.gather [hbm4b:s18+s2], $0x70, $0x38;
	[tilespmem:$0x1E580] =	vst v63  }
0xc6: {  	_ = 	snop  }
0xc7: {  	[spmem:s1] =	stream.indirect.scatter.add.f32 [tilespmem:s8], [sflag:$0x3], $0x80, s24, s7, $0xb8;
	[tilespmem:$0x1E580] =	vst v63  }
0xc8: {  	_ =	swait.ge [sflag:s15], $0x70  }
0xc9: {  	[sflag:s15] =	ssyncset.done $0x0  }
0xca: {  	[sflag:s15] =	ssyncadd.s32 $0xFFFFFF90  }
0xcb: {  	_ =	swait.ge [sflag:s15], $0x70  }
0xcc: {  	[sflag:s15] =	ssyncset.done $0x0  }
0xcd: {  	[sflag:s15] =	ssyncadd.s32 $0xFFFFFF90  }
0xce: {  	_ =	swait.ge [sflag:s23], $0x3800  }
0xcf: {  	[sflag:s23] =	ssyncset.done $0x0  }
0xd0: {  	[sflag:s23] =	ssyncadd.s32 $0xFFFFC800  }
0xd1: {  	s30 =	smov.u32 s0;
	s29 =	smov.u32 s6;
	v1 =	vld [tilespmem:$0x7380]  }
0xd2: {  	s5 =	smov.u32 s0;
	s18 =	simm.s32 $0x7380;
	s24 =	simm.s32 $0x1B;
	v0 =	vld [tilespmem:$0x73C0]  }
.LBB2_2:
0xd3: {  	p1 =	sne.s32 s24, $0x1;
	v2 =	vld [tilespmem:$0x73B0];
	s29 =	sadd.s32 $0x2A, s29;
	s30 =	sadd.s32 $0x2A, s30  }
0xd4: {  	s24 =	sadd.s32 $0xFFFFFFFF, s24;
	v3 =	vld [tilespmem:$0x73D0]  }
0xd5: {  	v4 =	vld [tilespmem:$0x7390]  }
0xd6: {  	[tilespmem:$0x7400] =	vst v1;
	v1 =	vld [tilespmem:$0x73E0]  }
0xd7: {  	v5 =	vld [tilespmem:$0x73A0];
	[tilespmem:$0x7440] =	vst v0  }
0xd8: {  	[tilespmem:$0x7430] =	vst v2  }
0xd9: {  	[tilespmem:$0x7450] =	vst v3  }
0xda: {  	[tilespmem:$0x7410] =	vst v4  }
0xdb: {  	[tilespmem:$0x7460] =	vst v1  }
0xdc: {  	[tilespmem:$0x7420] =	vst v5  }
0xdd: {  	[tilespmem:s16], [sflag:$0x8] =	stream.indirect.gather [hbm4b:s4+s7], $0x80, s9, s7, $0xb8;
	[tilespmem:$0x1E580] =	vst v63  }
0xde: {  	_ =	swait.ge [sflag:s17], $0x3800  }
0xdf: {  	s0 =	sadd.s32 s5, s25;
	s5 =	smov.u32 s30;
	[sflag:s17] =	ssyncset.done $0x0  }
0xe0: {  	s10 =	sadd.s32 s6, s25;
	s6 =	smov.u32 s29;
	[sflag:s17] =	ssyncadd.s32 $0xFFFFC800  }
0xe1: {  	[tilespmem:s31], [sflag:$0x4] =	stream.linear.gather [hbm4b:s0+s2], $0x70, $0x38;
	[tilespmem:$0x1E580] =	vst v63  }
0xe2: {  	s0 =	simm.s32 $0x3A00  }
0xe3: {  	[tilespmem:s0], [sflag:$0x4] =	stream.linear.gather [hbm4b:s10+s2], $0x70, $0x38;
	[tilespmem:$0x1E580] =	vst v63  }
0xe4: {  	s10 =	simm.s32 $0x80;
	_ =	sdelay $0x1  }
0xe5: {  	[spmem:s1] =	stream.indirect.scatter.add.f32 [tilespmem:s12], [sflag:$0x6], $0x80, s14, s7, $0xb8;
	[tilespmem:$0x1E580] =	vst v63  }
0xe6: {  	_ =	swait.ge [sflag:s3], $0x70  }
0xe7: {  	[sflag:s3] =	ssyncset.done $0x0  }
0xe8: {  	[sflag:s3] =	ssyncadd.s32 $0xFFFFFF90  }
0xe9: {  	_ =	swait.ge [sflag:s3], $0x70  }
0xea: {  	[sflag:s3] =	ssyncset.done $0x0  }
0xeb: {  	[sflag:s3] =	ssyncadd.s32 $0xFFFFFF90  }
0xec: {  	_ =	swait.ge [sflag:s19], $0x3800  }
0xed: {  	[sflag:s19] =	ssyncset.done $0x0  }
0xee: {  	[sflag:s19] =	ssyncadd.s32 $0xFFFFC800  }
0xef: {  	v0 =	vld [tilespmem:$0xE0]  }
0xf0: {  	v1 =	vld [tilespmem:$0xD0]  }
0xf1: {  	v2 =	vld [tilespmem:$0xB0]  }
0xf2: {  	v3 =	vld [tilespmem:$0x80]  }
0xf3: {  	v4 =	vld [tilespmem:$0xC0]  }
0xf4: {  	v5 =	vld [tilespmem:$0xA0];
	[tilespmem:$0x160] =	vst v0  }
0xf5: {  	v0 =	vld [tilespmem:$0x90];
	[tilespmem:$0x150] =	vst v1  }
0xf6: {  	[tilespmem:$0x130] =	vst v2  }
0xf7: {  	[tilespmem:$0x100] =	vst v3  }
0xf8: {  	[tilespmem:$0x140] =	vst v4  }
0xf9: {  	[tilespmem:$0x120] =	vst v5  }
0xfa: {  	[tilespmem:$0x110] =	vst v0  }
0xfb: {  	[tilespmem:s8], [sflag:$0x2] =	stream.indirect.gather [hbm4b:s4+s7], $0x80, s2, s7, $0xb8;
	[tilespmem:$0x1E580] =	vst v63  }
0xfc: {  	_ =	swait.ge [sflag:s20], $0x3800  }
0xfd: {  	[sflag:s20] =	ssyncset.done $0x0  }
0xfe: {  	s0 =	sadd.s32 s30, s28;
	[sflag:s20] =	ssyncadd.s32 $0xFFFFC800  }
0xff: {  	[tilespmem:s9], [sflag:$0x7] =	stream.linear.gather [hbm4b:s0+s2], $0x70, $0x38;
	[tilespmem:$0x1E580] =	vst v63  }
0x100: {  	s0 =	sadd.s32 s29, s28  }
0x101: {  	[tilespmem:s18], [sflag:$0x7] =	stream.linear.gather [hbm4b:s0+s2], $0x70, $0x38;
	[tilespmem:$0x1E580] =	vst v63  }
0x102: {  	s0 =	simm.s32 $0x7400  }
0x103: {  	[spmem:s1] =	stream.indirect.scatter.add.f32 [tilespmem:s16], [sflag:$0x9], $0x80, s0, s7, $0xb8;
	[tilespmem:$0x1E580] =	vst v63  }
0x104: {  	_ =	swait.ge [sflag:s11], $0x70  }
0x105: {  	[sflag:s11] =	ssyncset.done $0x0  }
0x106: {  	[sflag:s11] =	ssyncadd.s32 $0xFFFFFF90  }
0x107: {  	_ =	swait.ge [sflag:s11], $0x70  }
0x108: {  	[sflag:s11] =	ssyncset.done $0x0  }
0x109: {  	[sflag:s11] =	ssyncadd.s32 $0xFFFFFF90  }
0x10a: {  	_ =	swait.ge [sflag:s22], $0x3800  }
0x10b: {  	[sflag:s22] =	ssyncset.done $0x0  }
0x10c: {  	[sflag:s22] =	ssyncadd.s32 $0xFFFFC800  }
0x10d: {  	v0 =	vld [tilespmem:$0x3A60]  }
0x10e: {  	v1 =	vld [tilespmem:$0x3A10]  }
0x10f: {  	v2 =	vld [tilespmem:$0x3A50]  }
0x110: {  	v3 =	vld [tilespmem:$0x3A20]  }
0x111: {  	v4 =	vld [tilespmem:$0x3A00]  }
0x112: {  	v5 =	vld [tilespmem:$0x3A30];
	[tilespmem:$0x3AE0] =	vst v0  }
0x113: {  	[tilespmem:$0x3A90] =	vst v1;
	v0 =	vld [tilespmem:$0x3A40]  }
0x114: {  	[tilespmem:$0x3AD0] =	vst v2  }
0x115: {  	[tilespmem:$0x3AA0] =	vst v3  }
0x116: {  	[tilespmem:$0x3A80] =	vst v4  }
0x117: {  	[tilespmem:$0x3AB0] =	vst v5  }
0x118: {  	[tilespmem:$0x3AC0] =	vst v0  }
0x119: {  	[tilespmem:s12], [sflag:$0x5] =	stream.indirect.gather [hbm4b:s4+s7], $0x80, s31, s7, $0xb8;
	[tilespmem:$0x1E580] =	vst v63  }
0x11a: {  	_ =	swait.ge [sflag:s13], $0x3800  }
0x11b: {  	[sflag:s13] =	ssyncset.done $0x0  }
0x11c: {  	s0 =	sadd.s32 s30, s26;
	[sflag:s13] =	ssyncadd.s32 $0xFFFFC800  }
0x11d: {  	[tilespmem:s2], [sflag:$0x1] =	stream.linear.gather [hbm4b:s0+s2], $0x70, $0x38;
	[tilespmem:$0x1E580] =	vst v63  }
0x11e: {  	s0 =	sadd.s32 s29, s26  }
0x11f: {  	[tilespmem:s10], [sflag:$0x1] =	stream.linear.gather [hbm4b:s0+s2], $0x70, $0x38;
	[tilespmem:$0x1E580] =	vst v63  }
0x120: {  	_ = 	snop  }
0x121: {  	[spmem:s1] =	stream.indirect.scatter.add.f32 [tilespmem:s8], [sflag:$0x3], $0x80, s21, s7, $0xb8;
	[tilespmem:$0x1E580] =	vst v63  }
0x122: {  	_ =	swait.ge [sflag:s15], $0x70  }
0x123: {  	[sflag:s15] =	ssyncset.done $0x0  }
0x124: {  	[sflag:s15] =	ssyncadd.s32 $0xFFFFFF90  }
0x125: {  	_ =	swait.ge [sflag:s15], $0x70  }
0x126: {  	[sflag:s15] =	ssyncset.done $0x0  }
0x127: {  	[sflag:s15] =	ssyncadd.s32 $0xFFFFFF90  }
.Ltmp0:
0x128: {  	_ =	swait.ge [sflag:s23], $0x3800;
	(pc) =	sbr.rel @p1 .LBB2_2-.Ltmp0, $4  }
0x129: {  	[sflag:s23] =	ssyncset.done $0x0  }
0x12a: {  	[sflag:s23] =	ssyncadd.s32 $0xFFFFC800  }
0x12b: {  	v1 =	vld [tilespmem:$0x7380]  }
0x12c: {  	v0 =	vld [tilespmem:$0x73C0]  }
0x12d: {  	v2 =	vld [tilespmem:$0x73B0]  }
0x12e: {  	v3 =	vld [tilespmem:$0x73D0]  }
0x12f: {  	v4 =	vld [tilespmem:$0x7390]  }
0x130: {  	v49 =	vld [tilespmem:$0x73E0];
	[tilespmem:$0x7400] =	vst v1  }
0x131: {  	v5 =	vld [tilespmem:$0x73A0];
	[tilespmem:$0x7440] =	vst v0  }
0x132: {  	[tilespmem:$0x7430] =	vst v2  }
0x133: {  	[tilespmem:$0x7450] =	vst v3  }
0x134: {  	[tilespmem:$0x7410] =	vst v4  }
0x135: {  	[tilespmem:$0x7460] =	vst v49  }
0x136: {  	[tilespmem:$0x7420] =	vst v5  }
0x137: {  	[tilespmem:s16], [sflag:$0x8] =	stream.indirect.gather [hbm4b:s4+s7], $0x80, s9, s7, $0xb8;
	[tilespmem:$0x1E580] =	vst v63  }
0x138: {  	_ =	swait.ge [sflag:s17], $0x3800  }
0x139: {  	[sflag:s17] =	ssyncset.done $0x0  }
0x13a: {  	s0 =	sadd.s32 s5, s25;
	[sflag:s17] =	ssyncadd.s32 $0xFFFFC800  }
0x13b: {  	[tilespmem:s31], [sflag:$0x4] =	stream.linear.gather [hbm4b:s0+s2], $0x70, $0x38;
	[tilespmem:$0x1E580] =	vst v63  }
0x13c: {  	s6 =	sadd.s32 s6, s25;
	s14 =	simm.s32 $0x3A00  }
0x13d: {  	[tilespmem:s14], [sflag:$0x4] =	stream.linear.gather [hbm4b:s6+s2], $0x70, $0x38;
	[tilespmem:$0x1E580] =	vst v63  }
0x13e: {  	s18 =	simm.s32 $0x3A80  }
0x13f: {  	[spmem:s1] =	stream.indirect.scatter.add.f32 [tilespmem:s12], [sflag:$0x6], $0x80, s18, s7, $0xb8;
	[tilespmem:$0x1E580] =	vst v63  }
0x140: {  	_ =	swait.ge [sflag:s3], $0x70  }
0x141: {  	[sflag:s3] =	ssyncset.done $0x0  }
0x142: {  	[sflag:s3] =	ssyncadd.s32 $0xFFFFFF90  }
0x143: {  	_ =	swait.ge [sflag:s3], $0x70  }
0x144: {  	[sflag:s3] =	ssyncset.done $0x0  }
0x145: {  	[sflag:s3] =	ssyncadd.s32 $0xFFFFFF90  }
0x146: {  	_ =	swait.ge [sflag:s19], $0x3800  }
0x147: {  	[sflag:s19] =	ssyncset.done $0x0  }
0x148: {  	[sflag:s19] =	ssyncadd.s32 $0xFFFFC800  }
0x149: {  	v50 =	vld [tilespmem:$0x80]  }
0x14a: {  	v51 =	vld [tilespmem:$0x90]  }
0x14b: {  	v52 =	vld [tilespmem:$0xA0]  }
0x14c: {  	v53 =	vld [tilespmem:$0xB0]  }
0x14d: {  	v54 =	vld [tilespmem:$0xC0]  }
0x14e: {  	v55 =	vld [tilespmem:$0xD0];
	[tilespmem:$0x100] =	vst v50  }
0x14f: {  	v56 =	vld [tilespmem:$0xE0];
	[tilespmem:$0x110] =	vst v51  }
0x150: {  	[tilespmem:$0x120] =	vst v52  }
0x151: {  	[tilespmem:$0x130] =	vst v53  }
0x152: {  	[tilespmem:$0x140] =	vst v54  }
0x153: {  	[tilespmem:$0x150] =	vst v55  }
0x154: {  	[tilespmem:$0x160] =	vst v56  }
0x155: {  	[tilespmem:s8], [sflag:$0x2] =	stream.indirect.gather [hbm4b:s4+s7], $0x80, s2, s7, $0xb8;
	[tilespmem:$0x1E580] =	vst v63  }
0x156: {  	_ =	swait.ge [sflag:s20], $0x3800  }
0x157: {  	[sflag:s20] =	ssyncset.done $0x0  }
0x158: {  	s24 =	simm.s32 $0x7400;
	[sflag:s20] =	ssyncadd.s32 $0xFFFFC800  }
0x159: {  	[spmem:s1] =	stream.indirect.scatter.add.f32 [tilespmem:s16], [sflag:$0x9], $0x80, s24, s7, $0xb8;
	[tilespmem:$0x1E580] =	vst v63  }
0x15a: {  	_ =	swait.ge [sflag:s11], $0x70  }
0x15b: {  	[sflag:s11] =	ssyncset.done $0x0  }
0x15c: {  	[sflag:s11] =	ssyncadd.s32 $0xFFFFFF90  }
0x15d: {  	_ =	swait.ge [sflag:s11], $0x70  }
0x15e: {  	[sflag:s11] =	ssyncset.done $0x0  }
0x15f: {  	[sflag:s11] =	ssyncadd.s32 $0xFFFFFF90  }
0x160: {  	_ =	swait.ge [sflag:s22], $0x3800  }
0x161: {  	[sflag:s22] =	ssyncset.done $0x0  }
0x162: {  	[sflag:s22] =	ssyncadd.s32 $0xFFFFC800  }
0x163: {  	v57 =	vld [tilespmem:$0x3A00]  }
0x164: {  	v58 =	vld [tilespmem:$0x3A10]  }
0x165: {  	v59 =	vld [tilespmem:$0x3A20]  }
0x166: {  	v60 =	vld [tilespmem:$0x3A30]  }
0x167: {  	v61 =	vld [tilespmem:$0x3A40]  }
0x168: {  	v62 =	vld [tilespmem:$0x3A50];
	[tilespmem:$0x3A80] =	vst v57  }
0x169: {  	v63 =	vld [tilespmem:$0x3A60];
	[tilespmem:$0x3A90] =	vst v58  }
0x16a: {  	[tilespmem:$0x3AA0] =	vst v59  }
0x16b: {  	[tilespmem:$0x3AB0] =	vst v60  }
0x16c: {  	[tilespmem:$0x3AC0] =	vst v61  }
0x16d: {  	[tilespmem:$0x3AD0] =	vst v62  }
0x16e: {  	[tilespmem:$0x3AE0] =	vst v63  }
0x16f: {  	[tilespmem:s12], [sflag:$0x5] =	stream.indirect.gather [hbm4b:s4+s7], $0x80, s31, s7, $0xb8;
	[tilespmem:$0x1E580] =	vst v63  }
0x170: {  	_ =	swait.ge [sflag:s13], $0x3800  }
0x171: {  	[sflag:s13] =	ssyncset.done $0x0  }
0x172: {  	[sflag:s13] =	ssyncadd.s32 $0xFFFFC800  }
0x173: {  	[spmem:s1] =	stream.indirect.scatter.add.f32 [tilespmem:s8], [sflag:$0x3], $0x80, s21, s7, $0xb8;
	[tilespmem:$0x1E580] =	vst v63  }
0x174: {  	_ =	swait.ge [sflag:s17], $0x3800  }
0x175: {  	[sflag:s17] =	ssyncset.done $0x0  }
0x176: {  	[sflag:s17] =	ssyncadd.s32 $0xFFFFC800  }
0x177: {  	[spmem:s1] =	stream.indirect.scatter.add.f32 [tilespmem:s12], [sflag:$0x6], $0x80, s18, s7, $0xb8;
	[tilespmem:$0x1E580] =	vst v63  }
0x178: {  	_ =	swait.ge [sflag:s23], $0x3800  }
0x179: {  	[sflag:s23] =	ssyncset.done $0x0  }
0x17a: {  	[sflag:s23] =	ssyncadd.s32 $0xFFFFC800  }
0x17b: {  	_ =	swait.ge [sflag:s19], $0x3800  }
0x17c: {  	[sflag:s19] =	ssyncset.done $0x0  }
0x17d: {  	s30 =	simm.s32 $0xA;
	s29 =	rddreg [dreg:$0x13];
	[sflag:s19] =	ssyncadd.s32 $0xFFFFC800  }
0x17e: {  	[tilespmem:s2], [sflag:$0xA] =	stream.linear.gather [hbm4b:s29+s2], $0x20, $0x38;
	[tilespmem:$0x1E580] =	vst v63  }
0x17f: {  	_ =	swait.ge [sflag:s30], $0x20  }
0x180: {  	[sflag:s30] =	ssyncset.done $0x0  }
0x181: {  	s18 =	simm.s32 $0xAC80;
	s6 =	rddreg [dreg:$0x14];
	[sflag:s30] =	ssyncadd.s32 $0xFFFFFFE0  }
0x182: {  	[tilespmem:s18], [sflag:$0xA] =	stream.linear.gather [hbm4b:s6+s2], $0x20, $0x38;
	[tilespmem:$0x1E580] =	vst v63  }
0x183: {  	_ =	swait.ge [sflag:s30], $0x20  }
0x184: {  	[sflag:s30] =	ssyncset.done $0x0  }
0x185: {  	s24 =	simm.s32 $0x20;
	[sflag:s30] =	ssyncadd.s32 $0xFFFFFFE0  }
0x186: {  	[tilespmem:s8], [sflag:$0x2] =	stream.indirect.gather [hbm4b:s4+s24], $0x80, s2, s24, $0xb8;
	[tilespmem:$0x1E580] =	vst v63  }
0x187: {  	_ =	swait.ge [sflag:s13], $0x1000  }
0x188: {  	[sflag:s13] =	ssyncset.done $0x0  }
0x189: {  	[sflag:s13] =	ssyncadd.s32 $0xFFFFF000  }
0x18a: {  	[spmem:s1] =	stream.indirect.scatter.add.f32 [tilespmem:s8], [sflag:$0xA], $0x80, s18, s24, $0xb8;
	[tilespmem:$0x1E580] =	vst v63  }
0x18b: {  	_ =	swait.ge [sflag:s30], $0x1000  }
0x18c: {  	[sflag:s30] =	ssyncset.done $0x0  }
0x18d: {  	[sflag:s30] =	ssyncadd.s32 $0xFFFFF000  }
0x18e: {  	_ =	swait.ge [sflag:s22], $0x3800  }
0x18f: {  	[sflag:s22] =	ssyncset.done $0x0  }
0x190: {  	[sflag:s22] =	ssyncadd.s32 $0xFFFFC800  }
0x191: {  	[bflag:$0x0] =	sbarrier.arrive $0xFFFF  }
0x192: {  	s5 =	rddreg [dreg:$0x15]  }
0x193: {  	s0 =	simm.s32 @p0 $0x1FCA;
	s6 =	rddreg [dreg:$0x19]  }
0x194: {  	[hbm:s5], [sflag:s0] =	dma.local @p0 [spmem:s6], $0x2080  }
0x195: {  	s0 =	simm.s32 @p0 $0xA  }
0x196: {  	_ =	swait.ge @p0 [sflag:s0], $0x2080  }
0x197: {  	s5 =	rddreg [dreg:$0x1a]  }
0x198: {  	[sflag:s0] =	ssyncset.done @p0 $0x0;
	s6 =	rddreg [dreg:$0x1b]  }
0x199: {  	[sflag:s0] =	ssyncadd.s32 @p0 $0xFFFFDF80;
	s0 =	rddreg [dreg:$0x10]  }
0x19a: {  	[hbm:s0], [sflag:s5] =	dma.local @!p0 [spmem:s6], $0x2780  }
0x19b: {  	s0 =	simm.s32 @!p0 $0xA  }
0x19c: {  	_ =	swait.ge @!p0 [sflag:s0], $0x2780  }
0x19d: {  	s29 =	rddreg [dreg:$0x18]  }
0x19e: {  	s30 =	rddreg [dreg:$0x16];
	s6 =	sadd.s32 $0x1, s29  }
0x19f: {  	p1 =	sne.s32 s6, s30  }
.Ltmp1:
0x1a0: {  	_ = 	snop;
	(pc) =	sbr.rel @p1 .LBB2_1-.Ltmp1, $3  }
0x1a1: {  	_ =	sdelay $0x1  }
0x1a2: {  	[sflag:s0] =	ssyncset.done @!p0 $0x0  }
0x1a3: {  	s14 =	simm.s32 $0x3A80;
	s18 =	simm.s32 $0x7380;
	[sflag:s0] =	ssyncadd.s32 @!p0 $0xFFFFD880  }
0x1a4: {  	_ =	sfence.sel $0x180000  }
0x1a5: {  	[bflag:$0x0] =	sbarrier.arrive $0xFFFF  }
0x1a6: {  	_ =	strace $0x9000004D  }
0x1a7: {  	s0 =	stileid.u32;
	[bflag:$0x2] =	sbarrier.arrive $0xFFFF  }
0x1a8: {  	p0 =	sne.s32 s0, $0x0;
	s0 =	rddreg [dreg:$0x2]  }
0x1a9: {  	s0 =	sadd.s32 @!p0 $0x100000, s0  }
0x1aa: {  	[sflag:s0] =	ssyncadd.tile.s32 @!p0 $0x1;
	_ =	shalt  }
.Lfunc_end2:
_tile_overlayer_lowered:
.L_overlay_start_2:
0x1ab: {  	(tag) =	ssettag $0x2  }
0x1ac: {  	s0 =	rddreg [dreg:$0x0];
	s2 =	stileid.u32  }
0x1ad: {  	s1 =	rddreg [dreg:$0x1];
	p0 =	sne.s32 s2, $0x0  }
0x1ae: {  	s3 =	rddreg [dreg:$0x2];
	[bflag:$0x3] =	sbarrier.arrive $0xFFFF;
	s2 =	simm.s32 @!p0 $0x1C0A  }
0x1af: {  	[timem:s3], [sflag:s2] =	dma.local @!p0 [hbm:s0], s1  }
0x1b0: {  	s0 =	simm.s32 @!p0 $0xA  }
0x1b1: {  	_ =	swait.ge @!p0 [sflag:s0], s1  }
0x1b2: {  	s1 =	ssub.s32 @!p0 $0x0, s1;
	[sflag:s0] =	ssyncset.done @!p0 $0x0  }
0x1b3: {  	[sflag:s0] =	ssyncadd.s32 @!p0 s1  }
0x1b4: {  	[bflag:$0x3] =	sbarrier.arrive $0xFFFF  }
0x1b5: {  	_ =	shalt  }

</sc_bundles>
